<compile_context>
chip_gen: v7x
topology: tpu7x:2x2x1
jax: 0.10.2.dev20260603
libtpu: 0.0.44.dev20260713+nightly
codegen_flags: <defaults>
</compile_context>

<pallas_src>
import functools

import jax
import jax.numpy as jnp
from jax import lax
from jax.experimental import pallas as pl
from jax.experimental.pallas import tpu as pltpu
from jax.experimental.pallas import tpu_sc as plsc

_LANES = 16


@functools.cache
def _gather_fn(B, D, num_cores, num_subcores, tab3d):
    nw = num_cores * num_subcores
    assert B % (8 * nw) == 0
    b_per_w = B // nw
    chunk = 16
    passes = 2
    rows_per_pass = b_per_w // passes
    chunks_per_pass = rows_per_pass // chunk
    mesh = plsc.VectorSubcoreMesh(core_axis_name="c", subcore_axis_name="s")

    @functools.partial(
        pl.kernel,
        mesh=mesh,
        out_type=jax.ShapeDtypeStruct((B, D), jnp.float32),
        scratch_types=[
            pltpu.VMEM((b_per_w,), jnp.int32),
            pltpu.VMEM((rows_per_pass, D), jnp.float32),
            pltpu.SemaphoreType.DMA,
        ],
    )
    def k(idx_hbm, tab_hbm, out_hbm, idx_v, rows_v, sem):
        wid = lax.axis_index("s") * num_cores + lax.axis_index("c")
        base = wid * b_per_w
        pltpu.sync_copy(idx_hbm.at[pl.ds(base, b_per_w)], idx_v)

        for p in range(passes):
            pbase = p * rows_per_pass

            def chunk_body(g, carry, pbase=pbase):
                r0 = pbase + g * chunk
                rb = g * chunk
                vec = idx_v[pl.ds(r0, chunk)]
                copies = []
                for j in range(chunk):
                    src = tab_hbm.at[0, vec[j]] if tab3d else tab_hbm.at[vec[j]]
                    copies.append(pltpu.async_copy(src, rows_v.at[rb + j], sem))
                for c in copies:
                    c.wait()
                return carry

            lax.fori_loop(0, chunks_per_pass, chunk_body, 0)
            pltpu.sync_copy(rows_v, out_hbm.at[pl.ds(base + pbase, rows_per_pass)])

    return k


def _mlp_body(u_ref, i_ref, w1_ref, b1_ref, w2_ref, b2_ref, w3_ref, b3_ref,
              wm_ref, bm_ref, out_ref):
    x = u_ref[...] * i_ref[...]
    h = jnp.maximum(jnp.dot(x, w1_ref[...],
                            preferred_element_type=jnp.float32) + b1_ref[...], 0.0)
    h = jnp.maximum(jnp.dot(h, w2_ref[...],
                            preferred_element_type=jnp.float32) + b2_ref[...], 0.0)
    h = jnp.maximum(jnp.dot(h, w3_ref[...],
                            preferred_element_type=jnp.float32) + b3_ref[...], 0.0)
    o = jnp.dot(h, wm_ref[...], preferred_element_type=jnp.float32) + bm_ref[...]
    out_ref[...] = jax.nn.sigmoid(o[:, 0])


@functools.cache
def _mlp_fn(B, D, blk):
    grid = (B // blk,)
    full = lambda i: (0, 0)
    return pl.pallas_call(
        _mlp_body,
        grid=grid,
        in_specs=[
            pl.BlockSpec((blk, D), lambda i: (i, 0)),
            pl.BlockSpec((blk, D), lambda i: (i, 0)),
            pl.BlockSpec((64, 64), full),
            pl.BlockSpec((1, 64), full),
            pl.BlockSpec((64, 32), full),
            pl.BlockSpec((1, 32), full),
            pl.BlockSpec((32, 16), full),
            pl.BlockSpec((1, 16), full),
            pl.BlockSpec((16, 1), full),
            pl.BlockSpec((1, 1), full),
        ],
        out_specs=pl.BlockSpec((blk,), lambda i: (i,)),
        out_shape=jax.ShapeDtypeStruct((B,), jnp.float32),
    )


def kernel(user_indices, item_indices, user_table, item_table,
           W1, b1, W2, b2, W3, b3, Wm, bm):
    B = user_indices.shape[0]
    V, D = user_table.shape
    info = plsc.get_sparse_core_info()
    nc, ns = info.num_cores, info.num_subcores
    ie = _gather_fn(B, D, nc, ns, True)(
        item_indices.astype(jnp.int32), item_table.reshape(1, V, D))
    ue = _gather_fn(B, D, nc, ns, False)(
        user_indices.astype(jnp.int32), user_table)
    out = _mlp_fn(B, D, 1024)(
        ue, ie, W1, b1.reshape(1, -1), W2, b2.reshape(1, -1),
        W3, b3.reshape(1, -1), Wm, bm.reshape(1, -1))
    return out

# --- scband reference (transcript-rebuilt; emitter-appended) ---
"""Pipeline reference for scband-gmf-82609400971680 (READ-ONLY COPY).

The authoritative reference and input builder live on the scoring server;
editing this copy changes nothing except your own understanding.
"""

import jax, jax.numpy as jnp
import numpy as np

NUM_USERS = 1000000
NUM_ITEMS = 1000000
EMBED_DIM = 64
BATCH = 16384


def setup_inputs(seed: int = 0) -> dict:
    key = jax.random.key(seed)
    ks = jax.random.split(key, 12)
    user_indices = jax.random.randint(ks[0], (BATCH,), 0, NUM_USERS)
    item_indices = jax.random.randint(ks[1], (BATCH,), 0, NUM_ITEMS)
    user_table = jax.random.normal(ks[2], (NUM_USERS, EMBED_DIM), dtype=jnp.float32) * 0.02
    item_table = jax.random.normal(ks[3], (NUM_ITEMS, EMBED_DIM), dtype=jnp.float32) * 0.02
    W1 = jax.random.normal(ks[4], (EMBED_DIM, 64), dtype=jnp.float32) * (1.0 / np.sqrt(EMBED_DIM))
    b1 = jnp.zeros((64,), dtype=jnp.float32)
    W2 = jax.random.normal(ks[5], (64, 32), dtype=jnp.float32) * (1.0 / np.sqrt(64))
    b2 = jnp.zeros((32,), dtype=jnp.float32)
    W3 = jax.random.normal(ks[6], (32, 16), dtype=jnp.float32) * (1.0 / np.sqrt(32))
    b3 = jnp.zeros((16,), dtype=jnp.float32)
    Wm = jax.random.normal(ks[7], (16, 1), dtype=jnp.float32) * (1.0 / np.sqrt(16))
    bm = jnp.zeros((1,), dtype=jnp.float32)
    return {
        "user_indices": user_indices,
        "item_indices": item_indices,
        "user_table": user_table,
        "item_table": item_table,
        "W1": W1, "b1": b1,
        "W2": W2, "b2": b2,
        "W3": W3, "b3": b3,
        "Wm": Wm, "bm": bm,
    }


def reference(user_indices, item_indices, user_table, item_table, W1, b1, W2, b2, W3, b3, Wm, bm):
    # Embedding lookups (SparseCore-mappable gathers)
    user_embedding = jnp.take(user_table, user_indices, axis=0)
    item_embedding = jnp.take(item_table, item_indices, axis=0)
    out = user_embedding * item_embedding
    # Dropout is identity in eval mode
    out = jax.nn.relu(out @ W1 + b1)
    out = jax.nn.relu(out @ W2 + b2)
    out = jax.nn.relu(out @ W3 + b3)
    out = out @ Wm + bm
    return jnp.squeeze(jax.nn.sigmoid(out), axis=-1)

if __name__ == "__main__":
    import jax
    _d = setup_inputs()
    print(jax.jit(kernel)(*tuple(_d.values())))

</pallas_src>

<mosaic_0001>
#map = affine_map<(d0, d1) -> (0)>
#map1 = affine_map<(d0, d1) -> (0, 0)>
module attributes {stable_mosaic.version = 14 : i64} {
  func.func @k(%arg0: i32, %arg1: i32, %arg2: memref<16384xi32, #tpu.memory_space<hbm>>, %arg3: memref<1000000x64xf32, #tpu.memory_space<hbm>>, %arg4: memref<16384x64xf32, #tpu.memory_space<hbm>>, %arg5: memref<512xi32, #tpu.memory_space<vmem>>, %arg6: memref<256x64xf32, #tpu.memory_space<vmem>>, %arg7: memref<!tpu.dma_semaphore, #tpu.memory_space<semaphore_mem>>) attributes {dimension_semantics = [#tpu.dimension_semantics<core_parallel>, #tpu.dimension_semantics<subcore_parallel>], iteration_bounds = array<i64: 2, 16>, scalar_prefetch = 0 : i64, scratch_operands = 3 : i64, tpu.core_type = #tpu.core_type<sc_vector_subcore>, window_params = [{transform_indices = #map}, {transform_indices = #map1}, {transform_indices = #map1}]} {
    %mul3A = arith.constant 2 : i32
    %mul3A_0 = arith.muli %arg1, %mul3A : i32
    %add3A = arith.addi %mul3A_0, %arg0 : i32
    %mul3A_1 = arith.constant 512 : i32
    %mul3A_2 = arith.muli %add3A, %mul3A_1 : i32
    "tpu.region"() ({
      %run_scoped3A = tpu.sem_alloc : memref<!tpu.dma_semaphore, #tpu.memory_space<semaphore_mem>>
      %dma_start3A = tpu.memref_slice %arg2[%mul3A_2] : memref<16384xi32, #tpu.memory_space<hbm>> -> memref<512xi32, #tpu.memory_space<hbm>>
      %dma_start3A_18 = tpu.memref_slice %arg2[%mul3A_2] : memref<16384xi32, #tpu.memory_space<hbm>> -> memref<512xi32, #tpu.memory_space<hbm>>
      tpu.enqueue_dma source(%dma_start3A_18 : memref<512xi32, #tpu.memory_space<hbm>>) target(%arg5 : memref<512xi32, #tpu.memory_space<vmem>>) target_semaphore(%run_scoped3A : memref<!tpu.dma_semaphore, #tpu.memory_space<semaphore_mem>>)
      %dma_wait3A = tpu.memref_slice %arg2[%mul3A_2] : memref<16384xi32, #tpu.memory_space<hbm>> -> memref<512xi32, #tpu.memory_space<hbm>>
      %dma_wait3A_19 = tpu.memref_slice %arg2[%mul3A_2] : memref<16384xi32, #tpu.memory_space<hbm>> -> memref<512xi32, #tpu.memory_space<hbm>>
      tpu.wait_dma2 semaphore(%run_scoped3A : memref<!tpu.dma_semaphore, #tpu.memory_space<semaphore_mem>>) src(%dma_wait3A_19 : memref<512xi32, #tpu.memory_space<hbm>>) dst(%arg5 : memref<512xi32, #tpu.memory_space<vmem>>)
      tpu.yield
    }) : () -> ()
    %scan3A = arith.constant 0 : i32
    %scan3A_3 = arith.constant 0 : i32
    %scan3A_4 = arith.constant 16 : i32
    %scan3A_5 = arith.addi %scan3A_3, %scan3A_4 : i32
    %scan3A_6 = arith.constant 1 : i32
    scf.for %scan3A_18 = %scan3A_3 to %scan3A_5 step %scan3A_6  : i32 {
      %mul3A_19 = arith.constant 16 : i32
      %mul3A_20 = arith.muli %scan3A_18, %mul3A_19 : i32
      %add3A_21 = arith.constant 0 : i32
      %add3A_22 = arith.addi %add3A_21, %mul3A_20 : i32
      %mul3A_23 = arith.constant 16 : i32
      %mul3A_24 = arith.muli %scan3A_18, %mul3A_23 : i32
      %get3A = arith.index_cast %add3A_22 : i32 to index
      %get3A_25 = tpu.vector_load %arg5[%get3A] {strides = array<i32>} : memref<512xi32, #tpu.memory_space<vmem>>, vector<16xi32>,
      %get3A_26 = vector.shape_cast %get3A_25 : vector<16xi32> to vector<16xi32>
      %slice3A = vector.extract_strided_slice %get3A_26 {offsets = [0], sizes = [1], strides = [1]} : vector<16xi32> to vector<1xi32>
      %squeeze3A = vector.extract %slice3A[0] : i32 from vector<1xi32>
      %add3A_27 = arith.constant 0 : i32
      %add3A_28 = arith.addi %mul3A_24, %add3A_27 : i32
      %dma_start3A = arith.constant 0 : i32
      %dma_start3A_29 = tpu.memref_slice %arg6[%add3A_28, %dma_start3A] : memref<256x64xf32, #tpu.memory_space<vmem>> -> memref<1x64xf32, #tpu.memory_space<vmem>>
      %dma_start3A_30 = tpu.memref_squeeze %dma_start3A_29 : memref<1x64xf32, #tpu.memory_space<vmem>> -> memref<64xf32, #tpu.memory_space<vmem>>
      %dma_start3A_31 = arith.constant 0 : i32
      %dma_start3A_32 = tpu.memref_slice %arg3[%squeeze3A, %dma_start3A_31] : memref<1000000x64xf32, #tpu.memory_space<hbm>> -> memref<1x64xf32, #tpu.memory_space<hbm>>
      %dma_start3A_33 = tpu.memref_squeeze %dma_start3A_32 : memref<1x64xf32, #tpu.memory_space<hbm>> -> memref<64xf32, #tpu.memory_space<hbm>>
      %dma_start3A_34 = arith.constant 0 : i32
      %dma_start3A_35 = tpu.memref_slice %arg6[%add3A_28, %dma_start3A_34] : memref<256x64xf32, #tpu.memory_space<vmem>> -> memref<1x64xf32, #tpu.memory_space<vmem>>
      %dma_start3A_36 = tpu.memref_squeeze %dma_start3A_35 : memref<1x64xf32, #tpu.memory_space<vmem>> -> memref<64xf32, #tpu.memory_space<vmem>>
      %dma_start3A_37 = arith.constant 0 : i32
      %dma_start3A_38 = tpu.memref_slice %arg3[%squeeze3A, %dma_start3A_37] : memref<1000000x64xf32, #tpu.memory_space<hbm>> -> memref<1x64xf32, #tpu.memory_space<hbm>>
      %dma_start3A_39 = tpu.memref_squeeze %dma_start3A_38 : memref<1x64xf32, #tpu.memory_space<hbm>> -> memref<64xf32, #tpu.memory_space<hbm>>
      tpu.enqueue_dma source(%dma_start3A_39 : memref<64xf32, #tpu.memory_space<hbm>>) target(%dma_start3A_36 : memref<64xf32, #tpu.memory_space<vmem>>) target_semaphore(%arg7 : memref<!tpu.dma_semaphore, #tpu.memory_space<semaphore_mem>>)
      %slice3A_40 = vector.extract_strided_slice %get3A_26 {offsets = [1], sizes = [1], strides = [1]} : vector<16xi32> to vector<1xi32>
      %squeeze3A_41 = vector.extract %slice3A_40[0] : i32 from vector<1xi32>
      %add3A_42 = arith.constant 1 : i32
      %add3A_43 = arith.addi %mul3A_24, %add3A_42 : i32
      %dma_start3A_44 = arith.constant 0 : i32
      %dma_start3A_45 = tpu.memref_slice %arg6[%add3A_43, %dma_start3A_44] : memref<256x64xf32, #tpu.memory_space<vmem>> -> memref<1x64xf32, #tpu.memory_space<vmem>>
      %dma_start3A_46 = tpu.memref_squeeze %dma_start3A_45 : memref<1x64xf32, #tpu.memory_space<vmem>> -> memref<64xf32, #tpu.memory_space<vmem>>
      %dma_start3A_47 = arith.constant 0 : i32
      %dma_start3A_48 = tpu.memref_slice %arg3[%squeeze3A_41, %dma_start3A_47] : memref<1000000x64xf32, #tpu.memory_space<hbm>> -> memref<1x64xf32, #tpu.memory_space<hbm>>
      %dma_start3A_49 = tpu.memref_squeeze %dma_start3A_48 : memref<1x64xf32, #tpu.memory_space<hbm>> -> memref<64xf32, #tpu.memory_space<hbm>>
      %dma_start3A_50 = arith.constant 0 : i32
      %dma_start3A_51 = tpu.memref_slice %arg6[%add3A_43, %dma_start3A_50] : memref<256x64xf32, #tpu.memory_space<vmem>> -> memref<1x64xf32, #tpu.memory_space<vmem>>
      %dma_start3A_52 = tpu.memref_squeeze %dma_start3A_51 : memref<1x64xf32, #tpu.memory_space<vmem>> -> memref<64xf32, #tpu.memory_space<vmem>>
      %dma_start3A_53 = arith.constant 0 : i32
      %dma_start3A_54 = tpu.memref_slice %arg3[%squeeze3A_41, %dma_start3A_53] : memref<1000000x64xf32, #tpu.memory_space<hbm>> -> memref<1x64xf32, #tpu.memory_space<hbm>>
      %dma_start3A_55 = tpu.memref_squeeze %dma_start3A_54 : memref<1x64xf32, #tpu.memory_space<hbm>> -> memref<64xf32, #tpu.memory_space<hbm>>
      tpu.enqueue_dma source(%dma_start3A_55 : memref<64xf32, #tpu.memory_space<hbm>>) target(%dma_start3A_52 : memref<64xf32, #tpu.memory_space<vmem>>) target_semaphore(%arg7 : memref<!tpu.dma_semaphore, #tpu.memory_space<semaphore_mem>>)
      %slice3A_56 = vector.extract_strided_slice %get3A_26 {offsets = [2], sizes = [1], strides = [1]} : vector<16xi32> to vector<1xi32>
      %squeeze3A_57 = vector.extract %slice3A_56[0] : i32 from vector<1xi32>
      %add3A_58 = arith.constant 2 : i32
      %add3A_59 = arith.addi %mul3A_24, %add3A_58 : i32
      %dma_start3A_60 = arith.constant 0 : i32
      %dma_start3A_61 = tpu.memref_slice %arg6[%add3A_59, %dma_start3A_60] : memref<256x64xf32, #tpu.memory_space<vmem>> -> memref<1x64xf32, #tpu.memory_space<vmem>>
      %dma_start3A_62 = tpu.memref_squeeze %dma_start3A_61 : memref<1x64xf32, #tpu.memory_space<vmem>> -> memref<64xf32, #tpu.memory_space<vmem>>
      %dma_start3A_63 = arith.constant 0 : i32
      %dma_start3A_64 = tpu.memref_slice %arg3[%squeeze3A_57, %dma_start3A_63] : memref<1000000x64xf32, #tpu.memory_space<hbm>> -> memref<1x64xf32, #tpu.memory_space<hbm>>
      %dma_start3A_65 = tpu.memref_squeeze %dma_start3A_64 : memref<1x64xf32, #tpu.memory_space<hbm>> -> memref<64xf32, #tpu.memory_space<hbm>>
      %dma_start3A_66 = arith.constant 0 : i32
      %dma_start3A_67 = tpu.memref_slice %arg6[%add3A_59, %dma_start3A_66] : memref<256x64xf32, #tpu.memory_space<vmem>> -> memref<1x64xf32, #tpu.memory_space<vmem>>
      %dma_start3A_68 = tpu.memref_squeeze %dma_start3A_67 : memref<1x64xf32, #tpu.memory_space<vmem>> -> memref<64xf32, #tpu.memory_space<vmem>>
      %dma_start3A_69 = arith.constant 0 : i32
      %dma_start3A_70 = tpu.memref_slice %arg3[%squeeze3A_57, %dma_start3A_69] : memref<1000000x64xf32, #tpu.memory_space<hbm>> -> memref<1x64xf32, #tpu.memory_space<hbm>>
      %dma_start3A_71 = tpu.memref_squeeze %dma_start3A_70 : memref<1x64xf32, #tpu.memory_space<hbm>> -> memref<64xf32, #tpu.memory_space<hbm>>
      tpu.enqueue_dma source(%dma_start3A_71 : memref<64xf32, #tpu.memory_space<hbm>>) target(%dma_start3A_68 : memref<64xf32, #tpu.memory_space<vmem>>) target_semaphore(%arg7 : memref<!tpu.dma_semaphore, #tpu.memory_space<semaphore_mem>>)
      %slice3A_72 = vector.extract_strided_slice %get3A_26 {offsets = [3], sizes = [1], strides = [1]} : vector<16xi32> to vector<1xi32>
      %squeeze3A_73 = vector.extract %slice3A_72[0] : i32 from vector<1xi32>
      %add3A_74 = arith.constant 3 : i32
      %add3A_75 = arith.addi %mul3A_24, %add3A_74 : i32
      %dma_start3A_76 = arith.constant 0 : i32
      %dma_start3A_77 = tpu.memref_slice %arg6[%add3A_75, %dma_start3A_76] : memref<256x64xf32, #tpu.memory_space<vmem>> -> memref<1x64xf32, #tpu.memory_space<vmem>>
      %dma_start3A_78 = tpu.memref_squeeze %dma_start3A_77 : memref<1x64xf32, #tpu.memory_space<vmem>> -> memref<64xf32, #tpu.memory_space<vmem>>
      %dma_start3A_79 = arith.constant 0 : i32
      %dma_start3A_80 = tpu.memref_slice %arg3[%squeeze3A_73, %dma_start3A_79] : memref<1000000x64xf32, #tpu.memory_space<hbm>> -> memref<1x64xf32, #tpu.memory_space<hbm>>
      %dma_start3A_81 = tpu.memref_squeeze %dma_start3A_80 : memref<1x64xf32, #tpu.memory_space<hbm>> -> memref<64xf32, #tpu.memory_space<hbm>>
      %dma_start3A_82 = arith.constant 0 : i32
      %dma_start3A_83 = tpu.memref_slice %arg6[%add3A_75, %dma_start3A_82] : memref<256x64xf32, #tpu.memory_space<vmem>> -> memref<1x64xf32, #tpu.memory_space<vmem>>
      %dma_start3A_84 = tpu.memref_squeeze %dma_start3A_83 : memref<1x64xf32, #tpu.memory_space<vmem>> -> memref<64xf32, #tpu.memory_space<vmem>>
      %dma_start3A_85 = arith.constant 0 : i32
      %dma_start3A_86 = tpu.memref_slice %arg3[%squeeze3A_73, %dma_start3A_85] : memref<1000000x64xf32, #tpu.memory_space<hbm>> -> memref<1x64xf32, #tpu.memory_space<hbm>>
      %dma_start3A_87 = tpu.memref_squeeze %dma_start3A_86 : memref<1x64xf32, #tpu.memory_space<hbm>> -> memref<64xf32, #tpu.memory_space<hbm>>
      tpu.enqueue_dma source(%dma_start3A_87 : memref<64xf32, #tpu.memory_space<hbm>>) target(%dma_start3A_84 : memref<64xf32, #tpu.memory_space<vmem>>) target_semaphore(%arg7 : memref<!tpu.dma_semaphore, #tpu.memory_space<semaphore_mem>>)
      %slice3A_88 = vector.extract_strided_slice %get3A_26 {offsets = [4], sizes = [1], strides = [1]} : vector<16xi32> to vector<1xi32>
      %squeeze3A_89 = vector.extract %slice3A_88[0] : i32 from vector<1xi32>
      %add3A_90 = arith.constant 4 : i32
      %add3A_91 = arith.addi %mul3A_24, %add3A_90 : i32
      %dma_start3A_92 = arith.constant 0 : i32
      %dma_start3A_93 = tpu.memref_slice %arg6[%add3A_91, %dma_start3A_92] : memref<256x64xf32, #tpu.memory_space<vmem>> -> memref<1x64xf32, #tpu.memory_space<vmem>>
      %dma_start3A_94 = tpu.memref_squeeze %dma_start3A_93 : memref<1x64xf32, #tpu.memory_space<vmem>> -> memref<64xf32, #tpu.memory_space<vmem>>
      %dma_start3A_95 = arith.constant 0 : i32
      %dma_start3A_96 = tpu.memref_slice %arg3[%squeeze3A_89, %dma_start3A_95] : memref<1000000x64xf32, #tpu.memory_space<hbm>> -> memref<1x64xf32, #tpu.memory_space<hbm>>
      %dma_start3A_97 = tpu.memref_squeeze %dma_start3A_96 : memref<1x64xf32, #tpu.memory_space<hbm>> -> memref<64xf32, #tpu.memory_space<hbm>>
      %dma_start3A_98 = arith.constant 0 : i32
      %dma_start3A_99 = tpu.memref_slice %arg6[%add3A_91, %dma_start3A_98] : memref<256x64xf32, #tpu.memory_space<vmem>> -> memref<1x64xf32, #tpu.memory_space<vmem>>
      %dma_start3A_100 = tpu.memref_squeeze %dma_start3A_99 : memref<1x64xf32, #tpu.memory_space<vmem>> -> memref<64xf32, #tpu.memory_space<vmem>>
      %dma_start3A_101 = arith.constant 0 : i32
      %dma_start3A_102 = tpu.memref_slice %arg3[%squeeze3A_89, %dma_start3A_101] : memref<1000000x64xf32, #tpu.memory_space<hbm>> -> memref<1x64xf32, #tpu.memory_space<hbm>>
      %dma_start3A_103 = tpu.memref_squeeze %dma_start3A_102 : memref<1x64xf32, #tpu.memory_space<hbm>> -> memref<64xf32, #tpu.memory_space<hbm>>
      tpu.enqueue_dma source(%dma_start3A_103 : memref<64xf32, #tpu.memory_space<hbm>>) target(%dma_start3A_100 : memref<64xf32, #tpu.memory_space<vmem>>) target_semaphore(%arg7 : memref<!tpu.dma_semaphore, #tpu.memory_space<semaphore_mem>>)
      %slice3A_104 = vector.extract_strided_slice %get3A_26 {offsets = [5], sizes = [1], strides = [1]} : vector<16xi32> to vector<1xi32>
      %squeeze3A_105 = vector.extract %slice3A_104[0] : i32 from vector<1xi32>
      %add3A_106 = arith.constant 5 : i32
      %add3A_107 = arith.addi %mul3A_24, %add3A_106 : i32
      %dma_start3A_108 = arith.constant 0 : i32
      %dma_start3A_109 = tpu.memref_slice %arg6[%add3A_107, %dma_start3A_108] : memref<256x64xf32, #tpu.memory_space<vmem>> -> memref<1x64xf32, #tpu.memory_space<vmem>>
      %dma_start3A_110 = tpu.memref_squeeze %dma_start3A_109 : memref<1x64xf32, #tpu.memory_space<vmem>> -> memref<64xf32, #tpu.memory_space<vmem>>
      %dma_start3A_111 = arith.constant 0 : i32
      %dma_start3A_112 = tpu.memref_slice %arg3[%squeeze3A_105, %dma_start3A_111] : memref<1000000x64xf32, #tpu.memory_space<hbm>> -> memref<1x64xf32, #tpu.memory_space<hbm>>
      %dma_start3A_113 = tpu.memref_squeeze %dma_start3A_112 : memref<1x64xf32, #tpu.memory_space<hbm>> -> memref<64xf32, #tpu.memory_space<hbm>>
      %dma_start3A_114 = arith.constant 0 : i32
      %dma_start3A_115 = tpu.memref_slice %arg6[%add3A_107, %dma_start3A_114] : memref<256x64xf32, #tpu.memory_space<vmem>> -> memref<1x64xf32, #tpu.memory_space<vmem>>
      %dma_start3A_116 = tpu.memref_squeeze %dma_start3A_115 : memref<1x64xf32, #tpu.memory_space<vmem>> -> memref<64xf32, #tpu.memory_space<vmem>>
      %dma_start3A_117 = arith.constant 0 : i32
      %dma_start3A_118 = tpu.memref_slice %arg3[%squeeze3A_105, %dma_start3A_117] : memref<1000000x64xf32, #tpu.memory_space<hbm>> -> memref<1x64xf32, #tpu.memory_space<hbm>>
      %dma_start3A_119 = tpu.memref_squeeze %dma_start3A_118 : memref<1x64xf32, #tpu.memory_space<hbm>> -> memref<64xf32, #tpu.memory_space<hbm>>
      tpu.enqueue_dma source(%dma_start3A_119 : memref<64xf32, #tpu.memory_space<hbm>>) target(%dma_start3A_116 : memref<64xf32, #tpu.memory_space<vmem>>) target_semaphore(%arg7 : memref<!tpu.dma_semaphore, #tpu.memory_space<semaphore_mem>>)
      %slice3A_120 = vector.extract_strided_slice %get3A_26 {offsets = [6], sizes = [1], strides = [1]} : vector<16xi32> to vector<1xi32>
      %squeeze3A_121 = vector.extract %slice3A_120[0] : i32 from vector<1xi32>
      %add3A_122 = arith.constant 6 : i32
      %add3A_123 = arith.addi %mul3A_24, %add3A_122 : i32
      %dma_start3A_124 = arith.constant 0 : i32
      %dma_start3A_125 = tpu.memref_slice %arg6[%add3A_123, %dma_start3A_124] : memref<256x64xf32, #tpu.memory_space<vmem>> -> memref<1x64xf32, #tpu.memory_space<vmem>>
      %dma_start3A_126 = tpu.memref_squeeze %dma_start3A_125 : memref<1x64xf32, #tpu.memory_space<vmem>> -> memref<64xf32, #tpu.memory_space<vmem>>
      %dma_start3A_127 = arith.constant 0 : i32
      %dma_start3A_128 = tpu.memref_slice %arg3[%squeeze3A_121, %dma_start3A_127] : memref<1000000x64xf32, #tpu.memory_space<hbm>> -> memref<1x64xf32, #tpu.memory_space<hbm>>
      %dma_start3A_129 = tpu.memref_squeeze %dma_start3A_128 : memref<1x64xf32, #tpu.memory_space<hbm>> -> memref<64xf32, #tpu.memory_space<hbm>>
      %dma_start3A_130 = arith.constant 0 : i32
      %dma_start3A_131 = tpu.memref_slice %arg6[%add3A_123, %dma_start3A_130] : memref<256x64xf32, #tpu.memory_space<vmem>> -> memref<1x64xf32, #tpu.memory_space<vmem>>
      %dma_start3A_132 = tpu.memref_squeeze %dma_start3A_131 : memref<1x64xf32, #tpu.memory_space<vmem>> -> memref<64xf32, #tpu.memory_space<vmem>>
      %dma_start3A_133 = arith.constant 0 : i32
      %dma_start3A_134 = tpu.memref_slice %arg3[%squeeze3A_121, %dma_start3A_133] : memref<1000000x64xf32, #tpu.memory_space<hbm>> -> memref<1x64xf32, #tpu.memory_space<hbm>>
      %dma_start3A_135 = tpu.memref_squeeze %dma_start3A_134 : memref<1x64xf32, #tpu.memory_space<hbm>> -> memref<64xf32, #tpu.memory_space<hbm>>
      tpu.enqueue_dma source(%dma_start3A_135 : memref<64xf32, #tpu.memory_space<hbm>>) target(%dma_start3A_132 : memref<64xf32, #tpu.memory_space<vmem>>) target_semaphore(%arg7 : memref<!tpu.dma_semaphore, #tpu.memory_space<semaphore_mem>>)
      %slice3A_136 = vector.extract_strided_slice %get3A_26 {offsets = [7], sizes = [1], strides = [1]} : vector<16xi32> to vector<1xi32>
      %squeeze3A_137 = vector.extract %slice3A_136[0] : i32 from vector<1xi32>
      %add3A_138 = arith.constant 7 : i32
      %add3A_139 = arith.addi %mul3A_24, %add3A_138 : i32
      %dma_start3A_140 = arith.constant 0 : i32
      %dma_start3A_141 = tpu.memref_slice %arg6[%add3A_139, %dma_start3A_140] : memref<256x64xf32, #tpu.memory_space<vmem>> -> memref<1x64xf32, #tpu.memory_space<vmem>>
      %dma_start3A_142 = tpu.memref_squeeze %dma_start3A_141 : memref<1x64xf32, #tpu.memory_space<vmem>> -> memref<64xf32, #tpu.memory_space<vmem>>
      %dma_start3A_143 = arith.constant 0 : i32
      %dma_start3A_144 = tpu.memref_slice %arg3[%squeeze3A_137, %dma_start3A_143] : memref<1000000x64xf32, #tpu.memory_space<hbm>> -> memref<1x64xf32, #tpu.memory_space<hbm>>
      %dma_start3A_145 = tpu.memref_squeeze %dma_start3A_144 : memref<1x64xf32, #tpu.memory_space<hbm>> -> memref<64xf32, #tpu.memory_space<hbm>>
      %dma_start3A_146 = arith.constant 0 : i32
      %dma_start3A_147 = tpu.memref_slice %arg6[%add3A_139, %dma_start3A_146] : memref<256x64xf32, #tpu.memory_space<vmem>> -> memref<1x64xf32, #tpu.memory_space<vmem>>
      %dma_start3A_148 = tpu.memref_squeeze %dma_start3A_147 : memref<1x64xf32, #tpu.memory_space<vmem>> -> memref<64xf32, #tpu.memory_space<vmem>>
      %dma_start3A_149 = arith.constant 0 : i32
      %dma_start3A_150 = tpu.memref_slice %arg3[%squeeze3A_137, %dma_start3A_149] : memref<1000000x64xf32, #tpu.memory_space<hbm>> -> memref<1x64xf32, #tpu.memory_space<hbm>>
      %dma_start3A_151 = tpu.memref_squeeze %dma_start3A_150 : memref<1x64xf32, #tpu.memory_space<hbm>> -> memref<64xf32, #tpu.memory_space<hbm>>
      tpu.enqueue_dma source(%dma_start3A_151 : memref<64xf32, #tpu.memory_space<hbm>>) target(%dma_start3A_148 : memref<64xf32, #tpu.memory_space<vmem>>) target_semaphore(%arg7 : memref<!tpu.dma_semaphore, #tpu.memory_space<semaphore_mem>>)
      %slice3A_152 = vector.extract_strided_slice %get3A_26 {offsets = [8], sizes = [1], strides = [1]} : vector<16xi32> to vector<1xi32>
      %squeeze3A_153 = vector.extract %slice3A_152[0] : i32 from vector<1xi32>
      %add3A_154 = arith.constant 8 : i32
      %add3A_155 = arith.addi %mul3A_24, %add3A_154 : i32
      %dma_start3A_156 = arith.constant 0 : i32
      %dma_start3A_157 = tpu.memref_slice %arg6[%add3A_155, %dma_start3A_156] : memref<256x64xf32, #tpu.memory_space<vmem>> -> memref<1x64xf32, #tpu.memory_space<vmem>>
      %dma_start3A_158 = tpu.memref_squeeze %dma_start3A_157 : memref<1x64xf32, #tpu.memory_space<vmem>> -> memref<64xf32, #tpu.memory_space<vmem>>
      %dma_start3A_159 = arith.constant 0 : i32
      %dma_start3A_160 = tpu.memref_slice %arg3[%squeeze3A_153, %dma_start3A_159] : memref<1000000x64xf32, #tpu.memory_space<hbm>> -> memref<1x64xf32, #tpu.memory_space<hbm>>
      %dma_start3A_161 = tpu.memref_squeeze %dma_start3A_160 : memref<1x64xf32, #tpu.memory_space<hbm>> -> memref<64xf32, #tpu.memory_space<hbm>>
      %dma_start3A_162 = arith.constant 0 : i32
      %dma_start3A_163 = tpu.memref_slice %arg6[%add3A_155, %dma_start3A_162] : memref<256x64xf32, #tpu.memory_space<vmem>> -> memref<1x64xf32, #tpu.memory_space<vmem>>
      %dma_start3A_164 = tpu.memref_squeeze %dma_start3A_163 : memref<1x64xf32, #tpu.memory_space<vmem>> -> memref<64xf32, #tpu.memory_space<vmem>>
      %dma_start3A_165 = arith.constant 0 : i32
      %dma_start3A_166 = tpu.memref_slice %arg3[%squeeze3A_153, %dma_start3A_165] : memref<1000000x64xf32, #tpu.memory_space<hbm>> -> memref<1x64xf32, #tpu.memory_space<hbm>>
      %dma_start3A_167 = tpu.memref_squeeze %dma_start3A_166 : memref<1x64xf32, #tpu.memory_space<hbm>> -> memref<64xf32, #tpu.memory_space<hbm>>
      tpu.enqueue_dma source(%dma_start3A_167 : memref<64xf32, #tpu.memory_space<hbm>>) target(%dma_start3A_164 : memref<64xf32, #tpu.memory_space<vmem>>) target_semaphore(%arg7 : memref<!tpu.dma_semaphore, #tpu.memory_space<semaphore_mem>>)
      %slice3A_168 = vector.extract_strided_slice %get3A_26 {offsets = [9], sizes = [1], strides = [1]} : vector<16xi32> to vector<1xi32>
      %squeeze3A_169 = vector.extract %slice3A_168[0] : i32 from vector<1xi32>
      %add3A_170 = arith.constant 9 : i32
      %add3A_171 = arith.addi %mul3A_24, %add3A_170 : i32
      %dma_start3A_172 = arith.constant 0 : i32
      %dma_start3A_173 = tpu.memref_slice %arg6[%add3A_171, %dma_start3A_172] : memref<256x64xf32, #tpu.memory_space<vmem>> -> memref<1x64xf32, #tpu.memory_space<vmem>>
      %dma_start3A_174 = tpu.memref_squeeze %dma_start3A_173 : memref<1x64xf32, #tpu.memory_space<vmem>> -> memref<64xf32, #tpu.memory_space<vmem>>
      %dma_start3A_175 = arith.constant 0 : i32
      %dma_start3A_176 = tpu.memref_slice %arg3[%squeeze3A_169, %dma_start3A_175] : memref<1000000x64xf32, #tpu.memory_space<hbm>> -> memref<1x64xf32, #tpu.memory_space<hbm>>
      %dma_start3A_177 = tpu.memref_squeeze %dma_start3A_176 : memref<1x64xf32, #tpu.memory_space<hbm>> -> memref<64xf32, #tpu.memory_space<hbm>>
      %dma_start3A_178 = arith.constant 0 : i32
      %dma_start3A_179 = tpu.memref_slice %arg6[%add3A_171, %dma_start3A_178] : memref<256x64xf32, #tpu.memory_space<vmem>> -> memref<1x64xf32, #tpu.memory_space<vmem>>
      %dma_start3A_180 = tpu.memref_squeeze %dma_start3A_179 : memref<1x64xf32, #tpu.memory_space<vmem>> -> memref<64xf32, #tpu.memory_space<vmem>>
      %dma_start3A_181 = arith.constant 0 : i32
      %dma_start3A_182 = tpu.memref_slice %arg3[%squeeze3A_169, %dma_start3A_181] : memref<1000000x64xf32, #tpu.memory_space<hbm>> -> memref<1x64xf32, #tpu.memory_space<hbm>>
      %dma_start3A_183 = tpu.memref_squeeze %dma_start3A_182 : memref<1x64xf32, #tpu.memory_space<hbm>> -> memref<64xf32, #tpu.memory_space<hbm>>
      tpu.enqueue_dma source(%dma_start3A_183 : memref<64xf32, #tpu.memory_space<hbm>>) target(%dma_start3A_180 : memref<64xf32, #tpu.memory_space<vmem>>) target_semaphore(%arg7 : memref<!tpu.dma_semaphore, #tpu.memory_space<semaphore_mem>>)
      %slice3A_184 = vector.extract_strided_slice %get3A_26 {offsets = [10], sizes = [1], strides = [1]} : vector<16xi32> to vector<1xi32>
      %squeeze3A_185 = vector.extract %slice3A_184[0] : i32 from vector<1xi32>
      %add3A_186 = arith.constant 10 : i32
      %add3A_187 = arith.addi %mul3A_24, %add3A_186 : i32
      %dma_start3A_188 = arith.constant 0 : i32
      %dma_start3A_189 = tpu.memref_slice %arg6[%add3A_187, %dma_start3A_188] : memref<256x64xf32, #tpu.memory_space<vmem>> -> memref<1x64xf32, #tpu.memory_space<vmem>>
      %dma_start3A_190 = tpu.memref_squeeze %dma_start3A_189 : memref<1x64xf32, #tpu.memory_space<vmem>> -> memref<64xf32, #tpu.memory_space<vmem>>
      %dma_start3A_191 = arith.constant 0 : i32
      %dma_start3A_192 = tpu.memref_slice %arg3[%squeeze3A_185, %dma_start3A_191] : memref<1000000x64xf32, #tpu.memory_space<hbm>> -> memref<1x64xf32, #tpu.memory_space<hbm>>
      %dma_start3A_193 = tpu.memref_squeeze %dma_start3A_192 : memref<1x64xf32, #tpu.memory_space<hbm>> -> memref<64xf32, #tpu.memory_space<hbm>>
      %dma_start3A_194 = arith.constant 0 : i32
      %dma_start3A_195 = tpu.memref_slice %arg6[%add3A_187, %dma_start3A_194] : memref<256x64xf32, #tpu.memory_space<vmem>> -> memref<1x64xf32, #tpu.memory_space<vmem>>
      %dma_start3A_196 = tpu.memref_squeeze %dma_start3A_195 : memref<1x64xf32, #tpu.memory_space<vmem>> -> memref<64xf32, #tpu.memory_space<vmem>>
      %dma_start3A_197 = arith.constant 0 : i32
      %dma_start3A_198 = tpu.memref_slice %arg3[%squeeze3A_185, %dma_start3A_197] : memref<1000000x64xf32, #tpu.memory_space<hbm>> -> memref<1x64xf32, #tpu.memory_space<hbm>>
      %dma_start3A_199 = tpu.memref_squeeze %dma_start3A_198 : memref<1x64xf32, #tpu.memory_space<hbm>> -> memref<64xf32, #tpu.memory_space<hbm>>
      tpu.enqueue_dma source(%dma_start3A_199 : memref<64xf32, #tpu.memory_space<hbm>>) target(%dma_start3A_196 : memref<64xf32, #tpu.memory_space<vmem>>) target_semaphore(%arg7 : memref<!tpu.dma_semaphore, #tpu.memory_space<semaphore_mem>>)
      %slice3A_200 = vector.extract_strided_slice %get3A_26 {offsets = [11], sizes = [1], strides = [1]} : vector<16xi32> to vector<1xi32>
      %squeeze3A_201 = vector.extract %slice3A_200[0] : i32 from vector<1xi32>
      %add3A_202 = arith.constant 11 : i32
      %add3A_203 = arith.addi %mul3A_24, %add3A_202 : i32
      %dma_start3A_204 = arith.constant 0 : i32
      %dma_start3A_205 = tpu.memref_slice %arg6[%add3A_203, %dma_start3A_204] : memref<256x64xf32, #tpu.memory_space<vmem>> -> memref<1x64xf32, #tpu.memory_space<vmem>>
      %dma_start3A_206 = tpu.memref_squeeze %dma_start3A_205 : memref<1x64xf32, #tpu.memory_space<vmem>> -> memref<64xf32, #tpu.memory_space<vmem>>
      %dma_start3A_207 = arith.constant 0 : i32
      %dma_start3A_208 = tpu.memref_slice %arg3[%squeeze3A_201, %dma_start3A_207] : memref<1000000x64xf32, #tpu.memory_space<hbm>> -> memref<1x64xf32, #tpu.memory_space<hbm>>
      %dma_start3A_209 = tpu.memref_squeeze %dma_start3A_208 : memref<1x64xf32, #tpu.memory_space<hbm>> -> memref<64xf32, #tpu.memory_space<hbm>>
      %dma_start3A_210 = arith.constant 0 : i32
      %dma_start3A_211 = tpu.memref_slice %arg6[%add3A_203, %dma_start3A_210] : memref<256x64xf32, #tpu.memory_space<vmem>> -> memref<1x64xf32, #tpu.memory_space<vmem>>
      %dma_start3A_212 = tpu.memref_squeeze %dma_start3A_211 : memref<1x64xf32, #tpu.memory_space<vmem>> -> memref<64xf32, #tpu.memory_space<vmem>>
      %dma_start3A_213 = arith.constant 0 : i32
      %dma_start3A_214 = tpu.memref_slice %arg3[%squeeze3A_201, %dma_start3A_213] : memref<1000000x64xf32, #tpu.memory_space<hbm>> -> memref<1x64xf32, #tpu.memory_space<hbm>>
      %dma_start3A_215 = tpu.memref_squeeze %dma_start3A_214 : memref<1x64xf32, #tpu.memory_space<hbm>> -> memref<64xf32, #tpu.memory_space<hbm>>
      tpu.enqueue_dma source(%dma_start3A_215 : memref<64xf32, #tpu.memory_space<hbm>>) target(%dma_start3A_212 : memref<64xf32, #tpu.memory_space<vmem>>) target_semaphore(%arg7 : memref<!tpu.dma_semaphore, #tpu.memory_space<semaphore_mem>>)
      %slice3A_216 = vector.extract_strided_slice %get3A_26 {offsets = [12], sizes = [1], strides = [1]} : vector<16xi32> to vector<1xi32>
      %squeeze3A_217 = vector.extract %slice3A_216[0] : i32 from vector<1xi32>
      %add3A_218 = arith.constant 12 : i32
      %add3A_219 = arith.addi %mul3A_24, %add3A_218 : i32
      %dma_start3A_220 = arith.constant 0 : i32
      %dma_start3A_221 = tpu.memref_slice %arg6[%add3A_219, %dma_start3A_220] : memref<256x64xf32, #tpu.memory_space<vmem>> -> memref<1x64xf32, #tpu.memory_space<vmem>>
      %dma_start3A_222 = tpu.memref_squeeze %dma_start3A_221 : memref<1x64xf32, #tpu.memory_space<vmem>> -> memref<64xf32, #tpu.memory_space<vmem>>
      %dma_start3A_223 = arith.constant 0 : i32
      %dma_start3A_224 = tpu.memref_slice %arg3[%squeeze3A_217, %dma_start3A_223] : memref<1000000x64xf32, #tpu.memory_space<hbm>> -> memref<1x64xf32, #tpu.memory_space<hbm>>
      %dma_start3A_225 = tpu.memref_squeeze %dma_start3A_224 : memref<1x64xf32, #tpu.memory_space<hbm>> -> memref<64xf32, #tpu.memory_space<hbm>>
      %dma_start3A_226 = arith.constant 0 : i32
      %dma_start3A_227 = tpu.memref_slice %arg6[%add3A_219, %dma_start3A_226] : memref<256x64xf32, #tpu.memory_space<vmem>> -> memref<1x64xf32, #tpu.memory_space<vmem>>
      %dma_start3A_228 = tpu.memref_squeeze %dma_start3A_227 : memref<1x64xf32, #tpu.memory_space<vmem>> -> memref<64xf32, #tpu.memory_space<vmem>>
      %dma_start3A_229 = arith.constant 0 : i32
      %dma_start3A_230 = tpu.memref_slice %arg3[%squeeze3A_217, %dma_start3A_229] : memref<1000000x64xf32, #tpu.memory_space<hbm>> -> memref<1x64xf32, #tpu.memory_space<hbm>>
      %dma_start3A_231 = tpu.memref_squeeze %dma_start3A_230 : memref<1x64xf32, #tpu.memory_space<hbm>> -> memref<64xf32, #tpu.memory_space<hbm>>
      tpu.enqueue_dma source(%dma_start3A_231 : memref<64xf32, #tpu.memory_space<hbm>>) target(%dma_start3A_228 : memref<64xf32, #tpu.memory_space<vmem>>) target_semaphore(%arg7 : memref<!tpu.dma_semaphore, #tpu.memory_space<semaphore_mem>>)
      %slice3A_232 = vector.extract_strided_slice %get3A_26 {offsets = [13], sizes = [1], strides = [1]} : vector<16xi32> to vector<1xi32>
      %squeeze3A_233 = vector.extract %slice3A_232[0] : i32 from vector<1xi32>
      %add3A_234 = arith.constant 13 : i32
      %add3A_235 = arith.addi %mul3A_24, %add3A_234 : i32
      %dma_start3A_236 = arith.constant 0 : i32
      %dma_start3A_237 = tpu.memref_slice %arg6[%add3A_235, %dma_start3A_236] : memref<256x64xf32, #tpu.memory_space<vmem>> -> memref<1x64xf32, #tpu.memory_space<vmem>>
      %dma_start3A_238 = tpu.memref_squeeze %dma_start3A_237 : memref<1x64xf32, #tpu.memory_space<vmem>> -> memref<64xf32, #tpu.memory_space<vmem>>
      %dma_start3A_239 = arith.constant 0 : i32
      %dma_start3A_240 = tpu.memref_slice %arg3[%squeeze3A_233, %dma_start3A_239] : memref<1000000x64xf32, #tpu.memory_space<hbm>> -> memref<1x64xf32, #tpu.memory_space<hbm>>
      %dma_start3A_241 = tpu.memref_squeeze %dma_start3A_240 : memref<1x64xf32, #tpu.memory_space<hbm>> -> memref<64xf32, #tpu.memory_space<hbm>>
      %dma_start3A_242 = arith.constant 0 : i32
      %dma_start3A_243 = tpu.memref_slice %arg6[%add3A_235, %dma_start3A_242] : memref<256x64xf32, #tpu.memory_space<vmem>> -> memref<1x64xf32, #tpu.memory_space<vmem>>
      %dma_start3A_244 = tpu.memref_squeeze %dma_start3A_243 : memref<1x64xf32, #tpu.memory_space<vmem>> -> memref<64xf32, #tpu.memory_space<vmem>>
      %dma_start3A_245 = arith.constant 0 : i32
      %dma_start3A_246 = tpu.memref_slice %arg3[%squeeze3A_233, %dma_start3A_245] : memref<1000000x64xf32, #tpu.memory_space<hbm>> -> memref<1x64xf32, #tpu.memory_space<hbm>>
      %dma_start3A_247 = tpu.memref_squeeze %dma_start3A_246 : memref<1x64xf32, #tpu.memory_space<hbm>> -> memref<64xf32, #tpu.memory_space<hbm>>
      tpu.enqueue_dma source(%dma_start3A_247 : memref<64xf32, #tpu.memory_space<hbm>>) target(%dma_start3A_244 : memref<64xf32, #tpu.memory_space<vmem>>) target_semaphore(%arg7 : memref<!tpu.dma_semaphore, #tpu.memory_space<semaphore_mem>>)
      %slice3A_248 = vector.extract_strided_slice %get3A_26 {offsets = [14], sizes = [1], strides = [1]} : vector<16xi32> to vector<1xi32>
      %squeeze3A_249 = vector.extract %slice3A_248[0] : i32 from vector<1xi32>
      %add3A_250 = arith.constant 14 : i32
      %add3A_251 = arith.addi %mul3A_24, %add3A_250 : i32
      %dma_start3A_252 = arith.constant 0 : i32
      %dma_start3A_253 = tpu.memref_slice %arg6[%add3A_251, %dma_start3A_252] : memref<256x64xf32, #tpu.memory_space<vmem>> -> memref<1x64xf32, #tpu.memory_space<vmem>>
      %dma_start3A_254 = tpu.memref_squeeze %dma_start3A_253 : memref<1x64xf32, #tpu.memory_space<vmem>> -> memref<64xf32, #tpu.memory_space<vmem>>
      %dma_start3A_255 = arith.constant 0 : i32
      %dma_start3A_256 = tpu.memref_slice %arg3[%squeeze3A_249, %dma_start3A_255] : memref<1000000x64xf32, #tpu.memory_space<hbm>> -> memref<1x64xf32, #tpu.memory_space<hbm>>
      %dma_start3A_257 = tpu.memref_squeeze %dma_start3A_256 : memref<1x64xf32, #tpu.memory_space<hbm>> -> memref<64xf32, #tpu.memory_space<hbm>>
      %dma_start3A_258 = arith.constant 0 : i32
      %dma_start3A_259 = tpu.memref_slice %arg6[%add3A_251, %dma_start3A_258] : memref<256x64xf32, #tpu.memory_space<vmem>> -> memref<1x64xf32, #tpu.memory_space<vmem>>
      %dma_start3A_260 = tpu.memref_squeeze %dma_start3A_259 : memref<1x64xf32, #tpu.memory_space<vmem>> -> memref<64xf32, #tpu.memory_space<vmem>>
      %dma_start3A_261 = arith.constant 0 : i32
      %dma_start3A_262 = tpu.memref_slice %arg3[%squeeze3A_249, %dma_start3A_261] : memref<1000000x64xf32, #tpu.memory_space<hbm>> -> memref<1x64xf32, #tpu.memory_space<hbm>>
      %dma_start3A_263 = tpu.memref_squeeze %dma_start3A_262 : memref<1x64xf32, #tpu.memory_space<hbm>> -> memref<64xf32, #tpu.memory_space<hbm>>
      tpu.enqueue_dma source(%dma_start3A_263 : memref<64xf32, #tpu.memory_space<hbm>>) target(%dma_start3A_260 : memref<64xf32, #tpu.memory_space<vmem>>) target_semaphore(%arg7 : memref<!tpu.dma_semaphore, #tpu.memory_space<semaphore_mem>>)
      %slice3A_264 = vector.extract_strided_slice %get3A_26 {offsets = [15], sizes = [1], strides = [1]} : vector<16xi32> to vector<1xi32>
      %squeeze3A_265 = vector.extract %slice3A_264[0] : i32 from vector<1xi32>
      %add3A_266 = arith.constant 15 : i32
      %add3A_267 = arith.addi %mul3A_24, %add3A_266 : i32
      %dma_start3A_268 = arith.constant 0 : i32
      %dma_start3A_269 = tpu.memref_slice %arg6[%add3A_267, %dma_start3A_268] : memref<256x64xf32, #tpu.memory_space<vmem>> -> memref<1x64xf32, #tpu.memory_space<vmem>>
      %dma_start3A_270 = tpu.memref_squeeze %dma_start3A_269 : memref<1x64xf32, #tpu.memory_space<vmem>> -> memref<64xf32, #tpu.memory_space<vmem>>
      %dma_start3A_271 = arith.constant 0 : i32
      %dma_start3A_272 = tpu.memref_slice %arg3[%squeeze3A_265, %dma_start3A_271] : memref<1000000x64xf32, #tpu.memory_space<hbm>> -> memref<1x64xf32, #tpu.memory_space<hbm>>
      %dma_start3A_273 = tpu.memref_squeeze %dma_start3A_272 : memref<1x64xf32, #tpu.memory_space<hbm>> -> memref<64xf32, #tpu.memory_space<hbm>>
      %dma_start3A_274 = arith.constant 0 : i32
      %dma_start3A_275 = tpu.memref_slice %arg6[%add3A_267, %dma_start3A_274] : memref<256x64xf32, #tpu.memory_space<vmem>> -> memref<1x64xf32, #tpu.memory_space<vmem>>
      %dma_start3A_276 = tpu.memref_squeeze %dma_start3A_275 : memref<1x64xf32, #tpu.memory_space<vmem>> -> memref<64xf32, #tpu.memory_space<vmem>>
      %dma_start3A_277 = arith.constant 0 : i32
      %dma_start3A_278 = tpu.memref_slice %arg3[%squeeze3A_265, %dma_start3A_277] : memref<1000000x64xf32, #tpu.memory_space<hbm>> -> memref<1x64xf32, #tpu.memory_space<hbm>>
      %dma_start3A_279 = tpu.memref_squeeze %dma_start3A_278 : memref<1x64xf32, #tpu.memory_space<hbm>> -> memref<64xf32, #tpu.memory_space<hbm>>
      tpu.enqueue_dma source(%dma_start3A_279 : memref<64xf32, #tpu.memory_space<hbm>>) target(%dma_start3A_276 : memref<64xf32, #tpu.memory_space<vmem>>) target_semaphore(%arg7 : memref<!tpu.dma_semaphore, #tpu.memory_space<semaphore_mem>>)
      %dma_wait3A = arith.constant 0 : i32
      %dma_wait3A_280 = tpu.memref_slice %arg6[%add3A_28, %dma_wait3A] : memref<256x64xf32, #tpu.memory_space<vmem>> -> memref<1x64xf32, #tpu.memory_space<vmem>>
      %dma_wait3A_281 = tpu.memref_squeeze %dma_wait3A_280 : memref<1x64xf32, #tpu.memory_space<vmem>> -> memref<64xf32, #tpu.memory_space<vmem>>
      %dma_wait3A_282 = arith.constant 0 : i32
      %dma_wait3A_283 = tpu.memref_slice %arg3[%squeeze3A, %dma_wait3A_282] : memref<1000000x64xf32, #tpu.memory_space<hbm>> -> memref<1x64xf32, #tpu.memory_space<hbm>>
      %dma_wait3A_284 = tpu.memref_squeeze %dma_wait3A_283 : memref<1x64xf32, #tpu.memory_space<hbm>> -> memref<64xf32, #tpu.memory_space<hbm>>
      %dma_wait3A_285 = arith.constant 0 : i32
      %dma_wait3A_286 = tpu.memref_slice %arg6[%add3A_28, %dma_wait3A_285] : memref<256x64xf32, #tpu.memory_space<vmem>> -> memref<1x64xf32, #tpu.memory_space<vmem>>
      %dma_wait3A_287 = tpu.memref_squeeze %dma_wait3A_286 : memref<1x64xf32, #tpu.memory_space<vmem>> -> memref<64xf32, #tpu.memory_space<vmem>>
      %dma_wait3A_288 = arith.constant 0 : i32
      %dma_wait3A_289 = tpu.memref_slice %arg3[%squeeze3A, %dma_wait3A_288] : memref<1000000x64xf32, #tpu.memory_space<hbm>> -> memref<1x64xf32, #tpu.memory_space<hbm>>
      %dma_wait3A_290 = tpu.memref_squeeze %dma_wait3A_289 : memref<1x64xf32, #tpu.memory_space<hbm>> -> memref<64xf32, #tpu.memory_space<hbm>>
      tpu.wait_dma2 semaphore(%arg7 : memref<!tpu.dma_semaphore, #tpu.memory_space<semaphore_mem>>) src(%dma_wait3A_290 : memref<64xf32, #tpu.memory_space<hbm>>) dst(%dma_wait3A_287 : memref<64xf32, #tpu.memory_space<vmem>>)
      %dma_wait3A_291 = arith.constant 0 : i32
      %dma_wait3A_292 = tpu.memref_slice %arg6[%add3A_43, %dma_wait3A_291] : memref<256x64xf32, #tpu.memory_space<vmem>> -> memref<1x64xf32, #tpu.memory_space<vmem>>
      %dma_wait3A_293 = tpu.memref_squeeze %dma_wait3A_292 : memref<1x64xf32, #tpu.memory_space<vmem>> -> memref<64xf32, #tpu.memory_space<vmem>>
      %dma_wait3A_294 = arith.constant 0 : i32
      %dma_wait3A_295 = tpu.memref_slice %arg3[%squeeze3A_41, %dma_wait3A_294] : memref<1000000x64xf32, #tpu.memory_space<hbm>> -> memref<1x64xf32, #tpu.memory_space<hbm>>
      %dma_wait3A_296 = tpu.memref_squeeze %dma_wait3A_295 : memref<1x64xf32, #tpu.memory_space<hbm>> -> memref<64xf32, #tpu.memory_space<hbm>>
      %dma_wait3A_297 = arith.constant 0 : i32
      %dma_wait3A_298 = tpu.memref_slice %arg6[%add3A_43, %dma_wait3A_297] : memref<256x64xf32, #tpu.memory_space<vmem>> -> memref<1x64xf32, #tpu.memory_space<vmem>>
      %dma_wait3A_299 = tpu.memref_squeeze %dma_wait3A_298 : memref<1x64xf32, #tpu.memory_space<vmem>> -> memref<64xf32, #tpu.memory_space<vmem>>
      %dma_wait3A_300 = arith.constant 0 : i32
      %dma_wait3A_301 = tpu.memref_slice %arg3[%squeeze3A_41, %dma_wait3A_300] : memref<1000000x64xf32, #tpu.memory_space<hbm>> -> memref<1x64xf32, #tpu.memory_space<hbm>>
      %dma_wait3A_302 = tpu.memref_squeeze %dma_wait3A_301 : memref<1x64xf32, #tpu.memory_space<hbm>> -> memref<64xf32, #tpu.memory_space<hbm>>
      tpu.wait_dma2 semaphore(%arg7 : memref<!tpu.dma_semaphore, #tpu.memory_space<semaphore_mem>>) src(%dma_wait3A_302 : memref<64xf32, #tpu.memory_space<hbm>>) dst(%dma_wait3A_299 : memref<64xf32, #tpu.memory_space<vmem>>)
      %dma_wait3A_303 = arith.constant 0 : i32
      %dma_wait3A_304 = tpu.memref_slice %arg6[%add3A_59, %dma_wait3A_303] : memref<256x64xf32, #tpu.memory_space<vmem>> -> memref<1x64xf32, #tpu.memory_space<vmem>>
      %dma_wait3A_305 = tpu.memref_squeeze %dma_wait3A_304 : memref<1x64xf32, #tpu.memory_space<vmem>> -> memref<64xf32, #tpu.memory_space<vmem>>
      %dma_wait3A_306 = arith.constant 0 : i32
      %dma_wait3A_307 = tpu.memref_slice %arg3[%squeeze3A_57, %dma_wait3A_306] : memref<1000000x64xf32, #tpu.memory_space<hbm>> -> memref<1x64xf32, #tpu.memory_space<hbm>>
      %dma_wait3A_308 = tpu.memref_squeeze %dma_wait3A_307 : memref<1x64xf32, #tpu.memory_space<hbm>> -> memref<64xf32, #tpu.memory_space<hbm>>
      %dma_wait3A_309 = arith.constant 0 : i32
      %dma_wait3A_310 = tpu.memref_slice %arg6[%add3A_59, %dma_wait3A_309] : memref<256x64xf32, #tpu.memory_space<vmem>> -> memref<1x64xf32, #tpu.memory_space<vmem>>
      %dma_wait3A_311 = tpu.memref_squeeze %dma_wait3A_310 : memref<1x64xf32, #tpu.memory_space<vmem>> -> memref<64xf32, #tpu.memory_space<vmem>>
      %dma_wait3A_312 = arith.constant 0 : i32
      %dma_wait3A_313 = tpu.memref_slice %arg3[%squeeze3A_57, %dma_wait3A_312] : memref<1000000x64xf32, #tpu.memory_space<hbm>> -> memref<1x64xf32, #tpu.memory_space<hbm>>
      %dma_wait3A_314 = tpu.memref_squeeze %dma_wait3A_313 : memref<1x64xf32, #tpu.memory_space<hbm>> -> memref<64xf32, #tpu.memory_space<hbm>>
      tpu.wait_dma2 semaphore(%arg7 : memref<!tpu.dma_semaphore, #tpu.memory_space<semaphore_mem>>) src(%dma_wait3A_314 : memref<64xf32, #tpu.memory_space<hbm>>) dst(%dma_wait3A_311 : memref<64xf32, #tpu.memory_space<vmem>>)
      %dma_wait3A_315 = arith.constant 0 : i32
      %dma_wait3A_316 = tpu.memref_slice %arg6[%add3A_75, %dma_wait3A_315] : memref<256x64xf32, #tpu.memory_space<vmem>> -> memref<1x64xf32, #tpu.memory_space<vmem>>
      %dma_wait3A_317 = tpu.memref_squeeze %dma_wait3A_316 : memref<1x64xf32, #tpu.memory_space<vmem>> -> memref<64xf32, #tpu.memory_space<vmem>>
      %dma_wait3A_318 = arith.constant 0 : i32
      %dma_wait3A_319 = tpu.memref_slice %arg3[%squeeze3A_73, %dma_wait3A_318] : memref<1000000x64xf32, #tpu.memory_space<hbm>> -> memref<1x64xf32, #tpu.memory_space<hbm>>
      %dma_wait3A_320 = tpu.memref_squeeze %dma_wait3A_319 : memref<1x64xf32, #tpu.memory_space<hbm>> -> memref<64xf32, #tpu.memory_space<hbm>>
      %dma_wait3A_321 = arith.constant 0 : i32
      %dma_wait3A_322 = tpu.memref_slice %arg6[%add3A_75, %dma_wait3A_321] : memref<256x64xf32, #tpu.memory_space<vmem>> -> memref<1x64xf32, #tpu.memory_space<vmem>>
      %dma_wait3A_323 = tpu.memref_squeeze %dma_wait3A_322 : memref<1x64xf32, #tpu.memory_space<vmem>> -> memref<64xf32, #tpu.memory_space<vmem>>
      %dma_wait3A_324 = arith.constant 0 : i32
      %dma_wait3A_325 = tpu.memref_slice %arg3[%squeeze3A_73, %dma_wait3A_324] : memref<1000000x64xf32, #tpu.memory_space<hbm>> -> memref<1x64xf32, #tpu.memory_space<hbm>>
      %dma_wait3A_326 = tpu.memref_squeeze %dma_wait3A_325 : memref<1x64xf32, #tpu.memory_space<hbm>> -> memref<64xf32, #tpu.memory_space<hbm>>
      tpu.wait_dma2 semaphore(%arg7 : memref<!tpu.dma_semaphore, #tpu.memory_space<semaphore_mem>>) src(%dma_wait3A_326 : memref<64xf32, #tpu.memory_space<hbm>>) dst(%dma_wait3A_323 : memref<64xf32, #tpu.memory_space<vmem>>)
      %dma_wait3A_327 = arith.constant 0 : i32
      %dma_wait3A_328 = tpu.memref_slice %arg6[%add3A_91, %dma_wait3A_327] : memref<256x64xf32, #tpu.memory_space<vmem>> -> memref<1x64xf32, #tpu.memory_space<vmem>>
      %dma_wait3A_329 = tpu.memref_squeeze %dma_wait3A_328 : memref<1x64xf32, #tpu.memory_space<vmem>> -> memref<64xf32, #tpu.memory_space<vmem>>
      %dma_wait3A_330 = arith.constant 0 : i32
      %dma_wait3A_331 = tpu.memref_slice %arg3[%squeeze3A_89, %dma_wait3A_330] : memref<1000000x64xf32, #tpu.memory_space<hbm>> -> memref<1x64xf32, #tpu.memory_space<hbm>>
      %dma_wait3A_332 = tpu.memref_squeeze %dma_wait3A_331 : memref<1x64xf32, #tpu.memory_space<hbm>> -> memref<64xf32, #tpu.memory_space<hbm>>
      %dma_wait3A_333 = arith.constant 0 : i32
      %dma_wait3A_334 = tpu.memref_slice %arg6[%add3A_91, %dma_wait3A_333] : memref<256x64xf32, #tpu.memory_space<vmem>> -> memref<1x64xf32, #tpu.memory_space<vmem>>
      %dma_wait3A_335 = tpu.memref_squeeze %dma_wait3A_334 : memref<1x64xf32, #tpu.memory_space<vmem>> -> memref<64xf32, #tpu.memory_space<vmem>>
      %dma_wait3A_336 = arith.constant 0 : i32
      %dma_wait3A_337 = tpu.memref_slice %arg3[%squeeze3A_89, %dma_wait3A_336] : memref<1000000x64xf32, #tpu.memory_space<hbm>> -> memref<1x64xf32, #tpu.memory_space<hbm>>
      %dma_wait3A_338 = tpu.memref_squeeze %dma_wait3A_337 : memref<1x64xf32, #tpu.memory_space<hbm>> -> memref<64xf32, #tpu.memory_space<hbm>>
      tpu.wait_dma2 semaphore(%arg7 : memref<!tpu.dma_semaphore, #tpu.memory_space<semaphore_mem>>) src(%dma_wait3A_338 : memref<64xf32, #tpu.memory_space<hbm>>) dst(%dma_wait3A_335 : memref<64xf32, #tpu.memory_space<vmem>>)
      %dma_wait3A_339 = arith.constant 0 : i32
      %dma_wait3A_340 = tpu.memref_slice %arg6[%add3A_107, %dma_wait3A_339] : memref<256x64xf32, #tpu.memory_space<vmem>> -> memref<1x64xf32, #tpu.memory_space<vmem>>
      %dma_wait3A_341 = tpu.memref_squeeze %dma_wait3A_340 : memref<1x64xf32, #tpu.memory_space<vmem>> -> memref<64xf32, #tpu.memory_space<vmem>>
      %dma_wait3A_342 = arith.constant 0 : i32
      %dma_wait3A_343 = tpu.memref_slice %arg3[%squeeze3A_105, %dma_wait3A_342] : memref<1000000x64xf32, #tpu.memory_space<hbm>> -> memref<1x64xf32, #tpu.memory_space<hbm>>
      %dma_wait3A_344 = tpu.memref_squeeze %dma_wait3A_343 : memref<1x64xf32, #tpu.memory_space<hbm>> -> memref<64xf32, #tpu.memory_space<hbm>>
      %dma_wait3A_345 = arith.constant 0 : i32
      %dma_wait3A_346 = tpu.memref_slice %arg6[%add3A_107, %dma_wait3A_345] : memref<256x64xf32, #tpu.memory_space<vmem>> -> memref<1x64xf32, #tpu.memory_space<vmem>>
      %dma_wait3A_347 = tpu.memref_squeeze %dma_wait3A_346 : memref<1x64xf32, #tpu.memory_space<vmem>> -> memref<64xf32, #tpu.memory_space<vmem>>
      %dma_wait3A_348 = arith.constant 0 : i32
      %dma_wait3A_349 = tpu.memref_slice %arg3[%squeeze3A_105, %dma_wait3A_348] : memref<1000000x64xf32, #tpu.memory_space<hbm>> -> memref<1x64xf32, #tpu.memory_space<hbm>>
      %dma_wait3A_350 = tpu.memref_squeeze %dma_wait3A_349 : memref<1x64xf32, #tpu.memory_space<hbm>> -> memref<64xf32, #tpu.memory_space<hbm>>
      tpu.wait_dma2 semaphore(%arg7 : memref<!tpu.dma_semaphore, #tpu.memory_space<semaphore_mem>>) src(%dma_wait3A_350 : memref<64xf32, #tpu.memory_space<hbm>>) dst(%dma_wait3A_347 : memref<64xf32, #tpu.memory_space<vmem>>)
      %dma_wait3A_351 = arith.constant 0 : i32
      %dma_wait3A_352 = tpu.memref_slice %arg6[%add3A_123, %dma_wait3A_351] : memref<256x64xf32, #tpu.memory_space<vmem>> -> memref<1x64xf32, #tpu.memory_space<vmem>>
      %dma_wait3A_353 = tpu.memref_squeeze %dma_wait3A_352 : memref<1x64xf32, #tpu.memory_space<vmem>> -> memref<64xf32, #tpu.memory_space<vmem>>
      %dma_wait3A_354 = arith.constant 0 : i32
      %dma_wait3A_355 = tpu.memref_slice %arg3[%squeeze3A_121, %dma_wait3A_354] : memref<1000000x64xf32, #tpu.memory_space<hbm>> -> memref<1x64xf32, #tpu.memory_space<hbm>>
      %dma_wait3A_356 = tpu.memref_squeeze %dma_wait3A_355 : memref<1x64xf32, #tpu.memory_space<hbm>> -> memref<64xf32, #tpu.memory_space<hbm>>
      %dma_wait3A_357 = arith.constant 0 : i32
      %dma_wait3A_358 = tpu.memref_slice %arg6[%add3A_123, %dma_wait3A_357] : memref<256x64xf32, #tpu.memory_space<vmem>> -> memref<1x64xf32, #tpu.memory_space<vmem>>
      %dma_wait3A_359 = tpu.memref_squeeze %dma_wait3A_358 : memref<1x64xf32, #tpu.memory_space<vmem>> -> memref<64xf32, #tpu.memory_space<vmem>>
      %dma_wait3A_360 = arith.constant 0 : i32
      %dma_wait3A_361 = tpu.memref_slice %arg3[%squeeze3A_121, %dma_wait3A_360] : memref<1000000x64xf32, #tpu.memory_space<hbm>> -> memref<1x64xf32, #tpu.memory_space<hbm>>
      %dma_wait3A_362 = tpu.memref_squeeze %dma_wait3A_361 : memref<1x64xf32, #tpu.memory_space<hbm>> -> memref<64xf32, #tpu.memory_space<hbm>>
      tpu.wait_dma2 semaphore(%arg7 : memref<!tpu.dma_semaphore, #tpu.memory_space<semaphore_mem>>) src(%dma_wait3A_362 : memref<64xf32, #tpu.memory_space<hbm>>) dst(%dma_wait3A_359 : memref<64xf32, #tpu.memory_space<vmem>>)
      %dma_wait3A_363 = arith.constant 0 : i32
      %dma_wait3A_364 = tpu.memref_slice %arg6[%add3A_139, %dma_wait3A_363] : memref<256x64xf32, #tpu.memory_space<vmem>> -> memref<1x64xf32, #tpu.memory_space<vmem>>
      %dma_wait3A_365 = tpu.memref_squeeze %dma_wait3A_364 : memref<1x64xf32, #tpu.memory_space<vmem>> -> memref<64xf32, #tpu.memory_space<vmem>>
      %dma_wait3A_366 = arith.constant 0 : i32
      %dma_wait3A_367 = tpu.memref_slice %arg3[%squeeze3A_137, %dma_wait3A_366] : memref<1000000x64xf32, #tpu.memory_space<hbm>> -> memref<1x64xf32, #tpu.memory_space<hbm>>
      %dma_wait3A_368 = tpu.memref_squeeze %dma_wait3A_367 : memref<1x64xf32, #tpu.memory_space<hbm>> -> memref<64xf32, #tpu.memory_space<hbm>>
      %dma_wait3A_369 = arith.constant 0 : i32
      %dma_wait3A_370 = tpu.memref_slice %arg6[%add3A_139, %dma_wait3A_369] : memref<256x64xf32, #tpu.memory_space<vmem>> -> memref<1x64xf32, #tpu.memory_space<vmem>>
      %dma_wait3A_371 = tpu.memref_squeeze %dma_wait3A_370 : memref<1x64xf32, #tpu.memory_space<vmem>> -> memref<64xf32, #tpu.memory_space<vmem>>
      %dma_wait3A_372 = arith.constant 0 : i32
      %dma_wait3A_373 = tpu.memref_slice %arg3[%squeeze3A_137, %dma_wait3A_372] : memref<1000000x64xf32, #tpu.memory_space<hbm>> -> memref<1x64xf32, #tpu.memory_space<hbm>>
      %dma_wait3A_374 = tpu.memref_squeeze %dma_wait3A_373 : memref<1x64xf32, #tpu.memory_space<hbm>> -> memref<64xf32, #tpu.memory_space<hbm>>
      tpu.wait_dma2 semaphore(%arg7 : memref<!tpu.dma_semaphore, #tpu.memory_space<semaphore_mem>>) src(%dma_wait3A_374 : memref<64xf32, #tpu.memory_space<hbm>>) dst(%dma_wait3A_371 : memref<64xf32, #tpu.memory_space<vmem>>)
      %dma_wait3A_375 = arith.constant 0 : i32
      %dma_wait3A_376 = tpu.memref_slice %arg6[%add3A_155, %dma_wait3A_375] : memref<256x64xf32, #tpu.memory_space<vmem>> -> memref<1x64xf32, #tpu.memory_space<vmem>>
      %dma_wait3A_377 = tpu.memref_squeeze %dma_wait3A_376 : memref<1x64xf32, #tpu.memory_space<vmem>> -> memref<64xf32, #tpu.memory_space<vmem>>
      %dma_wait3A_378 = arith.constant 0 : i32
      %dma_wait3A_379 = tpu.memref_slice %arg3[%squeeze3A_153, %dma_wait3A_378] : memref<1000000x64xf32, #tpu.memory_space<hbm>> -> memref<1x64xf32, #tpu.memory_space<hbm>>
      %dma_wait3A_380 = tpu.memref_squeeze %dma_wait3A_379 : memref<1x64xf32, #tpu.memory_space<hbm>> -> memref<64xf32, #tpu.memory_space<hbm>>
      %dma_wait3A_381 = arith.constant 0 : i32
      %dma_wait3A_382 = tpu.memref_slice %arg6[%add3A_155, %dma_wait3A_381] : memref<256x64xf32, #tpu.memory_space<vmem>> -> memref<1x64xf32, #tpu.memory_space<vmem>>
      %dma_wait3A_383 = tpu.memref_squeeze %dma_wait3A_382 : memref<1x64xf32, #tpu.memory_space<vmem>> -> memref<64xf32, #tpu.memory_space<vmem>>
      %dma_wait3A_384 = arith.constant 0 : i32
      %dma_wait3A_385 = tpu.memref_slice %arg3[%squeeze3A_153, %dma_wait3A_384] : memref<1000000x64xf32, #tpu.memory_space<hbm>> -> memref<1x64xf32, #tpu.memory_space<hbm>>
      %dma_wait3A_386 = tpu.memref_squeeze %dma_wait3A_385 : memref<1x64xf32, #tpu.memory_space<hbm>> -> memref<64xf32, #tpu.memory_space<hbm>>
      tpu.wait_dma2 semaphore(%arg7 : memref<!tpu.dma_semaphore, #tpu.memory_space<semaphore_mem>>) src(%dma_wait3A_386 : memref<64xf32, #tpu.memory_space<hbm>>) dst(%dma_wait3A_383 : memref<64xf32, #tpu.memory_space<vmem>>)
      %dma_wait3A_387 = arith.constant 0 : i32
      %dma_wait3A_388 = tpu.memref_slice %arg6[%add3A_171, %dma_wait3A_387] : memref<256x64xf32, #tpu.memory_space<vmem>> -> memref<1x64xf32, #tpu.memory_space<vmem>>
      %dma_wait3A_389 = tpu.memref_squeeze %dma_wait3A_388 : memref<1x64xf32, #tpu.memory_space<vmem>> -> memref<64xf32, #tpu.memory_space<vmem>>
      %dma_wait3A_390 = arith.constant 0 : i32
      %dma_wait3A_391 = tpu.memref_slice %arg3[%squeeze3A_169, %dma_wait3A_390] : memref<1000000x64xf32, #tpu.memory_space<hbm>> -> memref<1x64xf32, #tpu.memory_space<hbm>>
      %dma_wait3A_392 = tpu.memref_squeeze %dma_wait3A_391 : memref<1x64xf32, #tpu.memory_space<hbm>> -> memref<64xf32, #tpu.memory_space<hbm>>
      %dma_wait3A_393 = arith.constant 0 : i32
      %dma_wait3A_394 = tpu.memref_slice %arg6[%add3A_171, %dma_wait3A_393] : memref<256x64xf32, #tpu.memory_space<vmem>> -> memref<1x64xf32, #tpu.memory_space<vmem>>
      %dma_wait3A_395 = tpu.memref_squeeze %dma_wait3A_394 : memref<1x64xf32, #tpu.memory_space<vmem>> -> memref<64xf32, #tpu.memory_space<vmem>>
      %dma_wait3A_396 = arith.constant 0 : i32
      %dma_wait3A_397 = tpu.memref_slice %arg3[%squeeze3A_169, %dma_wait3A_396] : memref<1000000x64xf32, #tpu.memory_space<hbm>> -> memref<1x64xf32, #tpu.memory_space<hbm>>
      %dma_wait3A_398 = tpu.memref_squeeze %dma_wait3A_397 : memref<1x64xf32, #tpu.memory_space<hbm>> -> memref<64xf32, #tpu.memory_space<hbm>>
      tpu.wait_dma2 semaphore(%arg7 : memref<!tpu.dma_semaphore, #tpu.memory_space<semaphore_mem>>) src(%dma_wait3A_398 : memref<64xf32, #tpu.memory_space<hbm>>) dst(%dma_wait3A_395 : memref<64xf32, #tpu.memory_space<vmem>>)
      %dma_wait3A_399 = arith.constant 0 : i32
      %dma_wait3A_400 = tpu.memref_slice %arg6[%add3A_187, %dma_wait3A_399] : memref<256x64xf32, #tpu.memory_space<vmem>> -> memref<1x64xf32, #tpu.memory_space<vmem>>
      %dma_wait3A_401 = tpu.memref_squeeze %dma_wait3A_400 : memref<1x64xf32, #tpu.memory_space<vmem>> -> memref<64xf32, #tpu.memory_space<vmem>>
      %dma_wait3A_402 = arith.constant 0 : i32
      %dma_wait3A_403 = tpu.memref_slice %arg3[%squeeze3A_185, %dma_wait3A_402] : memref<1000000x64xf32, #tpu.memory_space<hbm>> -> memref<1x64xf32, #tpu.memory_space<hbm>>
      %dma_wait3A_404 = tpu.memref_squeeze %dma_wait3A_403 : memref<1x64xf32, #tpu.memory_space<hbm>> -> memref<64xf32, #tpu.memory_space<hbm>>
      %dma_wait3A_405 = arith.constant 0 : i32
      %dma_wait3A_406 = tpu.memref_slice %arg6[%add3A_187, %dma_wait3A_405] : memref<256x64xf32, #tpu.memory_space<vmem>> -> memref<1x64xf32, #tpu.memory_space<vmem>>
      %dma_wait3A_407 = tpu.memref_squeeze %dma_wait3A_406 : memref<1x64xf32, #tpu.memory_space<vmem>> -> memref<64xf32, #tpu.memory_space<vmem>>
      %dma_wait3A_408 = arith.constant 0 : i32
      %dma_wait3A_409 = tpu.memref_slice %arg3[%squeeze3A_185, %dma_wait3A_408] : memref<1000000x64xf32, #tpu.memory_space<hbm>> -> memref<1x64xf32, #tpu.memory_space<hbm>>
      %dma_wait3A_410 = tpu.memref_squeeze %dma_wait3A_409 : memref<1x64xf32, #tpu.memory_space<hbm>> -> memref<64xf32, #tpu.memory_space<hbm>>
      tpu.wait_dma2 semaphore(%arg7 : memref<!tpu.dma_semaphore, #tpu.memory_space<semaphore_mem>>) src(%dma_wait3A_410 : memref<64xf32, #tpu.memory_space<hbm>>) dst(%dma_wait3A_407 : memref<64xf32, #tpu.memory_space<vmem>>)
      %dma_wait3A_411 = arith.constant 0 : i32
      %dma_wait3A_412 = tpu.memref_slice %arg6[%add3A_203, %dma_wait3A_411] : memref<256x64xf32, #tpu.memory_space<vmem>> -> memref<1x64xf32, #tpu.memory_space<vmem>>
      %dma_wait3A_413 = tpu.memref_squeeze %dma_wait3A_412 : memref<1x64xf32, #tpu.memory_space<vmem>> -> memref<64xf32, #tpu.memory_space<vmem>>
      %dma_wait3A_414 = arith.constant 0 : i32
      %dma_wait3A_415 = tpu.memref_slice %arg3[%squeeze3A_201, %dma_wait3A_414] : memref<1000000x64xf32, #tpu.memory_space<hbm>> -> memref<1x64xf32, #tpu.memory_space<hbm>>
      %dma_wait3A_416 = tpu.memref_squeeze %dma_wait3A_415 : memref<1x64xf32, #tpu.memory_space<hbm>> -> memref<64xf32, #tpu.memory_space<hbm>>
      %dma_wait3A_417 = arith.constant 0 : i32
      %dma_wait3A_418 = tpu.memref_slice %arg6[%add3A_203, %dma_wait3A_417] : memref<256x64xf32, #tpu.memory_space<vmem>> -> memref<1x64xf32, #tpu.memory_space<vmem>>
      %dma_wait3A_419 = tpu.memref_squeeze %dma_wait3A_418 : memref<1x64xf32, #tpu.memory_space<vmem>> -> memref<64xf32, #tpu.memory_space<vmem>>
      %dma_wait3A_420 = arith.constant 0 : i32
      %dma_wait3A_421 = tpu.memref_slice %arg3[%squeeze3A_201, %dma_wait3A_420] : memref<1000000x64xf32, #tpu.memory_space<hbm>> -> memref<1x64xf32, #tpu.memory_space<hbm>>
      %dma_wait3A_422 = tpu.memref_squeeze %dma_wait3A_421 : memref<1x64xf32, #tpu.memory_space<hbm>> -> memref<64xf32, #tpu.memory_space<hbm>>
      tpu.wait_dma2 semaphore(%arg7 : memref<!tpu.dma_semaphore, #tpu.memory_space<semaphore_mem>>) src(%dma_wait3A_422 : memref<64xf32, #tpu.memory_space<hbm>>) dst(%dma_wait3A_419 : memref<64xf32, #tpu.memory_space<vmem>>)
      %dma_wait3A_423 = arith.constant 0 : i32
      %dma_wait3A_424 = tpu.memref_slice %arg6[%add3A_219, %dma_wait3A_423] : memref<256x64xf32, #tpu.memory_space<vmem>> -> memref<1x64xf32, #tpu.memory_space<vmem>>
      %dma_wait3A_425 = tpu.memref_squeeze %dma_wait3A_424 : memref<1x64xf32, #tpu.memory_space<vmem>> -> memref<64xf32, #tpu.memory_space<vmem>>
      %dma_wait3A_426 = arith.constant 0 : i32
      %dma_wait3A_427 = tpu.memref_slice %arg3[%squeeze3A_217, %dma_wait3A_426] : memref<1000000x64xf32, #tpu.memory_space<hbm>> -> memref<1x64xf32, #tpu.memory_space<hbm>>
      %dma_wait3A_428 = tpu.memref_squeeze %dma_wait3A_427 : memref<1x64xf32, #tpu.memory_space<hbm>> -> memref<64xf32, #tpu.memory_space<hbm>>
      %dma_wait3A_429 = arith.constant 0 : i32
      %dma_wait3A_430 = tpu.memref_slice %arg6[%add3A_219, %dma_wait3A_429] : memref<256x64xf32, #tpu.memory_space<vmem>> -> memref<1x64xf32, #tpu.memory_space<vmem>>
      %dma_wait3A_431 = tpu.memref_squeeze %dma_wait3A_430 : memref<1x64xf32, #tpu.memory_space<vmem>> -> memref<64xf32, #tpu.memory_space<vmem>>
      %dma_wait3A_432 = arith.constant 0 : i32
      %dma_wait3A_433 = tpu.memref_slice %arg3[%squeeze3A_217, %dma_wait3A_432] : memref<1000000x64xf32, #tpu.memory_space<hbm>> -> memref<1x64xf32, #tpu.memory_space<hbm>>
      %dma_wait3A_434 = tpu.memref_squeeze %dma_wait3A_433 : memref<1x64xf32, #tpu.memory_space<hbm>> -> memref<64xf32, #tpu.memory_space<hbm>>
      tpu.wait_dma2 semaphore(%arg7 : memref<!tpu.dma_semaphore, #tpu.memory_space<semaphore_mem>>) src(%dma_wait3A_434 : memref<64xf32, #tpu.memory_space<hbm>>) dst(%dma_wait3A_431 : memref<64xf32, #tpu.memory_space<vmem>>)
      %dma_wait3A_435 = arith.constant 0 : i32
      %dma_wait3A_436 = tpu.memref_slice %arg6[%add3A_235, %dma_wait3A_435] : memref<256x64xf32, #tpu.memory_space<vmem>> -> memref<1x64xf32, #tpu.memory_space<vmem>>
      %dma_wait3A_437 = tpu.memref_squeeze %dma_wait3A_436 : memref<1x64xf32, #tpu.memory_space<vmem>> -> memref<64xf32, #tpu.memory_space<vmem>>
      %dma_wait3A_438 = arith.constant 0 : i32
      %dma_wait3A_439 = tpu.memref_slice %arg3[%squeeze3A_233, %dma_wait3A_438] : memref<1000000x64xf32, #tpu.memory_space<hbm>> -> memref<1x64xf32, #tpu.memory_space<hbm>>
      %dma_wait3A_440 = tpu.memref_squeeze %dma_wait3A_439 : memref<1x64xf32, #tpu.memory_space<hbm>> -> memref<64xf32, #tpu.memory_space<hbm>>
      %dma_wait3A_441 = arith.constant 0 : i32
      %dma_wait3A_442 = tpu.memref_slice %arg6[%add3A_235, %dma_wait3A_441] : memref<256x64xf32, #tpu.memory_space<vmem>> -> memref<1x64xf32, #tpu.memory_space<vmem>>
      %dma_wait3A_443 = tpu.memref_squeeze %dma_wait3A_442 : memref<1x64xf32, #tpu.memory_space<vmem>> -> memref<64xf32, #tpu.memory_space<vmem>>
      %dma_wait3A_444 = arith.constant 0 : i32
      %dma_wait3A_445 = tpu.memref_slice %arg3[%squeeze3A_233, %dma_wait3A_444] : memref<1000000x64xf32, #tpu.memory_space<hbm>> -> memref<1x64xf32, #tpu.memory_space<hbm>>
      %dma_wait3A_446 = tpu.memref_squeeze %dma_wait3A_445 : memref<1x64xf32, #tpu.memory_space<hbm>> -> memref<64xf32, #tpu.memory_space<hbm>>
      tpu.wait_dma2 semaphore(%arg7 : memref<!tpu.dma_semaphore, #tpu.memory_space<semaphore_mem>>) src(%dma_wait3A_446 : memref<64xf32, #tpu.memory_space<hbm>>) dst(%dma_wait3A_443 : memref<64xf32, #tpu.memory_space<vmem>>)
      %dma_wait3A_447 = arith.constant 0 : i32
      %dma_wait3A_448 = tpu.memref_slice %arg6[%add3A_251, %dma_wait3A_447] : memref<256x64xf32, #tpu.memory_space<vmem>> -> memref<1x64xf32, #tpu.memory_space<vmem>>
      %dma_wait3A_449 = tpu.memref_squeeze %dma_wait3A_448 : memref<1x64xf32, #tpu.memory_space<vmem>> -> memref<64xf32, #tpu.memory_space<vmem>>
      %dma_wait3A_450 = arith.constant 0 : i32
      %dma_wait3A_451 = tpu.memref_slice %arg3[%squeeze3A_249, %dma_wait3A_450] : memref<1000000x64xf32, #tpu.memory_space<hbm>> -> memref<1x64xf32, #tpu.memory_space<hbm>>
      %dma_wait3A_452 = tpu.memref_squeeze %dma_wait3A_451 : memref<1x64xf32, #tpu.memory_space<hbm>> -> memref<64xf32, #tpu.memory_space<hbm>>
      %dma_wait3A_453 = arith.constant 0 : i32
      %dma_wait3A_454 = tpu.memref_slice %arg6[%add3A_251, %dma_wait3A_453] : memref<256x64xf32, #tpu.memory_space<vmem>> -> memref<1x64xf32, #tpu.memory_space<vmem>>
      %dma_wait3A_455 = tpu.memref_squeeze %dma_wait3A_454 : memref<1x64xf32, #tpu.memory_space<vmem>> -> memref<64xf32, #tpu.memory_space<vmem>>
      %dma_wait3A_456 = arith.constant 0 : i32
      %dma_wait3A_457 = tpu.memref_slice %arg3[%squeeze3A_249, %dma_wait3A_456] : memref<1000000x64xf32, #tpu.memory_space<hbm>> -> memref<1x64xf32, #tpu.memory_space<hbm>>
      %dma_wait3A_458 = tpu.memref_squeeze %dma_wait3A_457 : memref<1x64xf32, #tpu.memory_space<hbm>> -> memref<64xf32, #tpu.memory_space<hbm>>
      tpu.wait_dma2 semaphore(%arg7 : memref<!tpu.dma_semaphore, #tpu.memory_space<semaphore_mem>>) src(%dma_wait3A_458 : memref<64xf32, #tpu.memory_space<hbm>>) dst(%dma_wait3A_455 : memref<64xf32, #tpu.memory_space<vmem>>)
      %dma_wait3A_459 = arith.constant 0 : i32
      %dma_wait3A_460 = tpu.memref_slice %arg6[%add3A_267, %dma_wait3A_459] : memref<256x64xf32, #tpu.memory_space<vmem>> -> memref<1x64xf32, #tpu.memory_space<vmem>>
      %dma_wait3A_461 = tpu.memref_squeeze %dma_wait3A_460 : memref<1x64xf32, #tpu.memory_space<vmem>> -> memref<64xf32, #tpu.memory_space<vmem>>
      %dma_wait3A_462 = arith.constant 0 : i32
      %dma_wait3A_463 = tpu.memref_slice %arg3[%squeeze3A_265, %dma_wait3A_462] : memref<1000000x64xf32, #tpu.memory_space<hbm>> -> memref<1x64xf32, #tpu.memory_space<hbm>>
      %dma_wait3A_464 = tpu.memref_squeeze %dma_wait3A_463 : memref<1x64xf32, #tpu.memory_space<hbm>> -> memref<64xf32, #tpu.memory_space<hbm>>
      %dma_wait3A_465 = arith.constant 0 : i32
      %dma_wait3A_466 = tpu.memref_slice %arg6[%add3A_267, %dma_wait3A_465] : memref<256x64xf32, #tpu.memory_space<vmem>> -> memref<1x64xf32, #tpu.memory_space<vmem>>
      %dma_wait3A_467 = tpu.memref_squeeze %dma_wait3A_466 : memref<1x64xf32, #tpu.memory_space<vmem>> -> memref<64xf32, #tpu.memory_space<vmem>>
      %dma_wait3A_468 = arith.constant 0 : i32
      %dma_wait3A_469 = tpu.memref_slice %arg3[%squeeze3A_265, %dma_wait3A_468] : memref<1000000x64xf32, #tpu.memory_space<hbm>> -> memref<1x64xf32, #tpu.memory_space<hbm>>
      %dma_wait3A_470 = tpu.memref_squeeze %dma_wait3A_469 : memref<1x64xf32, #tpu.memory_space<hbm>> -> memref<64xf32, #tpu.memory_space<hbm>>
      tpu.wait_dma2 semaphore(%arg7 : memref<!tpu.dma_semaphore, #tpu.memory_space<semaphore_mem>>) src(%dma_wait3A_470 : memref<64xf32, #tpu.memory_space<hbm>>) dst(%dma_wait3A_467 : memref<64xf32, #tpu.memory_space<vmem>>)
    }
    %scan3A_7 = arith.constant 16 : i32
    %add3A_8 = arith.constant 0 : i32
    %add3A_9 = arith.addi %mul3A_2, %add3A_8 : i32
    "tpu.region"() ({
      %run_scoped3A = tpu.sem_alloc : memref<!tpu.dma_semaphore, #tpu.memory_space<semaphore_mem>>
      %dma_start3A = arith.constant 0 : i32
      %dma_start3A_18 = tpu.memref_slice %arg4[%add3A_9, %dma_start3A] : memref<16384x64xf32, #tpu.memory_space<hbm>> -> memref<256x64xf32, #tpu.memory_space<hbm>>
      %dma_start3A_19 = arith.constant 0 : i32
      %dma_start3A_20 = tpu.memref_slice %arg4[%add3A_9, %dma_start3A_19] : memref<16384x64xf32, #tpu.memory_space<hbm>> -> memref<256x64xf32, #tpu.memory_space<hbm>>
      tpu.enqueue_dma source(%arg6 : memref<256x64xf32, #tpu.memory_space<vmem>>) target(%dma_start3A_20 : memref<256x64xf32, #tpu.memory_space<hbm>>) target_semaphore(%run_scoped3A : memref<!tpu.dma_semaphore, #tpu.memory_space<semaphore_mem>>)
      %dma_wait3A = arith.constant 0 : i32
      %dma_wait3A_21 = tpu.memref_slice %arg4[%add3A_9, %dma_wait3A] : memref<16384x64xf32, #tpu.memory_space<hbm>> -> memref<256x64xf32, #tpu.memory_space<hbm>>
      %dma_wait3A_22 = arith.constant 0 : i32
      %dma_wait3A_23 = tpu.memref_slice %arg4[%add3A_9, %dma_wait3A_22] : memref<16384x64xf32, #tpu.memory_space<hbm>> -> memref<256x64xf32, #tpu.memory_space<hbm>>
      tpu.wait_dma2 semaphore(%run_scoped3A : memref<!tpu.dma_semaphore, #tpu.memory_space<semaphore_mem>>) src(%arg6 : memref<256x64xf32, #tpu.memory_space<vmem>>) dst(%dma_wait3A_23 : memref<256x64xf32, #tpu.memory_space<hbm>>)
      tpu.yield
    }) : () -> ()
    %scan3A_10 = arith.constant 0 : i32
    %scan3A_11 = arith.constant 0 : i32
    %scan3A_12 = arith.constant 16 : i32
    %scan3A_13 = arith.addi %scan3A_11, %scan3A_12 : i32
    %scan3A_14 = arith.constant 1 : i32
    scf.for %scan3A_18 = %scan3A_11 to %scan3A_13 step %scan3A_14  : i32 {
      %mul3A_19 = arith.constant 16 : i32
      %mul3A_20 = arith.muli %scan3A_18, %mul3A_19 : i32
      %add3A_21 = arith.constant 256 : i32
      %add3A_22 = arith.addi %add3A_21, %mul3A_20 : i32
      %mul3A_23 = arith.constant 16 : i32
      %mul3A_24 = arith.muli %scan3A_18, %mul3A_23 : i32
      %get3A = arith.index_cast %add3A_22 : i32 to index
      %get3A_25 = tpu.vector_load %arg5[%get3A] {strides = array<i32>} : memref<512xi32, #tpu.memory_space<vmem>>, vector<16xi32>,
      %get3A_26 = vector.shape_cast %get3A_25 : vector<16xi32> to vector<16xi32>
      %slice3A = vector.extract_strided_slice %get3A_26 {offsets = [0], sizes = [1], strides = [1]} : vector<16xi32> to vector<1xi32>
      %squeeze3A = vector.extract %slice3A[0] : i32 from vector<1xi32>
      %add3A_27 = arith.constant 0 : i32
      %add3A_28 = arith.addi %mul3A_24, %add3A_27 : i32
      %dma_start3A = arith.constant 0 : i32
      %dma_start3A_29 = tpu.memref_slice %arg6[%add3A_28, %dma_start3A] : memref<256x64xf32, #tpu.memory_space<vmem>> -> memref<1x64xf32, #tpu.memory_space<vmem>>
      %dma_start3A_30 = tpu.memref_squeeze %dma_start3A_29 : memref<1x64xf32, #tpu.memory_space<vmem>> -> memref<64xf32, #tpu.memory_space<vmem>>
      %dma_start3A_31 = arith.constant 0 : i32
      %dma_start3A_32 = tpu.memref_slice %arg3[%squeeze3A, %dma_start3A_31] : memref<1000000x64xf32, #tpu.memory_space<hbm>> -> memref<1x64xf32, #tpu.memory_space<hbm>>
      %dma_start3A_33 = tpu.memref_squeeze %dma_start3A_32 : memref<1x64xf32, #tpu.memory_space<hbm>> -> memref<64xf32, #tpu.memory_space<hbm>>
      %dma_start3A_34 = arith.constant 0 : i32
      %dma_start3A_35 = tpu.memref_slice %arg6[%add3A_28, %dma_start3A_34] : memref<256x64xf32, #tpu.memory_space<vmem>> -> memref<1x64xf32, #tpu.memory_space<vmem>>
      %dma_start3A_36 = tpu.memref_squeeze %dma_start3A_35 : memref<1x64xf32, #tpu.memory_space<vmem>> -> memref<64xf32, #tpu.memory_space<vmem>>
      %dma_start3A_37 = arith.constant 0 : i32
      %dma_start3A_38 = tpu.memref_slice %arg3[%squeeze3A, %dma_start3A_37] : memref<1000000x64xf32, #tpu.memory_space<hbm>> -> memref<1x64xf32, #tpu.memory_space<hbm>>
      %dma_start3A_39 = tpu.memref_squeeze %dma_start3A_38 : memref<1x64xf32, #tpu.memory_space<hbm>> -> memref<64xf32, #tpu.memory_space<hbm>>
      tpu.enqueue_dma source(%dma_start3A_39 : memref<64xf32, #tpu.memory_space<hbm>>) target(%dma_start3A_36 : memref<64xf32, #tpu.memory_space<vmem>>) target_semaphore(%arg7 : memref<!tpu.dma_semaphore, #tpu.memory_space<semaphore_mem>>)
      %slice3A_40 = vector.extract_strided_slice %get3A_26 {offsets = [1], sizes = [1], strides = [1]} : vector<16xi32> to vector<1xi32>
      %squeeze3A_41 = vector.extract %slice3A_40[0] : i32 from vector<1xi32>
      %add3A_42 = arith.constant 1 : i32
      %add3A_43 = arith.addi %mul3A_24, %add3A_42 : i32
      %dma_start3A_44 = arith.constant 0 : i32
      %dma_start3A_45 = tpu.memref_slice %arg6[%add3A_43, %dma_start3A_44] : memref<256x64xf32, #tpu.memory_space<vmem>> -> memref<1x64xf32, #tpu.memory_space<vmem>>
      %dma_start3A_46 = tpu.memref_squeeze %dma_start3A_45 : memref<1x64xf32, #tpu.memory_space<vmem>> -> memref<64xf32, #tpu.memory_space<vmem>>
      %dma_start3A_47 = arith.constant 0 : i32
      %dma_start3A_48 = tpu.memref_slice %arg3[%squeeze3A_41, %dma_start3A_47] : memref<1000000x64xf32, #tpu.memory_space<hbm>> -> memref<1x64xf32, #tpu.memory_space<hbm>>
      %dma_start3A_49 = tpu.memref_squeeze %dma_start3A_48 : memref<1x64xf32, #tpu.memory_space<hbm>> -> memref<64xf32, #tpu.memory_space<hbm>>
      %dma_start3A_50 = arith.constant 0 : i32
      %dma_start3A_51 = tpu.memref_slice %arg6[%add3A_43, %dma_start3A_50] : memref<256x64xf32, #tpu.memory_space<vmem>> -> memref<1x64xf32, #tpu.memory_space<vmem>>
      %dma_start3A_52 = tpu.memref_squeeze %dma_start3A_51 : memref<1x64xf32, #tpu.memory_space<vmem>> -> memref<64xf32, #tpu.memory_space<vmem>>
      %dma_start3A_53 = arith.constant 0 : i32
      %dma_start3A_54 = tpu.memref_slice %arg3[%squeeze3A_41, %dma_start3A_53] : memref<1000000x64xf32, #tpu.memory_space<hbm>> -> memref<1x64xf32, #tpu.memory_space<hbm>>
      %dma_start3A_55 = tpu.memref_squeeze %dma_start3A_54 : memref<1x64xf32, #tpu.memory_space<hbm>> -> memref<64xf32, #tpu.memory_space<hbm>>
      tpu.enqueue_dma source(%dma_start3A_55 : memref<64xf32, #tpu.memory_space<hbm>>) target(%dma_start3A_52 : memref<64xf32, #tpu.memory_space<vmem>>) target_semaphore(%arg7 : memref<!tpu.dma_semaphore, #tpu.memory_space<semaphore_mem>>)
      %slice3A_56 = vector.extract_strided_slice %get3A_26 {offsets = [2], sizes = [1], strides = [1]} : vector<16xi32> to vector<1xi32>
      %squeeze3A_57 = vector.extract %slice3A_56[0] : i32 from vector<1xi32>
      %add3A_58 = arith.constant 2 : i32
      %add3A_59 = arith.addi %mul3A_24, %add3A_58 : i32
      %dma_start3A_60 = arith.constant 0 : i32
      %dma_start3A_61 = tpu.memref_slice %arg6[%add3A_59, %dma_start3A_60] : memref<256x64xf32, #tpu.memory_space<vmem>> -> memref<1x64xf32, #tpu.memory_space<vmem>>
      %dma_start3A_62 = tpu.memref_squeeze %dma_start3A_61 : memref<1x64xf32, #tpu.memory_space<vmem>> -> memref<64xf32, #tpu.memory_space<vmem>>
      %dma_start3A_63 = arith.constant 0 : i32
      %dma_start3A_64 = tpu.memref_slice %arg3[%squeeze3A_57, %dma_start3A_63] : memref<1000000x64xf32, #tpu.memory_space<hbm>> -> memref<1x64xf32, #tpu.memory_space<hbm>>
      %dma_start3A_65 = tpu.memref_squeeze %dma_start3A_64 : memref<1x64xf32, #tpu.memory_space<hbm>> -> memref<64xf32, #tpu.memory_space<hbm>>
      %dma_start3A_66 = arith.constant 0 : i32
      %dma_start3A_67 = tpu.memref_slice %arg6[%add3A_59, %dma_start3A_66] : memref<256x64xf32, #tpu.memory_space<vmem>> -> memref<1x64xf32, #tpu.memory_space<vmem>>
      %dma_start3A_68 = tpu.memref_squeeze %dma_start3A_67 : memref<1x64xf32, #tpu.memory_space<vmem>> -> memref<64xf32, #tpu.memory_space<vmem>>
      %dma_start3A_69 = arith.constant 0 : i32
      %dma_start3A_70 = tpu.memref_slice %arg3[%squeeze3A_57, %dma_start3A_69] : memref<1000000x64xf32, #tpu.memory_space<hbm>> -> memref<1x64xf32, #tpu.memory_space<hbm>>
      %dma_start3A_71 = tpu.memref_squeeze %dma_start3A_70 : memref<1x64xf32, #tpu.memory_space<hbm>> -> memref<64xf32, #tpu.memory_space<hbm>>
      tpu.enqueue_dma source(%dma_start3A_71 : memref<64xf32, #tpu.memory_space<hbm>>) target(%dma_start3A_68 : memref<64xf32, #tpu.memory_space<vmem>>) target_semaphore(%arg7 : memref<!tpu.dma_semaphore, #tpu.memory_space<semaphore_mem>>)
      %slice3A_72 = vector.extract_strided_slice %get3A_26 {offsets = [3], sizes = [1], strides = [1]} : vector<16xi32> to vector<1xi32>
      %squeeze3A_73 = vector.extract %slice3A_72[0] : i32 from vector<1xi32>
      %add3A_74 = arith.constant 3 : i32
      %add3A_75 = arith.addi %mul3A_24, %add3A_74 : i32
      %dma_start3A_76 = arith.constant 0 : i32
      %dma_start3A_77 = tpu.memref_slice %arg6[%add3A_75, %dma_start3A_76] : memref<256x64xf32, #tpu.memory_space<vmem>> -> memref<1x64xf32, #tpu.memory_space<vmem>>
      %dma_start3A_78 = tpu.memref_squeeze %dma_start3A_77 : memref<1x64xf32, #tpu.memory_space<vmem>> -> memref<64xf32, #tpu.memory_space<vmem>>
      %dma_start3A_79 = arith.constant 0 : i32
      %dma_start3A_80 = tpu.memref_slice %arg3[%squeeze3A_73, %dma_start3A_79] : memref<1000000x64xf32, #tpu.memory_space<hbm>> -> memref<1x64xf32, #tpu.memory_space<hbm>>
      %dma_start3A_81 = tpu.memref_squeeze %dma_start3A_80 : memref<1x64xf32, #tpu.memory_space<hbm>> -> memref<64xf32, #tpu.memory_space<hbm>>
      %dma_start3A_82 = arith.constant 0 : i32
      %dma_start3A_83 = tpu.memref_slice %arg6[%add3A_75, %dma_start3A_82] : memref<256x64xf32, #tpu.memory_space<vmem>> -> memref<1x64xf32, #tpu.memory_space<vmem>>
      %dma_start3A_84 = tpu.memref_squeeze %dma_start3A_83 : memref<1x64xf32, #tpu.memory_space<vmem>> -> memref<64xf32, #tpu.memory_space<vmem>>
      %dma_start3A_85 = arith.constant 0 : i32
      %dma_start3A_86 = tpu.memref_slice %arg3[%squeeze3A_73, %dma_start3A_85] : memref<1000000x64xf32, #tpu.memory_space<hbm>> -> memref<1x64xf32, #tpu.memory_space<hbm>>
      %dma_start3A_87 = tpu.memref_squeeze %dma_start3A_86 : memref<1x64xf32, #tpu.memory_space<hbm>> -> memref<64xf32, #tpu.memory_space<hbm>>
      tpu.enqueue_dma source(%dma_start3A_87 : memref<64xf32, #tpu.memory_space<hbm>>) target(%dma_start3A_84 : memref<64xf32, #tpu.memory_space<vmem>>) target_semaphore(%arg7 : memref<!tpu.dma_semaphore, #tpu.memory_space<semaphore_mem>>)
      %slice3A_88 = vector.extract_strided_slice %get3A_26 {offsets = [4], sizes = [1], strides = [1]} : vector<16xi32> to vector<1xi32>
      %squeeze3A_89 = vector.extract %slice3A_88[0] : i32 from vector<1xi32>
      %add3A_90 = arith.constant 4 : i32
      %add3A_91 = arith.addi %mul3A_24, %add3A_90 : i32
      %dma_start3A_92 = arith.constant 0 : i32
      %dma_start3A_93 = tpu.memref_slice %arg6[%add3A_91, %dma_start3A_92] : memref<256x64xf32, #tpu.memory_space<vmem>> -> memref<1x64xf32, #tpu.memory_space<vmem>>
      %dma_start3A_94 = tpu.memref_squeeze %dma_start3A_93 : memref<1x64xf32, #tpu.memory_space<vmem>> -> memref<64xf32, #tpu.memory_space<vmem>>
      %dma_start3A_95 = arith.constant 0 : i32
      %dma_start3A_96 = tpu.memref_slice %arg3[%squeeze3A_89, %dma_start3A_95] : memref<1000000x64xf32, #tpu.memory_space<hbm>> -> memref<1x64xf32, #tpu.memory_space<hbm>>
      %dma_start3A_97 = tpu.memref_squeeze %dma_start3A_96 : memref<1x64xf32, #tpu.memory_space<hbm>> -> memref<64xf32, #tpu.memory_space<hbm>>
      %dma_start3A_98 = arith.constant 0 : i32
      %dma_start3A_99 = tpu.memref_slice %arg6[%add3A_91, %dma_start3A_98] : memref<256x64xf32, #tpu.memory_space<vmem>> -> memref<1x64xf32, #tpu.memory_space<vmem>>
      %dma_start3A_100 = tpu.memref_squeeze %dma_start3A_99 : memref<1x64xf32, #tpu.memory_space<vmem>> -> memref<64xf32, #tpu.memory_space<vmem>>
      %dma_start3A_101 = arith.constant 0 : i32
      %dma_start3A_102 = tpu.memref_slice %arg3[%squeeze3A_89, %dma_start3A_101] : memref<1000000x64xf32, #tpu.memory_space<hbm>> -> memref<1x64xf32, #tpu.memory_space<hbm>>
      %dma_start3A_103 = tpu.memref_squeeze %dma_start3A_102 : memref<1x64xf32, #tpu.memory_space<hbm>> -> memref<64xf32, #tpu.memory_space<hbm>>
      tpu.enqueue_dma source(%dma_start3A_103 : memref<64xf32, #tpu.memory_space<hbm>>) target(%dma_start3A_100 : memref<64xf32, #tpu.memory_space<vmem>>) target_semaphore(%arg7 : memref<!tpu.dma_semaphore, #tpu.memory_space<semaphore_mem>>)
      %slice3A_104 = vector.extract_strided_slice %get3A_26 {offsets = [5], sizes = [1], strides = [1]} : vector<16xi32> to vector<1xi32>
      %squeeze3A_105 = vector.extract %slice3A_104[0] : i32 from vector<1xi32>
      %add3A_106 = arith.constant 5 : i32
      %add3A_107 = arith.addi %mul3A_24, %add3A_106 : i32
      %dma_start3A_108 = arith.constant 0 : i32
      %dma_start3A_109 = tpu.memref_slice %arg6[%add3A_107, %dma_start3A_108] : memref<256x64xf32, #tpu.memory_space<vmem>> -> memref<1x64xf32, #tpu.memory_space<vmem>>
      %dma_start3A_110 = tpu.memref_squeeze %dma_start3A_109 : memref<1x64xf32, #tpu.memory_space<vmem>> -> memref<64xf32, #tpu.memory_space<vmem>>
      %dma_start3A_111 = arith.constant 0 : i32
      %dma_start3A_112 = tpu.memref_slice %arg3[%squeeze3A_105, %dma_start3A_111] : memref<1000000x64xf32, #tpu.memory_space<hbm>> -> memref<1x64xf32, #tpu.memory_space<hbm>>
      %dma_start3A_113 = tpu.memref_squeeze %dma_start3A_112 : memref<1x64xf32, #tpu.memory_space<hbm>> -> memref<64xf32, #tpu.memory_space<hbm>>
      %dma_start3A_114 = arith.constant 0 : i32
      %dma_start3A_115 = tpu.memref_slice %arg6[%add3A_107, %dma_start3A_114] : memref<256x64xf32, #tpu.memory_space<vmem>> -> memref<1x64xf32, #tpu.memory_space<vmem>>
      %dma_start3A_116 = tpu.memref_squeeze %dma_start3A_115 : memref<1x64xf32, #tpu.memory_space<vmem>> -> memref<64xf32, #tpu.memory_space<vmem>>
      %dma_start3A_117 = arith.constant 0 : i32
      %dma_start3A_118 = tpu.memref_slice %arg3[%squeeze3A_105, %dma_start3A_117] : memref<1000000x64xf32, #tpu.memory_space<hbm>> -> memref<1x64xf32, #tpu.memory_space<hbm>>
      %dma_start3A_119 = tpu.memref_squeeze %dma_start3A_118 : memref<1x64xf32, #tpu.memory_space<hbm>> -> memref<64xf32, #tpu.memory_space<hbm>>
      tpu.enqueue_dma source(%dma_start3A_119 : memref<64xf32, #tpu.memory_space<hbm>>) target(%dma_start3A_116 : memref<64xf32, #tpu.memory_space<vmem>>) target_semaphore(%arg7 : memref<!tpu.dma_semaphore, #tpu.memory_space<semaphore_mem>>)
      %slice3A_120 = vector.extract_strided_slice %get3A_26 {offsets = [6], sizes = [1], strides = [1]} : vector<16xi32> to vector<1xi32>
      %squeeze3A_121 = vector.extract %slice3A_120[0] : i32 from vector<1xi32>
      %add3A_122 = arith.constant 6 : i32
      %add3A_123 = arith.addi %mul3A_24, %add3A_122 : i32
      %dma_start3A_124 = arith.constant 0 : i32
      %dma_start3A_125 = tpu.memref_slice %arg6[%add3A_123, %dma_start3A_124] : memref<256x64xf32, #tpu.memory_space<vmem>> -> memref<1x64xf32, #tpu.memory_space<vmem>>
      %dma_start3A_126 = tpu.memref_squeeze %dma_start3A_125 : memref<1x64xf32, #tpu.memory_space<vmem>> -> memref<64xf32, #tpu.memory_space<vmem>>
      %dma_start3A_127 = arith.constant 0 : i32
      %dma_start3A_128 = tpu.memref_slice %arg3[%squeeze3A_121, %dma_start3A_127] : memref<1000000x64xf32, #tpu.memory_space<hbm>> -> memref<1x64xf32, #tpu.memory_space<hbm>>
      %dma_start3A_129 = tpu.memref_squeeze %dma_start3A_128 : memref<1x64xf32, #tpu.memory_space<hbm>> -> memref<64xf32, #tpu.memory_space<hbm>>
      %dma_start3A_130 = arith.constant 0 : i32
      %dma_start3A_131 = tpu.memref_slice %arg6[%add3A_123, %dma_start3A_130] : memref<256x64xf32, #tpu.memory_space<vmem>> -> memref<1x64xf32, #tpu.memory_space<vmem>>
      %dma_start3A_132 = tpu.memref_squeeze %dma_start3A_131 : memref<1x64xf32, #tpu.memory_space<vmem>> -> memref<64xf32, #tpu.memory_space<vmem>>
      %dma_start3A_133 = arith.constant 0 : i32
      %dma_start3A_134 = tpu.memref_slice %arg3[%squeeze3A_121, %dma_start3A_133] : memref<1000000x64xf32, #tpu.memory_space<hbm>> -> memref<1x64xf32, #tpu.memory_space<hbm>>
      %dma_start3A_135 = tpu.memref_squeeze %dma_start3A_134 : memref<1x64xf32, #tpu.memory_space<hbm>> -> memref<64xf32, #tpu.memory_space<hbm>>
      tpu.enqueue_dma source(%dma_start3A_135 : memref<64xf32, #tpu.memory_space<hbm>>) target(%dma_start3A_132 : memref<64xf32, #tpu.memory_space<vmem>>) target_semaphore(%arg7 : memref<!tpu.dma_semaphore, #tpu.memory_space<semaphore_mem>>)
      %slice3A_136 = vector.extract_strided_slice %get3A_26 {offsets = [7], sizes = [1], strides = [1]} : vector<16xi32> to vector<1xi32>
      %squeeze3A_137 = vector.extract %slice3A_136[0] : i32 from vector<1xi32>
      %add3A_138 = arith.constant 7 : i32
      %add3A_139 = arith.addi %mul3A_24, %add3A_138 : i32
      %dma_start3A_140 = arith.constant 0 : i32
      %dma_start3A_141 = tpu.memref_slice %arg6[%add3A_139, %dma_start3A_140] : memref<256x64xf32, #tpu.memory_space<vmem>> -> memref<1x64xf32, #tpu.memory_space<vmem>>
      %dma_start3A_142 = tpu.memref_squeeze %dma_start3A_141 : memref<1x64xf32, #tpu.memory_space<vmem>> -> memref<64xf32, #tpu.memory_space<vmem>>
      %dma_start3A_143 = arith.constant 0 : i32
      %dma_start3A_144 = tpu.memref_slice %arg3[%squeeze3A_137, %dma_start3A_143] : memref<1000000x64xf32, #tpu.memory_space<hbm>> -> memref<1x64xf32, #tpu.memory_space<hbm>>
      %dma_start3A_145 = tpu.memref_squeeze %dma_start3A_144 : memref<1x64xf32, #tpu.memory_space<hbm>> -> memref<64xf32, #tpu.memory_space<hbm>>
      %dma_start3A_146 = arith.constant 0 : i32
      %dma_start3A_147 = tpu.memref_slice %arg6[%add3A_139, %dma_start3A_146] : memref<256x64xf32, #tpu.memory_space<vmem>> -> memref<1x64xf32, #tpu.memory_space<vmem>>
      %dma_start3A_148 = tpu.memref_squeeze %dma_start3A_147 : memref<1x64xf32, #tpu.memory_space<vmem>> -> memref<64xf32, #tpu.memory_space<vmem>>
      %dma_start3A_149 = arith.constant 0 : i32
      %dma_start3A_150 = tpu.memref_slice %arg3[%squeeze3A_137, %dma_start3A_149] : memref<1000000x64xf32, #tpu.memory_space<hbm>> -> memref<1x64xf32, #tpu.memory_space<hbm>>
      %dma_start3A_151 = tpu.memref_squeeze %dma_start3A_150 : memref<1x64xf32, #tpu.memory_space<hbm>> -> memref<64xf32, #tpu.memory_space<hbm>>
      tpu.enqueue_dma source(%dma_start3A_151 : memref<64xf32, #tpu.memory_space<hbm>>) target(%dma_start3A_148 : memref<64xf32, #tpu.memory_space<vmem>>) target_semaphore(%arg7 : memref<!tpu.dma_semaphore, #tpu.memory_space<semaphore_mem>>)
      %slice3A_152 = vector.extract_strided_slice %get3A_26 {offsets = [8], sizes = [1], strides = [1]} : vector<16xi32> to vector<1xi32>
      %squeeze3A_153 = vector.extract %slice3A_152[0] : i32 from vector<1xi32>
      %add3A_154 = arith.constant 8 : i32
      %add3A_155 = arith.addi %mul3A_24, %add3A_154 : i32
      %dma_start3A_156 = arith.constant 0 : i32
      %dma_start3A_157 = tpu.memref_slice %arg6[%add3A_155, %dma_start3A_156] : memref<256x64xf32, #tpu.memory_space<vmem>> -> memref<1x64xf32, #tpu.memory_space<vmem>>
      %dma_start3A_158 = tpu.memref_squeeze %dma_start3A_157 : memref<1x64xf32, #tpu.memory_space<vmem>> -> memref<64xf32, #tpu.memory_space<vmem>>
      %dma_start3A_159 = arith.constant 0 : i32
      %dma_start3A_160 = tpu.memref_slice %arg3[%squeeze3A_153, %dma_start3A_159] : memref<1000000x64xf32, #tpu.memory_space<hbm>> -> memref<1x64xf32, #tpu.memory_space<hbm>>
      %dma_start3A_161 = tpu.memref_squeeze %dma_start3A_160 : memref<1x64xf32, #tpu.memory_space<hbm>> -> memref<64xf32, #tpu.memory_space<hbm>>
      %dma_start3A_162 = arith.constant 0 : i32
      %dma_start3A_163 = tpu.memref_slice %arg6[%add3A_155, %dma_start3A_162] : memref<256x64xf32, #tpu.memory_space<vmem>> -> memref<1x64xf32, #tpu.memory_space<vmem>>
      %dma_start3A_164 = tpu.memref_squeeze %dma_start3A_163 : memref<1x64xf32, #tpu.memory_space<vmem>> -> memref<64xf32, #tpu.memory_space<vmem>>
      %dma_start3A_165 = arith.constant 0 : i32
      %dma_start3A_166 = tpu.memref_slice %arg3[%squeeze3A_153, %dma_start3A_165] : memref<1000000x64xf32, #tpu.memory_space<hbm>> -> memref<1x64xf32, #tpu.memory_space<hbm>>
      %dma_start3A_167 = tpu.memref_squeeze %dma_start3A_166 : memref<1x64xf32, #tpu.memory_space<hbm>> -> memref<64xf32, #tpu.memory_space<hbm>>
      tpu.enqueue_dma source(%dma_start3A_167 : memref<64xf32, #tpu.memory_space<hbm>>) target(%dma_start3A_164 : memref<64xf32, #tpu.memory_space<vmem>>) target_semaphore(%arg7 : memref<!tpu.dma_semaphore, #tpu.memory_space<semaphore_mem>>)
      %slice3A_168 = vector.extract_strided_slice %get3A_26 {offsets = [9], sizes = [1], strides = [1]} : vector<16xi32> to vector<1xi32>
      %squeeze3A_169 = vector.extract %slice3A_168[0] : i32 from vector<1xi32>
      %add3A_170 = arith.constant 9 : i32
      %add3A_171 = arith.addi %mul3A_24, %add3A_170 : i32
      %dma_start3A_172 = arith.constant 0 : i32
      %dma_start3A_173 = tpu.memref_slice %arg6[%add3A_171, %dma_start3A_172] : memref<256x64xf32, #tpu.memory_space<vmem>> -> memref<1x64xf32, #tpu.memory_space<vmem>>
      %dma_start3A_174 = tpu.memref_squeeze %dma_start3A_173 : memref<1x64xf32, #tpu.memory_space<vmem>> -> memref<64xf32, #tpu.memory_space<vmem>>
      %dma_start3A_175 = arith.constant 0 : i32
      %dma_start3A_176 = tpu.memref_slice %arg3[%squeeze3A_169, %dma_start3A_175] : memref<1000000x64xf32, #tpu.memory_space<hbm>> -> memref<1x64xf32, #tpu.memory_space<hbm>>
      %dma_start3A_177 = tpu.memref_squeeze %dma_start3A_176 : memref<1x64xf32, #tpu.memory_space<hbm>> -> memref<64xf32, #tpu.memory_space<hbm>>
      %dma_start3A_178 = arith.constant 0 : i32
      %dma_start3A_179 = tpu.memref_slice %arg6[%add3A_171, %dma_start3A_178] : memref<256x64xf32, #tpu.memory_space<vmem>> -> memref<1x64xf32, #tpu.memory_space<vmem>>
      %dma_start3A_180 = tpu.memref_squeeze %dma_start3A_179 : memref<1x64xf32, #tpu.memory_space<vmem>> -> memref<64xf32, #tpu.memory_space<vmem>>
      %dma_start3A_181 = arith.constant 0 : i32
      %dma_start3A_182 = tpu.memref_slice %arg3[%squeeze3A_169, %dma_start3A_181] : memref<1000000x64xf32, #tpu.memory_space<hbm>> -> memref<1x64xf32, #tpu.memory_space<hbm>>
      %dma_start3A_183 = tpu.memref_squeeze %dma_start3A_182 : memref<1x64xf32, #tpu.memory_space<hbm>> -> memref<64xf32, #tpu.memory_space<hbm>>
      tpu.enqueue_dma source(%dma_start3A_183 : memref<64xf32, #tpu.memory_space<hbm>>) target(%dma_start3A_180 : memref<64xf32, #tpu.memory_space<vmem>>) target_semaphore(%arg7 : memref<!tpu.dma_semaphore, #tpu.memory_space<semaphore_mem>>)
      %slice3A_184 = vector.extract_strided_slice %get3A_26 {offsets = [10], sizes = [1], strides = [1]} : vector<16xi32> to vector<1xi32>
      %squeeze3A_185 = vector.extract %slice3A_184[0] : i32 from vector<1xi32>
      %add3A_186 = arith.constant 10 : i32
      %add3A_187 = arith.addi %mul3A_24, %add3A_186 : i32
      %dma_start3A_188 = arith.constant 0 : i32
      %dma_start3A_189 = tpu.memref_slice %arg6[%add3A_187, %dma_start3A_188] : memref<256x64xf32, #tpu.memory_space<vmem>> -> memref<1x64xf32, #tpu.memory_space<vmem>>
      %dma_start3A_190 = tpu.memref_squeeze %dma_start3A_189 : memref<1x64xf32, #tpu.memory_space<vmem>> -> memref<64xf32, #tpu.memory_space<vmem>>
      %dma_start3A_191 = arith.constant 0 : i32
      %dma_start3A_192 = tpu.memref_slice %arg3[%squeeze3A_185, %dma_start3A_191] : memref<1000000x64xf32, #tpu.memory_space<hbm>> -> memref<1x64xf32, #tpu.memory_space<hbm>>
      %dma_start3A_193 = tpu.memref_squeeze %dma_start3A_192 : memref<1x64xf32, #tpu.memory_space<hbm>> -> memref<64xf32, #tpu.memory_space<hbm>>
      %dma_start3A_194 = arith.constant 0 : i32
      %dma_start3A_195 = tpu.memref_slice %arg6[%add3A_187, %dma_start3A_194] : memref<256x64xf32, #tpu.memory_space<vmem>> -> memref<1x64xf32, #tpu.memory_space<vmem>>
      %dma_start3A_196 = tpu.memref_squeeze %dma_start3A_195 : memref<1x64xf32, #tpu.memory_space<vmem>> -> memref<64xf32, #tpu.memory_space<vmem>>
      %dma_start3A_197 = arith.constant 0 : i32
      %dma_start3A_198 = tpu.memref_slice %arg3[%squeeze3A_185, %dma_start3A_197] : memref<1000000x64xf32, #tpu.memory_space<hbm>> -> memref<1x64xf32, #tpu.memory_space<hbm>>
      %dma_start3A_199 = tpu.memref_squeeze %dma_start3A_198 : memref<1x64xf32, #tpu.memory_space<hbm>> -> memref<64xf32, #tpu.memory_space<hbm>>
      tpu.enqueue_dma source(%dma_start3A_199 : memref<64xf32, #tpu.memory_space<hbm>>) target(%dma_start3A_196 : memref<64xf32, #tpu.memory_space<vmem>>) target_semaphore(%arg7 : memref<!tpu.dma_semaphore, #tpu.memory_space<semaphore_mem>>)
      %slice3A_200 = vector.extract_strided_slice %get3A_26 {offsets = [11], sizes = [1], strides = [1]} : vector<16xi32> to vector<1xi32>
      %squeeze3A_201 = vector.extract %slice3A_200[0] : i32 from vector<1xi32>
      %add3A_202 = arith.constant 11 : i32
      %add3A_203 = arith.addi %mul3A_24, %add3A_202 : i32
      %dma_start3A_204 = arith.constant 0 : i32
      %dma_start3A_205 = tpu.memref_slice %arg6[%add3A_203, %dma_start3A_204] : memref<256x64xf32, #tpu.memory_space<vmem>> -> memref<1x64xf32, #tpu.memory_space<vmem>>
      %dma_start3A_206 = tpu.memref_squeeze %dma_start3A_205 : memref<1x64xf32, #tpu.memory_space<vmem>> -> memref<64xf32, #tpu.memory_space<vmem>>
      %dma_start3A_207 = arith.constant 0 : i32
      %dma_start3A_208 = tpu.memref_slice %arg3[%squeeze3A_201, %dma_start3A_207] : memref<1000000x64xf32, #tpu.memory_space<hbm>> -> memref<1x64xf32, #tpu.memory_space<hbm>>
      %dma_start3A_209 = tpu.memref_squeeze %dma_start3A_208 : memref<1x64xf32, #tpu.memory_space<hbm>> -> memref<64xf32, #tpu.memory_space<hbm>>
      %dma_start3A_210 = arith.constant 0 : i32
      %dma_start3A_211 = tpu.memref_slice %arg6[%add3A_203, %dma_start3A_210] : memref<256x64xf32, #tpu.memory_space<vmem>> -> memref<1x64xf32, #tpu.memory_space<vmem>>
      %dma_start3A_212 = tpu.memref_squeeze %dma_start3A_211 : memref<1x64xf32, #tpu.memory_space<vmem>> -> memref<64xf32, #tpu.memory_space<vmem>>
      %dma_start3A_213 = arith.constant 0 : i32
      %dma_start3A_214 = tpu.memref_slice %arg3[%squeeze3A_201, %dma_start3A_213] : memref<1000000x64xf32, #tpu.memory_space<hbm>> -> memref<1x64xf32, #tpu.memory_space<hbm>>
      %dma_start3A_215 = tpu.memref_squeeze %dma_start3A_214 : memref<1x64xf32, #tpu.memory_space<hbm>> -> memref<64xf32, #tpu.memory_space<hbm>>
      tpu.enqueue_dma source(%dma_start3A_215 : memref<64xf32, #tpu.memory_space<hbm>>) target(%dma_start3A_212 : memref<64xf32, #tpu.memory_space<vmem>>) target_semaphore(%arg7 : memref<!tpu.dma_semaphore, #tpu.memory_space<semaphore_mem>>)
      %slice3A_216 = vector.extract_strided_slice %get3A_26 {offsets = [12], sizes = [1], strides = [1]} : vector<16xi32> to vector<1xi32>
      %squeeze3A_217 = vector.extract %slice3A_216[0] : i32 from vector<1xi32>
      %add3A_218 = arith.constant 12 : i32
      %add3A_219 = arith.addi %mul3A_24, %add3A_218 : i32
      %dma_start3A_220 = arith.constant 0 : i32
      %dma_start3A_221 = tpu.memref_slice %arg6[%add3A_219, %dma_start3A_220] : memref<256x64xf32, #tpu.memory_space<vmem>> -> memref<1x64xf32, #tpu.memory_space<vmem>>
      %dma_start3A_222 = tpu.memref_squeeze %dma_start3A_221 : memref<1x64xf32, #tpu.memory_space<vmem>> -> memref<64xf32, #tpu.memory_space<vmem>>
      %dma_start3A_223 = arith.constant 0 : i32
      %dma_start3A_224 = tpu.memref_slice %arg3[%squeeze3A_217, %dma_start3A_223] : memref<1000000x64xf32, #tpu.memory_space<hbm>> -> memref<1x64xf32, #tpu.memory_space<hbm>>
      %dma_start3A_225 = tpu.memref_squeeze %dma_start3A_224 : memref<1x64xf32, #tpu.memory_space<hbm>> -> memref<64xf32, #tpu.memory_space<hbm>>
      %dma_start3A_226 = arith.constant 0 : i32
      %dma_start3A_227 = tpu.memref_slice %arg6[%add3A_219, %dma_start3A_226] : memref<256x64xf32, #tpu.memory_space<vmem>> -> memref<1x64xf32, #tpu.memory_space<vmem>>
      %dma_start3A_228 = tpu.memref_squeeze %dma_start3A_227 : memref<1x64xf32, #tpu.memory_space<vmem>> -> memref<64xf32, #tpu.memory_space<vmem>>
      %dma_start3A_229 = arith.constant 0 : i32
      %dma_start3A_230 = tpu.memref_slice %arg3[%squeeze3A_217, %dma_start3A_229] : memref<1000000x64xf32, #tpu.memory_space<hbm>> -> memref<1x64xf32, #tpu.memory_space<hbm>>
      %dma_start3A_231 = tpu.memref_squeeze %dma_start3A_230 : memref<1x64xf32, #tpu.memory_space<hbm>> -> memref<64xf32, #tpu.memory_space<hbm>>
      tpu.enqueue_dma source(%dma_start3A_231 : memref<64xf32, #tpu.memory_space<hbm>>) target(%dma_start3A_228 : memref<64xf32, #tpu.memory_space<vmem>>) target_semaphore(%arg7 : memref<!tpu.dma_semaphore, #tpu.memory_space<semaphore_mem>>)
      %slice3A_232 = vector.extract_strided_slice %get3A_26 {offsets = [13], sizes = [1], strides = [1]} : vector<16xi32> to vector<1xi32>
      %squeeze3A_233 = vector.extract %slice3A_232[0] : i32 from vector<1xi32>
      %add3A_234 = arith.constant 13 : i32
      %add3A_235 = arith.addi %mul3A_24, %add3A_234 : i32
      %dma_start3A_236 = arith.constant 0 : i32
      %dma_start3A_237 = tpu.memref_slice %arg6[%add3A_235, %dma_start3A_236] : memref<256x64xf32, #tpu.memory_space<vmem>> -> memref<1x64xf32, #tpu.memory_space<vmem>>
      %dma_start3A_238 = tpu.memref_squeeze %dma_start3A_237 : memref<1x64xf32, #tpu.memory_space<vmem>> -> memref<64xf32, #tpu.memory_space<vmem>>
      %dma_start3A_239 = arith.constant 0 : i32
      %dma_start3A_240 = tpu.memref_slice %arg3[%squeeze3A_233, %dma_start3A_239] : memref<1000000x64xf32, #tpu.memory_space<hbm>> -> memref<1x64xf32, #tpu.memory_space<hbm>>
      %dma_start3A_241 = tpu.memref_squeeze %dma_start3A_240 : memref<1x64xf32, #tpu.memory_space<hbm>> -> memref<64xf32, #tpu.memory_space<hbm>>
      %dma_start3A_242 = arith.constant 0 : i32
      %dma_start3A_243 = tpu.memref_slice %arg6[%add3A_235, %dma_start3A_242] : memref<256x64xf32, #tpu.memory_space<vmem>> -> memref<1x64xf32, #tpu.memory_space<vmem>>
      %dma_start3A_244 = tpu.memref_squeeze %dma_start3A_243 : memref<1x64xf32, #tpu.memory_space<vmem>> -> memref<64xf32, #tpu.memory_space<vmem>>
      %dma_start3A_245 = arith.constant 0 : i32
      %dma_start3A_246 = tpu.memref_slice %arg3[%squeeze3A_233, %dma_start3A_245] : memref<1000000x64xf32, #tpu.memory_space<hbm>> -> memref<1x64xf32, #tpu.memory_space<hbm>>
      %dma_start3A_247 = tpu.memref_squeeze %dma_start3A_246 : memref<1x64xf32, #tpu.memory_space<hbm>> -> memref<64xf32, #tpu.memory_space<hbm>>
      tpu.enqueue_dma source(%dma_start3A_247 : memref<64xf32, #tpu.memory_space<hbm>>) target(%dma_start3A_244 : memref<64xf32, #tpu.memory_space<vmem>>) target_semaphore(%arg7 : memref<!tpu.dma_semaphore, #tpu.memory_space<semaphore_mem>>)
      %slice3A_248 = vector.extract_strided_slice %get3A_26 {offsets = [14], sizes = [1], strides = [1]} : vector<16xi32> to vector<1xi32>
      %squeeze3A_249 = vector.extract %slice3A_248[0] : i32 from vector<1xi32>
      %add3A_250 = arith.constant 14 : i32
      %add3A_251 = arith.addi %mul3A_24, %add3A_250 : i32
      %dma_start3A_252 = arith.constant 0 : i32
      %dma_start3A_253 = tpu.memref_slice %arg6[%add3A_251, %dma_start3A_252] : memref<256x64xf32, #tpu.memory_space<vmem>> -> memref<1x64xf32, #tpu.memory_space<vmem>>
      %dma_start3A_254 = tpu.memref_squeeze %dma_start3A_253 : memref<1x64xf32, #tpu.memory_space<vmem>> -> memref<64xf32, #tpu.memory_space<vmem>>
      %dma_start3A_255 = arith.constant 0 : i32
      %dma_start3A_256 = tpu.memref_slice %arg3[%squeeze3A_249, %dma_start3A_255] : memref<1000000x64xf32, #tpu.memory_space<hbm>> -> memref<1x64xf32, #tpu.memory_space<hbm>>
      %dma_start3A_257 = tpu.memref_squeeze %dma_start3A_256 : memref<1x64xf32, #tpu.memory_space<hbm>> -> memref<64xf32, #tpu.memory_space<hbm>>
      %dma_start3A_258 = arith.constant 0 : i32
      %dma_start3A_259 = tpu.memref_slice %arg6[%add3A_251, %dma_start3A_258] : memref<256x64xf32, #tpu.memory_space<vmem>> -> memref<1x64xf32, #tpu.memory_space<vmem>>
      %dma_start3A_260 = tpu.memref_squeeze %dma_start3A_259 : memref<1x64xf32, #tpu.memory_space<vmem>> -> memref<64xf32, #tpu.memory_space<vmem>>
      %dma_start3A_261 = arith.constant 0 : i32
      %dma_start3A_262 = tpu.memref_slice %arg3[%squeeze3A_249, %dma_start3A_261] : memref<1000000x64xf32, #tpu.memory_space<hbm>> -> memref<1x64xf32, #tpu.memory_space<hbm>>
      %dma_start3A_263 = tpu.memref_squeeze %dma_start3A_262 : memref<1x64xf32, #tpu.memory_space<hbm>> -> memref<64xf32, #tpu.memory_space<hbm>>
      tpu.enqueue_dma source(%dma_start3A_263 : memref<64xf32, #tpu.memory_space<hbm>>) target(%dma_start3A_260 : memref<64xf32, #tpu.memory_space<vmem>>) target_semaphore(%arg7 : memref<!tpu.dma_semaphore, #tpu.memory_space<semaphore_mem>>)
      %slice3A_264 = vector.extract_strided_slice %get3A_26 {offsets = [15], sizes = [1], strides = [1]} : vector<16xi32> to vector<1xi32>
      %squeeze3A_265 = vector.extract %slice3A_264[0] : i32 from vector<1xi32>
      %add3A_266 = arith.constant 15 : i32
      %add3A_267 = arith.addi %mul3A_24, %add3A_266 : i32
      %dma_start3A_268 = arith.constant 0 : i32
      %dma_start3A_269 = tpu.memref_slice %arg6[%add3A_267, %dma_start3A_268] : memref<256x64xf32, #tpu.memory_space<vmem>> -> memref<1x64xf32, #tpu.memory_space<vmem>>
      %dma_start3A_270 = tpu.memref_squeeze %dma_start3A_269 : memref<1x64xf32, #tpu.memory_space<vmem>> -> memref<64xf32, #tpu.memory_space<vmem>>
      %dma_start3A_271 = arith.constant 0 : i32
      %dma_start3A_272 = tpu.memref_slice %arg3[%squeeze3A_265, %dma_start3A_271] : memref<1000000x64xf32, #tpu.memory_space<hbm>> -> memref<1x64xf32, #tpu.memory_space<hbm>>
      %dma_start3A_273 = tpu.memref_squeeze %dma_start3A_272 : memref<1x64xf32, #tpu.memory_space<hbm>> -> memref<64xf32, #tpu.memory_space<hbm>>
      %dma_start3A_274 = arith.constant 0 : i32
      %dma_start3A_275 = tpu.memref_slice %arg6[%add3A_267, %dma_start3A_274] : memref<256x64xf32, #tpu.memory_space<vmem>> -> memref<1x64xf32, #tpu.memory_space<vmem>>
      %dma_start3A_276 = tpu.memref_squeeze %dma_start3A_275 : memref<1x64xf32, #tpu.memory_space<vmem>> -> memref<64xf32, #tpu.memory_space<vmem>>
      %dma_start3A_277 = arith.constant 0 : i32
      %dma_start3A_278 = tpu.memref_slice %arg3[%squeeze3A_265, %dma_start3A_277] : memref<1000000x64xf32, #tpu.memory_space<hbm>> -> memref<1x64xf32, #tpu.memory_space<hbm>>
      %dma_start3A_279 = tpu.memref_squeeze %dma_start3A_278 : memref<1x64xf32, #tpu.memory_space<hbm>> -> memref<64xf32, #tpu.memory_space<hbm>>
      tpu.enqueue_dma source(%dma_start3A_279 : memref<64xf32, #tpu.memory_space<hbm>>) target(%dma_start3A_276 : memref<64xf32, #tpu.memory_space<vmem>>) target_semaphore(%arg7 : memref<!tpu.dma_semaphore, #tpu.memory_space<semaphore_mem>>)
      %dma_wait3A = arith.constant 0 : i32
      %dma_wait3A_280 = tpu.memref_slice %arg6[%add3A_28, %dma_wait3A] : memref<256x64xf32, #tpu.memory_space<vmem>> -> memref<1x64xf32, #tpu.memory_space<vmem>>
      %dma_wait3A_281 = tpu.memref_squeeze %dma_wait3A_280 : memref<1x64xf32, #tpu.memory_space<vmem>> -> memref<64xf32, #tpu.memory_space<vmem>>
      %dma_wait3A_282 = arith.constant 0 : i32
      %dma_wait3A_283 = tpu.memref_slice %arg3[%squeeze3A, %dma_wait3A_282] : memref<1000000x64xf32, #tpu.memory_space<hbm>> -> memref<1x64xf32, #tpu.memory_space<hbm>>
      %dma_wait3A_284 = tpu.memref_squeeze %dma_wait3A_283 : memref<1x64xf32, #tpu.memory_space<hbm>> -> memref<64xf32, #tpu.memory_space<hbm>>
      %dma_wait3A_285 = arith.constant 0 : i32
      %dma_wait3A_286 = tpu.memref_slice %arg6[%add3A_28, %dma_wait3A_285] : memref<256x64xf32, #tpu.memory_space<vmem>> -> memref<1x64xf32, #tpu.memory_space<vmem>>
      %dma_wait3A_287 = tpu.memref_squeeze %dma_wait3A_286 : memref<1x64xf32, #tpu.memory_space<vmem>> -> memref<64xf32, #tpu.memory_space<vmem>>
      %dma_wait3A_288 = arith.constant 0 : i32
      %dma_wait3A_289 = tpu.memref_slice %arg3[%squeeze3A, %dma_wait3A_288] : memref<1000000x64xf32, #tpu.memory_space<hbm>> -> memref<1x64xf32, #tpu.memory_space<hbm>>
      %dma_wait3A_290 = tpu.memref_squeeze %dma_wait3A_289 : memref<1x64xf32, #tpu.memory_space<hbm>> -> memref<64xf32, #tpu.memory_space<hbm>>
      tpu.wait_dma2 semaphore(%arg7 : memref<!tpu.dma_semaphore, #tpu.memory_space<semaphore_mem>>) src(%dma_wait3A_290 : memref<64xf32, #tpu.memory_space<hbm>>) dst(%dma_wait3A_287 : memref<64xf32, #tpu.memory_space<vmem>>)
      %dma_wait3A_291 = arith.constant 0 : i32
      %dma_wait3A_292 = tpu.memref_slice %arg6[%add3A_43, %dma_wait3A_291] : memref<256x64xf32, #tpu.memory_space<vmem>> -> memref<1x64xf32, #tpu.memory_space<vmem>>
      %dma_wait3A_293 = tpu.memref_squeeze %dma_wait3A_292 : memref<1x64xf32, #tpu.memory_space<vmem>> -> memref<64xf32, #tpu.memory_space<vmem>>
      %dma_wait3A_294 = arith.constant 0 : i32
      %dma_wait3A_295 = tpu.memref_slice %arg3[%squeeze3A_41, %dma_wait3A_294] : memref<1000000x64xf32, #tpu.memory_space<hbm>> -> memref<1x64xf32, #tpu.memory_space<hbm>>
      %dma_wait3A_296 = tpu.memref_squeeze %dma_wait3A_295 : memref<1x64xf32, #tpu.memory_space<hbm>> -> memref<64xf32, #tpu.memory_space<hbm>>
      %dma_wait3A_297 = arith.constant 0 : i32
      %dma_wait3A_298 = tpu.memref_slice %arg6[%add3A_43, %dma_wait3A_297] : memref<256x64xf32, #tpu.memory_space<vmem>> -> memref<1x64xf32, #tpu.memory_space<vmem>>
      %dma_wait3A_299 = tpu.memref_squeeze %dma_wait3A_298 : memref<1x64xf32, #tpu.memory_space<vmem>> -> memref<64xf32, #tpu.memory_space<vmem>>
      %dma_wait3A_300 = arith.constant 0 : i32
      %dma_wait3A_301 = tpu.memref_slice %arg3[%squeeze3A_41, %dma_wait3A_300] : memref<1000000x64xf32, #tpu.memory_space<hbm>> -> memref<1x64xf32, #tpu.memory_space<hbm>>
      %dma_wait3A_302 = tpu.memref_squeeze %dma_wait3A_301 : memref<1x64xf32, #tpu.memory_space<hbm>> -> memref<64xf32, #tpu.memory_space<hbm>>
      tpu.wait_dma2 semaphore(%arg7 : memref<!tpu.dma_semaphore, #tpu.memory_space<semaphore_mem>>) src(%dma_wait3A_302 : memref<64xf32, #tpu.memory_space<hbm>>) dst(%dma_wait3A_299 : memref<64xf32, #tpu.memory_space<vmem>>)
      %dma_wait3A_303 = arith.constant 0 : i32
      %dma_wait3A_304 = tpu.memref_slice %arg6[%add3A_59, %dma_wait3A_303] : memref<256x64xf32, #tpu.memory_space<vmem>> -> memref<1x64xf32, #tpu.memory_space<vmem>>
      %dma_wait3A_305 = tpu.memref_squeeze %dma_wait3A_304 : memref<1x64xf32, #tpu.memory_space<vmem>> -> memref<64xf32, #tpu.memory_space<vmem>>
      %dma_wait3A_306 = arith.constant 0 : i32
      %dma_wait3A_307 = tpu.memref_slice %arg3[%squeeze3A_57, %dma_wait3A_306] : memref<1000000x64xf32, #tpu.memory_space<hbm>> -> memref<1x64xf32, #tpu.memory_space<hbm>>
      %dma_wait3A_308 = tpu.memref_squeeze %dma_wait3A_307 : memref<1x64xf32, #tpu.memory_space<hbm>> -> memref<64xf32, #tpu.memory_space<hbm>>
      %dma_wait3A_309 = arith.constant 0 : i32
      %dma_wait3A_310 = tpu.memref_slice %arg6[%add3A_59, %dma_wait3A_309] : memref<256x64xf32, #tpu.memory_space<vmem>> -> memref<1x64xf32, #tpu.memory_space<vmem>>
      %dma_wait3A_311 = tpu.memref_squeeze %dma_wait3A_310 : memref<1x64xf32, #tpu.memory_space<vmem>> -> memref<64xf32, #tpu.memory_space<vmem>>
      %dma_wait3A_312 = arith.constant 0 : i32
      %dma_wait3A_313 = tpu.memref_slice %arg3[%squeeze3A_57, %dma_wait3A_312] : memref<1000000x64xf32, #tpu.memory_space<hbm>> -> memref<1x64xf32, #tpu.memory_space<hbm>>
      %dma_wait3A_314 = tpu.memref_squeeze %dma_wait3A_313 : memref<1x64xf32, #tpu.memory_space<hbm>> -> memref<64xf32, #tpu.memory_space<hbm>>
      tpu.wait_dma2 semaphore(%arg7 : memref<!tpu.dma_semaphore, #tpu.memory_space<semaphore_mem>>) src(%dma_wait3A_314 : memref<64xf32, #tpu.memory_space<hbm>>) dst(%dma_wait3A_311 : memref<64xf32, #tpu.memory_space<vmem>>)
      %dma_wait3A_315 = arith.constant 0 : i32
      %dma_wait3A_316 = tpu.memref_slice %arg6[%add3A_75, %dma_wait3A_315] : memref<256x64xf32, #tpu.memory_space<vmem>> -> memref<1x64xf32, #tpu.memory_space<vmem>>
      %dma_wait3A_317 = tpu.memref_squeeze %dma_wait3A_316 : memref<1x64xf32, #tpu.memory_space<vmem>> -> memref<64xf32, #tpu.memory_space<vmem>>
      %dma_wait3A_318 = arith.constant 0 : i32
      %dma_wait3A_319 = tpu.memref_slice %arg3[%squeeze3A_73, %dma_wait3A_318] : memref<1000000x64xf32, #tpu.memory_space<hbm>> -> memref<1x64xf32, #tpu.memory_space<hbm>>
      %dma_wait3A_320 = tpu.memref_squeeze %dma_wait3A_319 : memref<1x64xf32, #tpu.memory_space<hbm>> -> memref<64xf32, #tpu.memory_space<hbm>>
      %dma_wait3A_321 = arith.constant 0 : i32
      %dma_wait3A_322 = tpu.memref_slice %arg6[%add3A_75, %dma_wait3A_321] : memref<256x64xf32, #tpu.memory_space<vmem>> -> memref<1x64xf32, #tpu.memory_space<vmem>>
      %dma_wait3A_323 = tpu.memref_squeeze %dma_wait3A_322 : memref<1x64xf32, #tpu.memory_space<vmem>> -> memref<64xf32, #tpu.memory_space<vmem>>
      %dma_wait3A_324 = arith.constant 0 : i32
      %dma_wait3A_325 = tpu.memref_slice %arg3[%squeeze3A_73, %dma_wait3A_324] : memref<1000000x64xf32, #tpu.memory_space<hbm>> -> memref<1x64xf32, #tpu.memory_space<hbm>>
      %dma_wait3A_326 = tpu.memref_squeeze %dma_wait3A_325 : memref<1x64xf32, #tpu.memory_space<hbm>> -> memref<64xf32, #tpu.memory_space<hbm>>
      tpu.wait_dma2 semaphore(%arg7 : memref<!tpu.dma_semaphore, #tpu.memory_space<semaphore_mem>>) src(%dma_wait3A_326 : memref<64xf32, #tpu.memory_space<hbm>>) dst(%dma_wait3A_323 : memref<64xf32, #tpu.memory_space<vmem>>)
      %dma_wait3A_327 = arith.constant 0 : i32
      %dma_wait3A_328 = tpu.memref_slice %arg6[%add3A_91, %dma_wait3A_327] : memref<256x64xf32, #tpu.memory_space<vmem>> -> memref<1x64xf32, #tpu.memory_space<vmem>>
      %dma_wait3A_329 = tpu.memref_squeeze %dma_wait3A_328 : memref<1x64xf32, #tpu.memory_space<vmem>> -> memref<64xf32, #tpu.memory_space<vmem>>
      %dma_wait3A_330 = arith.constant 0 : i32
      %dma_wait3A_331 = tpu.memref_slice %arg3[%squeeze3A_89, %dma_wait3A_330] : memref<1000000x64xf32, #tpu.memory_space<hbm>> -> memref<1x64xf32, #tpu.memory_space<hbm>>
      %dma_wait3A_332 = tpu.memref_squeeze %dma_wait3A_331 : memref<1x64xf32, #tpu.memory_space<hbm>> -> memref<64xf32, #tpu.memory_space<hbm>>
      %dma_wait3A_333 = arith.constant 0 : i32
      %dma_wait3A_334 = tpu.memref_slice %arg6[%add3A_91, %dma_wait3A_333] : memref<256x64xf32, #tpu.memory_space<vmem>> -> memref<1x64xf32, #tpu.memory_space<vmem>>
      %dma_wait3A_335 = tpu.memref_squeeze %dma_wait3A_334 : memref<1x64xf32, #tpu.memory_space<vmem>> -> memref<64xf32, #tpu.memory_space<vmem>>
      %dma_wait3A_336 = arith.constant 0 : i32
      %dma_wait3A_337 = tpu.memref_slice %arg3[%squeeze3A_89, %dma_wait3A_336] : memref<1000000x64xf32, #tpu.memory_space<hbm>> -> memref<1x64xf32, #tpu.memory_space<hbm>>
      %dma_wait3A_338 = tpu.memref_squeeze %dma_wait3A_337 : memref<1x64xf32, #tpu.memory_space<hbm>> -> memref<64xf32, #tpu.memory_space<hbm>>
      tpu.wait_dma2 semaphore(%arg7 : memref<!tpu.dma_semaphore, #tpu.memory_space<semaphore_mem>>) src(%dma_wait3A_338 : memref<64xf32, #tpu.memory_space<hbm>>) dst(%dma_wait3A_335 : memref<64xf32, #tpu.memory_space<vmem>>)
      %dma_wait3A_339 = arith.constant 0 : i32
      %dma_wait3A_340 = tpu.memref_slice %arg6[%add3A_107, %dma_wait3A_339] : memref<256x64xf32, #tpu.memory_space<vmem>> -> memref<1x64xf32, #tpu.memory_space<vmem>>
      %dma_wait3A_341 = tpu.memref_squeeze %dma_wait3A_340 : memref<1x64xf32, #tpu.memory_space<vmem>> -> memref<64xf32, #tpu.memory_space<vmem>>
      %dma_wait3A_342 = arith.constant 0 : i32
      %dma_wait3A_343 = tpu.memref_slice %arg3[%squeeze3A_105, %dma_wait3A_342] : memref<1000000x64xf32, #tpu.memory_space<hbm>> -> memref<1x64xf32, #tpu.memory_space<hbm>>
      %dma_wait3A_344 = tpu.memref_squeeze %dma_wait3A_343 : memref<1x64xf32, #tpu.memory_space<hbm>> -> memref<64xf32, #tpu.memory_space<hbm>>
      %dma_wait3A_345 = arith.constant 0 : i32
      %dma_wait3A_346 = tpu.memref_slice %arg6[%add3A_107, %dma_wait3A_345] : memref<256x64xf32, #tpu.memory_space<vmem>> -> memref<1x64xf32, #tpu.memory_space<vmem>>
      %dma_wait3A_347 = tpu.memref_squeeze %dma_wait3A_346 : memref<1x64xf32, #tpu.memory_space<vmem>> -> memref<64xf32, #tpu.memory_space<vmem>>
      %dma_wait3A_348 = arith.constant 0 : i32
      %dma_wait3A_349 = tpu.memref_slice %arg3[%squeeze3A_105, %dma_wait3A_348] : memref<1000000x64xf32, #tpu.memory_space<hbm>> -> memref<1x64xf32, #tpu.memory_space<hbm>>
      %dma_wait3A_350 = tpu.memref_squeeze %dma_wait3A_349 : memref<1x64xf32, #tpu.memory_space<hbm>> -> memref<64xf32, #tpu.memory_space<hbm>>
      tpu.wait_dma2 semaphore(%arg7 : memref<!tpu.dma_semaphore, #tpu.memory_space<semaphore_mem>>) src(%dma_wait3A_350 : memref<64xf32, #tpu.memory_space<hbm>>) dst(%dma_wait3A_347 : memref<64xf32, #tpu.memory_space<vmem>>)
      %dma_wait3A_351 = arith.constant 0 : i32
      %dma_wait3A_352 = tpu.memref_slice %arg6[%add3A_123, %dma_wait3A_351] : memref<256x64xf32, #tpu.memory_space<vmem>> -> memref<1x64xf32, #tpu.memory_space<vmem>>
      %dma_wait3A_353 = tpu.memref_squeeze %dma_wait3A_352 : memref<1x64xf32, #tpu.memory_space<vmem>> -> memref<64xf32, #tpu.memory_space<vmem>>
      %dma_wait3A_354 = arith.constant 0 : i32
      %dma_wait3A_355 = tpu.memref_slice %arg3[%squeeze3A_121, %dma_wait3A_354] : memref<1000000x64xf32, #tpu.memory_space<hbm>> -> memref<1x64xf32, #tpu.memory_space<hbm>>
      %dma_wait3A_356 = tpu.memref_squeeze %dma_wait3A_355 : memref<1x64xf32, #tpu.memory_space<hbm>> -> memref<64xf32, #tpu.memory_space<hbm>>
      %dma_wait3A_357 = arith.constant 0 : i32
      %dma_wait3A_358 = tpu.memref_slice %arg6[%add3A_123, %dma_wait3A_357] : memref<256x64xf32, #tpu.memory_space<vmem>> -> memref<1x64xf32, #tpu.memory_space<vmem>>
      %dma_wait3A_359 = tpu.memref_squeeze %dma_wait3A_358 : memref<1x64xf32, #tpu.memory_space<vmem>> -> memref<64xf32, #tpu.memory_space<vmem>>
      %dma_wait3A_360 = arith.constant 0 : i32
      %dma_wait3A_361 = tpu.memref_slice %arg3[%squeeze3A_121, %dma_wait3A_360] : memref<1000000x64xf32, #tpu.memory_space<hbm>> -> memref<1x64xf32, #tpu.memory_space<hbm>>
      %dma_wait3A_362 = tpu.memref_squeeze %dma_wait3A_361 : memref<1x64xf32, #tpu.memory_space<hbm>> -> memref<64xf32, #tpu.memory_space<hbm>>
      tpu.wait_dma2 semaphore(%arg7 : memref<!tpu.dma_semaphore, #tpu.memory_space<semaphore_mem>>) src(%dma_wait3A_362 : memref<64xf32, #tpu.memory_space<hbm>>) dst(%dma_wait3A_359 : memref<64xf32, #tpu.memory_space<vmem>>)
      %dma_wait3A_363 = arith.constant 0 : i32
      %dma_wait3A_364 = tpu.memref_slice %arg6[%add3A_139, %dma_wait3A_363] : memref<256x64xf32, #tpu.memory_space<vmem>> -> memref<1x64xf32, #tpu.memory_space<vmem>>
      %dma_wait3A_365 = tpu.memref_squeeze %dma_wait3A_364 : memref<1x64xf32, #tpu.memory_space<vmem>> -> memref<64xf32, #tpu.memory_space<vmem>>
      %dma_wait3A_366 = arith.constant 0 : i32
      %dma_wait3A_367 = tpu.memref_slice %arg3[%squeeze3A_137, %dma_wait3A_366] : memref<1000000x64xf32, #tpu.memory_space<hbm>> -> memref<1x64xf32, #tpu.memory_space<hbm>>
      %dma_wait3A_368 = tpu.memref_squeeze %dma_wait3A_367 : memref<1x64xf32, #tpu.memory_space<hbm>> -> memref<64xf32, #tpu.memory_space<hbm>>
      %dma_wait3A_369 = arith.constant 0 : i32
      %dma_wait3A_370 = tpu.memref_slice %arg6[%add3A_139, %dma_wait3A_369] : memref<256x64xf32, #tpu.memory_space<vmem>> -> memref<1x64xf32, #tpu.memory_space<vmem>>
      %dma_wait3A_371 = tpu.memref_squeeze %dma_wait3A_370 : memref<1x64xf32, #tpu.memory_space<vmem>> -> memref<64xf32, #tpu.memory_space<vmem>>
      %dma_wait3A_372 = arith.constant 0 : i32
      %dma_wait3A_373 = tpu.memref_slice %arg3[%squeeze3A_137, %dma_wait3A_372] : memref<1000000x64xf32, #tpu.memory_space<hbm>> -> memref<1x64xf32, #tpu.memory_space<hbm>>
      %dma_wait3A_374 = tpu.memref_squeeze %dma_wait3A_373 : memref<1x64xf32, #tpu.memory_space<hbm>> -> memref<64xf32, #tpu.memory_space<hbm>>
      tpu.wait_dma2 semaphore(%arg7 : memref<!tpu.dma_semaphore, #tpu.memory_space<semaphore_mem>>) src(%dma_wait3A_374 : memref<64xf32, #tpu.memory_space<hbm>>) dst(%dma_wait3A_371 : memref<64xf32, #tpu.memory_space<vmem>>)
      %dma_wait3A_375 = arith.constant 0 : i32
      %dma_wait3A_376 = tpu.memref_slice %arg6[%add3A_155, %dma_wait3A_375] : memref<256x64xf32, #tpu.memory_space<vmem>> -> memref<1x64xf32, #tpu.memory_space<vmem>>
      %dma_wait3A_377 = tpu.memref_squeeze %dma_wait3A_376 : memref<1x64xf32, #tpu.memory_space<vmem>> -> memref<64xf32, #tpu.memory_space<vmem>>
      %dma_wait3A_378 = arith.constant 0 : i32
      %dma_wait3A_379 = tpu.memref_slice %arg3[%squeeze3A_153, %dma_wait3A_378] : memref<1000000x64xf32, #tpu.memory_space<hbm>> -> memref<1x64xf32, #tpu.memory_space<hbm>>
      %dma_wait3A_380 = tpu.memref_squeeze %dma_wait3A_379 : memref<1x64xf32, #tpu.memory_space<hbm>> -> memref<64xf32, #tpu.memory_space<hbm>>
      %dma_wait3A_381 = arith.constant 0 : i32
      %dma_wait3A_382 = tpu.memref_slice %arg6[%add3A_155, %dma_wait3A_381] : memref<256x64xf32, #tpu.memory_space<vmem>> -> memref<1x64xf32, #tpu.memory_space<vmem>>
      %dma_wait3A_383 = tpu.memref_squeeze %dma_wait3A_382 : memref<1x64xf32, #tpu.memory_space<vmem>> -> memref<64xf32, #tpu.memory_space<vmem>>
      %dma_wait3A_384 = arith.constant 0 : i32
      %dma_wait3A_385 = tpu.memref_slice %arg3[%squeeze3A_153, %dma_wait3A_384] : memref<1000000x64xf32, #tpu.memory_space<hbm>> -> memref<1x64xf32, #tpu.memory_space<hbm>>
      %dma_wait3A_386 = tpu.memref_squeeze %dma_wait3A_385 : memref<1x64xf32, #tpu.memory_space<hbm>> -> memref<64xf32, #tpu.memory_space<hbm>>
      tpu.wait_dma2 semaphore(%arg7 : memref<!tpu.dma_semaphore, #tpu.memory_space<semaphore_mem>>) src(%dma_wait3A_386 : memref<64xf32, #tpu.memory_space<hbm>>) dst(%dma_wait3A_383 : memref<64xf32, #tpu.memory_space<vmem>>)
      %dma_wait3A_387 = arith.constant 0 : i32
      %dma_wait3A_388 = tpu.memref_slice %arg6[%add3A_171, %dma_wait3A_387] : memref<256x64xf32, #tpu.memory_space<vmem>> -> memref<1x64xf32, #tpu.memory_space<vmem>>
      %dma_wait3A_389 = tpu.memref_squeeze %dma_wait3A_388 : memref<1x64xf32, #tpu.memory_space<vmem>> -> memref<64xf32, #tpu.memory_space<vmem>>
      %dma_wait3A_390 = arith.constant 0 : i32
      %dma_wait3A_391 = tpu.memref_slice %arg3[%squeeze3A_169, %dma_wait3A_390] : memref<1000000x64xf32, #tpu.memory_space<hbm>> -> memref<1x64xf32, #tpu.memory_space<hbm>>
      %dma_wait3A_392 = tpu.memref_squeeze %dma_wait3A_391 : memref<1x64xf32, #tpu.memory_space<hbm>> -> memref<64xf32, #tpu.memory_space<hbm>>
      %dma_wait3A_393 = arith.constant 0 : i32
      %dma_wait3A_394 = tpu.memref_slice %arg6[%add3A_171, %dma_wait3A_393] : memref<256x64xf32, #tpu.memory_space<vmem>> -> memref<1x64xf32, #tpu.memory_space<vmem>>
      %dma_wait3A_395 = tpu.memref_squeeze %dma_wait3A_394 : memref<1x64xf32, #tpu.memory_space<vmem>> -> memref<64xf32, #tpu.memory_space<vmem>>
      %dma_wait3A_396 = arith.constant 0 : i32
      %dma_wait3A_397 = tpu.memref_slice %arg3[%squeeze3A_169, %dma_wait3A_396] : memref<1000000x64xf32, #tpu.memory_space<hbm>> -> memref<1x64xf32, #tpu.memory_space<hbm>>
      %dma_wait3A_398 = tpu.memref_squeeze %dma_wait3A_397 : memref<1x64xf32, #tpu.memory_space<hbm>> -> memref<64xf32, #tpu.memory_space<hbm>>
      tpu.wait_dma2 semaphore(%arg7 : memref<!tpu.dma_semaphore, #tpu.memory_space<semaphore_mem>>) src(%dma_wait3A_398 : memref<64xf32, #tpu.memory_space<hbm>>) dst(%dma_wait3A_395 : memref<64xf32, #tpu.memory_space<vmem>>)
      %dma_wait3A_399 = arith.constant 0 : i32
      %dma_wait3A_400 = tpu.memref_slice %arg6[%add3A_187, %dma_wait3A_399] : memref<256x64xf32, #tpu.memory_space<vmem>> -> memref<1x64xf32, #tpu.memory_space<vmem>>
      %dma_wait3A_401 = tpu.memref_squeeze %dma_wait3A_400 : memref<1x64xf32, #tpu.memory_space<vmem>> -> memref<64xf32, #tpu.memory_space<vmem>>
      %dma_wait3A_402 = arith.constant 0 : i32
      %dma_wait3A_403 = tpu.memref_slice %arg3[%squeeze3A_185, %dma_wait3A_402] : memref<1000000x64xf32, #tpu.memory_space<hbm>> -> memref<1x64xf32, #tpu.memory_space<hbm>>
      %dma_wait3A_404 = tpu.memref_squeeze %dma_wait3A_403 : memref<1x64xf32, #tpu.memory_space<hbm>> -> memref<64xf32, #tpu.memory_space<hbm>>
      %dma_wait3A_405 = arith.constant 0 : i32
      %dma_wait3A_406 = tpu.memref_slice %arg6[%add3A_187, %dma_wait3A_405] : memref<256x64xf32, #tpu.memory_space<vmem>> -> memref<1x64xf32, #tpu.memory_space<vmem>>
      %dma_wait3A_407 = tpu.memref_squeeze %dma_wait3A_406 : memref<1x64xf32, #tpu.memory_space<vmem>> -> memref<64xf32, #tpu.memory_space<vmem>>
      %dma_wait3A_408 = arith.constant 0 : i32
      %dma_wait3A_409 = tpu.memref_slice %arg3[%squeeze3A_185, %dma_wait3A_408] : memref<1000000x64xf32, #tpu.memory_space<hbm>> -> memref<1x64xf32, #tpu.memory_space<hbm>>
      %dma_wait3A_410 = tpu.memref_squeeze %dma_wait3A_409 : memref<1x64xf32, #tpu.memory_space<hbm>> -> memref<64xf32, #tpu.memory_space<hbm>>
      tpu.wait_dma2 semaphore(%arg7 : memref<!tpu.dma_semaphore, #tpu.memory_space<semaphore_mem>>) src(%dma_wait3A_410 : memref<64xf32, #tpu.memory_space<hbm>>) dst(%dma_wait3A_407 : memref<64xf32, #tpu.memory_space<vmem>>)
      %dma_wait3A_411 = arith.constant 0 : i32
      %dma_wait3A_412 = tpu.memref_slice %arg6[%add3A_203, %dma_wait3A_411] : memref<256x64xf32, #tpu.memory_space<vmem>> -> memref<1x64xf32, #tpu.memory_space<vmem>>
      %dma_wait3A_413 = tpu.memref_squeeze %dma_wait3A_412 : memref<1x64xf32, #tpu.memory_space<vmem>> -> memref<64xf32, #tpu.memory_space<vmem>>
      %dma_wait3A_414 = arith.constant 0 : i32
      %dma_wait3A_415 = tpu.memref_slice %arg3[%squeeze3A_201, %dma_wait3A_414] : memref<1000000x64xf32, #tpu.memory_space<hbm>> -> memref<1x64xf32, #tpu.memory_space<hbm>>
      %dma_wait3A_416 = tpu.memref_squeeze %dma_wait3A_415 : memref<1x64xf32, #tpu.memory_space<hbm>> -> memref<64xf32, #tpu.memory_space<hbm>>
      %dma_wait3A_417 = arith.constant 0 : i32
      %dma_wait3A_418 = tpu.memref_slice %arg6[%add3A_203, %dma_wait3A_417] : memref<256x64xf32, #tpu.memory_space<vmem>> -> memref<1x64xf32, #tpu.memory_space<vmem>>
      %dma_wait3A_419 = tpu.memref_squeeze %dma_wait3A_418 : memref<1x64xf32, #tpu.memory_space<vmem>> -> memref<64xf32, #tpu.memory_space<vmem>>
      %dma_wait3A_420 = arith.constant 0 : i32
      %dma_wait3A_421 = tpu.memref_slice %arg3[%squeeze3A_201, %dma_wait3A_420] : memref<1000000x64xf32, #tpu.memory_space<hbm>> -> memref<1x64xf32, #tpu.memory_space<hbm>>
      %dma_wait3A_422 = tpu.memref_squeeze %dma_wait3A_421 : memref<1x64xf32, #tpu.memory_space<hbm>> -> memref<64xf32, #tpu.memory_space<hbm>>
      tpu.wait_dma2 semaphore(%arg7 : memref<!tpu.dma_semaphore, #tpu.memory_space<semaphore_mem>>) src(%dma_wait3A_422 : memref<64xf32, #tpu.memory_space<hbm>>) dst(%dma_wait3A_419 : memref<64xf32, #tpu.memory_space<vmem>>)
      %dma_wait3A_423 = arith.constant 0 : i32
      %dma_wait3A_424 = tpu.memref_slice %arg6[%add3A_219, %dma_wait3A_423] : memref<256x64xf32, #tpu.memory_space<vmem>> -> memref<1x64xf32, #tpu.memory_space<vmem>>
      %dma_wait3A_425 = tpu.memref_squeeze %dma_wait3A_424 : memref<1x64xf32, #tpu.memory_space<vmem>> -> memref<64xf32, #tpu.memory_space<vmem>>
      %dma_wait3A_426 = arith.constant 0 : i32
      %dma_wait3A_427 = tpu.memref_slice %arg3[%squeeze3A_217, %dma_wait3A_426] : memref<1000000x64xf32, #tpu.memory_space<hbm>> -> memref<1x64xf32, #tpu.memory_space<hbm>>
      %dma_wait3A_428 = tpu.memref_squeeze %dma_wait3A_427 : memref<1x64xf32, #tpu.memory_space<hbm>> -> memref<64xf32, #tpu.memory_space<hbm>>
      %dma_wait3A_429 = arith.constant 0 : i32
      %dma_wait3A_430 = tpu.memref_slice %arg6[%add3A_219, %dma_wait3A_429] : memref<256x64xf32, #tpu.memory_space<vmem>> -> memref<1x64xf32, #tpu.memory_space<vmem>>
      %dma_wait3A_431 = tpu.memref_squeeze %dma_wait3A_430 : memref<1x64xf32, #tpu.memory_space<vmem>> -> memref<64xf32, #tpu.memory_space<vmem>>
      %dma_wait3A_432 = arith.constant 0 : i32
      %dma_wait3A_433 = tpu.memref_slice %arg3[%squeeze3A_217, %dma_wait3A_432] : memref<1000000x64xf32, #tpu.memory_space<hbm>> -> memref<1x64xf32, #tpu.memory_space<hbm>>
      %dma_wait3A_434 = tpu.memref_squeeze %dma_wait3A_433 : memref<1x64xf32, #tpu.memory_space<hbm>> -> memref<64xf32, #tpu.memory_space<hbm>>
      tpu.wait_dma2 semaphore(%arg7 : memref<!tpu.dma_semaphore, #tpu.memory_space<semaphore_mem>>) src(%dma_wait3A_434 : memref<64xf32, #tpu.memory_space<hbm>>) dst(%dma_wait3A_431 : memref<64xf32, #tpu.memory_space<vmem>>)
      %dma_wait3A_435 = arith.constant 0 : i32
      %dma_wait3A_436 = tpu.memref_slice %arg6[%add3A_235, %dma_wait3A_435] : memref<256x64xf32, #tpu.memory_space<vmem>> -> memref<1x64xf32, #tpu.memory_space<vmem>>
      %dma_wait3A_437 = tpu.memref_squeeze %dma_wait3A_436 : memref<1x64xf32, #tpu.memory_space<vmem>> -> memref<64xf32, #tpu.memory_space<vmem>>
      %dma_wait3A_438 = arith.constant 0 : i32
      %dma_wait3A_439 = tpu.memref_slice %arg3[%squeeze3A_233, %dma_wait3A_438] : memref<1000000x64xf32, #tpu.memory_space<hbm>> -> memref<1x64xf32, #tpu.memory_space<hbm>>
      %dma_wait3A_440 = tpu.memref_squeeze %dma_wait3A_439 : memref<1x64xf32, #tpu.memory_space<hbm>> -> memref<64xf32, #tpu.memory_space<hbm>>
      %dma_wait3A_441 = arith.constant 0 : i32
      %dma_wait3A_442 = tpu.memref_slice %arg6[%add3A_235, %dma_wait3A_441] : memref<256x64xf32, #tpu.memory_space<vmem>> -> memref<1x64xf32, #tpu.memory_space<vmem>>
      %dma_wait3A_443 = tpu.memref_squeeze %dma_wait3A_442 : memref<1x64xf32, #tpu.memory_space<vmem>> -> memref<64xf32, #tpu.memory_space<vmem>>
      %dma_wait3A_444 = arith.constant 0 : i32
      %dma_wait3A_445 = tpu.memref_slice %arg3[%squeeze3A_233, %dma_wait3A_444] : memref<1000000x64xf32, #tpu.memory_space<hbm>> -> memref<1x64xf32, #tpu.memory_space<hbm>>
      %dma_wait3A_446 = tpu.memref_squeeze %dma_wait3A_445 : memref<1x64xf32, #tpu.memory_space<hbm>> -> memref<64xf32, #tpu.memory_space<hbm>>
      tpu.wait_dma2 semaphore(%arg7 : memref<!tpu.dma_semaphore, #tpu.memory_space<semaphore_mem>>) src(%dma_wait3A_446 : memref<64xf32, #tpu.memory_space<hbm>>) dst(%dma_wait3A_443 : memref<64xf32, #tpu.memory_space<vmem>>)
      %dma_wait3A_447 = arith.constant 0 : i32
      %dma_wait3A_448 = tpu.memref_slice %arg6[%add3A_251, %dma_wait3A_447] : memref<256x64xf32, #tpu.memory_space<vmem>> -> memref<1x64xf32, #tpu.memory_space<vmem>>
      %dma_wait3A_449 = tpu.memref_squeeze %dma_wait3A_448 : memref<1x64xf32, #tpu.memory_space<vmem>> -> memref<64xf32, #tpu.memory_space<vmem>>
      %dma_wait3A_450 = arith.constant 0 : i32
      %dma_wait3A_451 = tpu.memref_slice %arg3[%squeeze3A_249, %dma_wait3A_450] : memref<1000000x64xf32, #tpu.memory_space<hbm>> -> memref<1x64xf32, #tpu.memory_space<hbm>>
      %dma_wait3A_452 = tpu.memref_squeeze %dma_wait3A_451 : memref<1x64xf32, #tpu.memory_space<hbm>> -> memref<64xf32, #tpu.memory_space<hbm>>
      %dma_wait3A_453 = arith.constant 0 : i32
      %dma_wait3A_454 = tpu.memref_slice %arg6[%add3A_251, %dma_wait3A_453] : memref<256x64xf32, #tpu.memory_space<vmem>> -> memref<1x64xf32, #tpu.memory_space<vmem>>
      %dma_wait3A_455 = tpu.memref_squeeze %dma_wait3A_454 : memref<1x64xf32, #tpu.memory_space<vmem>> -> memref<64xf32, #tpu.memory_space<vmem>>
      %dma_wait3A_456 = arith.constant 0 : i32
      %dma_wait3A_457 = tpu.memref_slice %arg3[%squeeze3A_249, %dma_wait3A_456] : memref<1000000x64xf32, #tpu.memory_space<hbm>> -> memref<1x64xf32, #tpu.memory_space<hbm>>
      %dma_wait3A_458 = tpu.memref_squeeze %dma_wait3A_457 : memref<1x64xf32, #tpu.memory_space<hbm>> -> memref<64xf32, #tpu.memory_space<hbm>>
      tpu.wait_dma2 semaphore(%arg7 : memref<!tpu.dma_semaphore, #tpu.memory_space<semaphore_mem>>) src(%dma_wait3A_458 : memref<64xf32, #tpu.memory_space<hbm>>) dst(%dma_wait3A_455 : memref<64xf32, #tpu.memory_space<vmem>>)
      %dma_wait3A_459 = arith.constant 0 : i32
      %dma_wait3A_460 = tpu.memref_slice %arg6[%add3A_267, %dma_wait3A_459] : memref<256x64xf32, #tpu.memory_space<vmem>> -> memref<1x64xf32, #tpu.memory_space<vmem>>
      %dma_wait3A_461 = tpu.memref_squeeze %dma_wait3A_460 : memref<1x64xf32, #tpu.memory_space<vmem>> -> memref<64xf32, #tpu.memory_space<vmem>>
      %dma_wait3A_462 = arith.constant 0 : i32
      %dma_wait3A_463 = tpu.memref_slice %arg3[%squeeze3A_265, %dma_wait3A_462] : memref<1000000x64xf32, #tpu.memory_space<hbm>> -> memref<1x64xf32, #tpu.memory_space<hbm>>
      %dma_wait3A_464 = tpu.memref_squeeze %dma_wait3A_463 : memref<1x64xf32, #tpu.memory_space<hbm>> -> memref<64xf32, #tpu.memory_space<hbm>>
      %dma_wait3A_465 = arith.constant 0 : i32
      %dma_wait3A_466 = tpu.memref_slice %arg6[%add3A_267, %dma_wait3A_465] : memref<256x64xf32, #tpu.memory_space<vmem>> -> memref<1x64xf32, #tpu.memory_space<vmem>>
      %dma_wait3A_467 = tpu.memref_squeeze %dma_wait3A_466 : memref<1x64xf32, #tpu.memory_space<vmem>> -> memref<64xf32, #tpu.memory_space<vmem>>
      %dma_wait3A_468 = arith.constant 0 : i32
      %dma_wait3A_469 = tpu.memref_slice %arg3[%squeeze3A_265, %dma_wait3A_468] : memref<1000000x64xf32, #tpu.memory_space<hbm>> -> memref<1x64xf32, #tpu.memory_space<hbm>>
      %dma_wait3A_470 = tpu.memref_squeeze %dma_wait3A_469 : memref<1x64xf32, #tpu.memory_space<hbm>> -> memref<64xf32, #tpu.memory_space<hbm>>
      tpu.wait_dma2 semaphore(%arg7 : memref<!tpu.dma_semaphore, #tpu.memory_space<semaphore_mem>>) src(%dma_wait3A_470 : memref<64xf32, #tpu.memory_space<hbm>>) dst(%dma_wait3A_467 : memref<64xf32, #tpu.memory_space<vmem>>)
    }
    %scan3A_15 = arith.constant 16 : i32
    %add3A_16 = arith.constant 256 : i32
    %add3A_17 = arith.addi %mul3A_2, %add3A_16 : i32
    "tpu.region"() ({
      %run_scoped3A = tpu.sem_alloc : memref<!tpu.dma_semaphore, #tpu.memory_space<semaphore_mem>>
      %dma_start3A = arith.constant 0 : i32
      %dma_start3A_18 = tpu.memref_slice %arg4[%add3A_17, %dma_start3A] : memref<16384x64xf32, #tpu.memory_space<hbm>> -> memref<256x64xf32, #tpu.memory_space<hbm>>
      %dma_start3A_19 = arith.constant 0 : i32
      %dma_start3A_20 = tpu.memref_slice %arg4[%add3A_17, %dma_start3A_19] : memref<16384x64xf32, #tpu.memory_space<hbm>> -> memref<256x64xf32, #tpu.memory_space<hbm>>
      tpu.enqueue_dma source(%arg6 : memref<256x64xf32, #tpu.memory_space<vmem>>) target(%dma_start3A_20 : memref<256x64xf32, #tpu.memory_space<hbm>>) target_semaphore(%run_scoped3A : memref<!tpu.dma_semaphore, #tpu.memory_space<semaphore_mem>>)
      %dma_wait3A = arith.constant 0 : i32
      %dma_wait3A_21 = tpu.memref_slice %arg4[%add3A_17, %dma_wait3A] : memref<16384x64xf32, #tpu.memory_space<hbm>> -> memref<256x64xf32, #tpu.memory_space<hbm>>
      %dma_wait3A_22 = arith.constant 0 : i32
      %dma_wait3A_23 = tpu.memref_slice %arg4[%add3A_17, %dma_wait3A_22] : memref<16384x64xf32, #tpu.memory_space<hbm>> -> memref<256x64xf32, #tpu.memory_space<hbm>>
      tpu.wait_dma2 semaphore(%run_scoped3A : memref<!tpu.dma_semaphore, #tpu.memory_space<semaphore_mem>>) src(%arg6 : memref<256x64xf32, #tpu.memory_space<vmem>>) dst(%dma_wait3A_23 : memref<256x64xf32, #tpu.memory_space<hbm>>)
      tpu.yield
    }) : () -> ()
    return
  }
}

#map = affine_map<(d0, d1) -> (0)>
#map1 = affine_map<(d0, d1) -> (0, 0, 0)>
#map2 = affine_map<(d0, d1) -> (0, 0)>
module attributes {stable_mosaic.version = 14 : i64} {
  func.func @k(%arg0: i32, %arg1: i32, %arg2: memref<16384xi32, #tpu.memory_space<hbm>>, %arg3: memref<1x1000000x64xf32, #tpu.memory_space<hbm>>, %arg4: memref<16384x64xf32, #tpu.memory_space<hbm>>, %arg5: memref<512xi32, #tpu.memory_space<vmem>>, %arg6: memref<256x64xf32, #tpu.memory_space<vmem>>, %arg7: memref<!tpu.dma_semaphore, #tpu.memory_space<semaphore_mem>>) attributes {dimension_semantics = [#tpu.dimension_semantics<core_parallel>, #tpu.dimension_semantics<subcore_parallel>], iteration_bounds = array<i64: 2, 16>, scalar_prefetch = 0 : i64, scratch_operands = 3 : i64, tpu.core_type = #tpu.core_type<sc_vector_subcore>, window_params = [{transform_indices = #map}, {transform_indices = #map1}, {transform_indices = #map2}]} {
    %mul3A = arith.constant 2 : i32
    %mul3A_0 = arith.muli %arg1, %mul3A : i32
    %add3A = arith.addi %mul3A_0, %arg0 : i32
    %mul3A_1 = arith.constant 512 : i32
    %mul3A_2 = arith.muli %add3A, %mul3A_1 : i32
    "tpu.region"() ({
      %run_scoped3A = tpu.sem_alloc : memref<!tpu.dma_semaphore, #tpu.memory_space<semaphore_mem>>
      %dma_start3A = tpu.memref_slice %arg2[%mul3A_2] : memref<16384xi32, #tpu.memory_space<hbm>> -> memref<512xi32, #tpu.memory_space<hbm>>
      %dma_start3A_18 = tpu.memref_slice %arg2[%mul3A_2] : memref<16384xi32, #tpu.memory_space<hbm>> -> memref<512xi32, #tpu.memory_space<hbm>>
      tpu.enqueue_dma source(%dma_start3A_18 : memref<512xi32, #tpu.memory_space<hbm>>) target(%arg5 : memref<512xi32, #tpu.memory_space<vmem>>) target_semaphore(%run_scoped3A : memref<!tpu.dma_semaphore, #tpu.memory_space<semaphore_mem>>)
      %dma_wait3A = tpu.memref_slice %arg2[%mul3A_2] : memref<16384xi32, #tpu.memory_space<hbm>> -> memref<512xi32, #tpu.memory_space<hbm>>
      %dma_wait3A_19 = tpu.memref_slice %arg2[%mul3A_2] : memref<16384xi32, #tpu.memory_space<hbm>> -> memref<512xi32, #tpu.memory_space<hbm>>
      tpu.wait_dma2 semaphore(%run_scoped3A : memref<!tpu.dma_semaphore, #tpu.memory_space<semaphore_mem>>) src(%dma_wait3A_19 : memref<512xi32, #tpu.memory_space<hbm>>) dst(%arg5 : memref<512xi32, #tpu.memory_space<vmem>>)
      tpu.yield
    }) : () -> ()
    %scan3A = arith.constant 0 : i32
    %scan3A_3 = arith.constant 0 : i32
    %scan3A_4 = arith.constant 16 : i32
    %scan3A_5 = arith.addi %scan3A_3, %scan3A_4 : i32
    %scan3A_6 = arith.constant 1 : i32
    scf.for %scan3A_18 = %scan3A_3 to %scan3A_5 step %scan3A_6  : i32 {
      %mul3A_19 = arith.constant 16 : i32
      %mul3A_20 = arith.muli %scan3A_18, %mul3A_19 : i32
      %add3A_21 = arith.constant 0 : i32
      %add3A_22 = arith.addi %add3A_21, %mul3A_20 : i32
      %mul3A_23 = arith.constant 16 : i32
      %mul3A_24 = arith.muli %scan3A_18, %mul3A_23 : i32
      %get3A = arith.index_cast %add3A_22 : i32 to index
      %get3A_25 = tpu.vector_load %arg5[%get3A] {strides = array<i32>} : memref<512xi32, #tpu.memory_space<vmem>>, vector<16xi32>,
      %get3A_26 = vector.shape_cast %get3A_25 : vector<16xi32> to vector<16xi32>
      %slice3A = vector.extract_strided_slice %get3A_26 {offsets = [0], sizes = [1], strides = [1]} : vector<16xi32> to vector<1xi32>
      %squeeze3A = vector.extract %slice3A[0] : i32 from vector<1xi32>
      %add3A_27 = arith.constant 0 : i32
      %add3A_28 = arith.addi %mul3A_24, %add3A_27 : i32
      %dma_start3A = arith.constant 0 : i32
      %dma_start3A_29 = arith.constant 0 : i32
      %dma_start3A_30 = tpu.memref_slice %arg6[%add3A_28, %dma_start3A_29] : memref<256x64xf32, #tpu.memory_space<vmem>> -> memref<1x64xf32, #tpu.memory_space<vmem>>
      %dma_start3A_31 = tpu.memref_squeeze %dma_start3A_30 : memref<1x64xf32, #tpu.memory_space<vmem>> -> memref<64xf32, #tpu.memory_space<vmem>>
      %dma_start3A_32 = arith.constant 0 : i32
      %dma_start3A_33 = tpu.memref_slice %arg3[%dma_start3A, %squeeze3A, %dma_start3A_32] : memref<1x1000000x64xf32, #tpu.memory_space<hbm>> -> memref<1x1x64xf32, #tpu.memory_space<hbm>>
      %dma_start3A_34 = tpu.memref_squeeze %dma_start3A_33 : memref<1x1x64xf32, #tpu.memory_space<hbm>> -> memref<64xf32, #tpu.memory_space<hbm>>
      %dma_start3A_35 = arith.constant 0 : i32
      %dma_start3A_36 = tpu.memref_slice %arg6[%add3A_28, %dma_start3A_35] : memref<256x64xf32, #tpu.memory_space<vmem>> -> memref<1x64xf32, #tpu.memory_space<vmem>>
      %dma_start3A_37 = tpu.memref_squeeze %dma_start3A_36 : memref<1x64xf32, #tpu.memory_space<vmem>> -> memref<64xf32, #tpu.memory_space<vmem>>
      %dma_start3A_38 = arith.constant 0 : i32
      %dma_start3A_39 = tpu.memref_slice %arg3[%dma_start3A, %squeeze3A, %dma_start3A_38] : memref<1x1000000x64xf32, #tpu.memory_space<hbm>> -> memref<1x1x64xf32, #tpu.memory_space<hbm>>
      %dma_start3A_40 = tpu.memref_squeeze %dma_start3A_39 : memref<1x1x64xf32, #tpu.memory_space<hbm>> -> memref<64xf32, #tpu.memory_space<hbm>>
      tpu.enqueue_dma source(%dma_start3A_40 : memref<64xf32, #tpu.memory_space<hbm>>) target(%dma_start3A_37 : memref<64xf32, #tpu.memory_space<vmem>>) target_semaphore(%arg7 : memref<!tpu.dma_semaphore, #tpu.memory_space<semaphore_mem>>)
      %slice3A_41 = vector.extract_strided_slice %get3A_26 {offsets = [1], sizes = [1], strides = [1]} : vector<16xi32> to vector<1xi32>
      %squeeze3A_42 = vector.extract %slice3A_41[0] : i32 from vector<1xi32>
      %add3A_43 = arith.constant 1 : i32
      %add3A_44 = arith.addi %mul3A_24, %add3A_43 : i32
      %dma_start3A_45 = arith.constant 0 : i32
      %dma_start3A_46 = arith.constant 0 : i32
      %dma_start3A_47 = tpu.memref_slice %arg6[%add3A_44, %dma_start3A_46] : memref<256x64xf32, #tpu.memory_space<vmem>> -> memref<1x64xf32, #tpu.memory_space<vmem>>
      %dma_start3A_48 = tpu.memref_squeeze %dma_start3A_47 : memref<1x64xf32, #tpu.memory_space<vmem>> -> memref<64xf32, #tpu.memory_space<vmem>>
      %dma_start3A_49 = arith.constant 0 : i32
      %dma_start3A_50 = tpu.memref_slice %arg3[%dma_start3A_45, %squeeze3A_42, %dma_start3A_49] : memref<1x1000000x64xf32, #tpu.memory_space<hbm>> -> memref<1x1x64xf32, #tpu.memory_space<hbm>>
      %dma_start3A_51 = tpu.memref_squeeze %dma_start3A_50 : memref<1x1x64xf32, #tpu.memory_space<hbm>> -> memref<64xf32, #tpu.memory_space<hbm>>
      %dma_start3A_52 = arith.constant 0 : i32
      %dma_start3A_53 = tpu.memref_slice %arg6[%add3A_44, %dma_start3A_52] : memref<256x64xf32, #tpu.memory_space<vmem>> -> memref<1x64xf32, #tpu.memory_space<vmem>>
      %dma_start3A_54 = tpu.memref_squeeze %dma_start3A_53 : memref<1x64xf32, #tpu.memory_space<vmem>> -> memref<64xf32, #tpu.memory_space<vmem>>
      %dma_start3A_55 = arith.constant 0 : i32
      %dma_start3A_56 = tpu.memref_slice %arg3[%dma_start3A_45, %squeeze3A_42, %dma_start3A_55] : memref<1x1000000x64xf32, #tpu.memory_space<hbm>> -> memref<1x1x64xf32, #tpu.memory_space<hbm>>
      %dma_start3A_57 = tpu.memref_squeeze %dma_start3A_56 : memref<1x1x64xf32, #tpu.memory_space<hbm>> -> memref<64xf32, #tpu.memory_space<hbm>>
      tpu.enqueue_dma source(%dma_start3A_57 : memref<64xf32, #tpu.memory_space<hbm>>) target(%dma_start3A_54 : memref<64xf32, #tpu.memory_space<vmem>>) target_semaphore(%arg7 : memref<!tpu.dma_semaphore, #tpu.memory_space<semaphore_mem>>)
      %slice3A_58 = vector.extract_strided_slice %get3A_26 {offsets = [2], sizes = [1], strides = [1]} : vector<16xi32> to vector<1xi32>
      %squeeze3A_59 = vector.extract %slice3A_58[0] : i32 from vector<1xi32>
      %add3A_60 = arith.constant 2 : i32
      %add3A_61 = arith.addi %mul3A_24, %add3A_60 : i32
      %dma_start3A_62 = arith.constant 0 : i32
      %dma_start3A_63 = arith.constant 0 : i32
      %dma_start3A_64 = tpu.memref_slice %arg6[%add3A_61, %dma_start3A_63] : memref<256x64xf32, #tpu.memory_space<vmem>> -> memref<1x64xf32, #tpu.memory_space<vmem>>
      %dma_start3A_65 = tpu.memref_squeeze %dma_start3A_64 : memref<1x64xf32, #tpu.memory_space<vmem>> -> memref<64xf32, #tpu.memory_space<vmem>>
      %dma_start3A_66 = arith.constant 0 : i32
      %dma_start3A_67 = tpu.memref_slice %arg3[%dma_start3A_62, %squeeze3A_59, %dma_start3A_66] : memref<1x1000000x64xf32, #tpu.memory_space<hbm>> -> memref<1x1x64xf32, #tpu.memory_space<hbm>>
      %dma_start3A_68 = tpu.memref_squeeze %dma_start3A_67 : memref<1x1x64xf32, #tpu.memory_space<hbm>> -> memref<64xf32, #tpu.memory_space<hbm>>
      %dma_start3A_69 = arith.constant 0 : i32
      %dma_start3A_70 = tpu.memref_slice %arg6[%add3A_61, %dma_start3A_69] : memref<256x64xf32, #tpu.memory_space<vmem>> -> memref<1x64xf32, #tpu.memory_space<vmem>>
      %dma_start3A_71 = tpu.memref_squeeze %dma_start3A_70 : memref<1x64xf32, #tpu.memory_space<vmem>> -> memref<64xf32, #tpu.memory_space<vmem>>
      %dma_start3A_72 = arith.constant 0 : i32
      %dma_start3A_73 = tpu.memref_slice %arg3[%dma_start3A_62, %squeeze3A_59, %dma_start3A_72] : memref<1x1000000x64xf32, #tpu.memory_space<hbm>> -> memref<1x1x64xf32, #tpu.memory_space<hbm>>
      %dma_start3A_74 = tpu.memref_squeeze %dma_start3A_73 : memref<1x1x64xf32, #tpu.memory_space<hbm>> -> memref<64xf32, #tpu.memory_space<hbm>>
      tpu.enqueue_dma source(%dma_start3A_74 : memref<64xf32, #tpu.memory_space<hbm>>) target(%dma_start3A_71 : memref<64xf32, #tpu.memory_space<vmem>>) target_semaphore(%arg7 : memref<!tpu.dma_semaphore, #tpu.memory_space<semaphore_mem>>)
      %slice3A_75 = vector.extract_strided_slice %get3A_26 {offsets = [3], sizes = [1], strides = [1]} : vector<16xi32> to vector<1xi32>
      %squeeze3A_76 = vector.extract %slice3A_75[0] : i32 from vector<1xi32>
      %add3A_77 = arith.constant 3 : i32
      %add3A_78 = arith.addi %mul3A_24, %add3A_77 : i32
      %dma_start3A_79 = arith.constant 0 : i32
      %dma_start3A_80 = arith.constant 0 : i32
      %dma_start3A_81 = tpu.memref_slice %arg6[%add3A_78, %dma_start3A_80] : memref<256x64xf32, #tpu.memory_space<vmem>> -> memref<1x64xf32, #tpu.memory_space<vmem>>
      %dma_start3A_82 = tpu.memref_squeeze %dma_start3A_81 : memref<1x64xf32, #tpu.memory_space<vmem>> -> memref<64xf32, #tpu.memory_space<vmem>>
      %dma_start3A_83 = arith.constant 0 : i32
      %dma_start3A_84 = tpu.memref_slice %arg3[%dma_start3A_79, %squeeze3A_76, %dma_start3A_83] : memref<1x1000000x64xf32, #tpu.memory_space<hbm>> -> memref<1x1x64xf32, #tpu.memory_space<hbm>>
      %dma_start3A_85 = tpu.memref_squeeze %dma_start3A_84 : memref<1x1x64xf32, #tpu.memory_space<hbm>> -> memref<64xf32, #tpu.memory_space<hbm>>
      %dma_start3A_86 = arith.constant 0 : i32
      %dma_start3A_87 = tpu.memref_slice %arg6[%add3A_78, %dma_start3A_86] : memref<256x64xf32, #tpu.memory_space<vmem>> -> memref<1x64xf32, #tpu.memory_space<vmem>>
      %dma_start3A_88 = tpu.memref_squeeze %dma_start3A_87 : memref<1x64xf32, #tpu.memory_space<vmem>> -> memref<64xf32, #tpu.memory_space<vmem>>
      %dma_start3A_89 = arith.constant 0 : i32
      %dma_start3A_90 = tpu.memref_slice %arg3[%dma_start3A_79, %squeeze3A_76, %dma_start3A_89] : memref<1x1000000x64xf32, #tpu.memory_space<hbm>> -> memref<1x1x64xf32, #tpu.memory_space<hbm>>
      %dma_start3A_91 = tpu.memref_squeeze %dma_start3A_90 : memref<1x1x64xf32, #tpu.memory_space<hbm>> -> memref<64xf32, #tpu.memory_space<hbm>>
      tpu.enqueue_dma source(%dma_start3A_91 : memref<64xf32, #tpu.memory_space<hbm>>) target(%dma_start3A_88 : memref<64xf32, #tpu.memory_space<vmem>>) target_semaphore(%arg7 : memref<!tpu.dma_semaphore, #tpu.memory_space<semaphore_mem>>)
      %slice3A_92 = vector.extract_strided_slice %get3A_26 {offsets = [4], sizes = [1], strides = [1]} : vector<16xi32> to vector<1xi32>
      %squeeze3A_93 = vector.extract %slice3A_92[0] : i32 from vector<1xi32>
      %add3A_94 = arith.constant 4 : i32
      %add3A_95 = arith.addi %mul3A_24, %add3A_94 : i32
      %dma_start3A_96 = arith.constant 0 : i32
      %dma_start3A_97 = arith.constant 0 : i32
      %dma_start3A_98 = tpu.memref_slice %arg6[%add3A_95, %dma_start3A_97] : memref<256x64xf32, #tpu.memory_space<vmem>> -> memref<1x64xf32, #tpu.memory_space<vmem>>
      %dma_start3A_99 = tpu.memref_squeeze %dma_start3A_98 : memref<1x64xf32, #tpu.memory_space<vmem>> -> memref<64xf32, #tpu.memory_space<vmem>>
      %dma_start3A_100 = arith.constant 0 : i32
      %dma_start3A_101 = tpu.memref_slice %arg3[%dma_start3A_96, %squeeze3A_93, %dma_start3A_100] : memref<1x1000000x64xf32, #tpu.memory_space<hbm>> -> memref<1x1x64xf32, #tpu.memory_space<hbm>>
      %dma_start3A_102 = tpu.memref_squeeze %dma_start3A_101 : memref<1x1x64xf32, #tpu.memory_space<hbm>> -> memref<64xf32, #tpu.memory_space<hbm>>
      %dma_start3A_103 = arith.constant 0 : i32
      %dma_start3A_104 = tpu.memref_slice %arg6[%add3A_95, %dma_start3A_103] : memref<256x64xf32, #tpu.memory_space<vmem>> -> memref<1x64xf32, #tpu.memory_space<vmem>>
      %dma_start3A_105 = tpu.memref_squeeze %dma_start3A_104 : memref<1x64xf32, #tpu.memory_space<vmem>> -> memref<64xf32, #tpu.memory_space<vmem>>
      %dma_start3A_106 = arith.constant 0 : i32
      %dma_start3A_107 = tpu.memref_slice %arg3[%dma_start3A_96, %squeeze3A_93, %dma_start3A_106] : memref<1x1000000x64xf32, #tpu.memory_space<hbm>> -> memref<1x1x64xf32, #tpu.memory_space<hbm>>
      %dma_start3A_108 = tpu.memref_squeeze %dma_start3A_107 : memref<1x1x64xf32, #tpu.memory_space<hbm>> -> memref<64xf32, #tpu.memory_space<hbm>>
      tpu.enqueue_dma source(%dma_start3A_108 : memref<64xf32, #tpu.memory_space<hbm>>) target(%dma_start3A_105 : memref<64xf32, #tpu.memory_space<vmem>>) target_semaphore(%arg7 : memref<!tpu.dma_semaphore, #tpu.memory_space<semaphore_mem>>)
      %slice3A_109 = vector.extract_strided_slice %get3A_26 {offsets = [5], sizes = [1], strides = [1]} : vector<16xi32> to vector<1xi32>
      %squeeze3A_110 = vector.extract %slice3A_109[0] : i32 from vector<1xi32>
      %add3A_111 = arith.constant 5 : i32
      %add3A_112 = arith.addi %mul3A_24, %add3A_111 : i32
      %dma_start3A_113 = arith.constant 0 : i32
      %dma_start3A_114 = arith.constant 0 : i32
      %dma_start3A_115 = tpu.memref_slice %arg6[%add3A_112, %dma_start3A_114] : memref<256x64xf32, #tpu.memory_space<vmem>> -> memref<1x64xf32, #tpu.memory_space<vmem>>
      %dma_start3A_116 = tpu.memref_squeeze %dma_start3A_115 : memref<1x64xf32, #tpu.memory_space<vmem>> -> memref<64xf32, #tpu.memory_space<vmem>>
      %dma_start3A_117 = arith.constant 0 : i32
      %dma_start3A_118 = tpu.memref_slice %arg3[%dma_start3A_113, %squeeze3A_110, %dma_start3A_117] : memref<1x1000000x64xf32, #tpu.memory_space<hbm>> -> memref<1x1x64xf32, #tpu.memory_space<hbm>>
      %dma_start3A_119 = tpu.memref_squeeze %dma_start3A_118 : memref<1x1x64xf32, #tpu.memory_space<hbm>> -> memref<64xf32, #tpu.memory_space<hbm>>
      %dma_start3A_120 = arith.constant 0 : i32
      %dma_start3A_121 = tpu.memref_slice %arg6[%add3A_112, %dma_start3A_120] : memref<256x64xf32, #tpu.memory_space<vmem>> -> memref<1x64xf32, #tpu.memory_space<vmem>>
      %dma_start3A_122 = tpu.memref_squeeze %dma_start3A_121 : memref<1x64xf32, #tpu.memory_space<vmem>> -> memref<64xf32, #tpu.memory_space<vmem>>
      %dma_start3A_123 = arith.constant 0 : i32
      %dma_start3A_124 = tpu.memref_slice %arg3[%dma_start3A_113, %squeeze3A_110, %dma_start3A_123] : memref<1x1000000x64xf32, #tpu.memory_space<hbm>> -> memref<1x1x64xf32, #tpu.memory_space<hbm>>
      %dma_start3A_125 = tpu.memref_squeeze %dma_start3A_124 : memref<1x1x64xf32, #tpu.memory_space<hbm>> -> memref<64xf32, #tpu.memory_space<hbm>>
      tpu.enqueue_dma source(%dma_start3A_125 : memref<64xf32, #tpu.memory_space<hbm>>) target(%dma_start3A_122 : memref<64xf32, #tpu.memory_space<vmem>>) target_semaphore(%arg7 : memref<!tpu.dma_semaphore, #tpu.memory_space<semaphore_mem>>)
      %slice3A_126 = vector.extract_strided_slice %get3A_26 {offsets = [6], sizes = [1], strides = [1]} : vector<16xi32> to vector<1xi32>
      %squeeze3A_127 = vector.extract %slice3A_126[0] : i32 from vector<1xi32>
      %add3A_128 = arith.constant 6 : i32
      %add3A_129 = arith.addi %mul3A_24, %add3A_128 : i32
      %dma_start3A_130 = arith.constant 0 : i32
      %dma_start3A_131 = arith.constant 0 : i32
      %dma_start3A_132 = tpu.memref_slice %arg6[%add3A_129, %dma_start3A_131] : memref<256x64xf32, #tpu.memory_space<vmem>> -> memref<1x64xf32, #tpu.memory_space<vmem>>
      %dma_start3A_133 = tpu.memref_squeeze %dma_start3A_132 : memref<1x64xf32, #tpu.memory_space<vmem>> -> memref<64xf32, #tpu.memory_space<vmem>>
      %dma_start3A_134 = arith.constant 0 : i32
      %dma_start3A_135 = tpu.memref_slice %arg3[%dma_start3A_130, %squeeze3A_127, %dma_start3A_134] : memref<1x1000000x64xf32, #tpu.memory_space<hbm>> -> memref<1x1x64xf32, #tpu.memory_space<hbm>>
      %dma_start3A_136 = tpu.memref_squeeze %dma_start3A_135 : memref<1x1x64xf32, #tpu.memory_space<hbm>> -> memref<64xf32, #tpu.memory_space<hbm>>
      %dma_start3A_137 = arith.constant 0 : i32
      %dma_start3A_138 = tpu.memref_slice %arg6[%add3A_129, %dma_start3A_137] : memref<256x64xf32, #tpu.memory_space<vmem>> -> memref<1x64xf32, #tpu.memory_space<vmem>>
      %dma_start3A_139 = tpu.memref_squeeze %dma_start3A_138 : memref<1x64xf32, #tpu.memory_space<vmem>> -> memref<64xf32, #tpu.memory_space<vmem>>
      %dma_start3A_140 = arith.constant 0 : i32
      %dma_start3A_141 = tpu.memref_slice %arg3[%dma_start3A_130, %squeeze3A_127, %dma_start3A_140] : memref<1x1000000x64xf32, #tpu.memory_space<hbm>> -> memref<1x1x64xf32, #tpu.memory_space<hbm>>
      %dma_start3A_142 = tpu.memref_squeeze %dma_start3A_141 : memref<1x1x64xf32, #tpu.memory_space<hbm>> -> memref<64xf32, #tpu.memory_space<hbm>>
      tpu.enqueue_dma source(%dma_start3A_142 : memref<64xf32, #tpu.memory_space<hbm>>) target(%dma_start3A_139 : memref<64xf32, #tpu.memory_space<vmem>>) target_semaphore(%arg7 : memref<!tpu.dma_semaphore, #tpu.memory_space<semaphore_mem>>)
      %slice3A_143 = vector.extract_strided_slice %get3A_26 {offsets = [7], sizes = [1], strides = [1]} : vector<16xi32> to vector<1xi32>
      %squeeze3A_144 = vector.extract %slice3A_143[0] : i32 from vector<1xi32>
      %add3A_145 = arith.constant 7 : i32
      %add3A_146 = arith.addi %mul3A_24, %add3A_145 : i32
      %dma_start3A_147 = arith.constant 0 : i32
      %dma_start3A_148 = arith.constant 0 : i32
      %dma_start3A_149 = tpu.memref_slice %arg6[%add3A_146, %dma_start3A_148] : memref<256x64xf32, #tpu.memory_space<vmem>> -> memref<1x64xf32, #tpu.memory_space<vmem>>
      %dma_start3A_150 = tpu.memref_squeeze %dma_start3A_149 : memref<1x64xf32, #tpu.memory_space<vmem>> -> memref<64xf32, #tpu.memory_space<vmem>>
      %dma_start3A_151 = arith.constant 0 : i32
      %dma_start3A_152 = tpu.memref_slice %arg3[%dma_start3A_147, %squeeze3A_144, %dma_start3A_151] : memref<1x1000000x64xf32, #tpu.memory_space<hbm>> -> memref<1x1x64xf32, #tpu.memory_space<hbm>>
      %dma_start3A_153 = tpu.memref_squeeze %dma_start3A_152 : memref<1x1x64xf32, #tpu.memory_space<hbm>> -> memref<64xf32, #tpu.memory_space<hbm>>
      %dma_start3A_154 = arith.constant 0 : i32
      %dma_start3A_155 = tpu.memref_slice %arg6[%add3A_146, %dma_start3A_154] : memref<256x64xf32, #tpu.memory_space<vmem>> -> memref<1x64xf32, #tpu.memory_space<vmem>>
      %dma_start3A_156 = tpu.memref_squeeze %dma_start3A_155 : memref<1x64xf32, #tpu.memory_space<vmem>> -> memref<64xf32, #tpu.memory_space<vmem>>
      %dma_start3A_157 = arith.constant 0 : i32
      %dma_start3A_158 = tpu.memref_slice %arg3[%dma_start3A_147, %squeeze3A_144, %dma_start3A_157] : memref<1x1000000x64xf32, #tpu.memory_space<hbm>> -> memref<1x1x64xf32, #tpu.memory_space<hbm>>
      %dma_start3A_159 = tpu.memref_squeeze %dma_start3A_158 : memref<1x1x64xf32, #tpu.memory_space<hbm>> -> memref<64xf32, #tpu.memory_space<hbm>>
      tpu.enqueue_dma source(%dma_start3A_159 : memref<64xf32, #tpu.memory_space<hbm>>) target(%dma_start3A_156 : memref<64xf32, #tpu.memory_space<vmem>>) target_semaphore(%arg7 : memref<!tpu.dma_semaphore, #tpu.memory_space<semaphore_mem>>)
      %slice3A_160 = vector.extract_strided_slice %get3A_26 {offsets = [8], sizes = [1], strides = [1]} : vector<16xi32> to vector<1xi32>
      %squeeze3A_161 = vector.extract %slice3A_160[0] : i32 from vector<1xi32>
      %add3A_162 = arith.constant 8 : i32
      %add3A_163 = arith.addi %mul3A_24, %add3A_162 : i32
      %dma_start3A_164 = arith.constant 0 : i32
      %dma_start3A_165 = arith.constant 0 : i32
      %dma_start3A_166 = tpu.memref_slice %arg6[%add3A_163, %dma_start3A_165] : memref<256x64xf32, #tpu.memory_space<vmem>> -> memref<1x64xf32, #tpu.memory_space<vmem>>
      %dma_start3A_167 = tpu.memref_squeeze %dma_start3A_166 : memref<1x64xf32, #tpu.memory_space<vmem>> -> memref<64xf32, #tpu.memory_space<vmem>>
      %dma_start3A_168 = arith.constant 0 : i32
      %dma_start3A_169 = tpu.memref_slice %arg3[%dma_start3A_164, %squeeze3A_161, %dma_start3A_168] : memref<1x1000000x64xf32, #tpu.memory_space<hbm>> -> memref<1x1x64xf32, #tpu.memory_space<hbm>>
      %dma_start3A_170 = tpu.memref_squeeze %dma_start3A_169 : memref<1x1x64xf32, #tpu.memory_space<hbm>> -> memref<64xf32, #tpu.memory_space<hbm>>
      %dma_start3A_171 = arith.constant 0 : i32
      %dma_start3A_172 = tpu.memref_slice %arg6[%add3A_163, %dma_start3A_171] : memref<256x64xf32, #tpu.memory_space<vmem>> -> memref<1x64xf32, #tpu.memory_space<vmem>>
      %dma_start3A_173 = tpu.memref_squeeze %dma_start3A_172 : memref<1x64xf32, #tpu.memory_space<vmem>> -> memref<64xf32, #tpu.memory_space<vmem>>
      %dma_start3A_174 = arith.constant 0 : i32
      %dma_start3A_175 = tpu.memref_slice %arg3[%dma_start3A_164, %squeeze3A_161, %dma_start3A_174] : memref<1x1000000x64xf32, #tpu.memory_space<hbm>> -> memref<1x1x64xf32, #tpu.memory_space<hbm>>
      %dma_start3A_176 = tpu.memref_squeeze %dma_start3A_175 : memref<1x1x64xf32, #tpu.memory_space<hbm>> -> memref<64xf32, #tpu.memory_space<hbm>>
      tpu.enqueue_dma source(%dma_start3A_176 : memref<64xf32, #tpu.memory_space<hbm>>) target(%dma_start3A_173 : memref<64xf32, #tpu.memory_space<vmem>>) target_semaphore(%arg7 : memref<!tpu.dma_semaphore, #tpu.memory_space<semaphore_mem>>)
      %slice3A_177 = vector.extract_strided_slice %get3A_26 {offsets = [9], sizes = [1], strides = [1]} : vector<16xi32> to vector<1xi32>
      %squeeze3A_178 = vector.extract %slice3A_177[0] : i32 from vector<1xi32>
      %add3A_179 = arith.constant 9 : i32
      %add3A_180 = arith.addi %mul3A_24, %add3A_179 : i32
      %dma_start3A_181 = arith.constant 0 : i32
      %dma_start3A_182 = arith.constant 0 : i32
      %dma_start3A_183 = tpu.memref_slice %arg6[%add3A_180, %dma_start3A_182] : memref<256x64xf32, #tpu.memory_space<vmem>> -> memref<1x64xf32, #tpu.memory_space<vmem>>
      %dma_start3A_184 = tpu.memref_squeeze %dma_start3A_183 : memref<1x64xf32, #tpu.memory_space<vmem>> -> memref<64xf32, #tpu.memory_space<vmem>>
      %dma_start3A_185 = arith.constant 0 : i32
      %dma_start3A_186 = tpu.memref_slice %arg3[%dma_start3A_181, %squeeze3A_178, %dma_start3A_185] : memref<1x1000000x64xf32, #tpu.memory_space<hbm>> -> memref<1x1x64xf32, #tpu.memory_space<hbm>>
      %dma_start3A_187 = tpu.memref_squeeze %dma_start3A_186 : memref<1x1x64xf32, #tpu.memory_space<hbm>> -> memref<64xf32, #tpu.memory_space<hbm>>
      %dma_start3A_188 = arith.constant 0 : i32
      %dma_start3A_189 = tpu.memref_slice %arg6[%add3A_180, %dma_start3A_188] : memref<256x64xf32, #tpu.memory_space<vmem>> -> memref<1x64xf32, #tpu.memory_space<vmem>>
      %dma_start3A_190 = tpu.memref_squeeze %dma_start3A_189 : memref<1x64xf32, #tpu.memory_space<vmem>> -> memref<64xf32, #tpu.memory_space<vmem>>
      %dma_start3A_191 = arith.constant 0 : i32
      %dma_start3A_192 = tpu.memref_slice %arg3[%dma_start3A_181, %squeeze3A_178, %dma_start3A_191] : memref<1x1000000x64xf32, #tpu.memory_space<hbm>> -> memref<1x1x64xf32, #tpu.memory_space<hbm>>
      %dma_start3A_193 = tpu.memref_squeeze %dma_start3A_192 : memref<1x1x64xf32, #tpu.memory_space<hbm>> -> memref<64xf32, #tpu.memory_space<hbm>>
      tpu.enqueue_dma source(%dma_start3A_193 : memref<64xf32, #tpu.memory_space<hbm>>) target(%dma_start3A_190 : memref<64xf32, #tpu.memory_space<vmem>>) target_semaphore(%arg7 : memref<!tpu.dma_semaphore, #tpu.memory_space<semaphore_mem>>)
      %slice3A_194 = vector.extract_strided_slice %get3A_26 {offsets = [10], sizes = [1], strides = [1]} : vector<16xi32> to vector<1xi32>
      %squeeze3A_195 = vector.extract %slice3A_194[0] : i32 from vector<1xi32>
      %add3A_196 = arith.constant 10 : i32
      %add3A_197 = arith.addi %mul3A_24, %add3A_196 : i32
      %dma_start3A_198 = arith.constant 0 : i32
      %dma_start3A_199 = arith.constant 0 : i32
      %dma_start3A_200 = tpu.memref_slice %arg6[%add3A_197, %dma_start3A_199] : memref<256x64xf32, #tpu.memory_space<vmem>> -> memref<1x64xf32, #tpu.memory_space<vmem>>
      %dma_start3A_201 = tpu.memref_squeeze %dma_start3A_200 : memref<1x64xf32, #tpu.memory_space<vmem>> -> memref<64xf32, #tpu.memory_space<vmem>>
      %dma_start3A_202 = arith.constant 0 : i32
      %dma_start3A_203 = tpu.memref_slice %arg3[%dma_start3A_198, %squeeze3A_195, %dma_start3A_202] : memref<1x1000000x64xf32, #tpu.memory_space<hbm>> -> memref<1x1x64xf32, #tpu.memory_space<hbm>>
      %dma_start3A_204 = tpu.memref_squeeze %dma_start3A_203 : memref<1x1x64xf32, #tpu.memory_space<hbm>> -> memref<64xf32, #tpu.memory_space<hbm>>
      %dma_start3A_205 = arith.constant 0 : i32
      %dma_start3A_206 = tpu.memref_slice %arg6[%add3A_197, %dma_start3A_205] : memref<256x64xf32, #tpu.memory_space<vmem>> -> memref<1x64xf32, #tpu.memory_space<vmem>>
      %dma_start3A_207 = tpu.memref_squeeze %dma_start3A_206 : memref<1x64xf32, #tpu.memory_space<vmem>> -> memref<64xf32, #tpu.memory_space<vmem>>
      %dma_start3A_208 = arith.constant 0 : i32
      %dma_start3A_209 = tpu.memref_slice %arg3[%dma_start3A_198, %squeeze3A_195, %dma_start3A_208] : memref<1x1000000x64xf32, #tpu.memory_space<hbm>> -> memref<1x1x64xf32, #tpu.memory_space<hbm>>
      %dma_start3A_210 = tpu.memref_squeeze %dma_start3A_209 : memref<1x1x64xf32, #tpu.memory_space<hbm>> -> memref<64xf32, #tpu.memory_space<hbm>>
      tpu.enqueue_dma source(%dma_start3A_210 : memref<64xf32, #tpu.memory_space<hbm>>) target(%dma_start3A_207 : memref<64xf32, #tpu.memory_space<vmem>>) target_semaphore(%arg7 : memref<!tpu.dma_semaphore, #tpu.memory_space<semaphore_mem>>)
      %slice3A_211 = vector.extract_strided_slice %get3A_26 {offsets = [11], sizes = [1], strides = [1]} : vector<16xi32> to vector<1xi32>
      %squeeze3A_212 = vector.extract %slice3A_211[0] : i32 from vector<1xi32>
      %add3A_213 = arith.constant 11 : i32
      %add3A_214 = arith.addi %mul3A_24, %add3A_213 : i32
      %dma_start3A_215 = arith.constant 0 : i32
      %dma_start3A_216 = arith.constant 0 : i32
      %dma_start3A_217 = tpu.memref_slice %arg6[%add3A_214, %dma_start3A_216] : memref<256x64xf32, #tpu.memory_space<vmem>> -> memref<1x64xf32, #tpu.memory_space<vmem>>
      %dma_start3A_218 = tpu.memref_squeeze %dma_start3A_217 : memref<1x64xf32, #tpu.memory_space<vmem>> -> memref<64xf32, #tpu.memory_space<vmem>>
      %dma_start3A_219 = arith.constant 0 : i32
      %dma_start3A_220 = tpu.memref_slice %arg3[%dma_start3A_215, %squeeze3A_212, %dma_start3A_219] : memref<1x1000000x64xf32, #tpu.memory_space<hbm>> -> memref<1x1x64xf32, #tpu.memory_space<hbm>>
      %dma_start3A_221 = tpu.memref_squeeze %dma_start3A_220 : memref<1x1x64xf32, #tpu.memory_space<hbm>> -> memref<64xf32, #tpu.memory_space<hbm>>
      %dma_start3A_222 = arith.constant 0 : i32
      %dma_start3A_223 = tpu.memref_slice %arg6[%add3A_214, %dma_start3A_222] : memref<256x64xf32, #tpu.memory_space<vmem>> -> memref<1x64xf32, #tpu.memory_space<vmem>>
      %dma_start3A_224 = tpu.memref_squeeze %dma_start3A_223 : memref<1x64xf32, #tpu.memory_space<vmem>> -> memref<64xf32, #tpu.memory_space<vmem>>
      %dma_start3A_225 = arith.constant 0 : i32
      %dma_start3A_226 = tpu.memref_slice %arg3[%dma_start3A_215, %squeeze3A_212, %dma_start3A_225] : memref<1x1000000x64xf32, #tpu.memory_space<hbm>> -> memref<1x1x64xf32, #tpu.memory_space<hbm>>
      %dma_start3A_227 = tpu.memref_squeeze %dma_start3A_226 : memref<1x1x64xf32, #tpu.memory_space<hbm>> -> memref<64xf32, #tpu.memory_space<hbm>>
      tpu.enqueue_dma source(%dma_start3A_227 : memref<64xf32, #tpu.memory_space<hbm>>) target(%dma_start3A_224 : memref<64xf32, #tpu.memory_space<vmem>>) target_semaphore(%arg7 : memref<!tpu.dma_semaphore, #tpu.memory_space<semaphore_mem>>)
      %slice3A_228 = vector.extract_strided_slice %get3A_26 {offsets = [12], sizes = [1], strides = [1]} : vector<16xi32> to vector<1xi32>
      %squeeze3A_229 = vector.extract %slice3A_228[0] : i32 from vector<1xi32>
      %add3A_230 = arith.constant 12 : i32
      %add3A_231 = arith.addi %mul3A_24, %add3A_230 : i32
      %dma_start3A_232 = arith.constant 0 : i32
      %dma_start3A_233 = arith.constant 0 : i32
      %dma_start3A_234 = tpu.memref_slice %arg6[%add3A_231, %dma_start3A_233] : memref<256x64xf32, #tpu.memory_space<vmem>> -> memref<1x64xf32, #tpu.memory_space<vmem>>
      %dma_start3A_235 = tpu.memref_squeeze %dma_start3A_234 : memref<1x64xf32, #tpu.memory_space<vmem>> -> memref<64xf32, #tpu.memory_space<vmem>>
      %dma_start3A_236 = arith.constant 0 : i32
      %dma_start3A_237 = tpu.memref_slice %arg3[%dma_start3A_232, %squeeze3A_229, %dma_start3A_236] : memref<1x1000000x64xf32, #tpu.memory_space<hbm>> -> memref<1x1x64xf32, #tpu.memory_space<hbm>>
      %dma_start3A_238 = tpu.memref_squeeze %dma_start3A_237 : memref<1x1x64xf32, #tpu.memory_space<hbm>> -> memref<64xf32, #tpu.memory_space<hbm>>
      %dma_start3A_239 = arith.constant 0 : i32
      %dma_start3A_240 = tpu.memref_slice %arg6[%add3A_231, %dma_start3A_239] : memref<256x64xf32, #tpu.memory_space<vmem>> -> memref<1x64xf32, #tpu.memory_space<vmem>>
      %dma_start3A_241 = tpu.memref_squeeze %dma_start3A_240 : memref<1x64xf32, #tpu.memory_space<vmem>> -> memref<64xf32, #tpu.memory_space<vmem>>
      %dma_start3A_242 = arith.constant 0 : i32
      %dma_start3A_243 = tpu.memref_slice %arg3[%dma_start3A_232, %squeeze3A_229, %dma_start3A_242] : memref<1x1000000x64xf32, #tpu.memory_space<hbm>> -> memref<1x1x64xf32, #tpu.memory_space<hbm>>
      %dma_start3A_244 = tpu.memref_squeeze %dma_start3A_243 : memref<1x1x64xf32, #tpu.memory_space<hbm>> -> memref<64xf32, #tpu.memory_space<hbm>>
      tpu.enqueue_dma source(%dma_start3A_244 : memref<64xf32, #tpu.memory_space<hbm>>) target(%dma_start3A_241 : memref<64xf32, #tpu.memory_space<vmem>>) target_semaphore(%arg7 : memref<!tpu.dma_semaphore, #tpu.memory_space<semaphore_mem>>)
      %slice3A_245 = vector.extract_strided_slice %get3A_26 {offsets = [13], sizes = [1], strides = [1]} : vector<16xi32> to vector<1xi32>
      %squeeze3A_246 = vector.extract %slice3A_245[0] : i32 from vector<1xi32>
      %add3A_247 = arith.constant 13 : i32
      %add3A_248 = arith.addi %mul3A_24, %add3A_247 : i32
      %dma_start3A_249 = arith.constant 0 : i32
      %dma_start3A_250 = arith.constant 0 : i32
      %dma_start3A_251 = tpu.memref_slice %arg6[%add3A_248, %dma_start3A_250] : memref<256x64xf32, #tpu.memory_space<vmem>> -> memref<1x64xf32, #tpu.memory_space<vmem>>
      %dma_start3A_252 = tpu.memref_squeeze %dma_start3A_251 : memref<1x64xf32, #tpu.memory_space<vmem>> -> memref<64xf32, #tpu.memory_space<vmem>>
      %dma_start3A_253 = arith.constant 0 : i32
      %dma_start3A_254 = tpu.memref_slice %arg3[%dma_start3A_249, %squeeze3A_246, %dma_start3A_253] : memref<1x1000000x64xf32, #tpu.memory_space<hbm>> -> memref<1x1x64xf32, #tpu.memory_space<hbm>>
      %dma_start3A_255 = tpu.memref_squeeze %dma_start3A_254 : memref<1x1x64xf32, #tpu.memory_space<hbm>> -> memref<64xf32, #tpu.memory_space<hbm>>
      %dma_start3A_256 = arith.constant 0 : i32
      %dma_start3A_257 = tpu.memref_slice %arg6[%add3A_248, %dma_start3A_256] : memref<256x64xf32, #tpu.memory_space<vmem>> -> memref<1x64xf32, #tpu.memory_space<vmem>>
      %dma_start3A_258 = tpu.memref_squeeze %dma_start3A_257 : memref<1x64xf32, #tpu.memory_space<vmem>> -> memref<64xf32, #tpu.memory_space<vmem>>
      %dma_start3A_259 = arith.constant 0 : i32
      %dma_start3A_260 = tpu.memref_slice %arg3[%dma_start3A_249, %squeeze3A_246, %dma_start3A_259] : memref<1x1000000x64xf32, #tpu.memory_space<hbm>> -> memref<1x1x64xf32, #tpu.memory_space<hbm>>
      %dma_start3A_261 = tpu.memref_squeeze %dma_start3A_260 : memref<1x1x64xf32, #tpu.memory_space<hbm>> -> memref<64xf32, #tpu.memory_space<hbm>>
      tpu.enqueue_dma source(%dma_start3A_261 : memref<64xf32, #tpu.memory_space<hbm>>) target(%dma_start3A_258 : memref<64xf32, #tpu.memory_space<vmem>>) target_semaphore(%arg7 : memref<!tpu.dma_semaphore, #tpu.memory_space<semaphore_mem>>)
      %slice3A_262 = vector.extract_strided_slice %get3A_26 {offsets = [14], sizes = [1], strides = [1]} : vector<16xi32> to vector<1xi32>
      %squeeze3A_263 = vector.extract %slice3A_262[0] : i32 from vector<1xi32>
      %add3A_264 = arith.constant 14 : i32
      %add3A_265 = arith.addi %mul3A_24, %add3A_264 : i32
      %dma_start3A_266 = arith.constant 0 : i32
      %dma_start3A_267 = arith.constant 0 : i32
      %dma_start3A_268 = tpu.memref_slice %arg6[%add3A_265, %dma_start3A_267] : memref<256x64xf32, #tpu.memory_space<vmem>> -> memref<1x64xf32, #tpu.memory_space<vmem>>
      %dma_start3A_269 = tpu.memref_squeeze %dma_start3A_268 : memref<1x64xf32, #tpu.memory_space<vmem>> -> memref<64xf32, #tpu.memory_space<vmem>>
      %dma_start3A_270 = arith.constant 0 : i32
      %dma_start3A_271 = tpu.memref_slice %arg3[%dma_start3A_266, %squeeze3A_263, %dma_start3A_270] : memref<1x1000000x64xf32, #tpu.memory_space<hbm>> -> memref<1x1x64xf32, #tpu.memory_space<hbm>>
      %dma_start3A_272 = tpu.memref_squeeze %dma_start3A_271 : memref<1x1x64xf32, #tpu.memory_space<hbm>> -> memref<64xf32, #tpu.memory_space<hbm>>
      %dma_start3A_273 = arith.constant 0 : i32
      %dma_start3A_274 = tpu.memref_slice %arg6[%add3A_265, %dma_start3A_273] : memref<256x64xf32, #tpu.memory_space<vmem>> -> memref<1x64xf32, #tpu.memory_space<vmem>>
      %dma_start3A_275 = tpu.memref_squeeze %dma_start3A_274 : memref<1x64xf32, #tpu.memory_space<vmem>> -> memref<64xf32, #tpu.memory_space<vmem>>
      %dma_start3A_276 = arith.constant 0 : i32
      %dma_start3A_277 = tpu.memref_slice %arg3[%dma_start3A_266, %squeeze3A_263, %dma_start3A_276] : memref<1x1000000x64xf32, #tpu.memory_space<hbm>> -> memref<1x1x64xf32, #tpu.memory_space<hbm>>
      %dma_start3A_278 = tpu.memref_squeeze %dma_start3A_277 : memref<1x1x64xf32, #tpu.memory_space<hbm>> -> memref<64xf32, #tpu.memory_space<hbm>>
      tpu.enqueue_dma source(%dma_start3A_278 : memref<64xf32, #tpu.memory_space<hbm>>) target(%dma_start3A_275 : memref<64xf32, #tpu.memory_space<vmem>>) target_semaphore(%arg7 : memref<!tpu.dma_semaphore, #tpu.memory_space<semaphore_mem>>)
      %slice3A_279 = vector.extract_strided_slice %get3A_26 {offsets = [15], sizes = [1], strides = [1]} : vector<16xi32> to vector<1xi32>
      %squeeze3A_280 = vector.extract %slice3A_279[0] : i32 from vector<1xi32>
      %add3A_281 = arith.constant 15 : i32
      %add3A_282 = arith.addi %mul3A_24, %add3A_281 : i32
      %dma_start3A_283 = arith.constant 0 : i32
      %dma_start3A_284 = arith.constant 0 : i32
      %dma_start3A_285 = tpu.memref_slice %arg6[%add3A_282, %dma_start3A_284] : memref<256x64xf32, #tpu.memory_space<vmem>> -> memref<1x64xf32, #tpu.memory_space<vmem>>
      %dma_start3A_286 = tpu.memref_squeeze %dma_start3A_285 : memref<1x64xf32, #tpu.memory_space<vmem>> -> memref<64xf32, #tpu.memory_space<vmem>>
      %dma_start3A_287 = arith.constant 0 : i32
      %dma_start3A_288 = tpu.memref_slice %arg3[%dma_start3A_283, %squeeze3A_280, %dma_start3A_287] : memref<1x1000000x64xf32, #tpu.memory_space<hbm>> -> memref<1x1x64xf32, #tpu.memory_space<hbm>>
      %dma_start3A_289 = tpu.memref_squeeze %dma_start3A_288 : memref<1x1x64xf32, #tpu.memory_space<hbm>> -> memref<64xf32, #tpu.memory_space<hbm>>
      %dma_start3A_290 = arith.constant 0 : i32
      %dma_start3A_291 = tpu.memref_slice %arg6[%add3A_282, %dma_start3A_290] : memref<256x64xf32, #tpu.memory_space<vmem>> -> memref<1x64xf32, #tpu.memory_space<vmem>>
      %dma_start3A_292 = tpu.memref_squeeze %dma_start3A_291 : memref<1x64xf32, #tpu.memory_space<vmem>> -> memref<64xf32, #tpu.memory_space<vmem>>
      %dma_start3A_293 = arith.constant 0 : i32
      %dma_start3A_294 = tpu.memref_slice %arg3[%dma_start3A_283, %squeeze3A_280, %dma_start3A_293] : memref<1x1000000x64xf32, #tpu.memory_space<hbm>> -> memref<1x1x64xf32, #tpu.memory_space<hbm>>
      %dma_start3A_295 = tpu.memref_squeeze %dma_start3A_294 : memref<1x1x64xf32, #tpu.memory_space<hbm>> -> memref<64xf32, #tpu.memory_space<hbm>>
      tpu.enqueue_dma source(%dma_start3A_295 : memref<64xf32, #tpu.memory_space<hbm>>) target(%dma_start3A_292 : memref<64xf32, #tpu.memory_space<vmem>>) target_semaphore(%arg7 : memref<!tpu.dma_semaphore, #tpu.memory_space<semaphore_mem>>)
      %dma_wait3A = arith.constant 0 : i32
      %dma_wait3A_296 = arith.constant 0 : i32
      %dma_wait3A_297 = tpu.memref_slice %arg6[%add3A_28, %dma_wait3A_296] : memref<256x64xf32, #tpu.memory_space<vmem>> -> memref<1x64xf32, #tpu.memory_space<vmem>>
      %dma_wait3A_298 = tpu.memref_squeeze %dma_wait3A_297 : memref<1x64xf32, #tpu.memory_space<vmem>> -> memref<64xf32, #tpu.memory_space<vmem>>
      %dma_wait3A_299 = arith.constant 0 : i32
      %dma_wait3A_300 = tpu.memref_slice %arg3[%dma_wait3A, %squeeze3A, %dma_wait3A_299] : memref<1x1000000x64xf32, #tpu.memory_space<hbm>> -> memref<1x1x64xf32, #tpu.memory_space<hbm>>
      %dma_wait3A_301 = tpu.memref_squeeze %dma_wait3A_300 : memref<1x1x64xf32, #tpu.memory_space<hbm>> -> memref<64xf32, #tpu.memory_space<hbm>>
      %dma_wait3A_302 = arith.constant 0 : i32
      %dma_wait3A_303 = tpu.memref_slice %arg6[%add3A_28, %dma_wait3A_302] : memref<256x64xf32, #tpu.memory_space<vmem>> -> memref<1x64xf32, #tpu.memory_space<vmem>>
      %dma_wait3A_304 = tpu.memref_squeeze %dma_wait3A_303 : memref<1x64xf32, #tpu.memory_space<vmem>> -> memref<64xf32, #tpu.memory_space<vmem>>
      %dma_wait3A_305 = arith.constant 0 : i32
      %dma_wait3A_306 = tpu.memref_slice %arg3[%dma_wait3A, %squeeze3A, %dma_wait3A_305] : memref<1x1000000x64xf32, #tpu.memory_space<hbm>> -> memref<1x1x64xf32, #tpu.memory_space<hbm>>
      %dma_wait3A_307 = tpu.memref_squeeze %dma_wait3A_306 : memref<1x1x64xf32, #tpu.memory_space<hbm>> -> memref<64xf32, #tpu.memory_space<hbm>>
      tpu.wait_dma2 semaphore(%arg7 : memref<!tpu.dma_semaphore, #tpu.memory_space<semaphore_mem>>) src(%dma_wait3A_307 : memref<64xf32, #tpu.memory_space<hbm>>) dst(%dma_wait3A_304 : memref<64xf32, #tpu.memory_space<vmem>>)
      %dma_wait3A_308 = arith.constant 0 : i32
      %dma_wait3A_309 = arith.constant 0 : i32
      %dma_wait3A_310 = tpu.memref_slice %arg6[%add3A_44, %dma_wait3A_309] : memref<256x64xf32, #tpu.memory_space<vmem>> -> memref<1x64xf32, #tpu.memory_space<vmem>>
      %dma_wait3A_311 = tpu.memref_squeeze %dma_wait3A_310 : memref<1x64xf32, #tpu.memory_space<vmem>> -> memref<64xf32, #tpu.memory_space<vmem>>
      %dma_wait3A_312 = arith.constant 0 : i32
      %dma_wait3A_313 = tpu.memref_slice %arg3[%dma_wait3A_308, %squeeze3A_42, %dma_wait3A_312] : memref<1x1000000x64xf32, #tpu.memory_space<hbm>> -> memref<1x1x64xf32, #tpu.memory_space<hbm>>
      %dma_wait3A_314 = tpu.memref_squeeze %dma_wait3A_313 : memref<1x1x64xf32, #tpu.memory_space<hbm>> -> memref<64xf32, #tpu.memory_space<hbm>>
      %dma_wait3A_315 = arith.constant 0 : i32
      %dma_wait3A_316 = tpu.memref_slice %arg6[%add3A_44, %dma_wait3A_315] : memref<256x64xf32, #tpu.memory_space<vmem>> -> memref<1x64xf32, #tpu.memory_space<vmem>>
      %dma_wait3A_317 = tpu.memref_squeeze %dma_wait3A_316 : memref<1x64xf32, #tpu.memory_space<vmem>> -> memref<64xf32, #tpu.memory_space<vmem>>
      %dma_wait3A_318 = arith.constant 0 : i32
      %dma_wait3A_319 = tpu.memref_slice %arg3[%dma_wait3A_308, %squeeze3A_42, %dma_wait3A_318] : memref<1x1000000x64xf32, #tpu.memory_space<hbm>> -> memref<1x1x64xf32, #tpu.memory_space<hbm>>
      %dma_wait3A_320 = tpu.memref_squeeze %dma_wait3A_319 : memref<1x1x64xf32, #tpu.memory_space<hbm>> -> memref<64xf32, #tpu.memory_space<hbm>>
      tpu.wait_dma2 semaphore(%arg7 : memref<!tpu.dma_semaphore, #tpu.memory_space<semaphore_mem>>) src(%dma_wait3A_320 : memref<64xf32, #tpu.memory_space<hbm>>) dst(%dma_wait3A_317 : memref<64xf32, #tpu.memory_space<vmem>>)
      %dma_wait3A_321 = arith.constant 0 : i32
      %dma_wait3A_322 = arith.constant 0 : i32
      %dma_wait3A_323 = tpu.memref_slice %arg6[%add3A_61, %dma_wait3A_322] : memref<256x64xf32, #tpu.memory_space<vmem>> -> memref<1x64xf32, #tpu.memory_space<vmem>>
      %dma_wait3A_324 = tpu.memref_squeeze %dma_wait3A_323 : memref<1x64xf32, #tpu.memory_space<vmem>> -> memref<64xf32, #tpu.memory_space<vmem>>
      %dma_wait3A_325 = arith.constant 0 : i32
      %dma_wait3A_326 = tpu.memref_slice %arg3[%dma_wait3A_321, %squeeze3A_59, %dma_wait3A_325] : memref<1x1000000x64xf32, #tpu.memory_space<hbm>> -> memref<1x1x64xf32, #tpu.memory_space<hbm>>
      %dma_wait3A_327 = tpu.memref_squeeze %dma_wait3A_326 : memref<1x1x64xf32, #tpu.memory_space<hbm>> -> memref<64xf32, #tpu.memory_space<hbm>>
      %dma_wait3A_328 = arith.constant 0 : i32
      %dma_wait3A_329 = tpu.memref_slice %arg6[%add3A_61, %dma_wait3A_328] : memref<256x64xf32, #tpu.memory_space<vmem>> -> memref<1x64xf32, #tpu.memory_space<vmem>>
      %dma_wait3A_330 = tpu.memref_squeeze %dma_wait3A_329 : memref<1x64xf32, #tpu.memory_space<vmem>> -> memref<64xf32, #tpu.memory_space<vmem>>
      %dma_wait3A_331 = arith.constant 0 : i32
      %dma_wait3A_332 = tpu.memref_slice %arg3[%dma_wait3A_321, %squeeze3A_59, %dma_wait3A_331] : memref<1x1000000x64xf32, #tpu.memory_space<hbm>> -> memref<1x1x64xf32, #tpu.memory_space<hbm>>
      %dma_wait3A_333 = tpu.memref_squeeze %dma_wait3A_332 : memref<1x1x64xf32, #tpu.memory_space<hbm>> -> memref<64xf32, #tpu.memory_space<hbm>>
      tpu.wait_dma2 semaphore(%arg7 : memref<!tpu.dma_semaphore, #tpu.memory_space<semaphore_mem>>) src(%dma_wait3A_333 : memref<64xf32, #tpu.memory_space<hbm>>) dst(%dma_wait3A_330 : memref<64xf32, #tpu.memory_space<vmem>>)
      %dma_wait3A_334 = arith.constant 0 : i32
      %dma_wait3A_335 = arith.constant 0 : i32
      %dma_wait3A_336 = tpu.memref_slice %arg6[%add3A_78, %dma_wait3A_335] : memref<256x64xf32, #tpu.memory_space<vmem>> -> memref<1x64xf32, #tpu.memory_space<vmem>>
      %dma_wait3A_337 = tpu.memref_squeeze %dma_wait3A_336 : memref<1x64xf32, #tpu.memory_space<vmem>> -> memref<64xf32, #tpu.memory_space<vmem>>
      %dma_wait3A_338 = arith.constant 0 : i32
      %dma_wait3A_339 = tpu.memref_slice %arg3[%dma_wait3A_334, %squeeze3A_76, %dma_wait3A_338] : memref<1x1000000x64xf32, #tpu.memory_space<hbm>> -> memref<1x1x64xf32, #tpu.memory_space<hbm>>
      %dma_wait3A_340 = tpu.memref_squeeze %dma_wait3A_339 : memref<1x1x64xf32, #tpu.memory_space<hbm>> -> memref<64xf32, #tpu.memory_space<hbm>>
      %dma_wait3A_341 = arith.constant 0 : i32
      %dma_wait3A_342 = tpu.memref_slice %arg6[%add3A_78, %dma_wait3A_341] : memref<256x64xf32, #tpu.memory_space<vmem>> -> memref<1x64xf32, #tpu.memory_space<vmem>>
      %dma_wait3A_343 = tpu.memref_squeeze %dma_wait3A_342 : memref<1x64xf32, #tpu.memory_space<vmem>> -> memref<64xf32, #tpu.memory_space<vmem>>
      %dma_wait3A_344 = arith.constant 0 : i32
      %dma_wait3A_345 = tpu.memref_slice %arg3[%dma_wait3A_334, %squeeze3A_76, %dma_wait3A_344] : memref<1x1000000x64xf32, #tpu.memory_space<hbm>> -> memref<1x1x64xf32, #tpu.memory_space<hbm>>
      %dma_wait3A_346 = tpu.memref_squeeze %dma_wait3A_345 : memref<1x1x64xf32, #tpu.memory_space<hbm>> -> memref<64xf32, #tpu.memory_space<hbm>>
      tpu.wait_dma2 semaphore(%arg7 : memref<!tpu.dma_semaphore, #tpu.memory_space<semaphore_mem>>) src(%dma_wait3A_346 : memref<64xf32, #tpu.memory_space<hbm>>) dst(%dma_wait3A_343 : memref<64xf32, #tpu.memory_space<vmem>>)
      %dma_wait3A_347 = arith.constant 0 : i32
      %dma_wait3A_348 = arith.constant 0 : i32
      %dma_wait3A_349 = tpu.memref_slice %arg6[%add3A_95, %dma_wait3A_348] : memref<256x64xf32, #tpu.memory_space<vmem>> -> memref<1x64xf32, #tpu.memory_space<vmem>>
      %dma_wait3A_350 = tpu.memref_squeeze %dma_wait3A_349 : memref<1x64xf32, #tpu.memory_space<vmem>> -> memref<64xf32, #tpu.memory_space<vmem>>
      %dma_wait3A_351 = arith.constant 0 : i32
      %dma_wait3A_352 = tpu.memref_slice %arg3[%dma_wait3A_347, %squeeze3A_93, %dma_wait3A_351] : memref<1x1000000x64xf32, #tpu.memory_space<hbm>> -> memref<1x1x64xf32, #tpu.memory_space<hbm>>
      %dma_wait3A_353 = tpu.memref_squeeze %dma_wait3A_352 : memref<1x1x64xf32, #tpu.memory_space<hbm>> -> memref<64xf32, #tpu.memory_space<hbm>>
      %dma_wait3A_354 = arith.constant 0 : i32
      %dma_wait3A_355 = tpu.memref_slice %arg6[%add3A_95, %dma_wait3A_354] : memref<256x64xf32, #tpu.memory_space<vmem>> -> memref<1x64xf32, #tpu.memory_space<vmem>>
      %dma_wait3A_356 = tpu.memref_squeeze %dma_wait3A_355 : memref<1x64xf32, #tpu.memory_space<vmem>> -> memref<64xf32, #tpu.memory_space<vmem>>
      %dma_wait3A_357 = arith.constant 0 : i32
      %dma_wait3A_358 = tpu.memref_slice %arg3[%dma_wait3A_347, %squeeze3A_93, %dma_wait3A_357] : memref<1x1000000x64xf32, #tpu.memory_space<hbm>> -> memref<1x1x64xf32, #tpu.memory_space<hbm>>
      %dma_wait3A_359 = tpu.memref_squeeze %dma_wait3A_358 : memref<1x1x64xf32, #tpu.memory_space<hbm>> -> memref<64xf32, #tpu.memory_space<hbm>>
      tpu.wait_dma2 semaphore(%arg7 : memref<!tpu.dma_semaphore, #tpu.memory_space<semaphore_mem>>) src(%dma_wait3A_359 : memref<64xf32, #tpu.memory_space<hbm>>) dst(%dma_wait3A_356 : memref<64xf32, #tpu.memory_space<vmem>>)
      %dma_wait3A_360 = arith.constant 0 : i32
      %dma_wait3A_361 = arith.constant 0 : i32
      %dma_wait3A_362 = tpu.memref_slice %arg6[%add3A_112, %dma_wait3A_361] : memref<256x64xf32, #tpu.memory_space<vmem>> -> memref<1x64xf32, #tpu.memory_space<vmem>>
      %dma_wait3A_363 = tpu.memref_squeeze %dma_wait3A_362 : memref<1x64xf32, #tpu.memory_space<vmem>> -> memref<64xf32, #tpu.memory_space<vmem>>
      %dma_wait3A_364 = arith.constant 0 : i32
      %dma_wait3A_365 = tpu.memref_slice %arg3[%dma_wait3A_360, %squeeze3A_110, %dma_wait3A_364] : memref<1x1000000x64xf32, #tpu.memory_space<hbm>> -> memref<1x1x64xf32, #tpu.memory_space<hbm>>
      %dma_wait3A_366 = tpu.memref_squeeze %dma_wait3A_365 : memref<1x1x64xf32, #tpu.memory_space<hbm>> -> memref<64xf32, #tpu.memory_space<hbm>>
      %dma_wait3A_367 = arith.constant 0 : i32
      %dma_wait3A_368 = tpu.memref_slice %arg6[%add3A_112, %dma_wait3A_367] : memref<256x64xf32, #tpu.memory_space<vmem>> -> memref<1x64xf32, #tpu.memory_space<vmem>>
      %dma_wait3A_369 = tpu.memref_squeeze %dma_wait3A_368 : memref<1x64xf32, #tpu.memory_space<vmem>> -> memref<64xf32, #tpu.memory_space<vmem>>
      %dma_wait3A_370 = arith.constant 0 : i32
      %dma_wait3A_371 = tpu.memref_slice %arg3[%dma_wait3A_360, %squeeze3A_110, %dma_wait3A_370] : memref<1x1000000x64xf32, #tpu.memory_space<hbm>> -> memref<1x1x64xf32, #tpu.memory_space<hbm>>
      %dma_wait3A_372 = tpu.memref_squeeze %dma_wait3A_371 : memref<1x1x64xf32, #tpu.memory_space<hbm>> -> memref<64xf32, #tpu.memory_space<hbm>>
      tpu.wait_dma2 semaphore(%arg7 : memref<!tpu.dma_semaphore, #tpu.memory_space<semaphore_mem>>) src(%dma_wait3A_372 : memref<64xf32, #tpu.memory_space<hbm>>) dst(%dma_wait3A_369 : memref<64xf32, #tpu.memory_space<vmem>>)
      %dma_wait3A_373 = arith.constant 0 : i32
      %dma_wait3A_374 = arith.constant 0 : i32
      %dma_wait3A_375 = tpu.memref_slice %arg6[%add3A_129, %dma_wait3A_374] : memref<256x64xf32, #tpu.memory_space<vmem>> -> memref<1x64xf32, #tpu.memory_space<vmem>>
      %dma_wait3A_376 = tpu.memref_squeeze %dma_wait3A_375 : memref<1x64xf32, #tpu.memory_space<vmem>> -> memref<64xf32, #tpu.memory_space<vmem>>
      %dma_wait3A_377 = arith.constant 0 : i32
      %dma_wait3A_378 = tpu.memref_slice %arg3[%dma_wait3A_373, %squeeze3A_127, %dma_wait3A_377] : memref<1x1000000x64xf32, #tpu.memory_space<hbm>> -> memref<1x1x64xf32, #tpu.memory_space<hbm>>
      %dma_wait3A_379 = tpu.memref_squeeze %dma_wait3A_378 : memref<1x1x64xf32, #tpu.memory_space<hbm>> -> memref<64xf32, #tpu.memory_space<hbm>>
      %dma_wait3A_380 = arith.constant 0 : i32
      %dma_wait3A_381 = tpu.memref_slice %arg6[%add3A_129, %dma_wait3A_380] : memref<256x64xf32, #tpu.memory_space<vmem>> -> memref<1x64xf32, #tpu.memory_space<vmem>>
      %dma_wait3A_382 = tpu.memref_squeeze %dma_wait3A_381 : memref<1x64xf32, #tpu.memory_space<vmem>> -> memref<64xf32, #tpu.memory_space<vmem>>
      %dma_wait3A_383 = arith.constant 0 : i32
      %dma_wait3A_384 = tpu.memref_slice %arg3[%dma_wait3A_373, %squeeze3A_127, %dma_wait3A_383] : memref<1x1000000x64xf32, #tpu.memory_space<hbm>> -> memref<1x1x64xf32, #tpu.memory_space<hbm>>
      %dma_wait3A_385 = tpu.memref_squeeze %dma_wait3A_384 : memref<1x1x64xf32, #tpu.memory_space<hbm>> -> memref<64xf32, #tpu.memory_space<hbm>>
      tpu.wait_dma2 semaphore(%arg7 : memref<!tpu.dma_semaphore, #tpu.memory_space<semaphore_mem>>) src(%dma_wait3A_385 : memref<64xf32, #tpu.memory_space<hbm>>) dst(%dma_wait3A_382 : memref<64xf32, #tpu.memory_space<vmem>>)
      %dma_wait3A_386 = arith.constant 0 : i32
      %dma_wait3A_387 = arith.constant 0 : i32
      %dma_wait3A_388 = tpu.memref_slice %arg6[%add3A_146, %dma_wait3A_387] : memref<256x64xf32, #tpu.memory_space<vmem>> -> memref<1x64xf32, #tpu.memory_space<vmem>>
      %dma_wait3A_389 = tpu.memref_squeeze %dma_wait3A_388 : memref<1x64xf32, #tpu.memory_space<vmem>> -> memref<64xf32, #tpu.memory_space<vmem>>
      %dma_wait3A_390 = arith.constant 0 : i32
      %dma_wait3A_391 = tpu.memref_slice %arg3[%dma_wait3A_386, %squeeze3A_144, %dma_wait3A_390] : memref<1x1000000x64xf32, #tpu.memory_space<hbm>> -> memref<1x1x64xf32, #tpu.memory_space<hbm>>
      %dma_wait3A_392 = tpu.memref_squeeze %dma_wait3A_391 : memref<1x1x64xf32, #tpu.memory_space<hbm>> -> memref<64xf32, #tpu.memory_space<hbm>>
      %dma_wait3A_393 = arith.constant 0 : i32
      %dma_wait3A_394 = tpu.memref_slice %arg6[%add3A_146, %dma_wait3A_393] : memref<256x64xf32, #tpu.memory_space<vmem>> -> memref<1x64xf32, #tpu.memory_space<vmem>>
      %dma_wait3A_395 = tpu.memref_squeeze %dma_wait3A_394 : memref<1x64xf32, #tpu.memory_space<vmem>> -> memref<64xf32, #tpu.memory_space<vmem>>
      %dma_wait3A_396 = arith.constant 0 : i32
      %dma_wait3A_397 = tpu.memref_slice %arg3[%dma_wait3A_386, %squeeze3A_144, %dma_wait3A_396] : memref<1x1000000x64xf32, #tpu.memory_space<hbm>> -> memref<1x1x64xf32, #tpu.memory_space<hbm>>
      %dma_wait3A_398 = tpu.memref_squeeze %dma_wait3A_397 : memref<1x1x64xf32, #tpu.memory_space<hbm>> -> memref<64xf32, #tpu.memory_space<hbm>>
      tpu.wait_dma2 semaphore(%arg7 : memref<!tpu.dma_semaphore, #tpu.memory_space<semaphore_mem>>) src(%dma_wait3A_398 : memref<64xf32, #tpu.memory_space<hbm>>) dst(%dma_wait3A_395 : memref<64xf32, #tpu.memory_space<vmem>>)
      %dma_wait3A_399 = arith.constant 0 : i32
      %dma_wait3A_400 = arith.constant 0 : i32
      %dma_wait3A_401 = tpu.memref_slice %arg6[%add3A_163, %dma_wait3A_400] : memref<256x64xf32, #tpu.memory_space<vmem>> -> memref<1x64xf32, #tpu.memory_space<vmem>>
      %dma_wait3A_402 = tpu.memref_squeeze %dma_wait3A_401 : memref<1x64xf32, #tpu.memory_space<vmem>> -> memref<64xf32, #tpu.memory_space<vmem>>
      %dma_wait3A_403 = arith.constant 0 : i32
      %dma_wait3A_404 = tpu.memref_slice %arg3[%dma_wait3A_399, %squeeze3A_161, %dma_wait3A_403] : memref<1x1000000x64xf32, #tpu.memory_space<hbm>> -> memref<1x1x64xf32, #tpu.memory_space<hbm>>
      %dma_wait3A_405 = tpu.memref_squeeze %dma_wait3A_404 : memref<1x1x64xf32, #tpu.memory_space<hbm>> -> memref<64xf32, #tpu.memory_space<hbm>>
      %dma_wait3A_406 = arith.constant 0 : i32
      %dma_wait3A_407 = tpu.memref_slice %arg6[%add3A_163, %dma_wait3A_406] : memref<256x64xf32, #tpu.memory_space<vmem>> -> memref<1x64xf32, #tpu.memory_space<vmem>>
      %dma_wait3A_408 = tpu.memref_squeeze %dma_wait3A_407 : memref<1x64xf32, #tpu.memory_space<vmem>> -> memref<64xf32, #tpu.memory_space<vmem>>
      %dma_wait3A_409 = arith.constant 0 : i32
      %dma_wait3A_410 = tpu.memref_slice %arg3[%dma_wait3A_399, %squeeze3A_161, %dma_wait3A_409] : memref<1x1000000x64xf32, #tpu.memory_space<hbm>> -> memref<1x1x64xf32, #tpu.memory_space<hbm>>
      %dma_wait3A_411 = tpu.memref_squeeze %dma_wait3A_410 : memref<1x1x64xf32, #tpu.memory_space<hbm>> -> memref<64xf32, #tpu.memory_space<hbm>>
      tpu.wait_dma2 semaphore(%arg7 : memref<!tpu.dma_semaphore, #tpu.memory_space<semaphore_mem>>) src(%dma_wait3A_411 : memref<64xf32, #tpu.memory_space<hbm>>) dst(%dma_wait3A_408 : memref<64xf32, #tpu.memory_space<vmem>>)
      %dma_wait3A_412 = arith.constant 0 : i32
      %dma_wait3A_413 = arith.constant 0 : i32
      %dma_wait3A_414 = tpu.memref_slice %arg6[%add3A_180, %dma_wait3A_413] : memref<256x64xf32, #tpu.memory_space<vmem>> -> memref<1x64xf32, #tpu.memory_space<vmem>>
      %dma_wait3A_415 = tpu.memref_squeeze %dma_wait3A_414 : memref<1x64xf32, #tpu.memory_space<vmem>> -> memref<64xf32, #tpu.memory_space<vmem>>
      %dma_wait3A_416 = arith.constant 0 : i32
      %dma_wait3A_417 = tpu.memref_slice %arg3[%dma_wait3A_412, %squeeze3A_178, %dma_wait3A_416] : memref<1x1000000x64xf32, #tpu.memory_space<hbm>> -> memref<1x1x64xf32, #tpu.memory_space<hbm>>
      %dma_wait3A_418 = tpu.memref_squeeze %dma_wait3A_417 : memref<1x1x64xf32, #tpu.memory_space<hbm>> -> memref<64xf32, #tpu.memory_space<hbm>>
      %dma_wait3A_419 = arith.constant 0 : i32
      %dma_wait3A_420 = tpu.memref_slice %arg6[%add3A_180, %dma_wait3A_419] : memref<256x64xf32, #tpu.memory_space<vmem>> -> memref<1x64xf32, #tpu.memory_space<vmem>>
      %dma_wait3A_421 = tpu.memref_squeeze %dma_wait3A_420 : memref<1x64xf32, #tpu.memory_space<vmem>> -> memref<64xf32, #tpu.memory_space<vmem>>
      %dma_wait3A_422 = arith.constant 0 : i32
      %dma_wait3A_423 = tpu.memref_slice %arg3[%dma_wait3A_412, %squeeze3A_178, %dma_wait3A_422] : memref<1x1000000x64xf32, #tpu.memory_space<hbm>> -> memref<1x1x64xf32, #tpu.memory_space<hbm>>
      %dma_wait3A_424 = tpu.memref_squeeze %dma_wait3A_423 : memref<1x1x64xf32, #tpu.memory_space<hbm>> -> memref<64xf32, #tpu.memory_space<hbm>>
      tpu.wait_dma2 semaphore(%arg7 : memref<!tpu.dma_semaphore, #tpu.memory_space<semaphore_mem>>) src(%dma_wait3A_424 : memref<64xf32, #tpu.memory_space<hbm>>) dst(%dma_wait3A_421 : memref<64xf32, #tpu.memory_space<vmem>>)
      %dma_wait3A_425 = arith.constant 0 : i32
      %dma_wait3A_426 = arith.constant 0 : i32
      %dma_wait3A_427 = tpu.memref_slice %arg6[%add3A_197, %dma_wait3A_426] : memref<256x64xf32, #tpu.memory_space<vmem>> -> memref<1x64xf32, #tpu.memory_space<vmem>>
      %dma_wait3A_428 = tpu.memref_squeeze %dma_wait3A_427 : memref<1x64xf32, #tpu.memory_space<vmem>> -> memref<64xf32, #tpu.memory_space<vmem>>
      %dma_wait3A_429 = arith.constant 0 : i32
      %dma_wait3A_430 = tpu.memref_slice %arg3[%dma_wait3A_425, %squeeze3A_195, %dma_wait3A_429] : memref<1x1000000x64xf32, #tpu.memory_space<hbm>> -> memref<1x1x64xf32, #tpu.memory_space<hbm>>
      %dma_wait3A_431 = tpu.memref_squeeze %dma_wait3A_430 : memref<1x1x64xf32, #tpu.memory_space<hbm>> -> memref<64xf32, #tpu.memory_space<hbm>>
      %dma_wait3A_432 = arith.constant 0 : i32
      %dma_wait3A_433 = tpu.memref_slice %arg6[%add3A_197, %dma_wait3A_432] : memref<256x64xf32, #tpu.memory_space<vmem>> -> memref<1x64xf32, #tpu.memory_space<vmem>>
      %dma_wait3A_434 = tpu.memref_squeeze %dma_wait3A_433 : memref<1x64xf32, #tpu.memory_space<vmem>> -> memref<64xf32, #tpu.memory_space<vmem>>
      %dma_wait3A_435 = arith.constant 0 : i32
      %dma_wait3A_436 = tpu.memref_slice %arg3[%dma_wait3A_425, %squeeze3A_195, %dma_wait3A_435] : memref<1x1000000x64xf32, #tpu.memory_space<hbm>> -> memref<1x1x64xf32, #tpu.memory_space<hbm>>
      %dma_wait3A_437 = tpu.memref_squeeze %dma_wait3A_436 : memref<1x1x64xf32, #tpu.memory_space<hbm>> -> memref<64xf32, #tpu.memory_space<hbm>>
      tpu.wait_dma2 semaphore(%arg7 : memref<!tpu.dma_semaphore, #tpu.memory_space<semaphore_mem>>) src(%dma_wait3A_437 : memref<64xf32, #tpu.memory_space<hbm>>) dst(%dma_wait3A_434 : memref<64xf32, #tpu.memory_space<vmem>>)
      %dma_wait3A_438 = arith.constant 0 : i32
      %dma_wait3A_439 = arith.constant 0 : i32
      %dma_wait3A_440 = tpu.memref_slice %arg6[%add3A_214, %dma_wait3A_439] : memref<256x64xf32, #tpu.memory_space<vmem>> -> memref<1x64xf32, #tpu.memory_space<vmem>>
      %dma_wait3A_441 = tpu.memref_squeeze %dma_wait3A_440 : memref<1x64xf32, #tpu.memory_space<vmem>> -> memref<64xf32, #tpu.memory_space<vmem>>
      %dma_wait3A_442 = arith.constant 0 : i32
      %dma_wait3A_443 = tpu.memref_slice %arg3[%dma_wait3A_438, %squeeze3A_212, %dma_wait3A_442] : memref<1x1000000x64xf32, #tpu.memory_space<hbm>> -> memref<1x1x64xf32, #tpu.memory_space<hbm>>
      %dma_wait3A_444 = tpu.memref_squeeze %dma_wait3A_443 : memref<1x1x64xf32, #tpu.memory_space<hbm>> -> memref<64xf32, #tpu.memory_space<hbm>>
      %dma_wait3A_445 = arith.constant 0 : i32
      %dma_wait3A_446 = tpu.memref_slice %arg6[%add3A_214, %dma_wait3A_445] : memref<256x64xf32, #tpu.memory_space<vmem>> -> memref<1x64xf32, #tpu.memory_space<vmem>>
      %dma_wait3A_447 = tpu.memref_squeeze %dma_wait3A_446 : memref<1x64xf32, #tpu.memory_space<vmem>> -> memref<64xf32, #tpu.memory_space<vmem>>
      %dma_wait3A_448 = arith.constant 0 : i32
      %dma_wait3A_449 = tpu.memref_slice %arg3[%dma_wait3A_438, %squeeze3A_212, %dma_wait3A_448] : memref<1x1000000x64xf32, #tpu.memory_space<hbm>> -> memref<1x1x64xf32, #tpu.memory_space<hbm>>
      %dma_wait3A_450 = tpu.memref_squeeze %dma_wait3A_449 : memref<1x1x64xf32, #tpu.memory_space<hbm>> -> memref<64xf32, #tpu.memory_space<hbm>>
      tpu.wait_dma2 semaphore(%arg7 : memref<!tpu.dma_semaphore, #tpu.memory_space<semaphore_mem>>) src(%dma_wait3A_450 : memref<64xf32, #tpu.memory_space<hbm>>) dst(%dma_wait3A_447 : memref<64xf32, #tpu.memory_space<vmem>>)
      %dma_wait3A_451 = arith.constant 0 : i32
      %dma_wait3A_452 = arith.constant 0 : i32
      %dma_wait3A_453 = tpu.memref_slice %arg6[%add3A_231, %dma_wait3A_452] : memref<256x64xf32, #tpu.memory_space<vmem>> -> memref<1x64xf32, #tpu.memory_space<vmem>>
      %dma_wait3A_454 = tpu.memref_squeeze %dma_wait3A_453 : memref<1x64xf32, #tpu.memory_space<vmem>> -> memref<64xf32, #tpu.memory_space<vmem>>
      %dma_wait3A_455 = arith.constant 0 : i32
      %dma_wait3A_456 = tpu.memref_slice %arg3[%dma_wait3A_451, %squeeze3A_229, %dma_wait3A_455] : memref<1x1000000x64xf32, #tpu.memory_space<hbm>> -> memref<1x1x64xf32, #tpu.memory_space<hbm>>
      %dma_wait3A_457 = tpu.memref_squeeze %dma_wait3A_456 : memref<1x1x64xf32, #tpu.memory_space<hbm>> -> memref<64xf32, #tpu.memory_space<hbm>>
      %dma_wait3A_458 = arith.constant 0 : i32
      %dma_wait3A_459 = tpu.memref_slice %arg6[%add3A_231, %dma_wait3A_458] : memref<256x64xf32, #tpu.memory_space<vmem>> -> memref<1x64xf32, #tpu.memory_space<vmem>>
      %dma_wait3A_460 = tpu.memref_squeeze %dma_wait3A_459 : memref<1x64xf32, #tpu.memory_space<vmem>> -> memref<64xf32, #tpu.memory_space<vmem>>
      %dma_wait3A_461 = arith.constant 0 : i32
      %dma_wait3A_462 = tpu.memref_slice %arg3[%dma_wait3A_451, %squeeze3A_229, %dma_wait3A_461] : memref<1x1000000x64xf32, #tpu.memory_space<hbm>> -> memref<1x1x64xf32, #tpu.memory_space<hbm>>
      %dma_wait3A_463 = tpu.memref_squeeze %dma_wait3A_462 : memref<1x1x64xf32, #tpu.memory_space<hbm>> -> memref<64xf32, #tpu.memory_space<hbm>>
      tpu.wait_dma2 semaphore(%arg7 : memref<!tpu.dma_semaphore, #tpu.memory_space<semaphore_mem>>) src(%dma_wait3A_463 : memref<64xf32, #tpu.memory_space<hbm>>) dst(%dma_wait3A_460 : memref<64xf32, #tpu.memory_space<vmem>>)
      %dma_wait3A_464 = arith.constant 0 : i32
      %dma_wait3A_465 = arith.constant 0 : i32
      %dma_wait3A_466 = tpu.memref_slice %arg6[%add3A_248, %dma_wait3A_465] : memref<256x64xf32, #tpu.memory_space<vmem>> -> memref<1x64xf32, #tpu.memory_space<vmem>>
      %dma_wait3A_467 = tpu.memref_squeeze %dma_wait3A_466 : memref<1x64xf32, #tpu.memory_space<vmem>> -> memref<64xf32, #tpu.memory_space<vmem>>
      %dma_wait3A_468 = arith.constant 0 : i32
      %dma_wait3A_469 = tpu.memref_slice %arg3[%dma_wait3A_464, %squeeze3A_246, %dma_wait3A_468] : memref<1x1000000x64xf32, #tpu.memory_space<hbm>> -> memref<1x1x64xf32, #tpu.memory_space<hbm>>
      %dma_wait3A_470 = tpu.memref_squeeze %dma_wait3A_469 : memref<1x1x64xf32, #tpu.memory_space<hbm>> -> memref<64xf32, #tpu.memory_space<hbm>>
      %dma_wait3A_471 = arith.constant 0 : i32
      %dma_wait3A_472 = tpu.memref_slice %arg6[%add3A_248, %dma_wait3A_471] : memref<256x64xf32, #tpu.memory_space<vmem>> -> memref<1x64xf32, #tpu.memory_space<vmem>>
      %dma_wait3A_473 = tpu.memref_squeeze %dma_wait3A_472 : memref<1x64xf32, #tpu.memory_space<vmem>> -> memref<64xf32, #tpu.memory_space<vmem>>
      %dma_wait3A_474 = arith.constant 0 : i32
      %dma_wait3A_475 = tpu.memref_slice %arg3[%dma_wait3A_464, %squeeze3A_246, %dma_wait3A_474] : memref<1x1000000x64xf32, #tpu.memory_space<hbm>> -> memref<1x1x64xf32, #tpu.memory_space<hbm>>
      %dma_wait3A_476 = tpu.memref_squeeze %dma_wait3A_475 : memref<1x1x64xf32, #tpu.memory_space<hbm>> -> memref<64xf32, #tpu.memory_space<hbm>>
      tpu.wait_dma2 semaphore(%arg7 : memref<!tpu.dma_semaphore, #tpu.memory_space<semaphore_mem>>) src(%dma_wait3A_476 : memref<64xf32, #tpu.memory_space<hbm>>) dst(%dma_wait3A_473 : memref<64xf32, #tpu.memory_space<vmem>>)
      %dma_wait3A_477 = arith.constant 0 : i32
      %dma_wait3A_478 = arith.constant 0 : i32
      %dma_wait3A_479 = tpu.memref_slice %arg6[%add3A_265, %dma_wait3A_478] : memref<256x64xf32, #tpu.memory_space<vmem>> -> memref<1x64xf32, #tpu.memory_space<vmem>>
      %dma_wait3A_480 = tpu.memref_squeeze %dma_wait3A_479 : memref<1x64xf32, #tpu.memory_space<vmem>> -> memref<64xf32, #tpu.memory_space<vmem>>
      %dma_wait3A_481 = arith.constant 0 : i32
      %dma_wait3A_482 = tpu.memref_slice %arg3[%dma_wait3A_477, %squeeze3A_263, %dma_wait3A_481] : memref<1x1000000x64xf32, #tpu.memory_space<hbm>> -> memref<1x1x64xf32, #tpu.memory_space<hbm>>
      %dma_wait3A_483 = tpu.memref_squeeze %dma_wait3A_482 : memref<1x1x64xf32, #tpu.memory_space<hbm>> -> memref<64xf32, #tpu.memory_space<hbm>>
      %dma_wait3A_484 = arith.constant 0 : i32
      %dma_wait3A_485 = tpu.memref_slice %arg6[%add3A_265, %dma_wait3A_484] : memref<256x64xf32, #tpu.memory_space<vmem>> -> memref<1x64xf32, #tpu.memory_space<vmem>>
      %dma_wait3A_486 = tpu.memref_squeeze %dma_wait3A_485 : memref<1x64xf32, #tpu.memory_space<vmem>> -> memref<64xf32, #tpu.memory_space<vmem>>
      %dma_wait3A_487 = arith.constant 0 : i32
      %dma_wait3A_488 = tpu.memref_slice %arg3[%dma_wait3A_477, %squeeze3A_263, %dma_wait3A_487] : memref<1x1000000x64xf32, #tpu.memory_space<hbm>> -> memref<1x1x64xf32, #tpu.memory_space<hbm>>
      %dma_wait3A_489 = tpu.memref_squeeze %dma_wait3A_488 : memref<1x1x64xf32, #tpu.memory_space<hbm>> -> memref<64xf32, #tpu.memory_space<hbm>>
      tpu.wait_dma2 semaphore(%arg7 : memref<!tpu.dma_semaphore, #tpu.memory_space<semaphore_mem>>) src(%dma_wait3A_489 : memref<64xf32, #tpu.memory_space<hbm>>) dst(%dma_wait3A_486 : memref<64xf32, #tpu.memory_space<vmem>>)
      %dma_wait3A_490 = arith.constant 0 : i32
      %dma_wait3A_491 = arith.constant 0 : i32
      %dma_wait3A_492 = tpu.memref_slice %arg6[%add3A_282, %dma_wait3A_491] : memref<256x64xf32, #tpu.memory_space<vmem>> -> memref<1x64xf32, #tpu.memory_space<vmem>>
      %dma_wait3A_493 = tpu.memref_squeeze %dma_wait3A_492 : memref<1x64xf32, #tpu.memory_space<vmem>> -> memref<64xf32, #tpu.memory_space<vmem>>
      %dma_wait3A_494 = arith.constant 0 : i32
      %dma_wait3A_495 = tpu.memref_slice %arg3[%dma_wait3A_490, %squeeze3A_280, %dma_wait3A_494] : memref<1x1000000x64xf32, #tpu.memory_space<hbm>> -> memref<1x1x64xf32, #tpu.memory_space<hbm>>
      %dma_wait3A_496 = tpu.memref_squeeze %dma_wait3A_495 : memref<1x1x64xf32, #tpu.memory_space<hbm>> -> memref<64xf32, #tpu.memory_space<hbm>>
      %dma_wait3A_497 = arith.constant 0 : i32
      %dma_wait3A_498 = tpu.memref_slice %arg6[%add3A_282, %dma_wait3A_497] : memref<256x64xf32, #tpu.memory_space<vmem>> -> memref<1x64xf32, #tpu.memory_space<vmem>>
      %dma_wait3A_499 = tpu.memref_squeeze %dma_wait3A_498 : memref<1x64xf32, #tpu.memory_space<vmem>> -> memref<64xf32, #tpu.memory_space<vmem>>
      %dma_wait3A_500 = arith.constant 0 : i32
      %dma_wait3A_501 = tpu.memref_slice %arg3[%dma_wait3A_490, %squeeze3A_280, %dma_wait3A_500] : memref<1x1000000x64xf32, #tpu.memory_space<hbm>> -> memref<1x1x64xf32, #tpu.memory_space<hbm>>
      %dma_wait3A_502 = tpu.memref_squeeze %dma_wait3A_501 : memref<1x1x64xf32, #tpu.memory_space<hbm>> -> memref<64xf32, #tpu.memory_space<hbm>>
      tpu.wait_dma2 semaphore(%arg7 : memref<!tpu.dma_semaphore, #tpu.memory_space<semaphore_mem>>) src(%dma_wait3A_502 : memref<64xf32, #tpu.memory_space<hbm>>) dst(%dma_wait3A_499 : memref<64xf32, #tpu.memory_space<vmem>>)
    }
    %scan3A_7 = arith.constant 16 : i32
    %add3A_8 = arith.constant 0 : i32
    %add3A_9 = arith.addi %mul3A_2, %add3A_8 : i32
    "tpu.region"() ({
      %run_scoped3A = tpu.sem_alloc : memref<!tpu.dma_semaphore, #tpu.memory_space<semaphore_mem>>
      %dma_start3A = arith.constant 0 : i32
      %dma_start3A_18 = tpu.memref_slice %arg4[%add3A_9, %dma_start3A] : memref<16384x64xf32, #tpu.memory_space<hbm>> -> memref<256x64xf32, #tpu.memory_space<hbm>>
      %dma_start3A_19 = arith.constant 0 : i32
      %dma_start3A_20 = tpu.memref_slice %arg4[%add3A_9, %dma_start3A_19] : memref<16384x64xf32, #tpu.memory_space<hbm>> -> memref<256x64xf32, #tpu.memory_space<hbm>>
      tpu.enqueue_dma source(%arg6 : memref<256x64xf32, #tpu.memory_space<vmem>>) target(%dma_start3A_20 : memref<256x64xf32, #tpu.memory_space<hbm>>) target_semaphore(%run_scoped3A : memref<!tpu.dma_semaphore, #tpu.memory_space<semaphore_mem>>)
      %dma_wait3A = arith.constant 0 : i32
      %dma_wait3A_21 = tpu.memref_slice %arg4[%add3A_9, %dma_wait3A] : memref<16384x64xf32, #tpu.memory_space<hbm>> -> memref<256x64xf32, #tpu.memory_space<hbm>>
      %dma_wait3A_22 = arith.constant 0 : i32
      %dma_wait3A_23 = tpu.memref_slice %arg4[%add3A_9, %dma_wait3A_22] : memref<16384x64xf32, #tpu.memory_space<hbm>> -> memref<256x64xf32, #tpu.memory_space<hbm>>
      tpu.wait_dma2 semaphore(%run_scoped3A : memref<!tpu.dma_semaphore, #tpu.memory_space<semaphore_mem>>) src(%arg6 : memref<256x64xf32, #tpu.memory_space<vmem>>) dst(%dma_wait3A_23 : memref<256x64xf32, #tpu.memory_space<hbm>>)
      tpu.yield
    }) : () -> ()
    %scan3A_10 = arith.constant 0 : i32
    %scan3A_11 = arith.constant 0 : i32
    %scan3A_12 = arith.constant 16 : i32
    %scan3A_13 = arith.addi %scan3A_11, %scan3A_12 : i32
    %scan3A_14 = arith.constant 1 : i32
    scf.for %scan3A_18 = %scan3A_11 to %scan3A_13 step %scan3A_14  : i32 {
      %mul3A_19 = arith.constant 16 : i32
      %mul3A_20 = arith.muli %scan3A_18, %mul3A_19 : i32
      %add3A_21 = arith.constant 256 : i32
      %add3A_22 = arith.addi %add3A_21, %mul3A_20 : i32
      %mul3A_23 = arith.constant 16 : i32
      %mul3A_24 = arith.muli %scan3A_18, %mul3A_23 : i32
      %get3A = arith.index_cast %add3A_22 : i32 to index
      %get3A_25 = tpu.vector_load %arg5[%get3A] {strides = array<i32>} : memref<512xi32, #tpu.memory_space<vmem>>, vector<16xi32>,
      %get3A_26 = vector.shape_cast %get3A_25 : vector<16xi32> to vector<16xi32>
      %slice3A = vector.extract_strided_slice %get3A_26 {offsets = [0], sizes = [1], strides = [1]} : vector<16xi32> to vector<1xi32>
      %squeeze3A = vector.extract %slice3A[0] : i32 from vector<1xi32>
      %add3A_27 = arith.constant 0 : i32
      %add3A_28 = arith.addi %mul3A_24, %add3A_27 : i32
      %dma_start3A = arith.constant 0 : i32
      %dma_start3A_29 = arith.constant 0 : i32
      %dma_start3A_30 = tpu.memref_slice %arg6[%add3A_28, %dma_start3A_29] : memref<256x64xf32, #tpu.memory_space<vmem>> -> memref<1x64xf32, #tpu.memory_space<vmem>>
      %dma_start3A_31 = tpu.memref_squeeze %dma_start3A_30 : memref<1x64xf32, #tpu.memory_space<vmem>> -> memref<64xf32, #tpu.memory_space<vmem>>
      %dma_start3A_32 = arith.constant 0 : i32
      %dma_start3A_33 = tpu.memref_slice %arg3[%dma_start3A, %squeeze3A, %dma_start3A_32] : memref<1x1000000x64xf32, #tpu.memory_space<hbm>> -> memref<1x1x64xf32, #tpu.memory_space<hbm>>
      %dma_start3A_34 = tpu.memref_squeeze %dma_start3A_33 : memref<1x1x64xf32, #tpu.memory_space<hbm>> -> memref<64xf32, #tpu.memory_space<hbm>>
      %dma_start3A_35 = arith.constant 0 : i32
      %dma_start3A_36 = tpu.memref_slice %arg6[%add3A_28, %dma_start3A_35] : memref<256x64xf32, #tpu.memory_space<vmem>> -> memref<1x64xf32, #tpu.memory_space<vmem>>
      %dma_start3A_37 = tpu.memref_squeeze %dma_start3A_36 : memref<1x64xf32, #tpu.memory_space<vmem>> -> memref<64xf32, #tpu.memory_space<vmem>>
      %dma_start3A_38 = arith.constant 0 : i32
      %dma_start3A_39 = tpu.memref_slice %arg3[%dma_start3A, %squeeze3A, %dma_start3A_38] : memref<1x1000000x64xf32, #tpu.memory_space<hbm>> -> memref<1x1x64xf32, #tpu.memory_space<hbm>>
      %dma_start3A_40 = tpu.memref_squeeze %dma_start3A_39 : memref<1x1x64xf32, #tpu.memory_space<hbm>> -> memref<64xf32, #tpu.memory_space<hbm>>
      tpu.enqueue_dma source(%dma_start3A_40 : memref<64xf32, #tpu.memory_space<hbm>>) target(%dma_start3A_37 : memref<64xf32, #tpu.memory_space<vmem>>) target_semaphore(%arg7 : memref<!tpu.dma_semaphore, #tpu.memory_space<semaphore_mem>>)
      %slice3A_41 = vector.extract_strided_slice %get3A_26 {offsets = [1], sizes = [1], strides = [1]} : vector<16xi32> to vector<1xi32>
      %squeeze3A_42 = vector.extract %slice3A_41[0] : i32 from vector<1xi32>
      %add3A_43 = arith.constant 1 : i32
      %add3A_44 = arith.addi %mul3A_24, %add3A_43 : i32
      %dma_start3A_45 = arith.constant 0 : i32
      %dma_start3A_46 = arith.constant 0 : i32
      %dma_start3A_47 = tpu.memref_slice %arg6[%add3A_44, %dma_start3A_46] : memref<256x64xf32, #tpu.memory_space<vmem>> -> memref<1x64xf32, #tpu.memory_space<vmem>>
      %dma_start3A_48 = tpu.memref_squeeze %dma_start3A_47 : memref<1x64xf32, #tpu.memory_space<vmem>> -> memref<64xf32, #tpu.memory_space<vmem>>
      %dma_start3A_49 = arith.constant 0 : i32
      %dma_start3A_50 = tpu.memref_slice %arg3[%dma_start3A_45, %squeeze3A_42, %dma_start3A_49] : memref<1x1000000x64xf32, #tpu.memory_space<hbm>> -> memref<1x1x64xf32, #tpu.memory_space<hbm>>
      %dma_start3A_51 = tpu.memref_squeeze %dma_start3A_50 : memref<1x1x64xf32, #tpu.memory_space<hbm>> -> memref<64xf32, #tpu.memory_space<hbm>>
      %dma_start3A_52 = arith.constant 0 : i32
      %dma_start3A_53 = tpu.memref_slice %arg6[%add3A_44, %dma_start3A_52] : memref<256x64xf32, #tpu.memory_space<vmem>> -> memref<1x64xf32, #tpu.memory_space<vmem>>
      %dma_start3A_54 = tpu.memref_squeeze %dma_start3A_53 : memref<1x64xf32, #tpu.memory_space<vmem>> -> memref<64xf32, #tpu.memory_space<vmem>>
      %dma_start3A_55 = arith.constant 0 : i32
      %dma_start3A_56 = tpu.memref_slice %arg3[%dma_start3A_45, %squeeze3A_42, %dma_start3A_55] : memref<1x1000000x64xf32, #tpu.memory_space<hbm>> -> memref<1x1x64xf32, #tpu.memory_space<hbm>>
      %dma_start3A_57 = tpu.memref_squeeze %dma_start3A_56 : memref<1x1x64xf32, #tpu.memory_space<hbm>> -> memref<64xf32, #tpu.memory_space<hbm>>
      tpu.enqueue_dma source(%dma_start3A_57 : memref<64xf32, #tpu.memory_space<hbm>>) target(%dma_start3A_54 : memref<64xf32, #tpu.memory_space<vmem>>) target_semaphore(%arg7 : memref<!tpu.dma_semaphore, #tpu.memory_space<semaphore_mem>>)
      %slice3A_58 = vector.extract_strided_slice %get3A_26 {offsets = [2], sizes = [1], strides = [1]} : vector<16xi32> to vector<1xi32>
      %squeeze3A_59 = vector.extract %slice3A_58[0] : i32 from vector<1xi32>
      %add3A_60 = arith.constant 2 : i32
      %add3A_61 = arith.addi %mul3A_24, %add3A_60 : i32
      %dma_start3A_62 = arith.constant 0 : i32
      %dma_start3A_63 = arith.constant 0 : i32
      %dma_start3A_64 = tpu.memref_slice %arg6[%add3A_61, %dma_start3A_63] : memref<256x64xf32, #tpu.memory_space<vmem>> -> memref<1x64xf32, #tpu.memory_space<vmem>>
      %dma_start3A_65 = tpu.memref_squeeze %dma_start3A_64 : memref<1x64xf32, #tpu.memory_space<vmem>> -> memref<64xf32, #tpu.memory_space<vmem>>
      %dma_start3A_66 = arith.constant 0 : i32
      %dma_start3A_67 = tpu.memref_slice %arg3[%dma_start3A_62, %squeeze3A_59, %dma_start3A_66] : memref<1x1000000x64xf32, #tpu.memory_space<hbm>> -> memref<1x1x64xf32, #tpu.memory_space<hbm>>
      %dma_start3A_68 = tpu.memref_squeeze %dma_start3A_67 : memref<1x1x64xf32, #tpu.memory_space<hbm>> -> memref<64xf32, #tpu.memory_space<hbm>>
      %dma_start3A_69 = arith.constant 0 : i32
      %dma_start3A_70 = tpu.memref_slice %arg6[%add3A_61, %dma_start3A_69] : memref<256x64xf32, #tpu.memory_space<vmem>> -> memref<1x64xf32, #tpu.memory_space<vmem>>
      %dma_start3A_71 = tpu.memref_squeeze %dma_start3A_70 : memref<1x64xf32, #tpu.memory_space<vmem>> -> memref<64xf32, #tpu.memory_space<vmem>>
      %dma_start3A_72 = arith.constant 0 : i32
      %dma_start3A_73 = tpu.memref_slice %arg3[%dma_start3A_62, %squeeze3A_59, %dma_start3A_72] : memref<1x1000000x64xf32, #tpu.memory_space<hbm>> -> memref<1x1x64xf32, #tpu.memory_space<hbm>>
      %dma_start3A_74 = tpu.memref_squeeze %dma_start3A_73 : memref<1x1x64xf32, #tpu.memory_space<hbm>> -> memref<64xf32, #tpu.memory_space<hbm>>
      tpu.enqueue_dma source(%dma_start3A_74 : memref<64xf32, #tpu.memory_space<hbm>>) target(%dma_start3A_71 : memref<64xf32, #tpu.memory_space<vmem>>) target_semaphore(%arg7 : memref<!tpu.dma_semaphore, #tpu.memory_space<semaphore_mem>>)
      %slice3A_75 = vector.extract_strided_slice %get3A_26 {offsets = [3], sizes = [1], strides = [1]} : vector<16xi32> to vector<1xi32>
      %squeeze3A_76 = vector.extract %slice3A_75[0] : i32 from vector<1xi32>
      %add3A_77 = arith.constant 3 : i32
      %add3A_78 = arith.addi %mul3A_24, %add3A_77 : i32
      %dma_start3A_79 = arith.constant 0 : i32
      %dma_start3A_80 = arith.constant 0 : i32
      %dma_start3A_81 = tpu.memref_slice %arg6[%add3A_78, %dma_start3A_80] : memref<256x64xf32, #tpu.memory_space<vmem>> -> memref<1x64xf32, #tpu.memory_space<vmem>>
      %dma_start3A_82 = tpu.memref_squeeze %dma_start3A_81 : memref<1x64xf32, #tpu.memory_space<vmem>> -> memref<64xf32, #tpu.memory_space<vmem>>
      %dma_start3A_83 = arith.constant 0 : i32
      %dma_start3A_84 = tpu.memref_slice %arg3[%dma_start3A_79, %squeeze3A_76, %dma_start3A_83] : memref<1x1000000x64xf32, #tpu.memory_space<hbm>> -> memref<1x1x64xf32, #tpu.memory_space<hbm>>
      %dma_start3A_85 = tpu.memref_squeeze %dma_start3A_84 : memref<1x1x64xf32, #tpu.memory_space<hbm>> -> memref<64xf32, #tpu.memory_space<hbm>>
      %dma_start3A_86 = arith.constant 0 : i32
      %dma_start3A_87 = tpu.memref_slice %arg6[%add3A_78, %dma_start3A_86] : memref<256x64xf32, #tpu.memory_space<vmem>> -> memref<1x64xf32, #tpu.memory_space<vmem>>
      %dma_start3A_88 = tpu.memref_squeeze %dma_start3A_87 : memref<1x64xf32, #tpu.memory_space<vmem>> -> memref<64xf32, #tpu.memory_space<vmem>>
      %dma_start3A_89 = arith.constant 0 : i32
      %dma_start3A_90 = tpu.memref_slice %arg3[%dma_start3A_79, %squeeze3A_76, %dma_start3A_89] : memref<1x1000000x64xf32, #tpu.memory_space<hbm>> -> memref<1x1x64xf32, #tpu.memory_space<hbm>>
      %dma_start3A_91 = tpu.memref_squeeze %dma_start3A_90 : memref<1x1x64xf32, #tpu.memory_space<hbm>> -> memref<64xf32, #tpu.memory_space<hbm>>
      tpu.enqueue_dma source(%dma_start3A_91 : memref<64xf32, #tpu.memory_space<hbm>>) target(%dma_start3A_88 : memref<64xf32, #tpu.memory_space<vmem>>) target_semaphore(%arg7 : memref<!tpu.dma_semaphore, #tpu.memory_space<semaphore_mem>>)
      %slice3A_92 = vector.extract_strided_slice %get3A_26 {offsets = [4], sizes = [1], strides = [1]} : vector<16xi32> to vector<1xi32>
      %squeeze3A_93 = vector.extract %slice3A_92[0] : i32 from vector<1xi32>
      %add3A_94 = arith.constant 4 : i32
      %add3A_95 = arith.addi %mul3A_24, %add3A_94 : i32
      %dma_start3A_96 = arith.constant 0 : i32
      %dma_start3A_97 = arith.constant 0 : i32
      %dma_start3A_98 = tpu.memref_slice %arg6[%add3A_95, %dma_start3A_97] : memref<256x64xf32, #tpu.memory_space<vmem>> -> memref<1x64xf32, #tpu.memory_space<vmem>>
      %dma_start3A_99 = tpu.memref_squeeze %dma_start3A_98 : memref<1x64xf32, #tpu.memory_space<vmem>> -> memref<64xf32, #tpu.memory_space<vmem>>
      %dma_start3A_100 = arith.constant 0 : i32
      %dma_start3A_101 = tpu.memref_slice %arg3[%dma_start3A_96, %squeeze3A_93, %dma_start3A_100] : memref<1x1000000x64xf32, #tpu.memory_space<hbm>> -> memref<1x1x64xf32, #tpu.memory_space<hbm>>
      %dma_start3A_102 = tpu.memref_squeeze %dma_start3A_101 : memref<1x1x64xf32, #tpu.memory_space<hbm>> -> memref<64xf32, #tpu.memory_space<hbm>>
      %dma_start3A_103 = arith.constant 0 : i32
      %dma_start3A_104 = tpu.memref_slice %arg6[%add3A_95, %dma_start3A_103] : memref<256x64xf32, #tpu.memory_space<vmem>> -> memref<1x64xf32, #tpu.memory_space<vmem>>
      %dma_start3A_105 = tpu.memref_squeeze %dma_start3A_104 : memref<1x64xf32, #tpu.memory_space<vmem>> -> memref<64xf32, #tpu.memory_space<vmem>>
      %dma_start3A_106 = arith.constant 0 : i32
      %dma_start3A_107 = tpu.memref_slice %arg3[%dma_start3A_96, %squeeze3A_93, %dma_start3A_106] : memref<1x1000000x64xf32, #tpu.memory_space<hbm>> -> memref<1x1x64xf32, #tpu.memory_space<hbm>>
      %dma_start3A_108 = tpu.memref_squeeze %dma_start3A_107 : memref<1x1x64xf32, #tpu.memory_space<hbm>> -> memref<64xf32, #tpu.memory_space<hbm>>
      tpu.enqueue_dma source(%dma_start3A_108 : memref<64xf32, #tpu.memory_space<hbm>>) target(%dma_start3A_105 : memref<64xf32, #tpu.memory_space<vmem>>) target_semaphore(%arg7 : memref<!tpu.dma_semaphore, #tpu.memory_space<semaphore_mem>>)
      %slice3A_109 = vector.extract_strided_slice %get3A_26 {offsets = [5], sizes = [1], strides = [1]} : vector<16xi32> to vector<1xi32>
      %squeeze3A_110 = vector.extract %slice3A_109[0] : i32 from vector<1xi32>
      %add3A_111 = arith.constant 5 : i32
      %add3A_112 = arith.addi %mul3A_24, %add3A_111 : i32
      %dma_start3A_113 = arith.constant 0 : i32
      %dma_start3A_114 = arith.constant 0 : i32
      %dma_start3A_115 = tpu.memref_slice %arg6[%add3A_112, %dma_start3A_114] : memref<256x64xf32, #tpu.memory_space<vmem>> -> memref<1x64xf32, #tpu.memory_space<vmem>>
      %dma_start3A_116 = tpu.memref_squeeze %dma_start3A_115 : memref<1x64xf32, #tpu.memory_space<vmem>> -> memref<64xf32, #tpu.memory_space<vmem>>
      %dma_start3A_117 = arith.constant 0 : i32
      %dma_start3A_118 = tpu.memref_slice %arg3[%dma_start3A_113, %squeeze3A_110, %dma_start3A_117] : memref<1x1000000x64xf32, #tpu.memory_space<hbm>> -> memref<1x1x64xf32, #tpu.memory_space<hbm>>
      %dma_start3A_119 = tpu.memref_squeeze %dma_start3A_118 : memref<1x1x64xf32, #tpu.memory_space<hbm>> -> memref<64xf32, #tpu.memory_space<hbm>>
      %dma_start3A_120 = arith.constant 0 : i32
      %dma_start3A_121 = tpu.memref_slice %arg6[%add3A_112, %dma_start3A_120] : memref<256x64xf32, #tpu.memory_space<vmem>> -> memref<1x64xf32, #tpu.memory_space<vmem>>
      %dma_start3A_122 = tpu.memref_squeeze %dma_start3A_121 : memref<1x64xf32, #tpu.memory_space<vmem>> -> memref<64xf32, #tpu.memory_space<vmem>>
      %dma_start3A_123 = arith.constant 0 : i32
      %dma_start3A_124 = tpu.memref_slice %arg3[%dma_start3A_113, %squeeze3A_110, %dma_start3A_123] : memref<1x1000000x64xf32, #tpu.memory_space<hbm>> -> memref<1x1x64xf32, #tpu.memory_space<hbm>>
      %dma_start3A_125 = tpu.memref_squeeze %dma_start3A_124 : memref<1x1x64xf32, #tpu.memory_space<hbm>> -> memref<64xf32, #tpu.memory_space<hbm>>
      tpu.enqueue_dma source(%dma_start3A_125 : memref<64xf32, #tpu.memory_space<hbm>>) target(%dma_start3A_122 : memref<64xf32, #tpu.memory_space<vmem>>) target_semaphore(%arg7 : memref<!tpu.dma_semaphore, #tpu.memory_space<semaphore_mem>>)
      %slice3A_126 = vector.extract_strided_slice %get3A_26 {offsets = [6], sizes = [1], strides = [1]} : vector<16xi32> to vector<1xi32>
      %squeeze3A_127 = vector.extract %slice3A_126[0] : i32 from vector<1xi32>
      %add3A_128 = arith.constant 6 : i32
      %add3A_129 = arith.addi %mul3A_24, %add3A_128 : i32
      %dma_start3A_130 = arith.constant 0 : i32
      %dma_start3A_131 = arith.constant 0 : i32
      %dma_start3A_132 = tpu.memref_slice %arg6[%add3A_129, %dma_start3A_131] : memref<256x64xf32, #tpu.memory_space<vmem>> -> memref<1x64xf32, #tpu.memory_space<vmem>>
      %dma_start3A_133 = tpu.memref_squeeze %dma_start3A_132 : memref<1x64xf32, #tpu.memory_space<vmem>> -> memref<64xf32, #tpu.memory_space<vmem>>
      %dma_start3A_134 = arith.constant 0 : i32
      %dma_start3A_135 = tpu.memref_slice %arg3[%dma_start3A_130, %squeeze3A_127, %dma_start3A_134] : memref<1x1000000x64xf32, #tpu.memory_space<hbm>> -> memref<1x1x64xf32, #tpu.memory_space<hbm>>
      %dma_start3A_136 = tpu.memref_squeeze %dma_start3A_135 : memref<1x1x64xf32, #tpu.memory_space<hbm>> -> memref<64xf32, #tpu.memory_space<hbm>>
      %dma_start3A_137 = arith.constant 0 : i32
      %dma_start3A_138 = tpu.memref_slice %arg6[%add3A_129, %dma_start3A_137] : memref<256x64xf32, #tpu.memory_space<vmem>> -> memref<1x64xf32, #tpu.memory_space<vmem>>
      %dma_start3A_139 = tpu.memref_squeeze %dma_start3A_138 : memref<1x64xf32, #tpu.memory_space<vmem>> -> memref<64xf32, #tpu.memory_space<vmem>>
      %dma_start3A_140 = arith.constant 0 : i32
      %dma_start3A_141 = tpu.memref_slice %arg3[%dma_start3A_130, %squeeze3A_127, %dma_start3A_140] : memref<1x1000000x64xf32, #tpu.memory_space<hbm>> -> memref<1x1x64xf32, #tpu.memory_space<hbm>>
      %dma_start3A_142 = tpu.memref_squeeze %dma_start3A_141 : memref<1x1x64xf32, #tpu.memory_space<hbm>> -> memref<64xf32, #tpu.memory_space<hbm>>
      tpu.enqueue_dma source(%dma_start3A_142 : memref<64xf32, #tpu.memory_space<hbm>>) target(%dma_start3A_139 : memref<64xf32, #tpu.memory_space<vmem>>) target_semaphore(%arg7 : memref<!tpu.dma_semaphore, #tpu.memory_space<semaphore_mem>>)
      %slice3A_143 = vector.extract_strided_slice %get3A_26 {offsets = [7], sizes = [1], strides = [1]} : vector<16xi32> to vector<1xi32>
      %squeeze3A_144 = vector.extract %slice3A_143[0] : i32 from vector<1xi32>
      %add3A_145 = arith.constant 7 : i32
      %add3A_146 = arith.addi %mul3A_24, %add3A_145 : i32
      %dma_start3A_147 = arith.constant 0 : i32
      %dma_start3A_148 = arith.constant 0 : i32
      %dma_start3A_149 = tpu.memref_slice %arg6[%add3A_146, %dma_start3A_148] : memref<256x64xf32, #tpu.memory_space<vmem>> -> memref<1x64xf32, #tpu.memory_space<vmem>>
      %dma_start3A_150 = tpu.memref_squeeze %dma_start3A_149 : memref<1x64xf32, #tpu.memory_space<vmem>> -> memref<64xf32, #tpu.memory_space<vmem>>
      %dma_start3A_151 = arith.constant 0 : i32
      %dma_start3A_152 = tpu.memref_slice %arg3[%dma_start3A_147, %squeeze3A_144, %dma_start3A_151] : memref<1x1000000x64xf32, #tpu.memory_space<hbm>> -> memref<1x1x64xf32, #tpu.memory_space<hbm>>
      %dma_start3A_153 = tpu.memref_squeeze %dma_start3A_152 : memref<1x1x64xf32, #tpu.memory_space<hbm>> -> memref<64xf32, #tpu.memory_space<hbm>>
      %dma_start3A_154 = arith.constant 0 : i32
      %dma_start3A_155 = tpu.memref_slice %arg6[%add3A_146, %dma_start3A_154] : memref<256x64xf32, #tpu.memory_space<vmem>> -> memref<1x64xf32, #tpu.memory_space<vmem>>
      %dma_start3A_156 = tpu.memref_squeeze %dma_start3A_155 : memref<1x64xf32, #tpu.memory_space<vmem>> -> memref<64xf32, #tpu.memory_space<vmem>>
      %dma_start3A_157 = arith.constant 0 : i32
      %dma_start3A_158 = tpu.memref_slice %arg3[%dma_start3A_147, %squeeze3A_144, %dma_start3A_157] : memref<1x1000000x64xf32, #tpu.memory_space<hbm>> -> memref<1x1x64xf32, #tpu.memory_space<hbm>>
      %dma_start3A_159 = tpu.memref_squeeze %dma_start3A_158 : memref<1x1x64xf32, #tpu.memory_space<hbm>> -> memref<64xf32, #tpu.memory_space<hbm>>
      tpu.enqueue_dma source(%dma_start3A_159 : memref<64xf32, #tpu.memory_space<hbm>>) target(%dma_start3A_156 : memref<64xf32, #tpu.memory_space<vmem>>) target_semaphore(%arg7 : memref<!tpu.dma_semaphore, #tpu.memory_space<semaphore_mem>>)
      %slice3A_160 = vector.extract_strided_slice %get3A_26 {offsets = [8], sizes = [1], strides = [1]} : vector<16xi32> to vector<1xi32>
      %squeeze3A_161 = vector.extract %slice3A_160[0] : i32 from vector<1xi32>
      %add3A_162 = arith.constant 8 : i32
      %add3A_163 = arith.addi %mul3A_24, %add3A_162 : i32
      %dma_start3A_164 = arith.constant 0 : i32
      %dma_start3A_165 = arith.constant 0 : i32
      %dma_start3A_166 = tpu.memref_slice %arg6[%add3A_163, %dma_start3A_165] : memref<256x64xf32, #tpu.memory_space<vmem>> -> memref<1x64xf32, #tpu.memory_space<vmem>>
      %dma_start3A_167 = tpu.memref_squeeze %dma_start3A_166 : memref<1x64xf32, #tpu.memory_space<vmem>> -> memref<64xf32, #tpu.memory_space<vmem>>
      %dma_start3A_168 = arith.constant 0 : i32
      %dma_start3A_169 = tpu.memref_slice %arg3[%dma_start3A_164, %squeeze3A_161, %dma_start3A_168] : memref<1x1000000x64xf32, #tpu.memory_space<hbm>> -> memref<1x1x64xf32, #tpu.memory_space<hbm>>
      %dma_start3A_170 = tpu.memref_squeeze %dma_start3A_169 : memref<1x1x64xf32, #tpu.memory_space<hbm>> -> memref<64xf32, #tpu.memory_space<hbm>>
      %dma_start3A_171 = arith.constant 0 : i32
      %dma_start3A_172 = tpu.memref_slice %arg6[%add3A_163, %dma_start3A_171] : memref<256x64xf32, #tpu.memory_space<vmem>> -> memref<1x64xf32, #tpu.memory_space<vmem>>
      %dma_start3A_173 = tpu.memref_squeeze %dma_start3A_172 : memref<1x64xf32, #tpu.memory_space<vmem>> -> memref<64xf32, #tpu.memory_space<vmem>>
      %dma_start3A_174 = arith.constant 0 : i32
      %dma_start3A_175 = tpu.memref_slice %arg3[%dma_start3A_164, %squeeze3A_161, %dma_start3A_174] : memref<1x1000000x64xf32, #tpu.memory_space<hbm>> -> memref<1x1x64xf32, #tpu.memory_space<hbm>>
      %dma_start3A_176 = tpu.memref_squeeze %dma_start3A_175 : memref<1x1x64xf32, #tpu.memory_space<hbm>> -> memref<64xf32, #tpu.memory_space<hbm>>
      tpu.enqueue_dma source(%dma_start3A_176 : memref<64xf32, #tpu.memory_space<hbm>>) target(%dma_start3A_173 : memref<64xf32, #tpu.memory_space<vmem>>) target_semaphore(%arg7 : memref<!tpu.dma_semaphore, #tpu.memory_space<semaphore_mem>>)
      %slice3A_177 = vector.extract_strided_slice %get3A_26 {offsets = [9], sizes = [1], strides = [1]} : vector<16xi32> to vector<1xi32>
      %squeeze3A_178 = vector.extract %slice3A_177[0] : i32 from vector<1xi32>
      %add3A_179 = arith.constant 9 : i32
      %add3A_180 = arith.addi %mul3A_24, %add3A_179 : i32
      %dma_start3A_181 = arith.constant 0 : i32
      %dma_start3A_182 = arith.constant 0 : i32
      %dma_start3A_183 = tpu.memref_slice %arg6[%add3A_180, %dma_start3A_182] : memref<256x64xf32, #tpu.memory_space<vmem>> -> memref<1x64xf32, #tpu.memory_space<vmem>>
      %dma_start3A_184 = tpu.memref_squeeze %dma_start3A_183 : memref<1x64xf32, #tpu.memory_space<vmem>> -> memref<64xf32, #tpu.memory_space<vmem>>
      %dma_start3A_185 = arith.constant 0 : i32
      %dma_start3A_186 = tpu.memref_slice %arg3[%dma_start3A_181, %squeeze3A_178, %dma_start3A_185] : memref<1x1000000x64xf32, #tpu.memory_space<hbm>> -> memref<1x1x64xf32, #tpu.memory_space<hbm>>
      %dma_start3A_187 = tpu.memref_squeeze %dma_start3A_186 : memref<1x1x64xf32, #tpu.memory_space<hbm>> -> memref<64xf32, #tpu.memory_space<hbm>>
      %dma_start3A_188 = arith.constant 0 : i32
      %dma_start3A_189 = tpu.memref_slice %arg6[%add3A_180, %dma_start3A_188] : memref<256x64xf32, #tpu.memory_space<vmem>> -> memref<1x64xf32, #tpu.memory_space<vmem>>
      %dma_start3A_190 = tpu.memref_squeeze %dma_start3A_189 : memref<1x64xf32, #tpu.memory_space<vmem>> -> memref<64xf32, #tpu.memory_space<vmem>>
      %dma_start3A_191 = arith.constant 0 : i32
      %dma_start3A_192 = tpu.memref_slice %arg3[%dma_start3A_181, %squeeze3A_178, %dma_start3A_191] : memref<1x1000000x64xf32, #tpu.memory_space<hbm>> -> memref<1x1x64xf32, #tpu.memory_space<hbm>>
      %dma_start3A_193 = tpu.memref_squeeze %dma_start3A_192 : memref<1x1x64xf32, #tpu.memory_space<hbm>> -> memref<64xf32, #tpu.memory_space<hbm>>
      tpu.enqueue_dma source(%dma_start3A_193 : memref<64xf32, #tpu.memory_space<hbm>>) target(%dma_start3A_190 : memref<64xf32, #tpu.memory_space<vmem>>) target_semaphore(%arg7 : memref<!tpu.dma_semaphore, #tpu.memory_space<semaphore_mem>>)
      %slice3A_194 = vector.extract_strided_slice %get3A_26 {offsets = [10], sizes = [1], strides = [1]} : vector<16xi32> to vector<1xi32>
      %squeeze3A_195 = vector.extract %slice3A_194[0] : i32 from vector<1xi32>
      %add3A_196 = arith.constant 10 : i32
      %add3A_197 = arith.addi %mul3A_24, %add3A_196 : i32
      %dma_start3A_198 = arith.constant 0 : i32
      %dma_start3A_199 = arith.constant 0 : i32
      %dma_start3A_200 = tpu.memref_slice %arg6[%add3A_197, %dma_start3A_199] : memref<256x64xf32, #tpu.memory_space<vmem>> -> memref<1x64xf32, #tpu.memory_space<vmem>>
      %dma_start3A_201 = tpu.memref_squeeze %dma_start3A_200 : memref<1x64xf32, #tpu.memory_space<vmem>> -> memref<64xf32, #tpu.memory_space<vmem>>
      %dma_start3A_202 = arith.constant 0 : i32
      %dma_start3A_203 = tpu.memref_slice %arg3[%dma_start3A_198, %squeeze3A_195, %dma_start3A_202] : memref<1x1000000x64xf32, #tpu.memory_space<hbm>> -> memref<1x1x64xf32, #tpu.memory_space<hbm>>
      %dma_start3A_204 = tpu.memref_squeeze %dma_start3A_203 : memref<1x1x64xf32, #tpu.memory_space<hbm>> -> memref<64xf32, #tpu.memory_space<hbm>>
      %dma_start3A_205 = arith.constant 0 : i32
      %dma_start3A_206 = tpu.memref_slice %arg6[%add3A_197, %dma_start3A_205] : memref<256x64xf32, #tpu.memory_space<vmem>> -> memref<1x64xf32, #tpu.memory_space<vmem>>
      %dma_start3A_207 = tpu.memref_squeeze %dma_start3A_206 : memref<1x64xf32, #tpu.memory_space<vmem>> -> memref<64xf32, #tpu.memory_space<vmem>>
      %dma_start3A_208 = arith.constant 0 : i32
      %dma_start3A_209 = tpu.memref_slice %arg3[%dma_start3A_198, %squeeze3A_195, %dma_start3A_208] : memref<1x1000000x64xf32, #tpu.memory_space<hbm>> -> memref<1x1x64xf32, #tpu.memory_space<hbm>>
      %dma_start3A_210 = tpu.memref_squeeze %dma_start3A_209 : memref<1x1x64xf32, #tpu.memory_space<hbm>> -> memref<64xf32, #tpu.memory_space<hbm>>
      tpu.enqueue_dma source(%dma_start3A_210 : memref<64xf32, #tpu.memory_space<hbm>>) target(%dma_start3A_207 : memref<64xf32, #tpu.memory_space<vmem>>) target_semaphore(%arg7 : memref<!tpu.dma_semaphore, #tpu.memory_space<semaphore_mem>>)
      %slice3A_211 = vector.extract_strided_slice %get3A_26 {offsets = [11], sizes = [1], strides = [1]} : vector<16xi32> to vector<1xi32>
      %squeeze3A_212 = vector.extract %slice3A_211[0] : i32 from vector<1xi32>
      %add3A_213 = arith.constant 11 : i32
      %add3A_214 = arith.addi %mul3A_24, %add3A_213 : i32
      %dma_start3A_215 = arith.constant 0 : i32
      %dma_start3A_216 = arith.constant 0 : i32
      %dma_start3A_217 = tpu.memref_slice %arg6[%add3A_214, %dma_start3A_216] : memref<256x64xf32, #tpu.memory_space<vmem>> -> memref<1x64xf32, #tpu.memory_space<vmem>>
      %dma_start3A_218 = tpu.memref_squeeze %dma_start3A_217 : memref<1x64xf32, #tpu.memory_space<vmem>> -> memref<64xf32, #tpu.memory_space<vmem>>
      %dma_start3A_219 = arith.constant 0 : i32
      %dma_start3A_220 = tpu.memref_slice %arg3[%dma_start3A_215, %squeeze3A_212, %dma_start3A_219] : memref<1x1000000x64xf32, #tpu.memory_space<hbm>> -> memref<1x1x64xf32, #tpu.memory_space<hbm>>
      %dma_start3A_221 = tpu.memref_squeeze %dma_start3A_220 : memref<1x1x64xf32, #tpu.memory_space<hbm>> -> memref<64xf32, #tpu.memory_space<hbm>>
      %dma_start3A_222 = arith.constant 0 : i32
      %dma_start3A_223 = tpu.memref_slice %arg6[%add3A_214, %dma_start3A_222] : memref<256x64xf32, #tpu.memory_space<vmem>> -> memref<1x64xf32, #tpu.memory_space<vmem>>
      %dma_start3A_224 = tpu.memref_squeeze %dma_start3A_223 : memref<1x64xf32, #tpu.memory_space<vmem>> -> memref<64xf32, #tpu.memory_space<vmem>>
      %dma_start3A_225 = arith.constant 0 : i32
      %dma_start3A_226 = tpu.memref_slice %arg3[%dma_start3A_215, %squeeze3A_212, %dma_start3A_225] : memref<1x1000000x64xf32, #tpu.memory_space<hbm>> -> memref<1x1x64xf32, #tpu.memory_space<hbm>>
      %dma_start3A_227 = tpu.memref_squeeze %dma_start3A_226 : memref<1x1x64xf32, #tpu.memory_space<hbm>> -> memref<64xf32, #tpu.memory_space<hbm>>
      tpu.enqueue_dma source(%dma_start3A_227 : memref<64xf32, #tpu.memory_space<hbm>>) target(%dma_start3A_224 : memref<64xf32, #tpu.memory_space<vmem>>) target_semaphore(%arg7 : memref<!tpu.dma_semaphore, #tpu.memory_space<semaphore_mem>>)
      %slice3A_228 = vector.extract_strided_slice %get3A_26 {offsets = [12], sizes = [1], strides = [1]} : vector<16xi32> to vector<1xi32>
      %squeeze3A_229 = vector.extract %slice3A_228[0] : i32 from vector<1xi32>
      %add3A_230 = arith.constant 12 : i32
      %add3A_231 = arith.addi %mul3A_24, %add3A_230 : i32
      %dma_start3A_232 = arith.constant 0 : i32
      %dma_start3A_233 = arith.constant 0 : i32
      %dma_start3A_234 = tpu.memref_slice %arg6[%add3A_231, %dma_start3A_233] : memref<256x64xf32, #tpu.memory_space<vmem>> -> memref<1x64xf32, #tpu.memory_space<vmem>>
      %dma_start3A_235 = tpu.memref_squeeze %dma_start3A_234 : memref<1x64xf32, #tpu.memory_space<vmem>> -> memref<64xf32, #tpu.memory_space<vmem>>
      %dma_start3A_236 = arith.constant 0 : i32
      %dma_start3A_237 = tpu.memref_slice %arg3[%dma_start3A_232, %squeeze3A_229, %dma_start3A_236] : memref<1x1000000x64xf32, #tpu.memory_space<hbm>> -> memref<1x1x64xf32, #tpu.memory_space<hbm>>
      %dma_start3A_238 = tpu.memref_squeeze %dma_start3A_237 : memref<1x1x64xf32, #tpu.memory_space<hbm>> -> memref<64xf32, #tpu.memory_space<hbm>>
      %dma_start3A_239 = arith.constant 0 : i32
      %dma_start3A_240 = tpu.memref_slice %arg6[%add3A_231, %dma_start3A_239] : memref<256x64xf32, #tpu.memory_space<vmem>> -> memref<1x64xf32, #tpu.memory_space<vmem>>
      %dma_start3A_241 = tpu.memref_squeeze %dma_start3A_240 : memref<1x64xf32, #tpu.memory_space<vmem>> -> memref<64xf32, #tpu.memory_space<vmem>>
      %dma_start3A_242 = arith.constant 0 : i32
      %dma_start3A_243 = tpu.memref_slice %arg3[%dma_start3A_232, %squeeze3A_229, %dma_start3A_242] : memref<1x1000000x64xf32, #tpu.memory_space<hbm>> -> memref<1x1x64xf32, #tpu.memory_space<hbm>>
      %dma_start3A_244 = tpu.memref_squeeze %dma_start3A_243 : memref<1x1x64xf32, #tpu.memory_space<hbm>> -> memref<64xf32, #tpu.memory_space<hbm>>
      tpu.enqueue_dma source(%dma_start3A_244 : memref<64xf32, #tpu.memory_space<hbm>>) target(%dma_start3A_241 : memref<64xf32, #tpu.memory_space<vmem>>) target_semaphore(%arg7 : memref<!tpu.dma_semaphore, #tpu.memory_space<semaphore_mem>>)
      %slice3A_245 = vector.extract_strided_slice %get3A_26 {offsets = [13], sizes = [1], strides = [1]} : vector<16xi32> to vector<1xi32>
      %squeeze3A_246 = vector.extract %slice3A_245[0] : i32 from vector<1xi32>
      %add3A_247 = arith.constant 13 : i32
      %add3A_248 = arith.addi %mul3A_24, %add3A_247 : i32
      %dma_start3A_249 = arith.constant 0 : i32
      %dma_start3A_250 = arith.constant 0 : i32
      %dma_start3A_251 = tpu.memref_slice %arg6[%add3A_248, %dma_start3A_250] : memref<256x64xf32, #tpu.memory_space<vmem>> -> memref<1x64xf32, #tpu.memory_space<vmem>>
      %dma_start3A_252 = tpu.memref_squeeze %dma_start3A_251 : memref<1x64xf32, #tpu.memory_space<vmem>> -> memref<64xf32, #tpu.memory_space<vmem>>
      %dma_start3A_253 = arith.constant 0 : i32
      %dma_start3A_254 = tpu.memref_slice %arg3[%dma_start3A_249, %squeeze3A_246, %dma_start3A_253] : memref<1x1000000x64xf32, #tpu.memory_space<hbm>> -> memref<1x1x64xf32, #tpu.memory_space<hbm>>
      %dma_start3A_255 = tpu.memref_squeeze %dma_start3A_254 : memref<1x1x64xf32, #tpu.memory_space<hbm>> -> memref<64xf32, #tpu.memory_space<hbm>>
      %dma_start3A_256 = arith.constant 0 : i32
      %dma_start3A_257 = tpu.memref_slice %arg6[%add3A_248, %dma_start3A_256] : memref<256x64xf32, #tpu.memory_space<vmem>> -> memref<1x64xf32, #tpu.memory_space<vmem>>
      %dma_start3A_258 = tpu.memref_squeeze %dma_start3A_257 : memref<1x64xf32, #tpu.memory_space<vmem>> -> memref<64xf32, #tpu.memory_space<vmem>>
      %dma_start3A_259 = arith.constant 0 : i32
      %dma_start3A_260 = tpu.memref_slice %arg3[%dma_start3A_249, %squeeze3A_246, %dma_start3A_259] : memref<1x1000000x64xf32, #tpu.memory_space<hbm>> -> memref<1x1x64xf32, #tpu.memory_space<hbm>>
      %dma_start3A_261 = tpu.memref_squeeze %dma_start3A_260 : memref<1x1x64xf32, #tpu.memory_space<hbm>> -> memref<64xf32, #tpu.memory_space<hbm>>
      tpu.enqueue_dma source(%dma_start3A_261 : memref<64xf32, #tpu.memory_space<hbm>>) target(%dma_start3A_258 : memref<64xf32, #tpu.memory_space<vmem>>) target_semaphore(%arg7 : memref<!tpu.dma_semaphore, #tpu.memory_space<semaphore_mem>>)
      %slice3A_262 = vector.extract_strided_slice %get3A_26 {offsets = [14], sizes = [1], strides = [1]} : vector<16xi32> to vector<1xi32>
      %squeeze3A_263 = vector.extract %slice3A_262[0] : i32 from vector<1xi32>
      %add3A_264 = arith.constant 14 : i32
      %add3A_265 = arith.addi %mul3A_24, %add3A_264 : i32
      %dma_start3A_266 = arith.constant 0 : i32
      %dma_start3A_267 = arith.constant 0 : i32
      %dma_start3A_268 = tpu.memref_slice %arg6[%add3A_265, %dma_start3A_267] : memref<256x64xf32, #tpu.memory_space<vmem>> -> memref<1x64xf32, #tpu.memory_space<vmem>>
      %dma_start3A_269 = tpu.memref_squeeze %dma_start3A_268 : memref<1x64xf32, #tpu.memory_space<vmem>> -> memref<64xf32, #tpu.memory_space<vmem>>
      %dma_start3A_270 = arith.constant 0 : i32
      %dma_start3A_271 = tpu.memref_slice %arg3[%dma_start3A_266, %squeeze3A_263, %dma_start3A_270] : memref<1x1000000x64xf32, #tpu.memory_space<hbm>> -> memref<1x1x64xf32, #tpu.memory_space<hbm>>
      %dma_start3A_272 = tpu.memref_squeeze %dma_start3A_271 : memref<1x1x64xf32, #tpu.memory_space<hbm>> -> memref<64xf32, #tpu.memory_space<hbm>>
      %dma_start3A_273 = arith.constant 0 : i32
      %dma_start3A_274 = tpu.memref_slice %arg6[%add3A_265, %dma_start3A_273] : memref<256x64xf32, #tpu.memory_space<vmem>> -> memref<1x64xf32, #tpu.memory_space<vmem>>
      %dma_start3A_275 = tpu.memref_squeeze %dma_start3A_274 : memref<1x64xf32, #tpu.memory_space<vmem>> -> memref<64xf32, #tpu.memory_space<vmem>>
      %dma_start3A_276 = arith.constant 0 : i32
      %dma_start3A_277 = tpu.memref_slice %arg3[%dma_start3A_266, %squeeze3A_263, %dma_start3A_276] : memref<1x1000000x64xf32, #tpu.memory_space<hbm>> -> memref<1x1x64xf32, #tpu.memory_space<hbm>>
      %dma_start3A_278 = tpu.memref_squeeze %dma_start3A_277 : memref<1x1x64xf32, #tpu.memory_space<hbm>> -> memref<64xf32, #tpu.memory_space<hbm>>
      tpu.enqueue_dma source(%dma_start3A_278 : memref<64xf32, #tpu.memory_space<hbm>>) target(%dma_start3A_275 : memref<64xf32, #tpu.memory_space<vmem>>) target_semaphore(%arg7 : memref<!tpu.dma_semaphore, #tpu.memory_space<semaphore_mem>>)
      %slice3A_279 = vector.extract_strided_slice %get3A_26 {offsets = [15], sizes = [1], strides = [1]} : vector<16xi32> to vector<1xi32>
      %squeeze3A_280 = vector.extract %slice3A_279[0] : i32 from vector<1xi32>
      %add3A_281 = arith.constant 15 : i32
      %add3A_282 = arith.addi %mul3A_24, %add3A_281 : i32
      %dma_start3A_283 = arith.constant 0 : i32
      %dma_start3A_284 = arith.constant 0 : i32
      %dma_start3A_285 = tpu.memref_slice %arg6[%add3A_282, %dma_start3A_284] : memref<256x64xf32, #tpu.memory_space<vmem>> -> memref<1x64xf32, #tpu.memory_space<vmem>>
      %dma_start3A_286 = tpu.memref_squeeze %dma_start3A_285 : memref<1x64xf32, #tpu.memory_space<vmem>> -> memref<64xf32, #tpu.memory_space<vmem>>
      %dma_start3A_287 = arith.constant 0 : i32
      %dma_start3A_288 = tpu.memref_slice %arg3[%dma_start3A_283, %squeeze3A_280, %dma_start3A_287] : memref<1x1000000x64xf32, #tpu.memory_space<hbm>> -> memref<1x1x64xf32, #tpu.memory_space<hbm>>
      %dma_start3A_289 = tpu.memref_squeeze %dma_start3A_288 : memref<1x1x64xf32, #tpu.memory_space<hbm>> -> memref<64xf32, #tpu.memory_space<hbm>>
      %dma_start3A_290 = arith.constant 0 : i32
      %dma_start3A_291 = tpu.memref_slice %arg6[%add3A_282, %dma_start3A_290] : memref<256x64xf32, #tpu.memory_space<vmem>> -> memref<1x64xf32, #tpu.memory_space<vmem>>
      %dma_start3A_292 = tpu.memref_squeeze %dma_start3A_291 : memref<1x64xf32, #tpu.memory_space<vmem>> -> memref<64xf32, #tpu.memory_space<vmem>>
      %dma_start3A_293 = arith.constant 0 : i32
      %dma_start3A_294 = tpu.memref_slice %arg3[%dma_start3A_283, %squeeze3A_280, %dma_start3A_293] : memref<1x1000000x64xf32, #tpu.memory_space<hbm>> -> memref<1x1x64xf32, #tpu.memory_space<hbm>>
      %dma_start3A_295 = tpu.memref_squeeze %dma_start3A_294 : memref<1x1x64xf32, #tpu.memory_space<hbm>> -> memref<64xf32, #tpu.memory_space<hbm>>
      tpu.enqueue_dma source(%dma_start3A_295 : memref<64xf32, #tpu.memory_space<hbm>>) target(%dma_start3A_292 : memref<64xf32, #tpu.memory_space<vmem>>) target_semaphore(%arg7 : memref<!tpu.dma_semaphore, #tpu.memory_space<semaphore_mem>>)
      %dma_wait3A = arith.constant 0 : i32
      %dma_wait3A_296 = arith.constant 0 : i32
      %dma_wait3A_297 = tpu.memref_slice %arg6[%add3A_28, %dma_wait3A_296] : memref<256x64xf32, #tpu.memory_space<vmem>> -> memref<1x64xf32, #tpu.memory_space<vmem>>
      %dma_wait3A_298 = tpu.memref_squeeze %dma_wait3A_297 : memref<1x64xf32, #tpu.memory_space<vmem>> -> memref<64xf32, #tpu.memory_space<vmem>>
      %dma_wait3A_299 = arith.constant 0 : i32
      %dma_wait3A_300 = tpu.memref_slice %arg3[%dma_wait3A, %squeeze3A, %dma_wait3A_299] : memref<1x1000000x64xf32, #tpu.memory_space<hbm>> -> memref<1x1x64xf32, #tpu.memory_space<hbm>>
      %dma_wait3A_301 = tpu.memref_squeeze %dma_wait3A_300 : memref<1x1x64xf32, #tpu.memory_space<hbm>> -> memref<64xf32, #tpu.memory_space<hbm>>
      %dma_wait3A_302 = arith.constant 0 : i32
      %dma_wait3A_303 = tpu.memref_slice %arg6[%add3A_28, %dma_wait3A_302] : memref<256x64xf32, #tpu.memory_space<vmem>> -> memref<1x64xf32, #tpu.memory_space<vmem>>
      %dma_wait3A_304 = tpu.memref_squeeze %dma_wait3A_303 : memref<1x64xf32, #tpu.memory_space<vmem>> -> memref<64xf32, #tpu.memory_space<vmem>>
      %dma_wait3A_305 = arith.constant 0 : i32
      %dma_wait3A_306 = tpu.memref_slice %arg3[%dma_wait3A, %squeeze3A, %dma_wait3A_305] : memref<1x1000000x64xf32, #tpu.memory_space<hbm>> -> memref<1x1x64xf32, #tpu.memory_space<hbm>>
      %dma_wait3A_307 = tpu.memref_squeeze %dma_wait3A_306 : memref<1x1x64xf32, #tpu.memory_space<hbm>> -> memref<64xf32, #tpu.memory_space<hbm>>
      tpu.wait_dma2 semaphore(%arg7 : memref<!tpu.dma_semaphore, #tpu.memory_space<semaphore_mem>>) src(%dma_wait3A_307 : memref<64xf32, #tpu.memory_space<hbm>>) dst(%dma_wait3A_304 : memref<64xf32, #tpu.memory_space<vmem>>)
      %dma_wait3A_308 = arith.constant 0 : i32
      %dma_wait3A_309 = arith.constant 0 : i32
      %dma_wait3A_310 = tpu.memref_slice %arg6[%add3A_44, %dma_wait3A_309] : memref<256x64xf32, #tpu.memory_space<vmem>> -> memref<1x64xf32, #tpu.memory_space<vmem>>
      %dma_wait3A_311 = tpu.memref_squeeze %dma_wait3A_310 : memref<1x64xf32, #tpu.memory_space<vmem>> -> memref<64xf32, #tpu.memory_space<vmem>>
      %dma_wait3A_312 = arith.constant 0 : i32
      %dma_wait3A_313 = tpu.memref_slice %arg3[%dma_wait3A_308, %squeeze3A_42, %dma_wait3A_312] : memref<1x1000000x64xf32, #tpu.memory_space<hbm>> -> memref<1x1x64xf32, #tpu.memory_space<hbm>>
      %dma_wait3A_314 = tpu.memref_squeeze %dma_wait3A_313 : memref<1x1x64xf32, #tpu.memory_space<hbm>> -> memref<64xf32, #tpu.memory_space<hbm>>
      %dma_wait3A_315 = arith.constant 0 : i32
      %dma_wait3A_316 = tpu.memref_slice %arg6[%add3A_44, %dma_wait3A_315] : memref<256x64xf32, #tpu.memory_space<vmem>> -> memref<1x64xf32, #tpu.memory_space<vmem>>
      %dma_wait3A_317 = tpu.memref_squeeze %dma_wait3A_316 : memref<1x64xf32, #tpu.memory_space<vmem>> -> memref<64xf32, #tpu.memory_space<vmem>>
      %dma_wait3A_318 = arith.constant 0 : i32
      %dma_wait3A_319 = tpu.memref_slice %arg3[%dma_wait3A_308, %squeeze3A_42, %dma_wait3A_318] : memref<1x1000000x64xf32, #tpu.memory_space<hbm>> -> memref<1x1x64xf32, #tpu.memory_space<hbm>>
      %dma_wait3A_320 = tpu.memref_squeeze %dma_wait3A_319 : memref<1x1x64xf32, #tpu.memory_space<hbm>> -> memref<64xf32, #tpu.memory_space<hbm>>
      tpu.wait_dma2 semaphore(%arg7 : memref<!tpu.dma_semaphore, #tpu.memory_space<semaphore_mem>>) src(%dma_wait3A_320 : memref<64xf32, #tpu.memory_space<hbm>>) dst(%dma_wait3A_317 : memref<64xf32, #tpu.memory_space<vmem>>)
      %dma_wait3A_321 = arith.constant 0 : i32
      %dma_wait3A_322 = arith.constant 0 : i32
      %dma_wait3A_323 = tpu.memref_slice %arg6[%add3A_61, %dma_wait3A_322] : memref<256x64xf32, #tpu.memory_space<vmem>> -> memref<1x64xf32, #tpu.memory_space<vmem>>
      %dma_wait3A_324 = tpu.memref_squeeze %dma_wait3A_323 : memref<1x64xf32, #tpu.memory_space<vmem>> -> memref<64xf32, #tpu.memory_space<vmem>>
      %dma_wait3A_325 = arith.constant 0 : i32
      %dma_wait3A_326 = tpu.memref_slice %arg3[%dma_wait3A_321, %squeeze3A_59, %dma_wait3A_325] : memref<1x1000000x64xf32, #tpu.memory_space<hbm>> -> memref<1x1x64xf32, #tpu.memory_space<hbm>>
      %dma_wait3A_327 = tpu.memref_squeeze %dma_wait3A_326 : memref<1x1x64xf32, #tpu.memory_space<hbm>> -> memref<64xf32, #tpu.memory_space<hbm>>
      %dma_wait3A_328 = arith.constant 0 : i32
      %dma_wait3A_329 = tpu.memref_slice %arg6[%add3A_61, %dma_wait3A_328] : memref<256x64xf32, #tpu.memory_space<vmem>> -> memref<1x64xf32, #tpu.memory_space<vmem>>
      %dma_wait3A_330 = tpu.memref_squeeze %dma_wait3A_329 : memref<1x64xf32, #tpu.memory_space<vmem>> -> memref<64xf32, #tpu.memory_space<vmem>>
      %dma_wait3A_331 = arith.constant 0 : i32
      %dma_wait3A_332 = tpu.memref_slice %arg3[%dma_wait3A_321, %squeeze3A_59, %dma_wait3A_331] : memref<1x1000000x64xf32, #tpu.memory_space<hbm>> -> memref<1x1x64xf32, #tpu.memory_space<hbm>>
      %dma_wait3A_333 = tpu.memref_squeeze %dma_wait3A_332 : memref<1x1x64xf32, #tpu.memory_space<hbm>> -> memref<64xf32, #tpu.memory_space<hbm>>
      tpu.wait_dma2 semaphore(%arg7 : memref<!tpu.dma_semaphore, #tpu.memory_space<semaphore_mem>>) src(%dma_wait3A_333 : memref<64xf32, #tpu.memory_space<hbm>>) dst(%dma_wait3A_330 : memref<64xf32, #tpu.memory_space<vmem>>)
      %dma_wait3A_334 = arith.constant 0 : i32
      %dma_wait3A_335 = arith.constant 0 : i32
      %dma_wait3A_336 = tpu.memref_slice %arg6[%add3A_78, %dma_wait3A_335] : memref<256x64xf32, #tpu.memory_space<vmem>> -> memref<1x64xf32, #tpu.memory_space<vmem>>
      %dma_wait3A_337 = tpu.memref_squeeze %dma_wait3A_336 : memref<1x64xf32, #tpu.memory_space<vmem>> -> memref<64xf32, #tpu.memory_space<vmem>>
      %dma_wait3A_338 = arith.constant 0 : i32
      %dma_wait3A_339 = tpu.memref_slice %arg3[%dma_wait3A_334, %squeeze3A_76, %dma_wait3A_338] : memref<1x1000000x64xf32, #tpu.memory_space<hbm>> -> memref<1x1x64xf32, #tpu.memory_space<hbm>>
      %dma_wait3A_340 = tpu.memref_squeeze %dma_wait3A_339 : memref<1x1x64xf32, #tpu.memory_space<hbm>> -> memref<64xf32, #tpu.memory_space<hbm>>
      %dma_wait3A_341 = arith.constant 0 : i32
      %dma_wait3A_342 = tpu.memref_slice %arg6[%add3A_78, %dma_wait3A_341] : memref<256x64xf32, #tpu.memory_space<vmem>> -> memref<1x64xf32, #tpu.memory_space<vmem>>
      %dma_wait3A_343 = tpu.memref_squeeze %dma_wait3A_342 : memref<1x64xf32, #tpu.memory_space<vmem>> -> memref<64xf32, #tpu.memory_space<vmem>>
      %dma_wait3A_344 = arith.constant 0 : i32
      %dma_wait3A_345 = tpu.memref_slice %arg3[%dma_wait3A_334, %squeeze3A_76, %dma_wait3A_344] : memref<1x1000000x64xf32, #tpu.memory_space<hbm>> -> memref<1x1x64xf32, #tpu.memory_space<hbm>>
      %dma_wait3A_346 = tpu.memref_squeeze %dma_wait3A_345 : memref<1x1x64xf32, #tpu.memory_space<hbm>> -> memref<64xf32, #tpu.memory_space<hbm>>
      tpu.wait_dma2 semaphore(%arg7 : memref<!tpu.dma_semaphore, #tpu.memory_space<semaphore_mem>>) src(%dma_wait3A_346 : memref<64xf32, #tpu.memory_space<hbm>>) dst(%dma_wait3A_343 : memref<64xf32, #tpu.memory_space<vmem>>)
      %dma_wait3A_347 = arith.constant 0 : i32
      %dma_wait3A_348 = arith.constant 0 : i32
      %dma_wait3A_349 = tpu.memref_slice %arg6[%add3A_95, %dma_wait3A_348] : memref<256x64xf32, #tpu.memory_space<vmem>> -> memref<1x64xf32, #tpu.memory_space<vmem>>
      %dma_wait3A_350 = tpu.memref_squeeze %dma_wait3A_349 : memref<1x64xf32, #tpu.memory_space<vmem>> -> memref<64xf32, #tpu.memory_space<vmem>>
      %dma_wait3A_351 = arith.constant 0 : i32
      %dma_wait3A_352 = tpu.memref_slice %arg3[%dma_wait3A_347, %squeeze3A_93, %dma_wait3A_351] : memref<1x1000000x64xf32, #tpu.memory_space<hbm>> -> memref<1x1x64xf32, #tpu.memory_space<hbm>>
      %dma_wait3A_353 = tpu.memref_squeeze %dma_wait3A_352 : memref<1x1x64xf32, #tpu.memory_space<hbm>> -> memref<64xf32, #tpu.memory_space<hbm>>
      %dma_wait3A_354 = arith.constant 0 : i32
      %dma_wait3A_355 = tpu.memref_slice %arg6[%add3A_95, %dma_wait3A_354] : memref<256x64xf32, #tpu.memory_space<vmem>> -> memref<1x64xf32, #tpu.memory_space<vmem>>
      %dma_wait3A_356 = tpu.memref_squeeze %dma_wait3A_355 : memref<1x64xf32, #tpu.memory_space<vmem>> -> memref<64xf32, #tpu.memory_space<vmem>>
      %dma_wait3A_357 = arith.constant 0 : i32
      %dma_wait3A_358 = tpu.memref_slice %arg3[%dma_wait3A_347, %squeeze3A_93, %dma_wait3A_357] : memref<1x1000000x64xf32, #tpu.memory_space<hbm>> -> memref<1x1x64xf32, #tpu.memory_space<hbm>>
      %dma_wait3A_359 = tpu.memref_squeeze %dma_wait3A_358 : memref<1x1x64xf32, #tpu.memory_space<hbm>> -> memref<64xf32, #tpu.memory_space<hbm>>
      tpu.wait_dma2 semaphore(%arg7 : memref<!tpu.dma_semaphore, #tpu.memory_space<semaphore_mem>>) src(%dma_wait3A_359 : memref<64xf32, #tpu.memory_space<hbm>>) dst(%dma_wait3A_356 : memref<64xf32, #tpu.memory_space<vmem>>)
      %dma_wait3A_360 = arith.constant 0 : i32
      %dma_wait3A_361 = arith.constant 0 : i32
      %dma_wait3A_362 = tpu.memref_slice %arg6[%add3A_112, %dma_wait3A_361] : memref<256x64xf32, #tpu.memory_space<vmem>> -> memref<1x64xf32, #tpu.memory_space<vmem>>
      %dma_wait3A_363 = tpu.memref_squeeze %dma_wait3A_362 : memref<1x64xf32, #tpu.memory_space<vmem>> -> memref<64xf32, #tpu.memory_space<vmem>>
      %dma_wait3A_364 = arith.constant 0 : i32
      %dma_wait3A_365 = tpu.memref_slice %arg3[%dma_wait3A_360, %squeeze3A_110, %dma_wait3A_364] : memref<1x1000000x64xf32, #tpu.memory_space<hbm>> -> memref<1x1x64xf32, #tpu.memory_space<hbm>>
      %dma_wait3A_366 = tpu.memref_squeeze %dma_wait3A_365 : memref<1x1x64xf32, #tpu.memory_space<hbm>> -> memref<64xf32, #tpu.memory_space<hbm>>
      %dma_wait3A_367 = arith.constant 0 : i32
      %dma_wait3A_368 = tpu.memref_slice %arg6[%add3A_112, %dma_wait3A_367] : memref<256x64xf32, #tpu.memory_space<vmem>> -> memref<1x64xf32, #tpu.memory_space<vmem>>
      %dma_wait3A_369 = tpu.memref_squeeze %dma_wait3A_368 : memref<1x64xf32, #tpu.memory_space<vmem>> -> memref<64xf32, #tpu.memory_space<vmem>>
      %dma_wait3A_370 = arith.constant 0 : i32
      %dma_wait3A_371 = tpu.memref_slice %arg3[%dma_wait3A_360, %squeeze3A_110, %dma_wait3A_370] : memref<1x1000000x64xf32, #tpu.memory_space<hbm>> -> memref<1x1x64xf32, #tpu.memory_space<hbm>>
      %dma_wait3A_372 = tpu.memref_squeeze %dma_wait3A_371 : memref<1x1x64xf32, #tpu.memory_space<hbm>> -> memref<64xf32, #tpu.memory_space<hbm>>
      tpu.wait_dma2 semaphore(%arg7 : memref<!tpu.dma_semaphore, #tpu.memory_space<semaphore_mem>>) src(%dma_wait3A_372 : memref<64xf32, #tpu.memory_space<hbm>>) dst(%dma_wait3A_369 : memref<64xf32, #tpu.memory_space<vmem>>)
      %dma_wait3A_373 = arith.constant 0 : i32
      %dma_wait3A_374 = arith.constant 0 : i32
      %dma_wait3A_375 = tpu.memref_slice %arg6[%add3A_129, %dma_wait3A_374] : memref<256x64xf32, #tpu.memory_space<vmem>> -> memref<1x64xf32, #tpu.memory_space<vmem>>
      %dma_wait3A_376 = tpu.memref_squeeze %dma_wait3A_375 : memref<1x64xf32, #tpu.memory_space<vmem>> -> memref<64xf32, #tpu.memory_space<vmem>>
      %dma_wait3A_377 = arith.constant 0 : i32
      %dma_wait3A_378 = tpu.memref_slice %arg3[%dma_wait3A_373, %squeeze3A_127, %dma_wait3A_377] : memref<1x1000000x64xf32, #tpu.memory_space<hbm>> -> memref<1x1x64xf32, #tpu.memory_space<hbm>>
      %dma_wait3A_379 = tpu.memref_squeeze %dma_wait3A_378 : memref<1x1x64xf32, #tpu.memory_space<hbm>> -> memref<64xf32, #tpu.memory_space<hbm>>
      %dma_wait3A_380 = arith.constant 0 : i32
      %dma_wait3A_381 = tpu.memref_slice %arg6[%add3A_129, %dma_wait3A_380] : memref<256x64xf32, #tpu.memory_space<vmem>> -> memref<1x64xf32, #tpu.memory_space<vmem>>
      %dma_wait3A_382 = tpu.memref_squeeze %dma_wait3A_381 : memref<1x64xf32, #tpu.memory_space<vmem>> -> memref<64xf32, #tpu.memory_space<vmem>>
      %dma_wait3A_383 = arith.constant 0 : i32
      %dma_wait3A_384 = tpu.memref_slice %arg3[%dma_wait3A_373, %squeeze3A_127, %dma_wait3A_383] : memref<1x1000000x64xf32, #tpu.memory_space<hbm>> -> memref<1x1x64xf32, #tpu.memory_space<hbm>>
      %dma_wait3A_385 = tpu.memref_squeeze %dma_wait3A_384 : memref<1x1x64xf32, #tpu.memory_space<hbm>> -> memref<64xf32, #tpu.memory_space<hbm>>
      tpu.wait_dma2 semaphore(%arg7 : memref<!tpu.dma_semaphore, #tpu.memory_space<semaphore_mem>>) src(%dma_wait3A_385 : memref<64xf32, #tpu.memory_space<hbm>>) dst(%dma_wait3A_382 : memref<64xf32, #tpu.memory_space<vmem>>)
      %dma_wait3A_386 = arith.constant 0 : i32
      %dma_wait3A_387 = arith.constant 0 : i32
      %dma_wait3A_388 = tpu.memref_slice %arg6[%add3A_146, %dma_wait3A_387] : memref<256x64xf32, #tpu.memory_space<vmem>> -> memref<1x64xf32, #tpu.memory_space<vmem>>
      %dma_wait3A_389 = tpu.memref_squeeze %dma_wait3A_388 : memref<1x64xf32, #tpu.memory_space<vmem>> -> memref<64xf32, #tpu.memory_space<vmem>>
      %dma_wait3A_390 = arith.constant 0 : i32
      %dma_wait3A_391 = tpu.memref_slice %arg3[%dma_wait3A_386, %squeeze3A_144, %dma_wait3A_390] : memref<1x1000000x64xf32, #tpu.memory_space<hbm>> -> memref<1x1x64xf32, #tpu.memory_space<hbm>>
      %dma_wait3A_392 = tpu.memref_squeeze %dma_wait3A_391 : memref<1x1x64xf32, #tpu.memory_space<hbm>> -> memref<64xf32, #tpu.memory_space<hbm>>
      %dma_wait3A_393 = arith.constant 0 : i32
      %dma_wait3A_394 = tpu.memref_slice %arg6[%add3A_146, %dma_wait3A_393] : memref<256x64xf32, #tpu.memory_space<vmem>> -> memref<1x64xf32, #tpu.memory_space<vmem>>
      %dma_wait3A_395 = tpu.memref_squeeze %dma_wait3A_394 : memref<1x64xf32, #tpu.memory_space<vmem>> -> memref<64xf32, #tpu.memory_space<vmem>>
      %dma_wait3A_396 = arith.constant 0 : i32
      %dma_wait3A_397 = tpu.memref_slice %arg3[%dma_wait3A_386, %squeeze3A_144, %dma_wait3A_396] : memref<1x1000000x64xf32, #tpu.memory_space<hbm>> -> memref<1x1x64xf32, #tpu.memory_space<hbm>>
      %dma_wait3A_398 = tpu.memref_squeeze %dma_wait3A_397 : memref<1x1x64xf32, #tpu.memory_space<hbm>> -> memref<64xf32, #tpu.memory_space<hbm>>
      tpu.wait_dma2 semaphore(%arg7 : memref<!tpu.dma_semaphore, #tpu.memory_space<semaphore_mem>>) src(%dma_wait3A_398 : memref<64xf32, #tpu.memory_space<hbm>>) dst(%dma_wait3A_395 : memref<64xf32, #tpu.memory_space<vmem>>)
      %dma_wait3A_399 = arith.constant 0 : i32
      %dma_wait3A_400 = arith.constant 0 : i32
      %dma_wait3A_401 = tpu.memref_slice %arg6[%add3A_163, %dma_wait3A_400] : memref<256x64xf32, #tpu.memory_space<vmem>> -> memref<1x64xf32, #tpu.memory_space<vmem>>
      %dma_wait3A_402 = tpu.memref_squeeze %dma_wait3A_401 : memref<1x64xf32, #tpu.memory_space<vmem>> -> memref<64xf32, #tpu.memory_space<vmem>>
      %dma_wait3A_403 = arith.constant 0 : i32
      %dma_wait3A_404 = tpu.memref_slice %arg3[%dma_wait3A_399, %squeeze3A_161, %dma_wait3A_403] : memref<1x1000000x64xf32, #tpu.memory_space<hbm>> -> memref<1x1x64xf32, #tpu.memory_space<hbm>>
      %dma_wait3A_405 = tpu.memref_squeeze %dma_wait3A_404 : memref<1x1x64xf32, #tpu.memory_space<hbm>> -> memref<64xf32, #tpu.memory_space<hbm>>
      %dma_wait3A_406 = arith.constant 0 : i32
      %dma_wait3A_407 = tpu.memref_slice %arg6[%add3A_163, %dma_wait3A_406] : memref<256x64xf32, #tpu.memory_space<vmem>> -> memref<1x64xf32, #tpu.memory_space<vmem>>
      %dma_wait3A_408 = tpu.memref_squeeze %dma_wait3A_407 : memref<1x64xf32, #tpu.memory_space<vmem>> -> memref<64xf32, #tpu.memory_space<vmem>>
      %dma_wait3A_409 = arith.constant 0 : i32
      %dma_wait3A_410 = tpu.memref_slice %arg3[%dma_wait3A_399, %squeeze3A_161, %dma_wait3A_409] : memref<1x1000000x64xf32, #tpu.memory_space<hbm>> -> memref<1x1x64xf32, #tpu.memory_space<hbm>>
      %dma_wait3A_411 = tpu.memref_squeeze %dma_wait3A_410 : memref<1x1x64xf32, #tpu.memory_space<hbm>> -> memref<64xf32, #tpu.memory_space<hbm>>
      tpu.wait_dma2 semaphore(%arg7 : memref<!tpu.dma_semaphore, #tpu.memory_space<semaphore_mem>>) src(%dma_wait3A_411 : memref<64xf32, #tpu.memory_space<hbm>>) dst(%dma_wait3A_408 : memref<64xf32, #tpu.memory_space<vmem>>)
      %dma_wait3A_412 = arith.constant 0 : i32
      %dma_wait3A_413 = arith.constant 0 : i32
      %dma_wait3A_414 = tpu.memref_slice %arg6[%add3A_180, %dma_wait3A_413] : memref<256x64xf32, #tpu.memory_space<vmem>> -> memref<1x64xf32, #tpu.memory_space<vmem>>
      %dma_wait3A_415 = tpu.memref_squeeze %dma_wait3A_414 : memref<1x64xf32, #tpu.memory_space<vmem>> -> memref<64xf32, #tpu.memory_space<vmem>>
      %dma_wait3A_416 = arith.constant 0 : i32
      %dma_wait3A_417 = tpu.memref_slice %arg3[%dma_wait3A_412, %squeeze3A_178, %dma_wait3A_416] : memref<1x1000000x64xf32, #tpu.memory_space<hbm>> -> memref<1x1x64xf32, #tpu.memory_space<hbm>>
      %dma_wait3A_418 = tpu.memref_squeeze %dma_wait3A_417 : memref<1x1x64xf32, #tpu.memory_space<hbm>> -> memref<64xf32, #tpu.memory_space<hbm>>
      %dma_wait3A_419 = arith.constant 0 : i32
      %dma_wait3A_420 = tpu.memref_slice %arg6[%add3A_180, %dma_wait3A_419] : memref<256x64xf32, #tpu.memory_space<vmem>> -> memref<1x64xf32, #tpu.memory_space<vmem>>
      %dma_wait3A_421 = tpu.memref_squeeze %dma_wait3A_420 : memref<1x64xf32, #tpu.memory_space<vmem>> -> memref<64xf32, #tpu.memory_space<vmem>>
      %dma_wait3A_422 = arith.constant 0 : i32
      %dma_wait3A_423 = tpu.memref_slice %arg3[%dma_wait3A_412, %squeeze3A_178, %dma_wait3A_422] : memref<1x1000000x64xf32, #tpu.memory_space<hbm>> -> memref<1x1x64xf32, #tpu.memory_space<hbm>>
      %dma_wait3A_424 = tpu.memref_squeeze %dma_wait3A_423 : memref<1x1x64xf32, #tpu.memory_space<hbm>> -> memref<64xf32, #tpu.memory_space<hbm>>
      tpu.wait_dma2 semaphore(%arg7 : memref<!tpu.dma_semaphore, #tpu.memory_space<semaphore_mem>>) src(%dma_wait3A_424 : memref<64xf32, #tpu.memory_space<hbm>>) dst(%dma_wait3A_421 : memref<64xf32, #tpu.memory_space<vmem>>)
      %dma_wait3A_425 = arith.constant 0 : i32
      %dma_wait3A_426 = arith.constant 0 : i32
      %dma_wait3A_427 = tpu.memref_slice %arg6[%add3A_197, %dma_wait3A_426] : memref<256x64xf32, #tpu.memory_space<vmem>> -> memref<1x64xf32, #tpu.memory_space<vmem>>
      %dma_wait3A_428 = tpu.memref_squeeze %dma_wait3A_427 : memref<1x64xf32, #tpu.memory_space<vmem>> -> memref<64xf32, #tpu.memory_space<vmem>>
      %dma_wait3A_429 = arith.constant 0 : i32
      %dma_wait3A_430 = tpu.memref_slice %arg3[%dma_wait3A_425, %squeeze3A_195, %dma_wait3A_429] : memref<1x1000000x64xf32, #tpu.memory_space<hbm>> -> memref<1x1x64xf32, #tpu.memory_space<hbm>>
      %dma_wait3A_431 = tpu.memref_squeeze %dma_wait3A_430 : memref<1x1x64xf32, #tpu.memory_space<hbm>> -> memref<64xf32, #tpu.memory_space<hbm>>
      %dma_wait3A_432 = arith.constant 0 : i32
      %dma_wait3A_433 = tpu.memref_slice %arg6[%add3A_197, %dma_wait3A_432] : memref<256x64xf32, #tpu.memory_space<vmem>> -> memref<1x64xf32, #tpu.memory_space<vmem>>
      %dma_wait3A_434 = tpu.memref_squeeze %dma_wait3A_433 : memref<1x64xf32, #tpu.memory_space<vmem>> -> memref<64xf32, #tpu.memory_space<vmem>>
      %dma_wait3A_435 = arith.constant 0 : i32
      %dma_wait3A_436 = tpu.memref_slice %arg3[%dma_wait3A_425, %squeeze3A_195, %dma_wait3A_435] : memref<1x1000000x64xf32, #tpu.memory_space<hbm>> -> memref<1x1x64xf32, #tpu.memory_space<hbm>>
      %dma_wait3A_437 = tpu.memref_squeeze %dma_wait3A_436 : memref<1x1x64xf32, #tpu.memory_space<hbm>> -> memref<64xf32, #tpu.memory_space<hbm>>
      tpu.wait_dma2 semaphore(%arg7 : memref<!tpu.dma_semaphore, #tpu.memory_space<semaphore_mem>>) src(%dma_wait3A_437 : memref<64xf32, #tpu.memory_space<hbm>>) dst(%dma_wait3A_434 : memref<64xf32, #tpu.memory_space<vmem>>)
      %dma_wait3A_438 = arith.constant 0 : i32
      %dma_wait3A_439 = arith.constant 0 : i32
      %dma_wait3A_440 = tpu.memref_slice %arg6[%add3A_214, %dma_wait3A_439] : memref<256x64xf32, #tpu.memory_space<vmem>> -> memref<1x64xf32, #tpu.memory_space<vmem>>
      %dma_wait3A_441 = tpu.memref_squeeze %dma_wait3A_440 : memref<1x64xf32, #tpu.memory_space<vmem>> -> memref<64xf32, #tpu.memory_space<vmem>>
      %dma_wait3A_442 = arith.constant 0 : i32
      %dma_wait3A_443 = tpu.memref_slice %arg3[%dma_wait3A_438, %squeeze3A_212, %dma_wait3A_442] : memref<1x1000000x64xf32, #tpu.memory_space<hbm>> -> memref<1x1x64xf32, #tpu.memory_space<hbm>>
      %dma_wait3A_444 = tpu.memref_squeeze %dma_wait3A_443 : memref<1x1x64xf32, #tpu.memory_space<hbm>> -> memref<64xf32, #tpu.memory_space<hbm>>
      %dma_wait3A_445 = arith.constant 0 : i32
      %dma_wait3A_446 = tpu.memref_slice %arg6[%add3A_214, %dma_wait3A_445] : memref<256x64xf32, #tpu.memory_space<vmem>> -> memref<1x64xf32, #tpu.memory_space<vmem>>
      %dma_wait3A_447 = tpu.memref_squeeze %dma_wait3A_446 : memref<1x64xf32, #tpu.memory_space<vmem>> -> memref<64xf32, #tpu.memory_space<vmem>>
      %dma_wait3A_448 = arith.constant 0 : i32
      %dma_wait3A_449 = tpu.memref_slice %arg3[%dma_wait3A_438, %squeeze3A_212, %dma_wait3A_448] : memref<1x1000000x64xf32, #tpu.memory_space<hbm>> -> memref<1x1x64xf32, #tpu.memory_space<hbm>>
      %dma_wait3A_450 = tpu.memref_squeeze %dma_wait3A_449 : memref<1x1x64xf32, #tpu.memory_space<hbm>> -> memref<64xf32, #tpu.memory_space<hbm>>
      tpu.wait_dma2 semaphore(%arg7 : memref<!tpu.dma_semaphore, #tpu.memory_space<semaphore_mem>>) src(%dma_wait3A_450 : memref<64xf32, #tpu.memory_space<hbm>>) dst(%dma_wait3A_447 : memref<64xf32, #tpu.memory_space<vmem>>)
      %dma_wait3A_451 = arith.constant 0 : i32
      %dma_wait3A_452 = arith.constant 0 : i32
      %dma_wait3A_453 = tpu.memref_slice %arg6[%add3A_231, %dma_wait3A_452] : memref<256x64xf32, #tpu.memory_space<vmem>> -> memref<1x64xf32, #tpu.memory_space<vmem>>
      %dma_wait3A_454 = tpu.memref_squeeze %dma_wait3A_453 : memref<1x64xf32, #tpu.memory_space<vmem>> -> memref<64xf32, #tpu.memory_space<vmem>>
      %dma_wait3A_455 = arith.constant 0 : i32
      %dma_wait3A_456 = tpu.memref_slice %arg3[%dma_wait3A_451, %squeeze3A_229, %dma_wait3A_455] : memref<1x1000000x64xf32, #tpu.memory_space<hbm>> -> memref<1x1x64xf32, #tpu.memory_space<hbm>>
      %dma_wait3A_457 = tpu.memref_squeeze %dma_wait3A_456 : memref<1x1x64xf32, #tpu.memory_space<hbm>> -> memref<64xf32, #tpu.memory_space<hbm>>
      %dma_wait3A_458 = arith.constant 0 : i32
      %dma_wait3A_459 = tpu.memref_slice %arg6[%add3A_231, %dma_wait3A_458] : memref<256x64xf32, #tpu.memory_space<vmem>> -> memref<1x64xf32, #tpu.memory_space<vmem>>
      %dma_wait3A_460 = tpu.memref_squeeze %dma_wait3A_459 : memref<1x64xf32, #tpu.memory_space<vmem>> -> memref<64xf32, #tpu.memory_space<vmem>>
      %dma_wait3A_461 = arith.constant 0 : i32
      %dma_wait3A_462 = tpu.memref_slice %arg3[%dma_wait3A_451, %squeeze3A_229, %dma_wait3A_461] : memref<1x1000000x64xf32, #tpu.memory_space<hbm>> -> memref<1x1x64xf32, #tpu.memory_space<hbm>>
      %dma_wait3A_463 = tpu.memref_squeeze %dma_wait3A_462 : memref<1x1x64xf32, #tpu.memory_space<hbm>> -> memref<64xf32, #tpu.memory_space<hbm>>
      tpu.wait_dma2 semaphore(%arg7 : memref<!tpu.dma_semaphore, #tpu.memory_space<semaphore_mem>>) src(%dma_wait3A_463 : memref<64xf32, #tpu.memory_space<hbm>>) dst(%dma_wait3A_460 : memref<64xf32, #tpu.memory_space<vmem>>)
      %dma_wait3A_464 = arith.constant 0 : i32
      %dma_wait3A_465 = arith.constant 0 : i32
      %dma_wait3A_466 = tpu.memref_slice %arg6[%add3A_248, %dma_wait3A_465] : memref<256x64xf32, #tpu.memory_space<vmem>> -> memref<1x64xf32, #tpu.memory_space<vmem>>
      %dma_wait3A_467 = tpu.memref_squeeze %dma_wait3A_466 : memref<1x64xf32, #tpu.memory_space<vmem>> -> memref<64xf32, #tpu.memory_space<vmem>>
      %dma_wait3A_468 = arith.constant 0 : i32
      %dma_wait3A_469 = tpu.memref_slice %arg3[%dma_wait3A_464, %squeeze3A_246, %dma_wait3A_468] : memref<1x1000000x64xf32, #tpu.memory_space<hbm>> -> memref<1x1x64xf32, #tpu.memory_space<hbm>>
      %dma_wait3A_470 = tpu.memref_squeeze %dma_wait3A_469 : memref<1x1x64xf32, #tpu.memory_space<hbm>> -> memref<64xf32, #tpu.memory_space<hbm>>
      %dma_wait3A_471 = arith.constant 0 : i32
      %dma_wait3A_472 = tpu.memref_slice %arg6[%add3A_248, %dma_wait3A_471] : memref<256x64xf32, #tpu.memory_space<vmem>> -> memref<1x64xf32, #tpu.memory_space<vmem>>
      %dma_wait3A_473 = tpu.memref_squeeze %dma_wait3A_472 : memref<1x64xf32, #tpu.memory_space<vmem>> -> memref<64xf32, #tpu.memory_space<vmem>>
      %dma_wait3A_474 = arith.constant 0 : i32
      %dma_wait3A_475 = tpu.memref_slice %arg3[%dma_wait3A_464, %squeeze3A_246, %dma_wait3A_474] : memref<1x1000000x64xf32, #tpu.memory_space<hbm>> -> memref<1x1x64xf32, #tpu.memory_space<hbm>>
      %dma_wait3A_476 = tpu.memref_squeeze %dma_wait3A_475 : memref<1x1x64xf32, #tpu.memory_space<hbm>> -> memref<64xf32, #tpu.memory_space<hbm>>
      tpu.wait_dma2 semaphore(%arg7 : memref<!tpu.dma_semaphore, #tpu.memory_space<semaphore_mem>>) src(%dma_wait3A_476 : memref<64xf32, #tpu.memory_space<hbm>>) dst(%dma_wait3A_473 : memref<64xf32, #tpu.memory_space<vmem>>)
      %dma_wait3A_477 = arith.constant 0 : i32
      %dma_wait3A_478 = arith.constant 0 : i32
      %dma_wait3A_479 = tpu.memref_slice %arg6[%add3A_265, %dma_wait3A_478] : memref<256x64xf32, #tpu.memory_space<vmem>> -> memref<1x64xf32, #tpu.memory_space<vmem>>
      %dma_wait3A_480 = tpu.memref_squeeze %dma_wait3A_479 : memref<1x64xf32, #tpu.memory_space<vmem>> -> memref<64xf32, #tpu.memory_space<vmem>>
      %dma_wait3A_481 = arith.constant 0 : i32
      %dma_wait3A_482 = tpu.memref_slice %arg3[%dma_wait3A_477, %squeeze3A_263, %dma_wait3A_481] : memref<1x1000000x64xf32, #tpu.memory_space<hbm>> -> memref<1x1x64xf32, #tpu.memory_space<hbm>>
      %dma_wait3A_483 = tpu.memref_squeeze %dma_wait3A_482 : memref<1x1x64xf32, #tpu.memory_space<hbm>> -> memref<64xf32, #tpu.memory_space<hbm>>
      %dma_wait3A_484 = arith.constant 0 : i32
      %dma_wait3A_485 = tpu.memref_slice %arg6[%add3A_265, %dma_wait3A_484] : memref<256x64xf32, #tpu.memory_space<vmem>> -> memref<1x64xf32, #tpu.memory_space<vmem>>
      %dma_wait3A_486 = tpu.memref_squeeze %dma_wait3A_485 : memref<1x64xf32, #tpu.memory_space<vmem>> -> memref<64xf32, #tpu.memory_space<vmem>>
      %dma_wait3A_487 = arith.constant 0 : i32
      %dma_wait3A_488 = tpu.memref_slice %arg3[%dma_wait3A_477, %squeeze3A_263, %dma_wait3A_487] : memref<1x1000000x64xf32, #tpu.memory_space<hbm>> -> memref<1x1x64xf32, #tpu.memory_space<hbm>>
      %dma_wait3A_489 = tpu.memref_squeeze %dma_wait3A_488 : memref<1x1x64xf32, #tpu.memory_space<hbm>> -> memref<64xf32, #tpu.memory_space<hbm>>
      tpu.wait_dma2 semaphore(%arg7 : memref<!tpu.dma_semaphore, #tpu.memory_space<semaphore_mem>>) src(%dma_wait3A_489 : memref<64xf32, #tpu.memory_space<hbm>>) dst(%dma_wait3A_486 : memref<64xf32, #tpu.memory_space<vmem>>)
      %dma_wait3A_490 = arith.constant 0 : i32
      %dma_wait3A_491 = arith.constant 0 : i32
      %dma_wait3A_492 = tpu.memref_slice %arg6[%add3A_282, %dma_wait3A_491] : memref<256x64xf32, #tpu.memory_space<vmem>> -> memref<1x64xf32, #tpu.memory_space<vmem>>
      %dma_wait3A_493 = tpu.memref_squeeze %dma_wait3A_492 : memref<1x64xf32, #tpu.memory_space<vmem>> -> memref<64xf32, #tpu.memory_space<vmem>>
      %dma_wait3A_494 = arith.constant 0 : i32
      %dma_wait3A_495 = tpu.memref_slice %arg3[%dma_wait3A_490, %squeeze3A_280, %dma_wait3A_494] : memref<1x1000000x64xf32, #tpu.memory_space<hbm>> -> memref<1x1x64xf32, #tpu.memory_space<hbm>>
      %dma_wait3A_496 = tpu.memref_squeeze %dma_wait3A_495 : memref<1x1x64xf32, #tpu.memory_space<hbm>> -> memref<64xf32, #tpu.memory_space<hbm>>
      %dma_wait3A_497 = arith.constant 0 : i32
      %dma_wait3A_498 = tpu.memref_slice %arg6[%add3A_282, %dma_wait3A_497] : memref<256x64xf32, #tpu.memory_space<vmem>> -> memref<1x64xf32, #tpu.memory_space<vmem>>
      %dma_wait3A_499 = tpu.memref_squeeze %dma_wait3A_498 : memref<1x64xf32, #tpu.memory_space<vmem>> -> memref<64xf32, #tpu.memory_space<vmem>>
      %dma_wait3A_500 = arith.constant 0 : i32
      %dma_wait3A_501 = tpu.memref_slice %arg3[%dma_wait3A_490, %squeeze3A_280, %dma_wait3A_500] : memref<1x1000000x64xf32, #tpu.memory_space<hbm>> -> memref<1x1x64xf32, #tpu.memory_space<hbm>>
      %dma_wait3A_502 = tpu.memref_squeeze %dma_wait3A_501 : memref<1x1x64xf32, #tpu.memory_space<hbm>> -> memref<64xf32, #tpu.memory_space<hbm>>
      tpu.wait_dma2 semaphore(%arg7 : memref<!tpu.dma_semaphore, #tpu.memory_space<semaphore_mem>>) src(%dma_wait3A_502 : memref<64xf32, #tpu.memory_space<hbm>>) dst(%dma_wait3A_499 : memref<64xf32, #tpu.memory_space<vmem>>)
    }
    %scan3A_15 = arith.constant 16 : i32
    %add3A_16 = arith.constant 256 : i32
    %add3A_17 = arith.addi %mul3A_2, %add3A_16 : i32
    "tpu.region"() ({
      %run_scoped3A = tpu.sem_alloc : memref<!tpu.dma_semaphore, #tpu.memory_space<semaphore_mem>>
      %dma_start3A = arith.constant 0 : i32
      %dma_start3A_18 = tpu.memref_slice %arg4[%add3A_17, %dma_start3A] : memref<16384x64xf32, #tpu.memory_space<hbm>> -> memref<256x64xf32, #tpu.memory_space<hbm>>
      %dma_start3A_19 = arith.constant 0 : i32
      %dma_start3A_20 = tpu.memref_slice %arg4[%add3A_17, %dma_start3A_19] : memref<16384x64xf32, #tpu.memory_space<hbm>> -> memref<256x64xf32, #tpu.memory_space<hbm>>
      tpu.enqueue_dma source(%arg6 : memref<256x64xf32, #tpu.memory_space<vmem>>) target(%dma_start3A_20 : memref<256x64xf32, #tpu.memory_space<hbm>>) target_semaphore(%run_scoped3A : memref<!tpu.dma_semaphore, #tpu.memory_space<semaphore_mem>>)
      %dma_wait3A = arith.constant 0 : i32
      %dma_wait3A_21 = tpu.memref_slice %arg4[%add3A_17, %dma_wait3A] : memref<16384x64xf32, #tpu.memory_space<hbm>> -> memref<256x64xf32, #tpu.memory_space<hbm>>
      %dma_wait3A_22 = arith.constant 0 : i32
      %dma_wait3A_23 = tpu.memref_slice %arg4[%add3A_17, %dma_wait3A_22] : memref<16384x64xf32, #tpu.memory_space<hbm>> -> memref<256x64xf32, #tpu.memory_space<hbm>>
      tpu.wait_dma2 semaphore(%run_scoped3A : memref<!tpu.dma_semaphore, #tpu.memory_space<semaphore_mem>>) src(%arg6 : memref<256x64xf32, #tpu.memory_space<vmem>>) dst(%dma_wait3A_23 : memref<256x64xf32, #tpu.memory_space<hbm>>)
      tpu.yield
    }) : () -> ()
    return
  }
}

module attributes {stable_mosaic.version = 14 : i64} {
  func.func @_mlp_body(%arg0: i32, %arg1: memref<1024x64xf32, #tpu.memory_space<vmem>>, %arg2: memref<1024x64xf32, #tpu.memory_space<vmem>>, %arg3: memref<64x64xf32, #tpu.memory_space<vmem>>, %arg4: memref<1x64xf32, #tpu.memory_space<vmem>>, %arg5: memref<64x32xf32, #tpu.memory_space<vmem>>, %arg6: memref<1x32xf32, #tpu.memory_space<vmem>>, %arg7: memref<32x16xf32, #tpu.memory_space<vmem>>, %arg8: memref<1x16xf32, #tpu.memory_space<vmem>>, %arg9: memref<16x1xf32, #tpu.memory_space<vmem>>, %arg10: memref<1x1xf32, #tpu.memory_space<vmem>>, %arg11: memref<1024xf32, #tpu.memory_space<vmem>>) attributes {dimension_semantics = [#tpu.dimension_semantics<arbitrary>], iteration_bounds = array<i64: 16>, scalar_prefetch = 0 : i64, scratch_operands = 0 : i64, tpu.core_type = #tpu.core_type<tc>, window_params = [{transform_indices = @transform_0, window_bounds = array<i64: 1024, 64>}, {transform_indices = @transform_1, window_bounds = array<i64: 1024, 64>}, {pipeline_mode = #tpu.pipeline_mode<synchronous>, transform_indices = @transform_2, window_bounds = array<i64: 64, 64>}, {pipeline_mode = #tpu.pipeline_mode<synchronous>, transform_indices = @transform_3, window_bounds = array<i64: 1, 64>}, {pipeline_mode = #tpu.pipeline_mode<synchronous>, transform_indices = @transform_4, window_bounds = array<i64: 64, 32>}, {pipeline_mode = #tpu.pipeline_mode<synchronous>, transform_indices = @transform_5, window_bounds = array<i64: 1, 32>}, {pipeline_mode = #tpu.pipeline_mode<synchronous>, transform_indices = @transform_6, window_bounds = array<i64: 32, 16>}, {pipeline_mode = #tpu.pipeline_mode<synchronous>, transform_indices = @transform_7, window_bounds = array<i64: 1, 16>}, {pipeline_mode = #tpu.pipeline_mode<synchronous>, transform_indices = @transform_8, window_bounds = array<i64: 16, 1>}, {pipeline_mode = #tpu.pipeline_mode<synchronous>, transform_indices = @transform_9, window_bounds = array<i64: 1, 1>}, {transform_indices = @transform_10, window_bounds = array<i64: 1024>}]} {
    %get3A = arith.constant 0 : index
    %get3A_0 = arith.constant 0 : index
    %get3A_1 = vector.load %arg1[%get3A, %get3A_0] : memref<1024x64xf32, #tpu.memory_space<vmem>>, vector<1024x64xf32>
    %get3A_2 = arith.constant 0 : index
    %get3A_3 = arith.constant 0 : index
    %get3A_4 = vector.load %arg2[%get3A_2, %get3A_3] : memref<1024x64xf32, #tpu.memory_space<vmem>>, vector<1024x64xf32>
    %mul3A = arith.mulf %get3A_1, %get3A_4 : vector<1024x64xf32>
    %get3A_5 = arith.constant 0 : index
    %get3A_6 = arith.constant 0 : index
    %get3A_7 = vector.load %arg3[%get3A_5, %get3A_6] : memref<64x64xf32, #tpu.memory_space<vmem>>, vector<64x64xf32>
    %dot_general3A = arith.constant dense<0.000000e+00> : vector<1024x64xf32>
    %dot_general3A_8 = tpu.matmul %mul3A, %get3A_7, %dot_general3A {dimension_numbers = #tpu.dot_dimension_numbers<[1], [0], [0], [1], [0, 0, 1, 1], [], []>, transpose_lhs_hint = false} : vector<1024x64xf32>, vector<64x64xf32>, vector<1024x64xf32> -> vector<1024x64xf32>
    %get3A_9 = arith.constant 0 : index
    %get3A_10 = arith.constant 0 : index
    %get3A_11 = vector.load %arg4[%get3A_9, %get3A_10] : memref<1x64xf32, #tpu.memory_space<vmem>>, vector<1x64xf32>
    %add3A = vector.broadcast %get3A_11 : vector<1x64xf32> to vector<1024x64xf32>
    %add3A_12 = arith.addf %dot_general3A_8, %add3A : vector<1024x64xf32>
    %max3A = arith.constant 0.000000e+00 : f32
    %max3A_13 = vector.broadcast %max3A : f32 to vector<1024x64xf32>
    %max3A_14 = arith.maximumf %add3A_12, %max3A_13 : vector<1024x64xf32>
    %get3A_15 = arith.constant 0 : index
    %get3A_16 = arith.constant 0 : index
    %get3A_17 = vector.load %arg5[%get3A_15, %get3A_16] : memref<64x32xf32, #tpu.memory_space<vmem>>, vector<64x32xf32>
    %dot_general3A_18 = arith.constant dense<0.000000e+00> : vector<1024x32xf32>
    %dot_general3A_19 = tpu.matmul %max3A_14, %get3A_17, %dot_general3A_18 {dimension_numbers = #tpu.dot_dimension_numbers<[1], [0], [0], [1], [0, 0, 1, 1], [], []>, transpose_lhs_hint = false} : vector<1024x64xf32>, vector<64x32xf32>, vector<1024x32xf32> -> vector<1024x32xf32>
    %get3A_20 = arith.constant 0 : index
    %get3A_21 = arith.constant 0 : index
    %get3A_22 = vector.load %arg6[%get3A_20, %get3A_21] : memref<1x32xf32, #tpu.memory_space<vmem>>, vector<1x32xf32>
    %add3A_23 = vector.broadcast %get3A_22 : vector<1x32xf32> to vector<1024x32xf32>
    %add3A_24 = arith.addf %dot_general3A_19, %add3A_23 : vector<1024x32xf32>
    %max3A_25 = arith.constant 0.000000e+00 : f32
    %max3A_26 = vector.broadcast %max3A_25 : f32 to vector<1024x32xf32>
    %max3A_27 = arith.maximumf %add3A_24, %max3A_26 : vector<1024x32xf32>
    %get3A_28 = arith.constant 0 : index
    %get3A_29 = arith.constant 0 : index
    %get3A_30 = vector.load %arg7[%get3A_28, %get3A_29] : memref<32x16xf32, #tpu.memory_space<vmem>>, vector<32x16xf32>
    %dot_general3A_31 = arith.constant dense<0.000000e+00> : vector<1024x16xf32>
    %dot_general3A_32 = tpu.matmul %max3A_27, %get3A_30, %dot_general3A_31 {dimension_numbers = #tpu.dot_dimension_numbers<[1], [0], [0], [1], [0, 0, 1, 1], [], []>, transpose_lhs_hint = false} : vector<1024x32xf32>, vector<32x16xf32>, vector<1024x16xf32> -> vector<1024x16xf32>
    %get3A_33 = arith.constant 0 : index
    %get3A_34 = arith.constant 0 : index
    %get3A_35 = vector.load %arg8[%get3A_33, %get3A_34] : memref<1x16xf32, #tpu.memory_space<vmem>>, vector<1x16xf32>
    %add3A_36 = vector.broadcast %get3A_35 : vector<1x16xf32> to vector<1024x16xf32>
    %add3A_37 = arith.addf %dot_general3A_32, %add3A_36 : vector<1024x16xf32>
    %max3A_38 = arith.constant 0.000000e+00 : f32
    %max3A_39 = vector.broadcast %max3A_38 : f32 to vector<1024x16xf32>
    %max3A_40 = arith.maximumf %add3A_37, %max3A_39 : vector<1024x16xf32>
    %get3A_41 = arith.constant 0 : index
    %get3A_42 = arith.constant 0 : index
    %get3A_43 = vector.load %arg9[%get3A_41, %get3A_42] : memref<16x1xf32, #tpu.memory_space<vmem>>, vector<16x1xf32>
    %dot_general3A_44 = arith.constant dense<0.000000e+00> : vector<1024x1xf32>
    %dot_general3A_45 = tpu.matmul %max3A_40, %get3A_43, %dot_general3A_44 {dimension_numbers = #tpu.dot_dimension_numbers<[1], [0], [0], [1], [0, 0, 1, 1], [], []>, transpose_lhs_hint = false} : vector<1024x16xf32>, vector<16x1xf32>, vector<1024x1xf32> -> vector<1024x1xf32>
    %get3A_46 = arith.constant 0 : index
    %get3A_47 = arith.constant 0 : index
    %get3A_48 = vector.load %arg10[%get3A_46, %get3A_47] : memref<1x1xf32, #tpu.memory_space<vmem>>, vector<1x1xf32>
    %add3A_49 = vector.broadcast %get3A_48 : vector<1x1xf32> to vector<1024x1xf32>
    %add3A_50 = arith.addf %dot_general3A_45, %add3A_49 : vector<1024x1xf32>
    %squeeze3A = vector.shape_cast %add3A_50 : vector<1024x1xf32> to vector<1024xf32>
    %logistic3A = arith.negf %squeeze3A : vector<1024xf32>
    %logistic3A_51 = math.exp %logistic3A : vector<1024xf32>
    %logistic3A_52 = arith.constant 1.000000e+00 : f32
    %logistic3A_53 = vector.broadcast %logistic3A_52 : f32 to vector<1024xf32>
    %logistic3A_54 = arith.addf %logistic3A_53, %logistic3A_51 : vector<1024xf32>
    %logistic3A_55 = arith.divf %logistic3A_53, %logistic3A_54 : vector<1024xf32>
    %swap3A = arith.constant 0 : index
    %swap3A_56 = vector.load %arg11[%swap3A] : memref<1024xf32, #tpu.memory_space<vmem>>, vector<1024xf32>
    tpu.vector_store %arg11[%swap3A], %logistic3A_55 {strides = array<i32>} : memref<1024xf32, #tpu.memory_space<vmem>>, vector<1024xf32>,
    return
  }
  func.func @transform_0(%arg0: i32) -> (i32, i32) {
    %c0_i32 = arith.constant 0 : i32
    %c0_i32_0 = arith.constant 0 : i32
    return %arg0, %c0_i32 : i32, i32
  }
  func.func @transform_1(%arg0: i32) -> (i32, i32) {
    %c0_i32 = arith.constant 0 : i32
    %c0_i32_0 = arith.constant 0 : i32
    return %arg0, %c0_i32 : i32, i32
  }
  func.func @transform_2(%arg0: i32) -> (i32, i32) {
    %c0_i32 = arith.constant 0 : i32
    %c0_i32_0 = arith.constant 0 : i32
    %c0_i32_1 = arith.constant 0 : i32
    return %c0_i32, %c0_i32_0 : i32, i32
  }
  func.func @transform_3(%arg0: i32) -> (i32, i32) {
    %c0_i32 = arith.constant 0 : i32
    %c0_i32_0 = arith.constant 0 : i32
    %c0_i32_1 = arith.constant 0 : i32
    return %c0_i32, %c0_i32_0 : i32, i32
  }
  func.func @transform_4(%arg0: i32) -> (i32, i32) {
    %c0_i32 = arith.constant 0 : i32
    %c0_i32_0 = arith.constant 0 : i32
    %c0_i32_1 = arith.constant 0 : i32
    return %c0_i32, %c0_i32_0 : i32, i32
  }
  func.func @transform_5(%arg0: i32) -> (i32, i32) {
    %c0_i32 = arith.constant 0 : i32
    %c0_i32_0 = arith.constant 0 : i32
    %c0_i32_1 = arith.constant 0 : i32
    return %c0_i32, %c0_i32_0 : i32, i32
  }
  func.func @transform_6(%arg0: i32) -> (i32, i32) {
    %c0_i32 = arith.constant 0 : i32
    %c0_i32_0 = arith.constant 0 : i32
    %c0_i32_1 = arith.constant 0 : i32
    return %c0_i32, %c0_i32_0 : i32, i32
  }
  func.func @transform_7(%arg0: i32) -> (i32, i32) {
    %c0_i32 = arith.constant 0 : i32
    %c0_i32_0 = arith.constant 0 : i32
    %c0_i32_1 = arith.constant 0 : i32
    return %c0_i32, %c0_i32_0 : i32, i32
  }
  func.func @transform_8(%arg0: i32) -> (i32, i32) {
    %c0_i32 = arith.constant 0 : i32
    %c0_i32_0 = arith.constant 0 : i32
    %c0_i32_1 = arith.constant 0 : i32
    return %c0_i32, %c0_i32_0 : i32, i32
  }
  func.func @transform_9(%arg0: i32) -> (i32, i32) {
    %c0_i32 = arith.constant 0 : i32
    %c0_i32_0 = arith.constant 0 : i32
    %c0_i32_1 = arith.constant 0 : i32
    return %c0_i32, %c0_i32_0 : i32, i32
  }
  func.func @transform_10(%arg0: i32) -> i32 {
    %c0_i32 = arith.constant 0 : i32
    return %arg0 : i32
  }
}

</mosaic_0001>

<sc_bundles>
// kernel: kernel.5.cloned.1.call-start
scs
__scs_entry_jumppad:
0x0: {  	(pc) =	sbr.rel $0x88, $3  }
0x1: {  	(tag) =	ssettag $0x0;
	lr =	simm.s32 $0x1  }
0x2: {  	[smem:$0x3F95] =	sst lr;
	_ =	strace $0xD0000000  }
0x3: {  	_ = 	snop  }
0x4: {  	_ = 	snop  }
0x5: {  	_ = 	snop  }
0x6: {  	_ = 	snop  }
0x7: {  	_ = 	snop  }
__scs_overlays_trampoline_lowered:
0x8: {  	[smem:$0x3FA4] =	sst s0  }
0x9: {  	[smem:$0x3FA5] =	sst s1  }
0xa: {  	[smem:$0x3FA6] =	sst s2  }
0xb: {  	[smem:$0x3FA7] =	sst s3  }
0xc: {  	[smem:$0x3FA8] =	sst s4  }
0xd: {  	[smem:$0x3FA9] =	sst s5  }
0xe: {  	[smem:$0x3FAA] =	sst s6  }
0xf: {  	[smem:$0x3FAB] =	sst s7  }
0x10: {  	[smem:$0x3FAC] =	sst s8  }
0x11: {  	[smem:$0x3FAD] =	sst s9;
	s0 =	simm.s32 @!p0 $0x0  }
0x12: {  	s1 =	sld [smem:$0x3F93];
	s0 =	simm.s32 @p0 $0x1  }
0x13: {  	[smem:$0x3FAE] =	sst s0;
	s0 =	simm.s32 @!p1 $0x0  }
0x14: {  	s2 =	sld [smem:$0x3F92];
	s0 =	simm.s32 @p1 $0x1  }
0x15: {  	[smem:$0x3FAF] =	sst s0;
	s0 =	simm.s32 @!p2 $0x0  }
0x16: {  	s3 =	sld [smem:$0x3FDB];
	s0 =	simm.s32 @p2 $0x1  }
0x17: {  	s4 =	simm.s32 $0x1BF5;
	[smem:$0x3FB1] =	sst s0  }
0x18: {  	s0 =	sld [smem:$0x3F94];
	_ =	swait.ge [sflag:s4], $0x0  }
0x19: {  	s7 =	sld [smem:$0x3F95]  }
0x1a: {  	s8 =	sadd.s32 $0xFFFFE003, lr  }
0x1b: {  	s9 =	sadd.s32 $0xFFFFFEF7, lr;
	s5 =	simm.s32 $0xFFFFFFFF;
	p2 =	slt.u32 s8, $0xFFFFF086  }
0x1c: {  	p1 =	slt.u32 s9, $0xF7A;
	s5 =	simm.s32 @!p2 $0x0  }
0x1d: {  	s5 =	simm.s32 @p1 $0x1;
	p0 =	seq.s32 s7, s2  }
0x1e: {  	s7 =	smul.u32 @!p0 $0xF7A, s2;
	p2 =	seq.s32 @!p0 s5, $0x0  }
0x1f: {  	s9 =	smul.u32 $0xF7A, s1;
	s8 =	simm.s32 @!p0 $0x1BF5;
	p2 =	por !p2, p0  }
0x20: {  	[sflag:s8] =	ssyncset.s32 @!p0 $0xFFFFF086;
	s6 =	sadd.s32 @!p0 s3, s7;
	s7 =	simm.s32 @!p0 $0x108  }
0x21: {  	s3 =	sadd.s32 s3, s9;
	s6 =	sadd.s32 @!p0 $0x88, s6;
	s7 =	simm.s32 @p2 $0x1082  }
0x22: {  	[simem:s7], [sflag:s8] =	dma.local @!p0 [hbm:s6], $0xF7A  }
0x23: {  	s9 =	sor.u32 $0xD0000000, s2;
	s6 =	simm.s32 $0x108;
	_ =	swait.ge @!p0 [sflag:s8], $0x0  }
0x24: {  	s3 =	sadd.s32 $0x88, s3;
	s6 =	simm.s32 @!p1 $0x1082;
	[sflag:s4] =	ssyncset.s32 $0xFFFFF086  }
0x25: {  	[simem:s6], [sflag:s4] =	dma.local [hbm:s3], $0xF7A  }
0x26: {  	[smem:$0x3F95] =	sst s1;
	(tag) =	ssettag s2;
	_ =	strace s9  }
0x27: {  	s1 =	sld [smem:$0x3FA5]  }
0x28: {  	s2 =	sld [smem:$0x3FA6]  }
0x29: {  	s4 =	sld [smem:$0x3FA8]  }
0x2a: {  	p0 =	seq.s32 s5, $0x0;
	s5 =	sld [smem:$0x3FA9]  }
0x2b: {  	s6 =	sld [smem:$0x3FAA]  }
0x2c: {  	s7 =	sld [smem:$0x3FAB]  }
0x2d: {  	s3 =	simm.s32 $0x108;
	s8 =	sld [smem:$0x3FAC]  }
0x2e: {  	s3 =	simm.s32 @!p0 $0x1082;
	s9 =	sld [smem:$0x3FAD]  }
0x2f: {  	lr =	sadd.s32 s0, s3;
	s0 =	sld [smem:$0x3FA4]  }
0x30: {  	s3 =	sld [smem:$0x3FA7]  }
0x31: {  	[smem:$0x3FB0] =	sst s10  }
0x32: {  	s10 =	sld [smem:$0x3FAE];
	_ =	sdelay $0x3  }
0x33: {  	p0 =	seq.s32 s10, $0x1;
	s10 =	sld [smem:$0x3FB0];
	_ =	sdelay $0x3  }
0x34: {  	[smem:$0x3FB0] =	sst s10  }
0x35: {  	s10 =	sld [smem:$0x3FAF];
	_ =	sdelay $0x3  }
0x36: {  	p1 =	seq.s32 s10, $0x1;
	s10 =	sld [smem:$0x3FB0];
	_ =	sdelay $0x3  }
0x37: {  	[smem:$0x3FB0] =	sst s10  }
0x38: {  	s10 =	sld [smem:$0x3FB1]  }
0x39: {  	_ = 	snop;
	(pc) =	sbr.ind lr, $3  }
0x3a: {  	_ = 	snop  }
0x3b: {  	_ = 	snop  }
0x3c: {  	p2 =	seq.s32 s10, $0x1;
	s10 =	sld [smem:$0x3FB0]  }
0x3d: {  	_ =	shalt  }
0x3e: {  	_ =	shalt  }
0x3f: {  	_ =	shalt  }
0x40: {  	_ =	shalt  }
0x41: {  	_ =	shalt  }
0x42: {  	_ =	shalt  }
0x43: {  	_ =	shalt  }
0x44: {  	_ =	shalt  }
0x45: {  	_ =	shalt  }
0x46: {  	_ =	shalt  }
0x47: {  	_ =	shalt  }
0x48: {  	_ =	shalt  }
0x49: {  	_ =	shalt  }
0x4a: {  	_ =	shalt  }
0x4b: {  	_ =	shalt  }
0x4c: {  	_ =	shalt  }
0x4d: {  	_ =	shalt  }
0x4e: {  	_ =	shalt  }
0x4f: {  	_ =	shalt  }
0x50: {  	_ =	shalt  }
0x51: {  	_ =	shalt  }
0x52: {  	_ =	shalt  }
0x53: {  	_ =	shalt  }
0x54: {  	_ =	shalt  }
0x55: {  	_ =	shalt  }
0x56: {  	_ =	shalt  }
0x57: {  	_ =	shalt  }
0x58: {  	_ =	shalt  }
0x59: {  	_ =	shalt  }
0x5a: {  	_ =	shalt  }
0x5b: {  	_ =	shalt  }
0x5c: {  	_ =	shalt  }
0x5d: {  	_ =	shalt  }
0x5e: {  	_ =	shalt  }
0x5f: {  	_ =	shalt  }
0x60: {  	_ =	shalt  }
0x61: {  	_ =	shalt  }
0x62: {  	_ =	shalt  }
0x63: {  	_ =	shalt  }
0x64: {  	_ =	shalt  }
0x65: {  	_ =	shalt  }
0x66: {  	_ =	shalt  }
0x67: {  	_ =	shalt  }
0x68: {  	_ =	shalt  }
0x69: {  	_ =	shalt  }
0x6a: {  	_ =	shalt  }
0x6b: {  	_ =	shalt  }
0x6c: {  	_ =	shalt  }
0x6d: {  	_ =	shalt  }
0x6e: {  	_ =	shalt  }
0x6f: {  	_ =	shalt  }
0x70: {  	_ =	shalt  }
0x71: {  	_ =	shalt  }
0x72: {  	_ =	shalt  }
0x73: {  	_ =	shalt  }
0x74: {  	_ =	shalt  }
0x75: {  	_ =	shalt  }
0x76: {  	_ =	shalt  }
0x77: {  	_ =	shalt  }
0x78: {  	_ =	shalt  }
0x79: {  	_ =	shalt  }
0x7a: {  	_ =	shalt  }
0x7b: {  	_ =	shalt  }
0x7c: {  	_ =	shalt  }
0x7d: {  	_ =	shalt  }
0x7e: {  	_ =	shalt  }
0x7f: {  	_ =	shalt  }
0x80: {  	_ =	shalt  }
0x81: {  	_ =	shalt  }
0x82: {  	_ =	shalt  }
0x83: {  	_ =	shalt  }
0x84: {  	_ =	shalt  }
0x85: {  	_ =	shalt  }
0x86: {  	_ =	shalt  }
0x87: {  	_ =	shalt  }
.Lfunc_end0:
.L_simem_size_0:
called_computation_lowered:
.L_overlay_start_0:
0x88: {  	s2 =	sld [smem:$0x3FD9]  }
0x89: {  	s3 =	sld [smem:$0x3FFE];
	_ =	sdelay $0x1  }
0x8a: {  	s1 =	srdreg.scid  }
0x8b: {  	s0 =	sand.u32 $0x1, s1  }
0x8c: {  	s17 =	sshll.u32 s0, $0xA;
	s2 =	sadd.s32 s3, s2  }
0x8d: {  	s2 =	sadd.s32 s2, s17  }
0x8e: {  	[smem:$0x3FBC] =	sst s2  }
0x8f: {  	_ = 	snop  }
0x90: {  	s2 =	sld [smem:$0x3FC8];
	(tm) =	ssettm $0x1  }
0x91: {  	s18 =	sld [smem:$0x3FFB];
	_ =	sdelay $0x3  }
0x92: {  	_ =	strace s18  }
0x93: {  	s3 =	sld [smem:$0x3FFC];
	_ =	sdelay $0x3  }
0x94: {  	_ =	strace s3  }
0x95: {  	s3 =	sld [smem:$0x3FFD];
	_ =	sdelay $0x3  }
0x96: {  	_ =	strace s3  }
0x97: {  	_ =	strace $0x8FFFFFFF  }
0x98: {  	s19 =	sld [smem:$0x3FDB];
	_ =	sdelay $0x1  }
0x99: {  	s4 =	simm.s32 $_scs_section_size  }
0x9a: {  	s5 =	simm.s32 $_size__tile_overlayer_lowered;
	s6 =	simm.s32 $_tile_overlayer_lowered  }
0x9b: {  	s22 =	simm.s32 $0x1BFF;
	s21 =	sshll.u32 s6, $0x1;
	s3 =	sadd.s32 s4, s19  }
0x9c: {  	s7 =	simm.s32 $0x0;
	s20 =	sshll.u32 s5, $0x1;
	s5 =	sadd.s32 s21, s3  }
0x9d: {  	[timem:s7], [sflag:s22] =	dma.local [hbm:s5], s20  }
0x9e: {  	_ =	swait.ge [sflag:s22], s20  }
0x9f: {  	s4 =	ssub.s32 $0x0, s20;
	[sflag:s22] =	ssyncset.done $0x0  }
0xa0: {  	[sflag:s22] =	ssyncadd.s32 s4;
	_ =	sdelay $0x1  }
0xa1: {  	s23 =	simm.s32 $0x1B8B  }
0xa2: {  	_ =	swait.ge [sflag:s23], $0x1  }
0xa3: {  	[sflag:s23] =	ssyncset.done $0x0  }
0xa4: {  	s25 =	simm.s32 $0x1B8E;
	s24 =	sld [smem:$0x3FFE];
	[sflag:s23] =	ssyncadd.s32 $0xFFFFFFFF  }
0xa5: {  	s26 =	simm.s32 $execute0_lowered;
	[smem:$0x3FD2] =	sst s25  }
0xa6: {  	s5 =	sshll.u32 s26, $0x1;
	_ =	strace $0x80000046;
	[dreg:$0x1] =	wrdreg $0xFFFFFFFF  }
0xa7: {  	s28 =	simm.s32 $_size_execute0_lowered;
	s3 =	sadd.s32 s3, s5;
	[dreg:$0x0] =	wrdreg $0x0  }
0xa8: {  	s5 =	sshll.u32 s28, $0x1;
	[dreg:$0x2] =	wrdreg s3  }
0xa9: {  	[dreg:$0x3] =	wrdreg s5  }
0xaa: {  	[dreg:$0x4] =	wrdreg $0xC0  }
0xab: {  	_ =	task [dreg:s7], $0x5FFFF  }
0xac: {  	[dreg:$0x1] =	wrdreg $0xFFFFFFFF  }
0xad: {  	[dreg:$0x0] =	wrdreg $0x60  }
0xae: {  	[dreg:$0x2] =	wrdreg s2  }
0xaf: {  	[dreg:$0x3] =	wrdreg s24  }
0xb0: {  	[dreg:$0x4] =	wrdreg $0x9  }
0xb1: {  	_ =	task.clear_ibuf [dreg:s7], $0x5FFFF;
	_ =	strace $0x90000046  }
0xb2: {  	s29 =	simm.s32 $0x9;
	_ =	strace $0x80000048  }
0xb3: {  	_ =	swait.ge [sflag:s29], $0x1  }
0xb4: {  	[sflag:s29] =	ssyncadd.s32 $0xFFFFFFFF  }
0xb5: {  	_ =	strace $0x90000048  }
0xb6: {  	_ =	sfence  }
0xb7: {  	s30 =	sld [smem:$0x0];
	_ =	sdelay $0x2  }
0xb8: {  	s31 =	sshll.u32 s1, $0xD;
	s1 =	sshrl.u32 s1, $0x2  }
0xb9: {  	s3 =	sand.u32 $0x4000, s31;
	s1 =	sadd.s32 s1, s30  }
0xba: {  	s0 =	sor.u32 s3, s0;
	s1 =	sshll.u32 s1, $0x11  }
0xbb: {  	s0 =	sor.u32 s1, s0  }
0xbc: {  	s0 =	sadd.s32 $0x8F2B, s0  }
0xbd: {  	[sflag:s0] =	ssyncadd.remote.s32 $0x1  }
0xbe: {  	_ =	sfence.sel $0xFFFF  }
0xbf: {  	[dreg:$0x0] =	wrdreg $0xFFFFFFFF;
	(pc) =	sbr.abs _section_cstart, $3  }
0xc0: {  	[dreg:$0x1] =	wrdreg $0xFFFFFFFF  }
0xc1: {  	_ =	task.clear_ibuf [dreg:s7], $0x2FFFF;
	_ =	strace $0x9FFFFFFF  }
0xc2: {  	(tm) =	ssettm $0x7FFFFFFF  }
0xc3: {  	_ =	shalt  }
tec
execute0_lowered:
.L_overlay_start_1:
0x0: {  	(tag) =	ssettag $0x1  }
0x1: {  	s4 =	rddreg [dreg:$0x0]  }
0x2: {  	s5 =	rddreg [dreg:$0x1]  }
0x3: {  	s3 =	srdreg.scid;
	s2 =	simm.s32 $0x0;
	s0 =	stileid.u32  }
0x4: {  	s10 =	simm.s32 $0x200;
	s11 =	simm.s32 $0x0;
	s6 =	sand.u32 $0x1, s3  }
0x5: {  	[smem:$0x7FF] =	sst s2;
	s30 =	sshll.u32 s0, $0xA;
	s7 =	sshll.u32 s6, $0x9  }
0x6: {  	s3 =	sadd.s32 $0x1A00, s5;
	s6 =	ssub.s32 $0x2, s6;
	s7 =	sor.u32 s7, s30  }
0x7: {  	_ =	strace $0x80000047;
	s31 =	sshrl.u32 s6, $0x1;
	s8 =	sshll.u32 s7, $0x4  }
0x8: {  	s7 =	sshrl.u32 s7, $0x3;
	s9 =	ssub.s32 s6, s31;
	s8 =	sadd.s32 s8, s5  }
0x9: {  	s4 =	sadd.s32 s4, s7;
	s7 =	smax.u32 s9, $0x1;
	s9 =	simm.s32 $0x1  }
0xa: {  	s5 =	sadd.s32 $0xF43E00, s8;
	s6 =	sadd.s32 $0xF44E00, s8;
	s8 =	simm.s32 $0x2  }
.LBB2_1:
0xb: {  	[tilespmem:s2], [sflag:$0x2] =	stream.linear.gather [hbm4b:s4+s2], $0x200, $0x38;
	[tilespmem:$0x8200] =	vst v63  }
0xc: {  	_ =	swait.ge [sflag:s8], $0x200  }
0xd: {  	[sflag:s8] =	ssyncset.done $0x0  }
0xe: {  	[sflag:s8] =	ssyncadd.s32 $0xFFFFFE00  }
0xf: {  	v0 =	vld [tilespmem:s2+$0x0];
	_ =	sdelay $0x4  }
0x10: {  	v0 =	vshll.u32 v0, $0x4  }
0x11: {  	(v2sf) =	vpush v0, $0x0  }
0x12: {  	(v2sf) =	vpush v0, $0x1  }
0x13: {  	(v2sf) =	vpush v0, $0x2;
	_ =	sdelay $0x1  }
0x14: {  	(v2sf) =	vpush v0, $0x3;
	_ =	sdelay $0x1  }
0x15: {  	(v2sf) =	vpush v0, $0x4;
	_ =	sdelay $0x1  }
0x16: {  	(v2sf) =	vpush v0, $0x5;
	_ =	sdelay $0x1  }
0x17: {  	(v2sf) =	vpush v0, $0x6  }
0x18: {  	s14 =	simm.s32 $0x280;
	s15 =	simm.s32 $0x380  }
0x19: {  	s16 =	simm.s32 $0x400;
	s17 =	simm.s32 $0x200;
	s18 =	simm.s32 $0x300;
	(v2sf) =	vpush v0, $0x7  }
0x1a: {  	s19 =	simm.s32 $0x480;
	s13 =	simm.s32 $0x800;
	s12 =	simm.s32 $0x880  }
0x1b: {  	s20 =	simm.s32 $0x500;
	s21 =	simm.s32 $0x700;
	s22 =	simm.s32 $0x780;
	(v2sf) =	vpush v0, $0x8  }
0x1c: {  	s23 =	simm.s32 $0x600;
	s24 =	simm.s32 $0x680;
	s25 =	spop (v2sf)  }
0x1d: {  	s26 =	simm.s32 $0x580;
	(v2sf) =	vpush v0, $0x9;
	s25 =	sand.u32 $0x1FFFFFF0, s25;
	s28 =	spop (v2sf)  }
0x1e: {  	s25 =	sadd.s32 s3, s25;
	s28 =	sand.u32 $0x1FFFFFF0, s28;
	s29 =	spop (v2sf)  }
0x1f: {  	(v2sf) =	vpush v0, $0xA;
	[tilespmem:s17], [sflag:$0x1] =	stream.linear.gather [hbm4b:s25+s2], $0x80, $0x38;
	[tilespmem:$0x8200] =	vst v63  }
0x20: {  	s31 =	sadd.s32 s3, s28;
	s0 =	sand.u32 $0x1FFFFFF0, s29;
	s1 =	spop (v2sf)  }
0x21: {  	(v2sf) =	vpush v0, $0xB;
	[tilespmem:s14], [sflag:$0x1] =	stream.linear.gather [hbm4b:s31+s2], $0x80, $0x38;
	[tilespmem:$0x8200] =	vst v63  }
0x22: {  	s25 =	sadd.s32 s3, s0;
	s29 =	sand.u32 $0x1FFFFFF0, s1;
	s30 =	spop (v2sf)  }
0x23: {  	(v2sf) =	vpush v0, $0xC;
	[tilespmem:s18], [sflag:$0x1] =	stream.linear.gather [hbm4b:s25+s2], $0x80, $0x38;
	[tilespmem:$0x8200] =	vst v63  }
0x24: {  	s31 =	sadd.s32 s3, s29;
	s0 =	sand.u32 $0x1FFFFFF0, s30;
	s1 =	spop (v2sf)  }
0x25: {  	(v2sf) =	vpush v0, $0xD;
	[tilespmem:s15], [sflag:$0x1] =	stream.linear.gather [hbm4b:s31+s2], $0x80, $0x38;
	[tilespmem:$0x8200] =	vst v63  }
0x26: {  	s17 =	sadd.s32 s3, s0;
	s18 =	sand.u32 $0x1FFFFFF0, s1;
	s25 =	spop (v2sf)  }
0x27: {  	(v2sf) =	vpush v0, $0xE;
	[tilespmem:s16], [sflag:$0x1] =	stream.linear.gather [hbm4b:s17+s2], $0x80, $0x38;
	[tilespmem:$0x8200] =	vst v63  }
0x28: {  	s28 =	sadd.s32 s3, s18;
	s29 =	sand.u32 $0x1FFFFFF0, s25;
	s30 =	spop (v2sf)  }
0x29: {  	(v2sf) =	vpush v0, $0xF;
	[tilespmem:s19], [sflag:$0x1] =	stream.linear.gather [hbm4b:s28+s2], $0x80, $0x38;
	[tilespmem:$0x8200] =	vst v63  }
0x2a: {  	s31 =	sadd.s32 s3, s29;
	s0 =	sand.u32 $0x1FFFFFF0, s30;
	s1 =	spop (v2sf)  }
0x2b: {  	[tilespmem:s20], [sflag:$0x1] =	stream.linear.gather [hbm4b:s31+s2], $0x80, $0x38;
	[tilespmem:$0x8200] =	vst v63  }
0x2c: {  	s18 =	sand.u32 $0x1FFFFFF0, s1;
	s17 =	sadd.s32 s3, s0;
	s19 =	spop (v2sf)  }
0x2d: {  	[tilespmem:s26], [sflag:$0x1] =	stream.linear.gather [hbm4b:s17+s2], $0x80, $0x38;
	[tilespmem:$0x8200] =	vst v63  }
0x2e: {  	s20 =	sadd.s32 s3, s18;
	s25 =	sand.u32 $0x1FFFFFF0, s19;
	s26 =	spop (v2sf)  }
0x2f: {  	[tilespmem:s23], [sflag:$0x1] =	stream.linear.gather [hbm4b:s20+s2], $0x80, $0x38;
	[tilespmem:$0x8200] =	vst v63  }
0x30: {  	s28 =	sadd.s32 s3, s25;
	s29 =	sand.u32 $0x1FFFFFF0, s26;
	s30 =	spop (v2sf)  }
0x31: {  	[tilespmem:s24], [sflag:$0x1] =	stream.linear.gather [hbm4b:s28+s2], $0x80, $0x38;
	[tilespmem:$0x8200] =	vst v63  }
0x32: {  	s31 =	sadd.s32 s3, s29;
	s0 =	sand.u32 $0x1FFFFFF0, s30;
	s1 =	spop (v2sf)  }
0x33: {  	[tilespmem:s21], [sflag:$0x1] =	stream.linear.gather [hbm4b:s31+s2], $0x80, $0x38;
	[tilespmem:$0x8200] =	vst v63  }
0x34: {  	s17 =	sadd.s32 s3, s0;
	s18 =	sand.u32 $0x1FFFFFF0, s1;
	s19 =	spop (v2sf)  }
0x35: {  	[tilespmem:s22], [sflag:$0x1] =	stream.linear.gather [hbm4b:s17+s2], $0x80, $0x38;
	[tilespmem:$0x8200] =	vst v63  }
0x36: {  	s20 =	sadd.s32 s3, s18;
	s21 =	sand.u32 $0x1FFFFFF0, s19;
	s22 =	spop (v2sf)  }
0x37: {  	[tilespmem:s13], [sflag:$0x1] =	stream.linear.gather [hbm4b:s20+s2], $0x80, $0x38;
	[tilespmem:$0x8200] =	vst v63  }
0x38: {  	s23 =	sadd.s32 s3, s21;
	s24 =	sand.u32 $0x1FFFFFF0, s22;
	s25 =	spop (v2sf)  }
0x39: {  	[tilespmem:s12], [sflag:$0x1] =	stream.linear.gather [hbm4b:s23+s2], $0x80, $0x38;
	[tilespmem:$0x8200] =	vst v63  }
0x3a: {  	s26 =	simm.s32 $0x900;
	s28 =	sadd.s32 s3, s24;
	s29 =	sand.u32 $0x1FFFFFF0, s25  }
0x3b: {  	[tilespmem:s26], [sflag:$0x1] =	stream.linear.gather [hbm4b:s28+s2], $0x80, $0x38;
	[tilespmem:$0x8200] =	vst v63  }
0x3c: {  	s30 =	simm.s32 $0x980;
	s31 =	sadd.s32 s3, s29  }
0x3d: {  	[tilespmem:s30], [sflag:$0x1] =	stream.linear.gather [hbm4b:s31+s2], $0x80, $0x38;
	[tilespmem:$0x8200] =	vst v63  }
0x3e: {  	_ =	swait.ge [sflag:s9], $0x80  }
0x3f: {  	[sflag:s9] =	ssyncset.done $0x0  }
0x40: {  	[sflag:s9] =	ssyncadd.s32 $0xFFFFFF80  }
0x41: {  	_ =	swait.ge [sflag:s9], $0x80  }
0x42: {  	[sflag:s9] =	ssyncset.done $0x0  }
0x43: {  	[sflag:s9] =	ssyncadd.s32 $0xFFFFFF80  }
0x44: {  	_ =	swait.ge [sflag:s9], $0x80  }
0x45: {  	[sflag:s9] =	ssyncset.done $0x0  }
0x46: {  	[sflag:s9] =	ssyncadd.s32 $0xFFFFFF80  }
0x47: {  	_ =	swait.ge [sflag:s9], $0x80  }
0x48: {  	[sflag:s9] =	ssyncset.done $0x0  }
0x49: {  	[sflag:s9] =	ssyncadd.s32 $0xFFFFFF80  }
0x4a: {  	_ =	swait.ge [sflag:s9], $0x80  }
0x4b: {  	[sflag:s9] =	ssyncset.done $0x0  }
0x4c: {  	[sflag:s9] =	ssyncadd.s32 $0xFFFFFF80  }
0x4d: {  	_ =	swait.ge [sflag:s9], $0x80  }
0x4e: {  	[sflag:s9] =	ssyncset.done $0x0  }
0x4f: {  	[sflag:s9] =	ssyncadd.s32 $0xFFFFFF80  }
0x50: {  	_ =	swait.ge [sflag:s9], $0x80  }
0x51: {  	[sflag:s9] =	ssyncset.done $0x0  }
0x52: {  	[sflag:s9] =	ssyncadd.s32 $0xFFFFFF80  }
0x53: {  	_ =	swait.ge [sflag:s9], $0x80  }
0x54: {  	[sflag:s9] =	ssyncset.done $0x0  }
0x55: {  	[sflag:s9] =	ssyncadd.s32 $0xFFFFFF80  }
0x56: {  	_ =	swait.ge [sflag:s9], $0x80  }
0x57: {  	[sflag:s9] =	ssyncset.done $0x0  }
0x58: {  	[sflag:s9] =	ssyncadd.s32 $0xFFFFFF80  }
0x59: {  	_ =	swait.ge [sflag:s9], $0x80  }
0x5a: {  	[sflag:s9] =	ssyncset.done $0x0  }
0x5b: {  	[sflag:s9] =	ssyncadd.s32 $0xFFFFFF80  }
0x5c: {  	_ =	swait.ge [sflag:s9], $0x80  }
0x5d: {  	[sflag:s9] =	ssyncset.done $0x0  }
0x5e: {  	[sflag:s9] =	ssyncadd.s32 $0xFFFFFF80  }
0x5f: {  	_ =	swait.ge [sflag:s9], $0x80  }
0x60: {  	[sflag:s9] =	ssyncset.done $0x0  }
0x61: {  	[sflag:s9] =	ssyncadd.s32 $0xFFFFFF80  }
0x62: {  	_ =	swait.ge [sflag:s9], $0x80  }
0x63: {  	[sflag:s9] =	ssyncset.done $0x0  }
0x64: {  	[sflag:s9] =	ssyncadd.s32 $0xFFFFFF80  }
0x65: {  	s13 =	simm.s32 $0x0;
	s12 =	simm.s32 $0x2000;
	_ =	swait.ge [sflag:s9], $0x80  }
.LBB2_2:
0x66: {  	p0 =	sne.s32 s12, $0x1E000;
	[sflag:s9] =	ssyncset.done $0x0;
	s13 =	sadd.s32 $0x10, s13  }
0x67: {  	s14 =	smov.u32 s12;
	s12 =	sadd.s32 $0x2000, s12;
	[sflag:s9] =	ssyncadd.s32 $0xFFFFFF80  }
0x68: {  	_ =	swait.ge [sflag:s9], $0x80  }
0x69: {  	[sflag:s9] =	ssyncset.done $0x0  }
0x6a: {  	[sflag:s9] =	ssyncadd.s32 $0xFFFFFF80  }
0x6b: {  	_ =	swait.ge [sflag:s9], $0x80  }
0x6c: {  	[sflag:s9] =	ssyncset.done $0x0  }
0x6d: {  	[sflag:s9] =	ssyncadd.s32 $0xFFFFFF80  }
0x6e: {  	v0 =	vld [tilespmem:s13+$0x0];
	_ =	sdelay $0x4  }
0x6f: {  	v0 =	vshll.u32 v0, $0x4  }
0x70: {  	(v2sf) =	vpush v0, $0x0  }
0x71: {  	(v2sf) =	vpush v0, $0x1  }
0x72: {  	(v2sf) =	vpush v0, $0x2;
	_ =	sdelay $0x1  }
0x73: {  	(v2sf) =	vpush v0, $0x3;
	_ =	sdelay $0x1  }
0x74: {  	(v2sf) =	vpush v0, $0x4;
	_ =	sdelay $0x1  }
0x75: {  	(v2sf) =	vpush v0, $0x5  }
0x76: {  	s14 =	sshra.s32 s14, $0x2  }
0x77: {  	s22 =	sadd.s32 $0x280, s14;
	s23 =	sadd.s32 $0x380, s14;
	s24 =	sadd.s32 $0x400, s14;
	(v2sf) =	vpush v0, $0x6  }
0x78: {  	s25 =	sadd.s32 $0x200, s14;
	s26 =	sadd.s32 $0x300, s14  }
0x79: {  	s28 =	sadd.s32 $0x480, s14;
	(v2sf) =	vpush v0, $0x7  }
0x7a: {  	s17 =	sadd.s32 $0x800, s14;
	s16 =	sadd.s32 $0x880, s14;
	s15 =	sadd.s32 $0x980, s14  }
0x7b: {  	s29 =	sadd.s32 $0x500, s14;
	s19 =	sadd.s32 $0x700, s14;
	s18 =	sadd.s32 $0x780, s14;
	(v2sf) =	vpush v0, $0x8  }
0x7c: {  	s21 =	sadd.s32 $0x600, s14;
	s20 =	sadd.s32 $0x680, s14;
	s30 =	spop (v2sf)  }
0x7d: {  	s31 =	sadd.s32 $0x580, s14;
	s30 =	sand.u32 $0x1FFFFFF0, s30;
	s0 =	spop (v2sf);
	(v2sf) =	vpush v0, $0x9  }
0x7e: {  	s30 =	sadd.s32 s3, s30;
	s0 =	sand.u32 $0x1FFFFFF0, s0;
	s1 =	spop (v2sf)  }
0x7f: {  	[tilespmem:s25], [sflag:$0x1] =	stream.linear.gather [hbm4b:s30+s2], $0x80, $0x38;
	(v2sf) =	vpush v0, $0xA;
	[tilespmem:$0x8200] =	vst v63  }
0x80: {  	s0 =	sadd.s32 s3, s0;
	s1 =	sand.u32 $0x1FFFFFF0, s1;
	s25 =	spop (v2sf)  }
0x81: {  	[tilespmem:s22], [sflag:$0x1] =	stream.linear.gather [hbm4b:s0+s2], $0x80, $0x38;
	(v2sf) =	vpush v0, $0xB;
	[tilespmem:$0x8200] =	vst v63  }
0x82: {  	s0 =	sadd.s32 s3, s1;
	s1 =	sand.u32 $0x1FFFFFF0, s25;
	s22 =	spop (v2sf)  }
0x83: {  	[tilespmem:s26], [sflag:$0x1] =	stream.linear.gather [hbm4b:s0+s2], $0x80, $0x38;
	(v2sf) =	vpush v0, $0xC;
	[tilespmem:$0x8200] =	vst v63  }
0x84: {  	s0 =	sadd.s32 s3, s1;
	s1 =	sand.u32 $0x1FFFFFF0, s22;
	s22 =	spop (v2sf)  }
0x85: {  	[tilespmem:s23], [sflag:$0x1] =	stream.linear.gather [hbm4b:s0+s2], $0x80, $0x38;
	(v2sf) =	vpush v0, $0xD;
	[tilespmem:$0x8200] =	vst v63  }
0x86: {  	s0 =	sadd.s32 s3, s1;
	s1 =	sand.u32 $0x1FFFFFF0, s22;
	s22 =	spop (v2sf)  }
0x87: {  	[tilespmem:s24], [sflag:$0x1] =	stream.linear.gather [hbm4b:s0+s2], $0x80, $0x38;
	(v2sf) =	vpush v0, $0xE;
	[tilespmem:$0x8200] =	vst v63  }
0x88: {  	s0 =	sadd.s32 s3, s1;
	s1 =	sand.u32 $0x1FFFFFF0, s22;
	s22 =	spop (v2sf)  }
0x89: {  	[tilespmem:s28], [sflag:$0x1] =	stream.linear.gather [hbm4b:s0+s2], $0x80, $0x38;
	(v2sf) =	vpush v0, $0xF;
	[tilespmem:$0x8200] =	vst v63  }
0x8a: {  	s0 =	sadd.s32 s3, s1;
	s1 =	sand.u32 $0x1FFFFFF0, s22;
	s22 =	spop (v2sf)  }
0x8b: {  	[tilespmem:s29], [sflag:$0x1] =	stream.linear.gather [hbm4b:s0+s2], $0x80, $0x38;
	[tilespmem:$0x8200] =	vst v63  }
0x8c: {  	s0 =	sadd.s32 s3, s1;
	s1 =	sand.u32 $0x1FFFFFF0, s22;
	s22 =	spop (v2sf)  }
0x8d: {  	[tilespmem:s31], [sflag:$0x1] =	stream.linear.gather [hbm4b:s0+s2], $0x80, $0x38;
	[tilespmem:$0x8200] =	vst v63  }
0x8e: {  	s0 =	sadd.s32 s3, s1;
	s1 =	sand.u32 $0x1FFFFFF0, s22;
	s22 =	spop (v2sf)  }
0x8f: {  	[tilespmem:s21], [sflag:$0x1] =	stream.linear.gather [hbm4b:s0+s2], $0x80, $0x38;
	[tilespmem:$0x8200] =	vst v63  }
0x90: {  	s0 =	sadd.s32 s3, s1;
	s1 =	sand.u32 $0x1FFFFFF0, s22;
	s21 =	spop (v2sf)  }
0x91: {  	[tilespmem:s20], [sflag:$0x1] =	stream.linear.gather [hbm4b:s0+s2], $0x80, $0x38;
	[tilespmem:$0x8200] =	vst v63  }
0x92: {  	s0 =	sadd.s32 s3, s1;
	s1 =	sand.u32 $0x1FFFFFF0, s21;
	s20 =	spop (v2sf)  }
0x93: {  	[tilespmem:s19], [sflag:$0x1] =	stream.linear.gather [hbm4b:s0+s2], $0x80, $0x38;
	[tilespmem:$0x8200] =	vst v63  }
0x94: {  	s0 =	sadd.s32 s3, s1;
	s1 =	sand.u32 $0x1FFFFFF0, s20;
	s19 =	spop (v2sf)  }
0x95: {  	[tilespmem:s18], [sflag:$0x1] =	stream.linear.gather [hbm4b:s0+s2], $0x80, $0x38;
	[tilespmem:$0x8200] =	vst v63  }
0x96: {  	s0 =	sadd.s32 s3, s1;
	s1 =	sand.u32 $0x1FFFFFF0, s19;
	s18 =	spop (v2sf)  }
0x97: {  	[tilespmem:s17], [sflag:$0x1] =	stream.linear.gather [hbm4b:s0+s2], $0x80, $0x38;
	[tilespmem:$0x8200] =	vst v63  }
0x98: {  	s0 =	sadd.s32 s3, s1;
	s1 =	sand.u32 $0x1FFFFFF0, s18;
	s17 =	spop (v2sf)  }
0x99: {  	[tilespmem:s16], [sflag:$0x1] =	stream.linear.gather [hbm4b:s0+s2], $0x80, $0x38;
	[tilespmem:$0x8200] =	vst v63  }
0x9a: {  	s1 =	sadd.s32 s3, s1;
	s0 =	sadd.s32 $0x900, s14;
	s14 =	sand.u32 $0x1FFFFFF0, s17  }
0x9b: {  	[tilespmem:s0], [sflag:$0x1] =	stream.linear.gather [hbm4b:s1+s2], $0x80, $0x38;
	[tilespmem:$0x8200] =	vst v63  }
0x9c: {  	s0 =	sadd.s32 s3, s14  }
0x9d: {  	[tilespmem:s15], [sflag:$0x1] =	stream.linear.gather [hbm4b:s0+s2], $0x80, $0x38;
	[tilespmem:$0x8200] =	vst v63  }
0x9e: {  	_ =	swait.ge [sflag:s9], $0x80  }
0x9f: {  	[sflag:s9] =	ssyncset.done $0x0  }
0xa0: {  	[sflag:s9] =	ssyncadd.s32 $0xFFFFFF80  }
0xa1: {  	_ =	swait.ge [sflag:s9], $0x80  }
0xa2: {  	[sflag:s9] =	ssyncset.done $0x0  }
0xa3: {  	[sflag:s9] =	ssyncadd.s32 $0xFFFFFF80  }
0xa4: {  	_ =	swait.ge [sflag:s9], $0x80  }
0xa5: {  	[sflag:s9] =	ssyncset.done $0x0  }
0xa6: {  	[sflag:s9] =	ssyncadd.s32 $0xFFFFFF80  }
0xa7: {  	_ =	swait.ge [sflag:s9], $0x80  }
0xa8: {  	[sflag:s9] =	ssyncset.done $0x0  }
0xa9: {  	[sflag:s9] =	ssyncadd.s32 $0xFFFFFF80  }
0xaa: {  	_ =	swait.ge [sflag:s9], $0x80  }
0xab: {  	[sflag:s9] =	ssyncset.done $0x0  }
0xac: {  	[sflag:s9] =	ssyncadd.s32 $0xFFFFFF80  }
0xad: {  	_ =	swait.ge [sflag:s9], $0x80  }
0xae: {  	[sflag:s9] =	ssyncset.done $0x0  }
0xaf: {  	[sflag:s9] =	ssyncadd.s32 $0xFFFFFF80  }
0xb0: {  	_ =	swait.ge [sflag:s9], $0x80  }
0xb1: {  	[sflag:s9] =	ssyncset.done $0x0  }
0xb2: {  	[sflag:s9] =	ssyncadd.s32 $0xFFFFFF80  }
0xb3: {  	_ =	swait.ge [sflag:s9], $0x80  }
0xb4: {  	[sflag:s9] =	ssyncset.done $0x0  }
0xb5: {  	[sflag:s9] =	ssyncadd.s32 $0xFFFFFF80  }
0xb6: {  	_ =	swait.ge [sflag:s9], $0x80  }
0xb7: {  	[sflag:s9] =	ssyncset.done $0x0  }
0xb8: {  	[sflag:s9] =	ssyncadd.s32 $0xFFFFFF80  }
0xb9: {  	_ =	swait.ge [sflag:s9], $0x80  }
0xba: {  	[sflag:s9] =	ssyncset.done $0x0  }
0xbb: {  	[sflag:s9] =	ssyncadd.s32 $0xFFFFFF80  }
0xbc: {  	_ =	swait.ge [sflag:s9], $0x80  }
0xbd: {  	[sflag:s9] =	ssyncset.done $0x0  }
0xbe: {  	[sflag:s9] =	ssyncadd.s32 $0xFFFFFF80  }
0xbf: {  	_ =	swait.ge [sflag:s9], $0x80  }
0xc0: {  	[sflag:s9] =	ssyncset.done $0x0  }
.Ltmp0:
0xc1: {  	[sflag:s9] =	ssyncadd.s32 $0xFFFFFF80;
	(pc) =	sbr.rel @p0 .LBB2_2-.Ltmp0, $4  }
0xc2: {  	_ =	swait.ge [sflag:s9], $0x80  }
0xc3: {  	[sflag:s9] =	ssyncset.done $0x0  }
0xc4: {  	[sflag:s9] =	ssyncadd.s32 $0xFFFFFF80  }
0xc5: {  	_ =	swait.ge [sflag:s9], $0x80  }
0xc6: {  	[sflag:s9] =	ssyncset.done $0x0  }
0xc7: {  	[sflag:s9] =	ssyncadd.s32 $0xFFFFFF80  }
0xc8: {  	_ =	swait.ge [sflag:s9], $0x80  }
0xc9: {  	[sflag:s9] =	ssyncset.done $0x0  }
0xca: {  	[sflag:s9] =	ssyncadd.s32 $0xFFFFFF80  }
0xcb: {  	_ =	swait.ge [sflag:s9], $0x80  }
0xcc: {  	[sflag:s9] =	ssyncset.done $0x0  }
0xcd: {  	s0 =	simm.s32 $0x0;
	[sflag:s9] =	ssyncadd.s32 $0xFFFFFF80  }
0xce: {  	[hbm4b:s5+s0] =	stream.linear.scatter [tilespmem:s10], [sflag:$0x2], $0x8000, $0x38;
	[tilespmem:$0x8200] =	vst v63  }
0xcf: {  	_ =	swait.ge [sflag:s8], $0x8000  }
0xd0: {  	[sflag:s8] =	ssyncset.done $0x0  }
0xd1: {  	s0 =	sand.u32 $0xF0, s0;
	[sflag:s8] =	ssyncadd.s32 $0xFFFF8000  }
0xd2: {  	v0 =	vld [tilespmem:s0+$0x100];
	_ =	sdelay $0x4  }
0xd3: {  	v0 =	vshll.u32 v0, $0x4  }
0xd4: {  	(v2sf) =	vpush v0, $0x0  }
0xd5: {  	(v2sf) =	vpush v0, $0x1  }
0xd6: {  	(v2sf) =	vpush v0, $0x2;
	_ =	sdelay $0x1  }
0xd7: {  	(v2sf) =	vpush v0, $0x3;
	_ =	sdelay $0x1  }
0xd8: {  	(v2sf) =	vpush v0, $0x4;
	_ =	sdelay $0x1  }
0xd9: {  	(v2sf) =	vpush v0, $0x5;
	_ =	sdelay $0x1  }
0xda: {  	(v2sf) =	vpush v0, $0x6  }
0xdb: {  	s1 =	simm.s32 $0x380;
	s14 =	simm.s32 $0x400  }
0xdc: {  	s15 =	simm.s32 $0x200;
	s16 =	simm.s32 $0x300;
	s17 =	simm.s32 $0x480;
	(v2sf) =	vpush v0, $0x7  }
0xdd: {  	s13 =	simm.s32 $0x800;
	s12 =	simm.s32 $0x880;
	s18 =	simm.s32 $0x500  }
0xde: {  	s19 =	simm.s32 $0x700;
	s20 =	simm.s32 $0x780;
	s21 =	simm.s32 $0x600;
	(v2sf) =	vpush v0, $0x8  }
0xdf: {  	s22 =	simm.s32 $0x680;
	s24 =	simm.s32 $0x580;
	s23 =	spop (v2sf)  }
0xe0: {  	s10 =	simm.s32 $0x280;
	(v2sf) =	vpush v0, $0x9;
	s23 =	sand.u32 $0x1FFFFFF0, s23;
	s25 =	spop (v2sf)  }
0xe1: {  	s23 =	sadd.s32 s3, s23;
	s25 =	sand.u32 $0x1FFFFFF0, s25;
	s26 =	spop (v2sf)  }
0xe2: {  	(v2sf) =	vpush v0, $0xA;
	[tilespmem:s15], [sflag:$0x1] =	stream.linear.gather [hbm4b:s23+s2], $0x80, $0x38;
	[tilespmem:$0x8200] =	vst v63  }
0xe3: {  	s25 =	sadd.s32 s3, s25;
	s28 =	sand.u32 $0x1FFFFFF0, s26;
	s29 =	spop (v2sf)  }
0xe4: {  	(v2sf) =	vpush v0, $0xB;
	[tilespmem:s10], [sflag:$0x1] =	stream.linear.gather [hbm4b:s25+s2], $0x80, $0x38;
	[tilespmem:$0x8200] =	vst v63  }
0xe5: {  	s30 =	sadd.s32 s3, s28;
	s31 =	sand.u32 $0x1FFFFFF0, s29;
	s10 =	spop (v2sf)  }
0xe6: {  	(v2sf) =	vpush v0, $0xC;
	[tilespmem:s16], [sflag:$0x1] =	stream.linear.gather [hbm4b:s30+s2], $0x80, $0x38;
	[tilespmem:$0x8200] =	vst v63  }
0xe7: {  	s15 =	sadd.s32 s3, s31;
	s23 =	spop (v2sf);
	s16 =	sand.u32 $0x1FFFFFF0, s10  }
0xe8: {  	(v2sf) =	vpush v0, $0xD;
	[tilespmem:s1], [sflag:$0x1] =	stream.linear.gather [hbm4b:s15+s2], $0x80, $0x38;
	[tilespmem:$0x8200] =	vst v63  }
0xe9: {  	s26 =	sand.u32 $0x1FFFFFF0, s23;
	s28 =	spop (v2sf);
	s25 =	sadd.s32 s3, s16  }
0xea: {  	(v2sf) =	vpush v0, $0xE;
	[tilespmem:s14], [sflag:$0x1] =	stream.linear.gather [hbm4b:s25+s2], $0x80, $0x38;
	[tilespmem:$0x8200] =	vst v63  }
0xeb: {  	s29 =	sadd.s32 s3, s26;
	s30 =	sand.u32 $0x1FFFFFF0, s28;
	s31 =	spop (v2sf)  }
0xec: {  	(v2sf) =	vpush v0, $0xF;
	[tilespmem:s17], [sflag:$0x1] =	stream.linear.gather [hbm4b:s29+s2], $0x80, $0x38;
	[tilespmem:$0x8200] =	vst v63  }
0xed: {  	s10 =	sadd.s32 s3, s30;
	s15 =	sand.u32 $0x1FFFFFF0, s31;
	s16 =	spop (v2sf)  }
0xee: {  	[tilespmem:s18], [sflag:$0x1] =	stream.linear.gather [hbm4b:s10+s2], $0x80, $0x38;
	[tilespmem:$0x8200] =	vst v63  }
0xef: {  	s17 =	sadd.s32 s3, s15;
	s18 =	sand.u32 $0x1FFFFFF0, s16;
	s23 =	spop (v2sf)  }
0xf0: {  	[tilespmem:s24], [sflag:$0x1] =	stream.linear.gather [hbm4b:s17+s2], $0x80, $0x38;
	[tilespmem:$0x8200] =	vst v63  }
0xf1: {  	s25 =	sadd.s32 s3, s18;
	s26 =	sand.u32 $0x1FFFFFF0, s23;
	s28 =	spop (v2sf)  }
0xf2: {  	[tilespmem:s21], [sflag:$0x1] =	stream.linear.gather [hbm4b:s25+s2], $0x80, $0x38;
	[tilespmem:$0x8200] =	vst v63  }
0xf3: {  	s29 =	sadd.s32 s3, s26;
	s30 =	sand.u32 $0x1FFFFFF0, s28;
	s31 =	spop (v2sf)  }
0xf4: {  	[tilespmem:s22], [sflag:$0x1] =	stream.linear.gather [hbm4b:s29+s2], $0x80, $0x38;
	[tilespmem:$0x8200] =	vst v63  }
0xf5: {  	s10 =	sadd.s32 s3, s30;
	s15 =	sand.u32 $0x1FFFFFF0, s31;
	s16 =	spop (v2sf)  }
0xf6: {  	[tilespmem:s19], [sflag:$0x1] =	stream.linear.gather [hbm4b:s10+s2], $0x80, $0x38;
	[tilespmem:$0x8200] =	vst v63  }
0xf7: {  	s17 =	sadd.s32 s3, s15;
	s18 =	sand.u32 $0x1FFFFFF0, s16;
	s19 =	spop (v2sf)  }
0xf8: {  	[tilespmem:s20], [sflag:$0x1] =	stream.linear.gather [hbm4b:s17+s2], $0x80, $0x38;
	[tilespmem:$0x8200] =	vst v63  }
0xf9: {  	s21 =	sadd.s32 s3, s18;
	s22 =	sand.u32 $0x1FFFFFF0, s19;
	s23 =	spop (v2sf)  }
0xfa: {  	[tilespmem:s13], [sflag:$0x1] =	stream.linear.gather [hbm4b:s21+s2], $0x80, $0x38;
	[tilespmem:$0x8200] =	vst v63  }
0xfb: {  	s24 =	sadd.s32 s3, s22;
	s25 =	sand.u32 $0x1FFFFFF0, s23;
	s26 =	spop (v2sf)  }
0xfc: {  	[tilespmem:s12], [sflag:$0x1] =	stream.linear.gather [hbm4b:s24+s2], $0x80, $0x38;
	[tilespmem:$0x8200] =	vst v63  }
0xfd: {  	s28 =	simm.s32 $0x900;
	s1 =	sadd.s32 s3, s25;
	s29 =	sand.u32 $0x1FFFFFF0, s26  }
0xfe: {  	[tilespmem:s28], [sflag:$0x1] =	stream.linear.gather [hbm4b:s1+s2], $0x80, $0x38;
	[tilespmem:$0x8200] =	vst v63  }
0xff: {  	s30 =	simm.s32 $0x980;
	s31 =	sadd.s32 s3, s29  }
0x100: {  	[tilespmem:s30], [sflag:$0x1] =	stream.linear.gather [hbm4b:s31+s2], $0x80, $0x38;
	[tilespmem:$0x8200] =	vst v63  }
0x101: {  	_ =	swait.ge [sflag:s9], $0x80  }
0x102: {  	[sflag:s9] =	ssyncset.done $0x0  }
0x103: {  	[sflag:s9] =	ssyncadd.s32 $0xFFFFFF80  }
0x104: {  	_ =	swait.ge [sflag:s9], $0x80  }
0x105: {  	[sflag:s9] =	ssyncset.done $0x0  }
0x106: {  	[sflag:s9] =	ssyncadd.s32 $0xFFFFFF80  }
0x107: {  	_ =	swait.ge [sflag:s9], $0x80  }
0x108: {  	[sflag:s9] =	ssyncset.done $0x0  }
0x109: {  	[sflag:s9] =	ssyncadd.s32 $0xFFFFFF80  }
0x10a: {  	_ =	swait.ge [sflag:s9], $0x80  }
0x10b: {  	[sflag:s9] =	ssyncset.done $0x0  }
0x10c: {  	[sflag:s9] =	ssyncadd.s32 $0xFFFFFF80  }
0x10d: {  	_ =	swait.ge [sflag:s9], $0x80  }
0x10e: {  	[sflag:s9] =	ssyncset.done $0x0  }
0x10f: {  	[sflag:s9] =	ssyncadd.s32 $0xFFFFFF80  }
0x110: {  	_ =	swait.ge [sflag:s9], $0x80  }
0x111: {  	[sflag:s9] =	ssyncset.done $0x0  }
0x112: {  	[sflag:s9] =	ssyncadd.s32 $0xFFFFFF80  }
0x113: {  	_ =	swait.ge [sflag:s9], $0x80  }
0x114: {  	[sflag:s9] =	ssyncset.done $0x0  }
0x115: {  	[sflag:s9] =	ssyncadd.s32 $0xFFFFFF80  }
0x116: {  	_ =	swait.ge [sflag:s9], $0x80  }
0x117: {  	[sflag:s9] =	ssyncset.done $0x0  }
0x118: {  	[sflag:s9] =	ssyncadd.s32 $0xFFFFFF80  }
0x119: {  	_ =	swait.ge [sflag:s9], $0x80  }
0x11a: {  	[sflag:s9] =	ssyncset.done $0x0  }
0x11b: {  	[sflag:s9] =	ssyncadd.s32 $0xFFFFFF80  }
0x11c: {  	_ =	swait.ge [sflag:s9], $0x80  }
0x11d: {  	[sflag:s9] =	ssyncset.done $0x0  }
0x11e: {  	[sflag:s9] =	ssyncadd.s32 $0xFFFFFF80  }
0x11f: {  	_ =	swait.ge [sflag:s9], $0x80  }
0x120: {  	[sflag:s9] =	ssyncset.done $0x0  }
0x121: {  	[sflag:s9] =	ssyncadd.s32 $0xFFFFFF80  }
0x122: {  	_ =	swait.ge [sflag:s9], $0x80  }
0x123: {  	[sflag:s9] =	ssyncset.done $0x0  }
0x124: {  	[sflag:s9] =	ssyncadd.s32 $0xFFFFFF80  }
0x125: {  	_ =	swait.ge [sflag:s9], $0x80  }
0x126: {  	[sflag:s9] =	ssyncset.done $0x0  }
0x127: {  	s14 =	simm.s32 $0x4000;
	[sflag:s9] =	ssyncadd.s32 $0xFFFFFF80  }
0x128: {  	s13 =	simm.s32 $0x10;
	s12 =	simm.s32 $0x2000;
	_ =	swait.ge [sflag:s9], $0x80  }
.LBB2_4:
0x129: {  	p0 =	sne.s32 s14, $0x1E000;
	s0 =	sand.u32 $0xF0, s13;
	[sflag:s9] =	ssyncset.done $0x0  }
0x12a: {  	s1 =	smov.u32 s14;
	s14 =	sadd.s32 $0x2000, s14;
	[sflag:s9] =	ssyncadd.s32 $0xFFFFFF80  }
0x12b: {  	_ =	swait.ge [sflag:s9], $0x80  }
0x12c: {  	[sflag:s9] =	ssyncset.done $0x0  }
0x12d: {  	[sflag:s9] =	ssyncadd.s32 $0xFFFFFF80  }
0x12e: {  	_ =	swait.ge [sflag:s9], $0x80  }
0x12f: {  	[sflag:s9] =	ssyncset.done $0x0  }
0x130: {  	[sflag:s9] =	ssyncadd.s32 $0xFFFFFF80  }
0x131: {  	v0 =	vld [tilespmem:s0+$0x100];
	_ =	sdelay $0x4  }
0x132: {  	v0 =	vshll.u32 v0, $0x4  }
0x133: {  	(v2sf) =	vpush v0, $0x0  }
0x134: {  	(v2sf) =	vpush v0, $0x1  }
0x135: {  	(v2sf) =	vpush v0, $0x2;
	_ =	sdelay $0x1  }
0x136: {  	(v2sf) =	vpush v0, $0x3;
	_ =	sdelay $0x1  }
0x137: {  	(v2sf) =	vpush v0, $0x4;
	_ =	sdelay $0x1  }
0x138: {  	(v2sf) =	vpush v0, $0x5  }
0x139: {  	s15 =	sshra.s32 s12, $0x2;
	s12 =	smov.u32 s1  }
0x13a: {  	s1 =	sadd.s32 $0x380, s15;
	s23 =	sadd.s32 $0x400, s15;
	s0 =	sadd.s32 $0x280, s15;
	(v2sf) =	vpush v0, $0x6  }
0x13b: {  	s24 =	sadd.s32 $0x200, s15;
	s25 =	sadd.s32 $0x300, s15  }
0x13c: {  	s26 =	sadd.s32 $0x480, s15;
	(v2sf) =	vpush v0, $0x7  }
0x13d: {  	s18 =	sadd.s32 $0x800, s15;
	s17 =	sadd.s32 $0x880, s15;
	s16 =	sadd.s32 $0x980, s15  }
0x13e: {  	s28 =	sadd.s32 $0x500, s15;
	s20 =	sadd.s32 $0x700, s15;
	s19 =	sadd.s32 $0x780, s15;
	(v2sf) =	vpush v0, $0x8  }
0x13f: {  	s22 =	sadd.s32 $0x600, s15;
	s21 =	sadd.s32 $0x680, s15;
	s29 =	spop (v2sf)  }
0x140: {  	s30 =	sadd.s32 $0x580, s15;
	s29 =	sand.u32 $0x1FFFFFF0, s29;
	s31 =	spop (v2sf);
	(v2sf) =	vpush v0, $0x9  }
0x141: {  	s29 =	sadd.s32 s3, s29;
	s31 =	sand.u32 $0x1FFFFFF0, s31;
	s10 =	spop (v2sf)  }
0x142: {  	[tilespmem:s24], [sflag:$0x1] =	stream.linear.gather [hbm4b:s29+s2], $0x80, $0x38;
	(v2sf) =	vpush v0, $0xA;
	[tilespmem:$0x8200] =	vst v63  }
0x143: {  	s24 =	sadd.s32 s3, s31;
	s10 =	sand.u32 $0x1FFFFFF0, s10;
	s29 =	spop (v2sf)  }
0x144: {  	[tilespmem:s0], [sflag:$0x1] =	stream.linear.gather [hbm4b:s24+s2], $0x80, $0x38;
	(v2sf) =	vpush v0, $0xB;
	[tilespmem:$0x8200] =	vst v63  }
0x145: {  	s0 =	sadd.s32 s3, s10;
	s10 =	sand.u32 $0x1FFFFFF0, s29;
	s24 =	spop (v2sf)  }
0x146: {  	[tilespmem:s25], [sflag:$0x1] =	stream.linear.gather [hbm4b:s0+s2], $0x80, $0x38;
	(v2sf) =	vpush v0, $0xC;
	[tilespmem:$0x8200] =	vst v63  }
0x147: {  	s0 =	sadd.s32 s3, s10;
	s10 =	sand.u32 $0x1FFFFFF0, s24;
	s24 =	spop (v2sf)  }
0x148: {  	[tilespmem:s1], [sflag:$0x1] =	stream.linear.gather [hbm4b:s0+s2], $0x80, $0x38;
	(v2sf) =	vpush v0, $0xD;
	[tilespmem:$0x8200] =	vst v63  }
0x149: {  	s0 =	sadd.s32 s3, s10;
	s1 =	sand.u32 $0x1FFFFFF0, s24;
	s10 =	spop (v2sf)  }
0x14a: {  	[tilespmem:s23], [sflag:$0x1] =	stream.linear.gather [hbm4b:s0+s2], $0x80, $0x38;
	(v2sf) =	vpush v0, $0xE;
	[tilespmem:$0x8200] =	vst v63  }
0x14b: {  	s0 =	sadd.s32 s3, s1;
	s1 =	sand.u32 $0x1FFFFFF0, s10;
	s10 =	spop (v2sf)  }
0x14c: {  	[tilespmem:s26], [sflag:$0x1] =	stream.linear.gather [hbm4b:s0+s2], $0x80, $0x38;
	(v2sf) =	vpush v0, $0xF;
	[tilespmem:$0x8200] =	vst v63  }
0x14d: {  	s0 =	sadd.s32 s3, s1;
	s1 =	sand.u32 $0x1FFFFFF0, s10;
	s10 =	spop (v2sf)  }
0x14e: {  	[tilespmem:s28], [sflag:$0x1] =	stream.linear.gather [hbm4b:s0+s2], $0x80, $0x38;
	[tilespmem:$0x8200] =	vst v63  }
0x14f: {  	s0 =	sadd.s32 s3, s1;
	s1 =	sand.u32 $0x1FFFFFF0, s10;
	s10 =	spop (v2sf)  }
0x150: {  	[tilespmem:s30], [sflag:$0x1] =	stream.linear.gather [hbm4b:s0+s2], $0x80, $0x38;
	[tilespmem:$0x8200] =	vst v63  }
0x151: {  	s0 =	sadd.s32 s3, s1;
	s1 =	sand.u32 $0x1FFFFFF0, s10;
	s10 =	spop (v2sf)  }
0x152: {  	[tilespmem:s22], [sflag:$0x1] =	stream.linear.gather [hbm4b:s0+s2], $0x80, $0x38;
	[tilespmem:$0x8200] =	vst v63  }
0x153: {  	s0 =	sadd.s32 s3, s1;
	s1 =	sand.u32 $0x1FFFFFF0, s10;
	s10 =	spop (v2sf)  }
0x154: {  	[tilespmem:s21], [sflag:$0x1] =	stream.linear.gather [hbm4b:s0+s2], $0x80, $0x38;
	[tilespmem:$0x8200] =	vst v63  }
0x155: {  	s0 =	sadd.s32 s3, s1;
	s1 =	sand.u32 $0x1FFFFFF0, s10;
	s10 =	spop (v2sf)  }
0x156: {  	[tilespmem:s20], [sflag:$0x1] =	stream.linear.gather [hbm4b:s0+s2], $0x80, $0x38;
	[tilespmem:$0x8200] =	vst v63  }
0x157: {  	s0 =	sadd.s32 s3, s1;
	s1 =	sand.u32 $0x1FFFFFF0, s10;
	s10 =	spop (v2sf)  }
0x158: {  	[tilespmem:s19], [sflag:$0x1] =	stream.linear.gather [hbm4b:s0+s2], $0x80, $0x38;
	[tilespmem:$0x8200] =	vst v63  }
0x159: {  	s0 =	sadd.s32 s3, s1;
	s1 =	sand.u32 $0x1FFFFFF0, s10;
	s10 =	spop (v2sf)  }
0x15a: {  	[tilespmem:s18], [sflag:$0x1] =	stream.linear.gather [hbm4b:s0+s2], $0x80, $0x38;
	[tilespmem:$0x8200] =	vst v63  }
0x15b: {  	s0 =	sadd.s32 s3, s1;
	s1 =	sand.u32 $0x1FFFFFF0, s10;
	s10 =	spop (v2sf)  }
0x15c: {  	[tilespmem:s17], [sflag:$0x1] =	stream.linear.gather [hbm4b:s0+s2], $0x80, $0x38;
	[tilespmem:$0x8200] =	vst v63  }
0x15d: {  	s1 =	sadd.s32 s3, s1;
	s0 =	sadd.s32 $0x900, s15;
	s10 =	sand.u32 $0x1FFFFFF0, s10  }
0x15e: {  	[tilespmem:s0], [sflag:$0x1] =	stream.linear.gather [hbm4b:s1+s2], $0x80, $0x38;
	[tilespmem:$0x8200] =	vst v63  }
0x15f: {  	s0 =	sadd.s32 s3, s10  }
0x160: {  	[tilespmem:s16], [sflag:$0x1] =	stream.linear.gather [hbm4b:s0+s2], $0x80, $0x38;
	[tilespmem:$0x8200] =	vst v63  }
0x161: {  	_ =	swait.ge [sflag:s9], $0x80  }
0x162: {  	[sflag:s9] =	ssyncset.done $0x0  }
0x163: {  	[sflag:s9] =	ssyncadd.s32 $0xFFFFFF80  }
0x164: {  	_ =	swait.ge [sflag:s9], $0x80  }
0x165: {  	[sflag:s9] =	ssyncset.done $0x0  }
0x166: {  	[sflag:s9] =	ssyncadd.s32 $0xFFFFFF80  }
0x167: {  	_ =	swait.ge [sflag:s9], $0x80  }
0x168: {  	[sflag:s9] =	ssyncset.done $0x0  }
0x169: {  	[sflag:s9] =	ssyncadd.s32 $0xFFFFFF80  }
0x16a: {  	_ =	swait.ge [sflag:s9], $0x80  }
0x16b: {  	[sflag:s9] =	ssyncset.done $0x0  }
0x16c: {  	[sflag:s9] =	ssyncadd.s32 $0xFFFFFF80  }
0x16d: {  	_ =	swait.ge [sflag:s9], $0x80  }
0x16e: {  	[sflag:s9] =	ssyncset.done $0x0  }
0x16f: {  	[sflag:s9] =	ssyncadd.s32 $0xFFFFFF80  }
0x170: {  	_ =	swait.ge [sflag:s9], $0x80  }
0x171: {  	[sflag:s9] =	ssyncset.done $0x0  }
0x172: {  	[sflag:s9] =	ssyncadd.s32 $0xFFFFFF80  }
0x173: {  	_ =	swait.ge [sflag:s9], $0x80  }
0x174: {  	[sflag:s9] =	ssyncset.done $0x0  }
0x175: {  	[sflag:s9] =	ssyncadd.s32 $0xFFFFFF80  }
0x176: {  	_ =	swait.ge [sflag:s9], $0x80  }
0x177: {  	[sflag:s9] =	ssyncset.done $0x0  }
0x178: {  	[sflag:s9] =	ssyncadd.s32 $0xFFFFFF80  }
0x179: {  	_ =	swait.ge [sflag:s9], $0x80  }
0x17a: {  	[sflag:s9] =	ssyncset.done $0x0  }
0x17b: {  	[sflag:s9] =	ssyncadd.s32 $0xFFFFFF80  }
0x17c: {  	_ =	swait.ge [sflag:s9], $0x80  }
0x17d: {  	[sflag:s9] =	ssyncset.done $0x0  }
0x17e: {  	[sflag:s9] =	ssyncadd.s32 $0xFFFFFF80  }
0x17f: {  	_ =	swait.ge [sflag:s9], $0x80  }
0x180: {  	[sflag:s9] =	ssyncset.done $0x0  }
0x181: {  	[sflag:s9] =	ssyncadd.s32 $0xFFFFFF80  }
0x182: {  	_ =	swait.ge [sflag:s9], $0x80  }
0x183: {  	[sflag:s9] =	ssyncset.done $0x0  }
.Ltmp1:
0x184: {  	[sflag:s9] =	ssyncadd.s32 $0xFFFFFF80;
	(pc) =	sbr.rel @p0 .LBB2_4-.Ltmp1, $4  }
0x185: {  	_ =	swait.ge [sflag:s9], $0x80  }
0x186: {  	[sflag:s9] =	ssyncset.done $0x0  }
0x187: {  	[sflag:s9] =	ssyncadd.s32 $0xFFFFFF80  }
0x188: {  	s13 =	sadd.s32 $0x10, s13;
	_ =	swait.ge [sflag:s9], $0x80  }
0x189: {  	[sflag:s9] =	ssyncset.done $0x0  }
0x18a: {  	[sflag:s9] =	ssyncadd.s32 $0xFFFFFF80  }
0x18b: {  	_ =	swait.ge [sflag:s9], $0x80  }
0x18c: {  	[sflag:s9] =	ssyncset.done $0x0  }
0x18d: {  	[sflag:s9] =	ssyncadd.s32 $0xFFFFFF80  }
0x18e: {  	_ =	swait.ge [sflag:s9], $0x80  }
0x18f: {  	[sflag:s9] =	ssyncset.done $0x0  }
0x190: {  	s0 =	sand.u32 $0xF0, s13;
	[sflag:s9] =	ssyncadd.s32 $0xFFFFFF80  }
0x191: {  	v0 =	vld [tilespmem:s0+$0x100];
	_ =	sdelay $0x4  }
0x192: {  	v0 =	vshll.u32 v0, $0x4  }
0x193: {  	(v2sf) =	vpush v0, $0x0;
	_ =	sdelay $0x1  }
0x194: {  	(v2sf) =	vpush v0, $0x1;
	_ =	sdelay $0x1  }
0x195: {  	(v2sf) =	vpush v0, $0x2;
	_ =	sdelay $0x2  }
0x196: {  	(v2sf) =	vpush v0, $0x3;
	_ =	sdelay $0x7  }
0x197: {  	s20 =	spop (v2sf);
	(v2sf) =	vpush v0, $0x4;
	_ =	sdelay $0x1  }
0x198: {  	s21 =	spop (v2sf);
	(v2sf) =	vpush v0, $0x5;
	_ =	sdelay $0x1  }
0x199: {  	s23 =	spop (v2sf);
	(v2sf) =	vpush v0, $0x6;
	_ =	sdelay $0x1  }
0x19a: {  	s12 =	sshra.s32 s12, $0x2;
	s0 =	sand.u32 $0x1FFFFFF0, s20  }
0x19b: {  	s1 =	sadd.s32 $0x200, s12;
	s0 =	sadd.s32 s3, s0;
	s25 =	spop (v2sf);
	(v2sf) =	vpush v0, $0x7  }
0x19c: {  	[tilespmem:s1], [sflag:$0x1] =	stream.linear.gather [hbm4b:s0+s2], $0x80, $0x38;
	[tilespmem:$0x8200] =	vst v63  }
0x19d: {  	s0 =	sand.u32 $0x1FFFFFF0, s21  }
0x19e: {  	s22 =	sadd.s32 $0x280, s12;
	s0 =	sadd.s32 s3, s0  }
0x19f: {  	[tilespmem:s22], [sflag:$0x1] =	stream.linear.gather [hbm4b:s0+s2], $0x80, $0x38;
	[tilespmem:$0x8200] =	vst v63  }
0x1a0: {  	s0 =	sand.u32 $0x1FFFFFF0, s23  }
0x1a1: {  	s24 =	sadd.s32 $0x300, s12;
	s0 =	sadd.s32 s3, s0  }
0x1a2: {  	[tilespmem:s24], [sflag:$0x1] =	stream.linear.gather [hbm4b:s0+s2], $0x80, $0x38;
	[tilespmem:$0x8200] =	vst v63  }
0x1a3: {  	s28 =	spop (v2sf);
	(v2sf) =	vpush v0, $0x8  }
0x1a4: {  	s0 =	sand.u32 $0x1FFFFFF0, s25  }
0x1a5: {  	s26 =	sadd.s32 $0x380, s12;
	s0 =	sadd.s32 s3, s0;
	s30 =	spop (v2sf);
	(v2sf) =	vpush v0, $0x9  }
0x1a6: {  	[tilespmem:s26], [sflag:$0x1] =	stream.linear.gather [hbm4b:s0+s2], $0x80, $0x38;
	[tilespmem:$0x8200] =	vst v63  }
0x1a7: {  	s0 =	sand.u32 $0x1FFFFFF0, s28;
	s1 =	spop (v2sf);
	(v2sf) =	vpush v0, $0xA  }
0x1a8: {  	s29 =	sadd.s32 $0x400, s12;
	s0 =	sadd.s32 s3, s0  }
0x1a9: {  	[tilespmem:s29], [sflag:$0x1] =	stream.linear.gather [hbm4b:s0+s2], $0x80, $0x38;
	[tilespmem:$0x8200] =	vst v63  }
0x1aa: {  	s13 =	spop (v2sf);
	(v2sf) =	vpush v0, $0xB  }
0x1ab: {  	s0 =	sand.u32 $0x1FFFFFF0, s30  }
0x1ac: {  	s31 =	sadd.s32 $0x480, s12;
	s0 =	sadd.s32 s3, s0  }
0x1ad: {  	[tilespmem:s31], [sflag:$0x1] =	stream.linear.gather [hbm4b:s0+s2], $0x80, $0x38;
	[tilespmem:$0x8200] =	vst v63  }
0x1ae: {  	s0 =	sand.u32 $0x1FFFFFF0, s1  }
0x1af: {  	s10 =	sadd.s32 $0x500, s12;
	s0 =	sadd.s32 s3, s0  }
0x1b0: {  	[tilespmem:s10], [sflag:$0x1] =	stream.linear.gather [hbm4b:s0+s2], $0x80, $0x38;
	[tilespmem:$0x8200] =	vst v63  }
0x1b1: {  	s0 =	sand.u32 $0x1FFFFFF0, s13  }
0x1b2: {  	s14 =	sadd.s32 $0x580, s12;
	s0 =	sadd.s32 s3, s0;
	s15 =	spop (v2sf);
	(v2sf) =	vpush v0, $0xC  }
0x1b3: {  	[tilespmem:s14], [sflag:$0x1] =	stream.linear.gather [hbm4b:s0+s2], $0x80, $0x38;
	[tilespmem:$0x8200] =	vst v63  }
0x1b4: {  	s17 =	spop (v2sf);
	(v2sf) =	vpush v0, $0xD  }
0x1b5: {  	s0 =	sand.u32 $0x1FFFFFF0, s15  }
0x1b6: {  	s16 =	sadd.s32 $0x600, s12;
	s0 =	sadd.s32 s3, s0;
	s19 =	spop (v2sf)  }
0x1b7: {  	(v2sf) =	vpush v0, $0xE;
	[tilespmem:s16], [sflag:$0x1] =	stream.linear.gather [hbm4b:s0+s2], $0x80, $0x38;
	[tilespmem:$0x8200] =	vst v63  }
0x1b8: {  	s0 =	sand.u32 $0x1FFFFFF0, s17  }
0x1b9: {  	s18 =	sadd.s32 $0x680, s12;
	s21 =	spop (v2sf);
	s0 =	sadd.s32 s3, s0  }
0x1ba: {  	(v2sf) =	vpush v0, $0xF;
	[tilespmem:s18], [sflag:$0x1] =	stream.linear.gather [hbm4b:s0+s2], $0x80, $0x38;
	[tilespmem:$0x8200] =	vst v63  }
0x1bb: {  	s0 =	sand.u32 $0x1FFFFFF0, s19  }
0x1bc: {  	s20 =	sadd.s32 $0x700, s12;
	s0 =	sadd.s32 s3, s0  }
0x1bd: {  	[tilespmem:s20], [sflag:$0x1] =	stream.linear.gather [hbm4b:s0+s2], $0x80, $0x38;
	[tilespmem:$0x8200] =	vst v63  }
0x1be: {  	s0 =	sand.u32 $0x1FFFFFF0, s21  }
0x1bf: {  	s22 =	sadd.s32 $0x780, s12;
	s0 =	sadd.s32 s3, s0  }
0x1c0: {  	[tilespmem:s22], [sflag:$0x1] =	stream.linear.gather [hbm4b:s0+s2], $0x80, $0x38;
	[tilespmem:$0x8200] =	vst v63  }
0x1c1: {  	s23 =	spop (v2sf)  }
0x1c2: {  	s0 =	sand.u32 $0x1FFFFFF0, s23  }
0x1c3: {  	s24 =	sadd.s32 $0x800, s12;
	s25 =	spop (v2sf);
	s0 =	sadd.s32 s3, s0  }
0x1c4: {  	[tilespmem:s24], [sflag:$0x1] =	stream.linear.gather [hbm4b:s0+s2], $0x80, $0x38;
	[tilespmem:$0x8200] =	vst v63  }
0x1c5: {  	s0 =	sand.u32 $0x1FFFFFF0, s25  }
0x1c6: {  	s26 =	sadd.s32 $0x880, s12;
	s28 =	spop (v2sf);
	s0 =	sadd.s32 s3, s0  }
0x1c7: {  	[tilespmem:s26], [sflag:$0x1] =	stream.linear.gather [hbm4b:s0+s2], $0x80, $0x38;
	[tilespmem:$0x8200] =	vst v63  }
0x1c8: {  	s0 =	sand.u32 $0x1FFFFFF0, s28  }
0x1c9: {  	s29 =	sadd.s32 $0x900, s12;
	s30 =	spop (v2sf);
	s0 =	sadd.s32 s3, s0  }
0x1ca: {  	[tilespmem:s29], [sflag:$0x1] =	stream.linear.gather [hbm4b:s0+s2], $0x80, $0x38;
	[tilespmem:$0x8200] =	vst v63  }
0x1cb: {  	s0 =	sand.u32 $0x1FFFFFF0, s30  }
0x1cc: {  	s31 =	sadd.s32 $0x980, s12;
	s0 =	sadd.s32 s3, s0  }
0x1cd: {  	[tilespmem:s31], [sflag:$0x1] =	stream.linear.gather [hbm4b:s0+s2], $0x80, $0x38;
	[tilespmem:$0x8200] =	vst v63  }
0x1ce: {  	_ =	swait.ge [sflag:s9], $0x80  }
0x1cf: {  	[sflag:s9] =	ssyncset.done $0x0  }
0x1d0: {  	[sflag:s9] =	ssyncadd.s32 $0xFFFFFF80  }
0x1d1: {  	_ =	swait.ge [sflag:s9], $0x80  }
0x1d2: {  	[sflag:s9] =	ssyncset.done $0x0  }
0x1d3: {  	[sflag:s9] =	ssyncadd.s32 $0xFFFFFF80  }
0x1d4: {  	_ =	swait.ge [sflag:s9], $0x80  }
0x1d5: {  	[sflag:s9] =	ssyncset.done $0x0  }
0x1d6: {  	[sflag:s9] =	ssyncadd.s32 $0xFFFFFF80  }
0x1d7: {  	_ =	swait.ge [sflag:s9], $0x80  }
0x1d8: {  	[sflag:s9] =	ssyncset.done $0x0  }
0x1d9: {  	[sflag:s9] =	ssyncadd.s32 $0xFFFFFF80  }
0x1da: {  	_ =	swait.ge [sflag:s9], $0x80  }
0x1db: {  	[sflag:s9] =	ssyncset.done $0x0  }
0x1dc: {  	[sflag:s9] =	ssyncadd.s32 $0xFFFFFF80  }
0x1dd: {  	_ =	swait.ge [sflag:s9], $0x80  }
0x1de: {  	[sflag:s9] =	ssyncset.done $0x0  }
0x1df: {  	[sflag:s9] =	ssyncadd.s32 $0xFFFFFF80  }
0x1e0: {  	_ =	swait.ge [sflag:s9], $0x80  }
0x1e1: {  	[sflag:s9] =	ssyncset.done $0x0  }
0x1e2: {  	[sflag:s9] =	ssyncadd.s32 $0xFFFFFF80  }
0x1e3: {  	_ =	swait.ge [sflag:s9], $0x80  }
0x1e4: {  	[sflag:s9] =	ssyncset.done $0x0  }
0x1e5: {  	[sflag:s9] =	ssyncadd.s32 $0xFFFFFF80  }
0x1e6: {  	_ =	swait.ge [sflag:s9], $0x80  }
0x1e7: {  	[sflag:s9] =	ssyncset.done $0x0  }
0x1e8: {  	[sflag:s9] =	ssyncadd.s32 $0xFFFFFF80  }
0x1e9: {  	_ =	swait.ge [sflag:s9], $0x80  }
0x1ea: {  	[sflag:s9] =	ssyncset.done $0x0  }
0x1eb: {  	[sflag:s9] =	ssyncadd.s32 $0xFFFFFF80  }
0x1ec: {  	_ =	swait.ge [sflag:s9], $0x80  }
0x1ed: {  	[sflag:s9] =	ssyncset.done $0x0  }
0x1ee: {  	[sflag:s9] =	ssyncadd.s32 $0xFFFFFF80  }
0x1ef: {  	_ =	swait.ge [sflag:s9], $0x80  }
0x1f0: {  	[sflag:s9] =	ssyncset.done $0x0  }
0x1f1: {  	[sflag:s9] =	ssyncadd.s32 $0xFFFFFF80  }
0x1f2: {  	_ =	swait.ge [sflag:s9], $0x80  }
0x1f3: {  	[sflag:s9] =	ssyncset.done $0x0  }
0x1f4: {  	[sflag:s9] =	ssyncadd.s32 $0xFFFFFF80  }
0x1f5: {  	_ =	swait.ge [sflag:s9], $0x80  }
0x1f6: {  	[sflag:s9] =	ssyncset.done $0x0  }
0x1f7: {  	[sflag:s9] =	ssyncadd.s32 $0xFFFFFF80  }
0x1f8: {  	_ =	swait.ge [sflag:s9], $0x80  }
0x1f9: {  	[sflag:s9] =	ssyncset.done $0x0  }
0x1fa: {  	[sflag:s9] =	ssyncadd.s32 $0xFFFFFF80  }
0x1fb: {  	s11 =	sadd.s32 $0x1, s11;
	_ =	swait.ge [sflag:s9], $0x80  }
0x1fc: {  	p0 =	sne.s32 s11, s7;
	[sflag:s9] =	ssyncset.done $0x0  }
.Ltmp2:
0x1fd: {  	s10 =	simm.s32 $0x200;
	[sflag:s9] =	ssyncadd.s32 $0xFFFFFF80;
	(pc) =	sbr.rel @p0 .LBB2_1-.Ltmp2, $4  }
0x1fe: {  	[hbm4b:s6+s2] =	stream.linear.scatter [tilespmem:s10], [sflag:$0x2], $0x8000, $0x38;
	[tilespmem:$0x8200] =	vst v63  }
0x1ff: {  	_ =	swait.ge [sflag:s8], $0x8000  }
0x200: {  	[sflag:s8] =	ssyncset.done $0x0  }
0x201: {  	[sflag:s8] =	ssyncadd.s32 $0xFFFF8000  }
0x202: {  	_ =	sfence.sel $0x180000  }
0x203: {  	[bflag:$0x0] =	sbarrier.arrive $0xFFFF  }
0x204: {  	_ =	strace $0x90000047  }
0x205: {  	s0 =	stileid.u32;
	[bflag:$0x2] =	sbarrier.arrive $0xFFFF  }
0x206: {  	p0 =	sne.s32 s0, $0x0;
	s0 =	rddreg [dreg:$0x2]  }
0x207: {  	s0 =	sadd.s32 @!p0 $0x100000, s0  }
0x208: {  	[sflag:s0] =	ssyncadd.tile.s32 @!p0 $0x1;
	_ =	shalt  }
.Lfunc_end2:
_tile_overlayer_lowered:
.L_overlay_start_2:
0x209: {  	(tag) =	ssettag $0x2  }
0x20a: {  	s0 =	rddreg [dreg:$0x0];
	s2 =	stileid.u32  }
0x20b: {  	s1 =	rddreg [dreg:$0x1];
	p0 =	sne.s32 s2, $0x0  }
0x20c: {  	s3 =	rddreg [dreg:$0x2];
	[bflag:$0x3] =	sbarrier.arrive $0xFFFF;
	s2 =	simm.s32 @!p0 $0x1C02  }
0x20d: {  	[timem:s3], [sflag:s2] =	dma.local @!p0 [hbm:s0], s1  }
0x20e: {  	s0 =	simm.s32 @!p0 $0x2  }
0x20f: {  	_ =	swait.ge @!p0 [sflag:s0], s1  }
0x210: {  	s1 =	ssub.s32 @!p0 $0x0, s1;
	[sflag:s0] =	ssyncset.done @!p0 $0x0  }
0x211: {  	[sflag:s0] =	ssyncadd.s32 @!p0 s1  }
0x212: {  	[bflag:$0x3] =	sbarrier.arrive $0xFFFF  }
0x213: {  	_ =	shalt  }

// kernel: kernel.8.cloned.1.call-start
scs
__scs_entry_jumppad:
0x0: {  	(pc) =	sbr.rel $0x88, $3  }
0x1: {  	(tag) =	ssettag $0x0;
	lr =	simm.s32 $0x1  }
0x2: {  	[smem:$0x3F95] =	sst lr;
	_ =	strace $0xD0000000  }
0x3: {  	_ = 	snop  }
0x4: {  	_ = 	snop  }
0x5: {  	_ = 	snop  }
0x6: {  	_ = 	snop  }
0x7: {  	_ = 	snop  }
__scs_overlays_trampoline_lowered:
0x8: {  	[smem:$0x3FA4] =	sst s0  }
0x9: {  	[smem:$0x3FA5] =	sst s1  }
0xa: {  	[smem:$0x3FA6] =	sst s2  }
0xb: {  	[smem:$0x3FA7] =	sst s3  }
0xc: {  	[smem:$0x3FA8] =	sst s4  }
0xd: {  	[smem:$0x3FA9] =	sst s5  }
0xe: {  	[smem:$0x3FAA] =	sst s6  }
0xf: {  	[smem:$0x3FAB] =	sst s7  }
0x10: {  	[smem:$0x3FAC] =	sst s8  }
0x11: {  	[smem:$0x3FAD] =	sst s9;
	s0 =	simm.s32 @!p0 $0x0  }
0x12: {  	s1 =	sld [smem:$0x3F93];
	s0 =	simm.s32 @p0 $0x1  }
0x13: {  	[smem:$0x3FAE] =	sst s0;
	s0 =	simm.s32 @!p1 $0x0  }
0x14: {  	s2 =	sld [smem:$0x3F92];
	s0 =	simm.s32 @p1 $0x1  }
0x15: {  	[smem:$0x3FAF] =	sst s0;
	s0 =	simm.s32 @!p2 $0x0  }
0x16: {  	s3 =	sld [smem:$0x3FDB];
	s0 =	simm.s32 @p2 $0x1  }
0x17: {  	s4 =	simm.s32 $0x1BF5;
	[smem:$0x3FB1] =	sst s0  }
0x18: {  	s0 =	sld [smem:$0x3F94];
	_ =	swait.ge [sflag:s4], $0x0  }
0x19: {  	s7 =	sld [smem:$0x3F95]  }
0x1a: {  	s8 =	sadd.s32 $0xFFFFE003, lr  }
0x1b: {  	s9 =	sadd.s32 $0xFFFFFEF7, lr;
	s5 =	simm.s32 $0xFFFFFFFF;
	p2 =	slt.u32 s8, $0xFFFFF086  }
0x1c: {  	p1 =	slt.u32 s9, $0xF7A;
	s5 =	simm.s32 @!p2 $0x0  }
0x1d: {  	s5 =	simm.s32 @p1 $0x1;
	p0 =	seq.s32 s7, s2  }
0x1e: {  	s7 =	smul.u32 @!p0 $0xF7A, s2;
	p2 =	seq.s32 @!p0 s5, $0x0  }
0x1f: {  	s9 =	smul.u32 $0xF7A, s1;
	s8 =	simm.s32 @!p0 $0x1BF5;
	p2 =	por !p2, p0  }
0x20: {  	[sflag:s8] =	ssyncset.s32 @!p0 $0xFFFFF086;
	s6 =	sadd.s32 @!p0 s3, s7;
	s7 =	simm.s32 @!p0 $0x108  }
0x21: {  	s3 =	sadd.s32 s3, s9;
	s6 =	sadd.s32 @!p0 $0x88, s6;
	s7 =	simm.s32 @p2 $0x1082  }
0x22: {  	[simem:s7], [sflag:s8] =	dma.local @!p0 [hbm:s6], $0xF7A  }
0x23: {  	s9 =	sor.u32 $0xD0000000, s2;
	s6 =	simm.s32 $0x108;
	_ =	swait.ge @!p0 [sflag:s8], $0x0  }
0x24: {  	s3 =	sadd.s32 $0x88, s3;
	s6 =	simm.s32 @!p1 $0x1082;
	[sflag:s4] =	ssyncset.s32 $0xFFFFF086  }
0x25: {  	[simem:s6], [sflag:s4] =	dma.local [hbm:s3], $0xF7A  }
0x26: {  	[smem:$0x3F95] =	sst s1;
	(tag) =	ssettag s2;
	_ =	strace s9  }
0x27: {  	s1 =	sld [smem:$0x3FA5]  }
0x28: {  	s2 =	sld [smem:$0x3FA6]  }
0x29: {  	s4 =	sld [smem:$0x3FA8]  }
0x2a: {  	p0 =	seq.s32 s5, $0x0;
	s5 =	sld [smem:$0x3FA9]  }
0x2b: {  	s6 =	sld [smem:$0x3FAA]  }
0x2c: {  	s7 =	sld [smem:$0x3FAB]  }
0x2d: {  	s3 =	simm.s32 $0x108;
	s8 =	sld [smem:$0x3FAC]  }
0x2e: {  	s3 =	simm.s32 @!p0 $0x1082;
	s9 =	sld [smem:$0x3FAD]  }
0x2f: {  	lr =	sadd.s32 s0, s3;
	s0 =	sld [smem:$0x3FA4]  }
0x30: {  	s3 =	sld [smem:$0x3FA7]  }
0x31: {  	[smem:$0x3FB0] =	sst s10  }
0x32: {  	s10 =	sld [smem:$0x3FAE];
	_ =	sdelay $0x3  }
0x33: {  	p0 =	seq.s32 s10, $0x1;
	s10 =	sld [smem:$0x3FB0];
	_ =	sdelay $0x3  }
0x34: {  	[smem:$0x3FB0] =	sst s10  }
0x35: {  	s10 =	sld [smem:$0x3FAF];
	_ =	sdelay $0x3  }
0x36: {  	p1 =	seq.s32 s10, $0x1;
	s10 =	sld [smem:$0x3FB0];
	_ =	sdelay $0x3  }
0x37: {  	[smem:$0x3FB0] =	sst s10  }
0x38: {  	s10 =	sld [smem:$0x3FB1]  }
0x39: {  	_ = 	snop;
	(pc) =	sbr.ind lr, $3  }
0x3a: {  	_ = 	snop  }
0x3b: {  	_ = 	snop  }
0x3c: {  	p2 =	seq.s32 s10, $0x1;
	s10 =	sld [smem:$0x3FB0]  }
0x3d: {  	_ =	shalt  }
0x3e: {  	_ =	shalt  }
0x3f: {  	_ =	shalt  }
0x40: {  	_ =	shalt  }
0x41: {  	_ =	shalt  }
0x42: {  	_ =	shalt  }
0x43: {  	_ =	shalt  }
0x44: {  	_ =	shalt  }
0x45: {  	_ =	shalt  }
0x46: {  	_ =	shalt  }
0x47: {  	_ =	shalt  }
0x48: {  	_ =	shalt  }
0x49: {  	_ =	shalt  }
0x4a: {  	_ =	shalt  }
0x4b: {  	_ =	shalt  }
0x4c: {  	_ =	shalt  }
0x4d: {  	_ =	shalt  }
0x4e: {  	_ =	shalt  }
0x4f: {  	_ =	shalt  }
0x50: {  	_ =	shalt  }
0x51: {  	_ =	shalt  }
0x52: {  	_ =	shalt  }
0x53: {  	_ =	shalt  }
0x54: {  	_ =	shalt  }
0x55: {  	_ =	shalt  }
0x56: {  	_ =	shalt  }
0x57: {  	_ =	shalt  }
0x58: {  	_ =	shalt  }
0x59: {  	_ =	shalt  }
0x5a: {  	_ =	shalt  }
0x5b: {  	_ =	shalt  }
0x5c: {  	_ =	shalt  }
0x5d: {  	_ =	shalt  }
0x5e: {  	_ =	shalt  }
0x5f: {  	_ =	shalt  }
0x60: {  	_ =	shalt  }
0x61: {  	_ =	shalt  }
0x62: {  	_ =	shalt  }
0x63: {  	_ =	shalt  }
0x64: {  	_ =	shalt  }
0x65: {  	_ =	shalt  }
0x66: {  	_ =	shalt  }
0x67: {  	_ =	shalt  }
0x68: {  	_ =	shalt  }
0x69: {  	_ =	shalt  }
0x6a: {  	_ =	shalt  }
0x6b: {  	_ =	shalt  }
0x6c: {  	_ =	shalt  }
0x6d: {  	_ =	shalt  }
0x6e: {  	_ =	shalt  }
0x6f: {  	_ =	shalt  }
0x70: {  	_ =	shalt  }
0x71: {  	_ =	shalt  }
0x72: {  	_ =	shalt  }
0x73: {  	_ =	shalt  }
0x74: {  	_ =	shalt  }
0x75: {  	_ =	shalt  }
0x76: {  	_ =	shalt  }
0x77: {  	_ =	shalt  }
0x78: {  	_ =	shalt  }
0x79: {  	_ =	shalt  }
0x7a: {  	_ =	shalt  }
0x7b: {  	_ =	shalt  }
0x7c: {  	_ =	shalt  }
0x7d: {  	_ =	shalt  }
0x7e: {  	_ =	shalt  }
0x7f: {  	_ =	shalt  }
0x80: {  	_ =	shalt  }
0x81: {  	_ =	shalt  }
0x82: {  	_ =	shalt  }
0x83: {  	_ =	shalt  }
0x84: {  	_ =	shalt  }
0x85: {  	_ =	shalt  }
0x86: {  	_ =	shalt  }
0x87: {  	_ =	shalt  }
.Lfunc_end0:
.L_simem_size_0:
called_computation.1_lowered:
.L_overlay_start_0:
0x88: {  	s2 =	sld [smem:$0x3FD9]  }
0x89: {  	s3 =	sld [smem:$0x3FFE];
	_ =	sdelay $0x1  }
0x8a: {  	s1 =	srdreg.scid  }
0x8b: {  	s0 =	sand.u32 $0x1, s1  }
0x8c: {  	s17 =	sshll.u32 s0, $0xA;
	s2 =	sadd.s32 s3, s2  }
0x8d: {  	s2 =	sadd.s32 s2, s17  }
0x8e: {  	[smem:$0x3FBC] =	sst s2  }
0x8f: {  	_ = 	snop  }
0x90: {  	s18 =	sld [smem:$0x3FC9];
	(tm) =	ssettm $0x1  }
0x91: {  	s19 =	sld [smem:$0x3FFB];
	_ =	sdelay $0x3  }
0x92: {  	_ =	strace s19  }
0x93: {  	s2 =	sld [smem:$0x3FFC];
	_ =	sdelay $0x3  }
0x94: {  	_ =	strace s2  }
0x95: {  	s2 =	sld [smem:$0x3FFD];
	_ =	sdelay $0x3  }
0x96: {  	_ =	strace s2  }
0x97: {  	_ =	strace $0x8FFFFFFF  }
0x98: {  	s20 =	sld [smem:$0x3FDB];
	_ =	sdelay $0x1  }
0x99: {  	s4 =	simm.s32 $_scs_section_size  }
0x9a: {  	s5 =	simm.s32 $_size__tile_overlayer_lowered;
	s6 =	simm.s32 $_tile_overlayer_lowered  }
0x9b: {  	s7 =	simm.s32 $0x1BFF;
	s21 =	sshll.u32 s6, $0x1;
	s4 =	sadd.s32 s4, s20  }
0x9c: {  	s22 =	simm.s32 $0x0;
	s5 =	sshll.u32 s5, $0x1;
	s6 =	sadd.s32 s21, s4  }
0x9d: {  	[timem:s22], [sflag:s7] =	dma.local [hbm:s6], s5  }
0x9e: {  	_ =	swait.ge [sflag:s7], s5  }
0x9f: {  	s5 =	ssub.s32 $0x0, s5;
	[sflag:s7] =	ssyncset.done $0x0  }
0xa0: {  	[sflag:s7] =	ssyncadd.s32 s5;
	_ =	sdelay $0x1  }
0xa1: {  	s23 =	simm.s32 $0x1B8B  }
0xa2: {  	_ =	swait.ge [sflag:s23], $0x1  }
0xa3: {  	[sflag:s23] =	ssyncset.done $0x0  }
0xa4: {  	[sflag:s23] =	ssyncadd.s32 $0xFFFFFFFF  }
0xa5: {  	s5 =	sld [smem:$0x0]  }
0xa6: {  	s6 =	sand.u32 $0xFFFFFFFE, s1  }
0xa7: {  	p0 =	sne.s32 s1, s6  }
0xa8: {  	s6 =	sshll.u32 @p0 s6, $0xE  }
0xa9: {  	s6 =	sadd.s32 @p0 $0x11B8D, s6;
	s7 =	sshll.u32 @p0 s5, $0x11  }
0xaa: {  	s6 =	sor.u32 @p0 s7, s6  }
0xab: {  	[sflag:s6] =	ssyncadd.remote.s32 @p0 $0x1;
	_ =	sdelay $0x1  }
0xac: {  	s6 =	simm.s32 @p0 $0x1B8D  }
0xad: {  	_ =	swait.eq @p0 [sflag:s6], $0x1  }
0xae: {  	[sflag:s6] =	ssyncadd.s32 @p0 $0xFFFFFFFF  }
0xaf: {  	s7 =	sshll.u32 @!p0 s1, $0xE  }
0xb0: {  	s7 =	sor.u32 @!p0 $0x4000, s7;
	s6 =	simm.s32 @!p0 $0x1B8D  }
0xb1: {  	s5 =	sshll.u32 @!p0 s5, $0x11;
	s7 =	sadd.s32 @!p0 $0x11B8D, s7;
	_ =	swait.eq @!p0 [sflag:s6], $0x1  }
0xb2: {  	s5 =	sor.u32 @!p0 s5, s7;
	[sflag:s6] =	ssyncadd.s32 @!p0 $0xFFFFFFFF  }
0xb3: {  	s25 =	simm.s32 $0x1B8E;
	s24 =	sld [smem:$0x3FFE];
	[sflag:s5] =	ssyncadd.remote.s32 @!p0 $0x1  }
0xb4: {  	s26 =	simm.s32 $execute0_lowered;
	[smem:$0x3FD2] =	sst s25  }
0xb5: {  	s6 =	sshll.u32 s26, $0x1;
	_ =	strace $0x80000049;
	[dreg:$0x1] =	wrdreg $0xFFFFFFFF  }
0xb6: {  	s28 =	simm.s32 $_size_execute0_lowered;
	s4 =	sadd.s32 s4, s6;
	[dreg:$0x0] =	wrdreg $0x0  }
0xb7: {  	s6 =	sshll.u32 s28, $0x1;
	[dreg:$0x2] =	wrdreg s4  }
0xb8: {  	[dreg:$0x3] =	wrdreg s6  }
0xb9: {  	[dreg:$0x4] =	wrdreg $0xC0  }
0xba: {  	_ =	task [dreg:s22], $0x5FFFF  }
0xbb: {  	[dreg:$0x1] =	wrdreg $0xFFFFFFFF  }
0xbc: {  	[dreg:$0x0] =	wrdreg $0x60  }
0xbd: {  	[dreg:$0x2] =	wrdreg s18  }
0xbe: {  	[dreg:$0x3] =	wrdreg s24  }
0xbf: {  	[dreg:$0x4] =	wrdreg $0xA  }
0xc0: {  	_ =	task.clear_ibuf [dreg:s22], $0x5FFFF;
	_ =	strace $0x90000049  }
0xc1: {  	s29 =	simm.s32 $0xA;
	_ =	strace $0x8000004B  }
0xc2: {  	_ =	swait.ge [sflag:s29], $0x1  }
0xc3: {  	[sflag:s29] =	ssyncadd.s32 $0xFFFFFFFF  }
0xc4: {  	_ =	strace $0x9000004B  }
0xc5: {  	_ =	sfence  }
0xc6: {  	s30 =	sld [smem:$0x0];
	_ =	sdelay $0x2  }
0xc7: {  	s31 =	sshll.u32 s1, $0xD;
	s1 =	sshrl.u32 s1, $0x2  }
0xc8: {  	s4 =	sand.u32 $0x4000, s31;
	s1 =	sadd.s32 s1, s30  }
0xc9: {  	s0 =	sor.u32 s4, s0;
	s1 =	sshll.u32 s1, $0x11  }
0xca: {  	s0 =	sor.u32 s1, s0  }
0xcb: {  	s0 =	sadd.s32 $0x8F2B, s0  }
0xcc: {  	[sflag:s0] =	ssyncadd.remote.s32 $0x1  }
0xcd: {  	_ =	sfence.sel $0xFFFF  }
0xce: {  	[dreg:$0x0] =	wrdreg $0xFFFFFFFF;
	(pc) =	sbr.abs _section_cstart, $3  }
0xcf: {  	[dreg:$0x1] =	wrdreg $0xFFFFFFFF  }
0xd0: {  	_ =	task.clear_ibuf [dreg:s22], $0x2FFFF;
	_ =	strace $0x9FFFFFFF  }
0xd1: {  	(tm) =	ssettm $0x7FFFFFFF  }
tec
execute0_lowered:
.L_overlay_start_1:
0x0: {  	(tag) =	ssettag $0x1  }
0x1: {  	s4 =	rddreg [dreg:$0x0]  }
0x2: {  	s5 =	rddreg [dreg:$0x1]  }
0x3: {  	s3 =	srdreg.scid;
	s2 =	simm.s32 $0x0;
	s0 =	stileid.u32  }
0x4: {  	s10 =	simm.s32 $0x200;
	s11 =	simm.s32 $0x0;
	s6 =	sand.u32 $0x1, s3  }
0x5: {  	[smem:$0x7FF] =	sst s2;
	s30 =	sshll.u32 s0, $0xA;
	s7 =	sshll.u32 s6, $0x9  }
0x6: {  	s3 =	sadd.s32 $0xF83E00, s5;
	s6 =	ssub.s32 $0x2, s6;
	s7 =	sor.u32 s7, s30  }
0x7: {  	_ =	strace $0x8000004A;
	s31 =	sshrl.u32 s6, $0x1;
	s8 =	sshll.u32 s7, $0x4  }
0x8: {  	s7 =	sshrl.u32 s7, $0x3;
	s9 =	ssub.s32 s6, s31;
	s8 =	sadd.s32 s8, s5  }
0x9: {  	s4 =	sadd.s32 s4, s7;
	s7 =	smax.u32 s9, $0x1;
	s9 =	simm.s32 $0x1  }
0xa: {  	s5 =	sadd.s32 $0x1EC6200, s8;
	s6 =	sadd.s32 $0x1EC7200, s8;
	s8 =	simm.s32 $0x2  }
.LBB2_1:
0xb: {  	[tilespmem:s2], [sflag:$0x2] =	stream.linear.gather [hbm4b:s4+s2], $0x200, $0x38;
	[tilespmem:$0x8200] =	vst v63  }
0xc: {  	_ =	swait.ge [sflag:s8], $0x200  }
0xd: {  	[sflag:s8] =	ssyncset.done $0x0  }
0xe: {  	[sflag:s8] =	ssyncadd.s32 $0xFFFFFE00  }
0xf: {  	v0 =	vld [tilespmem:s2+$0x0];
	_ =	sdelay $0x4  }
0x10: {  	v0 =	vshll.u32 v0, $0x4  }
0x11: {  	(v2sf) =	vpush v0, $0x0  }
0x12: {  	(v2sf) =	vpush v0, $0x1  }
0x13: {  	(v2sf) =	vpush v0, $0x2;
	_ =	sdelay $0x1  }
0x14: {  	(v2sf) =	vpush v0, $0x3;
	_ =	sdelay $0x1  }
0x15: {  	(v2sf) =	vpush v0, $0x4;
	_ =	sdelay $0x1  }
0x16: {  	(v2sf) =	vpush v0, $0x5;
	_ =	sdelay $0x1  }
0x17: {  	(v2sf) =	vpush v0, $0x6  }
0x18: {  	s14 =	simm.s32 $0x280;
	s15 =	simm.s32 $0x380  }
0x19: {  	s16 =	simm.s32 $0x400;
	s17 =	simm.s32 $0x200;
	s18 =	simm.s32 $0x300;
	(v2sf) =	vpush v0, $0x7  }
0x1a: {  	s19 =	simm.s32 $0x480;
	s13 =	simm.s32 $0x800;
	s12 =	simm.s32 $0x880  }
0x1b: {  	s20 =	simm.s32 $0x500;
	s21 =	simm.s32 $0x700;
	s22 =	simm.s32 $0x780;
	(v2sf) =	vpush v0, $0x8  }
0x1c: {  	s23 =	simm.s32 $0x600;
	s24 =	simm.s32 $0x680;
	s25 =	spop (v2sf)  }
0x1d: {  	s26 =	simm.s32 $0x580;
	(v2sf) =	vpush v0, $0x9;
	s25 =	sand.u32 $0x1FFFFFF0, s25;
	s28 =	spop (v2sf)  }
0x1e: {  	s25 =	sadd.s32 s3, s25;
	s28 =	sand.u32 $0x1FFFFFF0, s28;
	s29 =	spop (v2sf)  }
0x1f: {  	(v2sf) =	vpush v0, $0xA;
	[tilespmem:s17], [sflag:$0x1] =	stream.linear.gather [hbm4b:s25+s2], $0x80, $0x38;
	[tilespmem:$0x8200] =	vst v63  }
0x20: {  	s31 =	sadd.s32 s3, s28;
	s0 =	sand.u32 $0x1FFFFFF0, s29;
	s1 =	spop (v2sf)  }
0x21: {  	(v2sf) =	vpush v0, $0xB;
	[tilespmem:s14], [sflag:$0x1] =	stream.linear.gather [hbm4b:s31+s2], $0x80, $0x38;
	[tilespmem:$0x8200] =	vst v63  }
0x22: {  	s25 =	sadd.s32 s3, s0;
	s29 =	sand.u32 $0x1FFFFFF0, s1;
	s30 =	spop (v2sf)  }
0x23: {  	(v2sf) =	vpush v0, $0xC;
	[tilespmem:s18], [sflag:$0x1] =	stream.linear.gather [hbm4b:s25+s2], $0x80, $0x38;
	[tilespmem:$0x8200] =	vst v63  }
0x24: {  	s31 =	sadd.s32 s3, s29;
	s0 =	sand.u32 $0x1FFFFFF0, s30;
	s1 =	spop (v2sf)  }
0x25: {  	(v2sf) =	vpush v0, $0xD;
	[tilespmem:s15], [sflag:$0x1] =	stream.linear.gather [hbm4b:s31+s2], $0x80, $0x38;
	[tilespmem:$0x8200] =	vst v63  }
0x26: {  	s17 =	sadd.s32 s3, s0;
	s18 =	sand.u32 $0x1FFFFFF0, s1;
	s25 =	spop (v2sf)  }
0x27: {  	(v2sf) =	vpush v0, $0xE;
	[tilespmem:s16], [sflag:$0x1] =	stream.linear.gather [hbm4b:s17+s2], $0x80, $0x38;
	[tilespmem:$0x8200] =	vst v63  }
0x28: {  	s28 =	sadd.s32 s3, s18;
	s29 =	sand.u32 $0x1FFFFFF0, s25;
	s30 =	spop (v2sf)  }
0x29: {  	(v2sf) =	vpush v0, $0xF;
	[tilespmem:s19], [sflag:$0x1] =	stream.linear.gather [hbm4b:s28+s2], $0x80, $0x38;
	[tilespmem:$0x8200] =	vst v63  }
0x2a: {  	s31 =	sadd.s32 s3, s29;
	s0 =	sand.u32 $0x1FFFFFF0, s30;
	s1 =	spop (v2sf)  }
0x2b: {  	[tilespmem:s20], [sflag:$0x1] =	stream.linear.gather [hbm4b:s31+s2], $0x80, $0x38;
	[tilespmem:$0x8200] =	vst v63  }
0x2c: {  	s18 =	sand.u32 $0x1FFFFFF0, s1;
	s17 =	sadd.s32 s3, s0;
	s19 =	spop (v2sf)  }
0x2d: {  	[tilespmem:s26], [sflag:$0x1] =	stream.linear.gather [hbm4b:s17+s2], $0x80, $0x38;
	[tilespmem:$0x8200] =	vst v63  }
0x2e: {  	s20 =	sadd.s32 s3, s18;
	s25 =	sand.u32 $0x1FFFFFF0, s19;
	s26 =	spop (v2sf)  }
0x2f: {  	[tilespmem:s23], [sflag:$0x1] =	stream.linear.gather [hbm4b:s20+s2], $0x80, $0x38;
	[tilespmem:$0x8200] =	vst v63  }
0x30: {  	s28 =	sadd.s32 s3, s25;
	s29 =	sand.u32 $0x1FFFFFF0, s26;
	s30 =	spop (v2sf)  }
0x31: {  	[tilespmem:s24], [sflag:$0x1] =	stream.linear.gather [hbm4b:s28+s2], $0x80, $0x38;
	[tilespmem:$0x8200] =	vst v63  }
0x32: {  	s31 =	sadd.s32 s3, s29;
	s0 =	sand.u32 $0x1FFFFFF0, s30;
	s1 =	spop (v2sf)  }
0x33: {  	[tilespmem:s21], [sflag:$0x1] =	stream.linear.gather [hbm4b:s31+s2], $0x80, $0x38;
	[tilespmem:$0x8200] =	vst v63  }
0x34: {  	s17 =	sadd.s32 s3, s0;
	s18 =	sand.u32 $0x1FFFFFF0, s1;
	s19 =	spop (v2sf)  }
0x35: {  	[tilespmem:s22], [sflag:$0x1] =	stream.linear.gather [hbm4b:s17+s2], $0x80, $0x38;
	[tilespmem:$0x8200] =	vst v63  }
0x36: {  	s20 =	sadd.s32 s3, s18;
	s21 =	sand.u32 $0x1FFFFFF0, s19;
	s22 =	spop (v2sf)  }
0x37: {  	[tilespmem:s13], [sflag:$0x1] =	stream.linear.gather [hbm4b:s20+s2], $0x80, $0x38;
	[tilespmem:$0x8200] =	vst v63  }
0x38: {  	s23 =	sadd.s32 s3, s21;
	s24 =	sand.u32 $0x1FFFFFF0, s22;
	s25 =	spop (v2sf)  }
0x39: {  	[tilespmem:s12], [sflag:$0x1] =	stream.linear.gather [hbm4b:s23+s2], $0x80, $0x38;
	[tilespmem:$0x8200] =	vst v63  }
0x3a: {  	s26 =	simm.s32 $0x900;
	s28 =	sadd.s32 s3, s24;
	s29 =	sand.u32 $0x1FFFFFF0, s25  }
0x3b: {  	[tilespmem:s26], [sflag:$0x1] =	stream.linear.gather [hbm4b:s28+s2], $0x80, $0x38;
	[tilespmem:$0x8200] =	vst v63  }
0x3c: {  	s30 =	simm.s32 $0x980;
	s31 =	sadd.s32 s3, s29  }
0x3d: {  	[tilespmem:s30], [sflag:$0x1] =	stream.linear.gather [hbm4b:s31+s2], $0x80, $0x38;
	[tilespmem:$0x8200] =	vst v63  }
0x3e: {  	_ =	swait.ge [sflag:s9], $0x80  }
0x3f: {  	[sflag:s9] =	ssyncset.done $0x0  }
0x40: {  	[sflag:s9] =	ssyncadd.s32 $0xFFFFFF80  }
0x41: {  	_ =	swait.ge [sflag:s9], $0x80  }
0x42: {  	[sflag:s9] =	ssyncset.done $0x0  }
0x43: {  	[sflag:s9] =	ssyncadd.s32 $0xFFFFFF80  }
0x44: {  	_ =	swait.ge [sflag:s9], $0x80  }
0x45: {  	[sflag:s9] =	ssyncset.done $0x0  }
0x46: {  	[sflag:s9] =	ssyncadd.s32 $0xFFFFFF80  }
0x47: {  	_ =	swait.ge [sflag:s9], $0x80  }
0x48: {  	[sflag:s9] =	ssyncset.done $0x0  }
0x49: {  	[sflag:s9] =	ssyncadd.s32 $0xFFFFFF80  }
0x4a: {  	_ =	swait.ge [sflag:s9], $0x80  }
0x4b: {  	[sflag:s9] =	ssyncset.done $0x0  }
0x4c: {  	[sflag:s9] =	ssyncadd.s32 $0xFFFFFF80  }
0x4d: {  	_ =	swait.ge [sflag:s9], $0x80  }
0x4e: {  	[sflag:s9] =	ssyncset.done $0x0  }
0x4f: {  	[sflag:s9] =	ssyncadd.s32 $0xFFFFFF80  }
0x50: {  	_ =	swait.ge [sflag:s9], $0x80  }
0x51: {  	[sflag:s9] =	ssyncset.done $0x0  }
0x52: {  	[sflag:s9] =	ssyncadd.s32 $0xFFFFFF80  }
0x53: {  	_ =	swait.ge [sflag:s9], $0x80  }
0x54: {  	[sflag:s9] =	ssyncset.done $0x0  }
0x55: {  	[sflag:s9] =	ssyncadd.s32 $0xFFFFFF80  }
0x56: {  	_ =	swait.ge [sflag:s9], $0x80  }
0x57: {  	[sflag:s9] =	ssyncset.done $0x0  }
0x58: {  	[sflag:s9] =	ssyncadd.s32 $0xFFFFFF80  }
0x59: {  	_ =	swait.ge [sflag:s9], $0x80  }
0x5a: {  	[sflag:s9] =	ssyncset.done $0x0  }
0x5b: {  	[sflag:s9] =	ssyncadd.s32 $0xFFFFFF80  }
0x5c: {  	_ =	swait.ge [sflag:s9], $0x80  }
0x5d: {  	[sflag:s9] =	ssyncset.done $0x0  }
0x5e: {  	[sflag:s9] =	ssyncadd.s32 $0xFFFFFF80  }
0x5f: {  	_ =	swait.ge [sflag:s9], $0x80  }
0x60: {  	[sflag:s9] =	ssyncset.done $0x0  }
0x61: {  	[sflag:s9] =	ssyncadd.s32 $0xFFFFFF80  }
0x62: {  	_ =	swait.ge [sflag:s9], $0x80  }
0x63: {  	[sflag:s9] =	ssyncset.done $0x0  }
0x64: {  	[sflag:s9] =	ssyncadd.s32 $0xFFFFFF80  }
0x65: {  	s13 =	simm.s32 $0x0;
	s12 =	simm.s32 $0x2000;
	_ =	swait.ge [sflag:s9], $0x80  }
.LBB2_2:
0x66: {  	p0 =	sne.s32 s12, $0x1E000;
	[sflag:s9] =	ssyncset.done $0x0;
	s13 =	sadd.s32 $0x10, s13  }
0x67: {  	s14 =	smov.u32 s12;
	s12 =	sadd.s32 $0x2000, s12;
	[sflag:s9] =	ssyncadd.s32 $0xFFFFFF80  }
0x68: {  	_ =	swait.ge [sflag:s9], $0x80  }
0x69: {  	[sflag:s9] =	ssyncset.done $0x0  }
0x6a: {  	[sflag:s9] =	ssyncadd.s32 $0xFFFFFF80  }
0x6b: {  	_ =	swait.ge [sflag:s9], $0x80  }
0x6c: {  	[sflag:s9] =	ssyncset.done $0x0  }
0x6d: {  	[sflag:s9] =	ssyncadd.s32 $0xFFFFFF80  }
0x6e: {  	v0 =	vld [tilespmem:s13+$0x0];
	_ =	sdelay $0x4  }
0x6f: {  	v0 =	vshll.u32 v0, $0x4  }
0x70: {  	(v2sf) =	vpush v0, $0x0  }
0x71: {  	(v2sf) =	vpush v0, $0x1  }
0x72: {  	(v2sf) =	vpush v0, $0x2;
	_ =	sdelay $0x1  }
0x73: {  	(v2sf) =	vpush v0, $0x3;
	_ =	sdelay $0x1  }
0x74: {  	(v2sf) =	vpush v0, $0x4;
	_ =	sdelay $0x1  }
0x75: {  	(v2sf) =	vpush v0, $0x5  }
0x76: {  	s14 =	sshra.s32 s14, $0x2  }
0x77: {  	s22 =	sadd.s32 $0x280, s14;
	s23 =	sadd.s32 $0x380, s14;
	s24 =	sadd.s32 $0x400, s14;
	(v2sf) =	vpush v0, $0x6  }
0x78: {  	s25 =	sadd.s32 $0x200, s14;
	s26 =	sadd.s32 $0x300, s14  }
0x79: {  	s28 =	sadd.s32 $0x480, s14;
	(v2sf) =	vpush v0, $0x7  }
0x7a: {  	s17 =	sadd.s32 $0x800, s14;
	s16 =	sadd.s32 $0x880, s14;
	s15 =	sadd.s32 $0x980, s14  }
0x7b: {  	s29 =	sadd.s32 $0x500, s14;
	s19 =	sadd.s32 $0x700, s14;
	s18 =	sadd.s32 $0x780, s14;
	(v2sf) =	vpush v0, $0x8  }
0x7c: {  	s21 =	sadd.s32 $0x600, s14;
	s20 =	sadd.s32 $0x680, s14;
	s30 =	spop (v2sf)  }
0x7d: {  	s31 =	sadd.s32 $0x580, s14;
	s30 =	sand.u32 $0x1FFFFFF0, s30;
	s0 =	spop (v2sf);
	(v2sf) =	vpush v0, $0x9  }
0x7e: {  	s30 =	sadd.s32 s3, s30;
	s0 =	sand.u32 $0x1FFFFFF0, s0;
	s1 =	spop (v2sf)  }
0x7f: {  	[tilespmem:s25], [sflag:$0x1] =	stream.linear.gather [hbm4b:s30+s2], $0x80, $0x38;
	(v2sf) =	vpush v0, $0xA;
	[tilespmem:$0x8200] =	vst v63  }
0x80: {  	s0 =	sadd.s32 s3, s0;
	s1 =	sand.u32 $0x1FFFFFF0, s1;
	s25 =	spop (v2sf)  }
0x81: {  	[tilespmem:s22], [sflag:$0x1] =	stream.linear.gather [hbm4b:s0+s2], $0x80, $0x38;
	(v2sf) =	vpush v0, $0xB;
	[tilespmem:$0x8200] =	vst v63  }
0x82: {  	s0 =	sadd.s32 s3, s1;
	s1 =	sand.u32 $0x1FFFFFF0, s25;
	s22 =	spop (v2sf)  }
0x83: {  	[tilespmem:s26], [sflag:$0x1] =	stream.linear.gather [hbm4b:s0+s2], $0x80, $0x38;
	(v2sf) =	vpush v0, $0xC;
	[tilespmem:$0x8200] =	vst v63  }
0x84: {  	s0 =	sadd.s32 s3, s1;
	s1 =	sand.u32 $0x1FFFFFF0, s22;
	s22 =	spop (v2sf)  }
0x85: {  	[tilespmem:s23], [sflag:$0x1] =	stream.linear.gather [hbm4b:s0+s2], $0x80, $0x38;
	(v2sf) =	vpush v0, $0xD;
	[tilespmem:$0x8200] =	vst v63  }
0x86: {  	s0 =	sadd.s32 s3, s1;
	s1 =	sand.u32 $0x1FFFFFF0, s22;
	s22 =	spop (v2sf)  }
0x87: {  	[tilespmem:s24], [sflag:$0x1] =	stream.linear.gather [hbm4b:s0+s2], $0x80, $0x38;
	(v2sf) =	vpush v0, $0xE;
	[tilespmem:$0x8200] =	vst v63  }
0x88: {  	s0 =	sadd.s32 s3, s1;
	s1 =	sand.u32 $0x1FFFFFF0, s22;
	s22 =	spop (v2sf)  }
0x89: {  	[tilespmem:s28], [sflag:$0x1] =	stream.linear.gather [hbm4b:s0+s2], $0x80, $0x38;
	(v2sf) =	vpush v0, $0xF;
	[tilespmem:$0x8200] =	vst v63  }
0x8a: {  	s0 =	sadd.s32 s3, s1;
	s1 =	sand.u32 $0x1FFFFFF0, s22;
	s22 =	spop (v2sf)  }
0x8b: {  	[tilespmem:s29], [sflag:$0x1] =	stream.linear.gather [hbm4b:s0+s2], $0x80, $0x38;
	[tilespmem:$0x8200] =	vst v63  }
0x8c: {  	s0 =	sadd.s32 s3, s1;
	s1 =	sand.u32 $0x1FFFFFF0, s22;
	s22 =	spop (v2sf)  }
0x8d: {  	[tilespmem:s31], [sflag:$0x1] =	stream.linear.gather [hbm4b:s0+s2], $0x80, $0x38;
	[tilespmem:$0x8200] =	vst v63  }
0x8e: {  	s0 =	sadd.s32 s3, s1;
	s1 =	sand.u32 $0x1FFFFFF0, s22;
	s22 =	spop (v2sf)  }
0x8f: {  	[tilespmem:s21], [sflag:$0x1] =	stream.linear.gather [hbm4b:s0+s2], $0x80, $0x38;
	[tilespmem:$0x8200] =	vst v63  }
0x90: {  	s0 =	sadd.s32 s3, s1;
	s1 =	sand.u32 $0x1FFFFFF0, s22;
	s21 =	spop (v2sf)  }
0x91: {  	[tilespmem:s20], [sflag:$0x1] =	stream.linear.gather [hbm4b:s0+s2], $0x80, $0x38;
	[tilespmem:$0x8200] =	vst v63  }
0x92: {  	s0 =	sadd.s32 s3, s1;
	s1 =	sand.u32 $0x1FFFFFF0, s21;
	s20 =	spop (v2sf)  }
0x93: {  	[tilespmem:s19], [sflag:$0x1] =	stream.linear.gather [hbm4b:s0+s2], $0x80, $0x38;
	[tilespmem:$0x8200] =	vst v63  }
0x94: {  	s0 =	sadd.s32 s3, s1;
	s1 =	sand.u32 $0x1FFFFFF0, s20;
	s19 =	spop (v2sf)  }
0x95: {  	[tilespmem:s18], [sflag:$0x1] =	stream.linear.gather [hbm4b:s0+s2], $0x80, $0x38;
	[tilespmem:$0x8200] =	vst v63  }
0x96: {  	s0 =	sadd.s32 s3, s1;
	s1 =	sand.u32 $0x1FFFFFF0, s19;
	s18 =	spop (v2sf)  }
0x97: {  	[tilespmem:s17], [sflag:$0x1] =	stream.linear.gather [hbm4b:s0+s2], $0x80, $0x38;
	[tilespmem:$0x8200] =	vst v63  }
0x98: {  	s0 =	sadd.s32 s3, s1;
	s1 =	sand.u32 $0x1FFFFFF0, s18;
	s17 =	spop (v2sf)  }
0x99: {  	[tilespmem:s16], [sflag:$0x1] =	stream.linear.gather [hbm4b:s0+s2], $0x80, $0x38;
	[tilespmem:$0x8200] =	vst v63  }
0x9a: {  	s1 =	sadd.s32 s3, s1;
	s0 =	sadd.s32 $0x900, s14;
	s14 =	sand.u32 $0x1FFFFFF0, s17  }
0x9b: {  	[tilespmem:s0], [sflag:$0x1] =	stream.linear.gather [hbm4b:s1+s2], $0x80, $0x38;
	[tilespmem:$0x8200] =	vst v63  }
0x9c: {  	s0 =	sadd.s32 s3, s14  }
0x9d: {  	[tilespmem:s15], [sflag:$0x1] =	stream.linear.gather [hbm4b:s0+s2], $0x80, $0x38;
	[tilespmem:$0x8200] =	vst v63  }
0x9e: {  	_ =	swait.ge [sflag:s9], $0x80  }
0x9f: {  	[sflag:s9] =	ssyncset.done $0x0  }
0xa0: {  	[sflag:s9] =	ssyncadd.s32 $0xFFFFFF80  }
0xa1: {  	_ =	swait.ge [sflag:s9], $0x80  }
0xa2: {  	[sflag:s9] =	ssyncset.done $0x0  }
0xa3: {  	[sflag:s9] =	ssyncadd.s32 $0xFFFFFF80  }
0xa4: {  	_ =	swait.ge [sflag:s9], $0x80  }
0xa5: {  	[sflag:s9] =	ssyncset.done $0x0  }
0xa6: {  	[sflag:s9] =	ssyncadd.s32 $0xFFFFFF80  }
0xa7: {  	_ =	swait.ge [sflag:s9], $0x80  }
0xa8: {  	[sflag:s9] =	ssyncset.done $0x0  }
0xa9: {  	[sflag:s9] =	ssyncadd.s32 $0xFFFFFF80  }
0xaa: {  	_ =	swait.ge [sflag:s9], $0x80  }
0xab: {  	[sflag:s9] =	ssyncset.done $0x0  }
0xac: {  	[sflag:s9] =	ssyncadd.s32 $0xFFFFFF80  }
0xad: {  	_ =	swait.ge [sflag:s9], $0x80  }
0xae: {  	[sflag:s9] =	ssyncset.done $0x0  }
0xaf: {  	[sflag:s9] =	ssyncadd.s32 $0xFFFFFF80  }
0xb0: {  	_ =	swait.ge [sflag:s9], $0x80  }
0xb1: {  	[sflag:s9] =	ssyncset.done $0x0  }
0xb2: {  	[sflag:s9] =	ssyncadd.s32 $0xFFFFFF80  }
0xb3: {  	_ =	swait.ge [sflag:s9], $0x80  }
0xb4: {  	[sflag:s9] =	ssyncset.done $0x0  }
0xb5: {  	[sflag:s9] =	ssyncadd.s32 $0xFFFFFF80  }
0xb6: {  	_ =	swait.ge [sflag:s9], $0x80  }
0xb7: {  	[sflag:s9] =	ssyncset.done $0x0  }
0xb8: {  	[sflag:s9] =	ssyncadd.s32 $0xFFFFFF80  }
0xb9: {  	_ =	swait.ge [sflag:s9], $0x80  }
0xba: {  	[sflag:s9] =	ssyncset.done $0x0  }
0xbb: {  	[sflag:s9] =	ssyncadd.s32 $0xFFFFFF80  }
0xbc: {  	_ =	swait.ge [sflag:s9], $0x80  }
0xbd: {  	[sflag:s9] =	ssyncset.done $0x0  }
0xbe: {  	[sflag:s9] =	ssyncadd.s32 $0xFFFFFF80  }
0xbf: {  	_ =	swait.ge [sflag:s9], $0x80  }
0xc0: {  	[sflag:s9] =	ssyncset.done $0x0  }
.Ltmp0:
0xc1: {  	[sflag:s9] =	ssyncadd.s32 $0xFFFFFF80;
	(pc) =	sbr.rel @p0 .LBB2_2-.Ltmp0, $4  }
0xc2: {  	_ =	swait.ge [sflag:s9], $0x80  }
0xc3: {  	[sflag:s9] =	ssyncset.done $0x0  }
0xc4: {  	[sflag:s9] =	ssyncadd.s32 $0xFFFFFF80  }
0xc5: {  	_ =	swait.ge [sflag:s9], $0x80  }
0xc6: {  	[sflag:s9] =	ssyncset.done $0x0  }
0xc7: {  	[sflag:s9] =	ssyncadd.s32 $0xFFFFFF80  }
0xc8: {  	_ =	swait.ge [sflag:s9], $0x80  }
0xc9: {  	[sflag:s9] =	ssyncset.done $0x0  }
0xca: {  	[sflag:s9] =	ssyncadd.s32 $0xFFFFFF80  }
0xcb: {  	_ =	swait.ge [sflag:s9], $0x80  }
0xcc: {  	[sflag:s9] =	ssyncset.done $0x0  }
0xcd: {  	s0 =	simm.s32 $0x0;
	[sflag:s9] =	ssyncadd.s32 $0xFFFFFF80  }
0xce: {  	[hbm4b:s5+s0] =	stream.linear.scatter [tilespmem:s10], [sflag:$0x2], $0x8000, $0x38;
	[tilespmem:$0x8200] =	vst v63  }
0xcf: {  	_ =	swait.ge [sflag:s8], $0x8000  }
0xd0: {  	[sflag:s8] =	ssyncset.done $0x0  }
0xd1: {  	s0 =	sand.u32 $0xF0, s0;
	[sflag:s8] =	ssyncadd.s32 $0xFFFF8000  }
0xd2: {  	v0 =	vld [tilespmem:s0+$0x100];
	_ =	sdelay $0x4  }
0xd3: {  	v0 =	vshll.u32 v0, $0x4  }
0xd4: {  	(v2sf) =	vpush v0, $0x0  }
0xd5: {  	(v2sf) =	vpush v0, $0x1  }
0xd6: {  	(v2sf) =	vpush v0, $0x2;
	_ =	sdelay $0x1  }
0xd7: {  	(v2sf) =	vpush v0, $0x3;
	_ =	sdelay $0x1  }
0xd8: {  	(v2sf) =	vpush v0, $0x4;
	_ =	sdelay $0x1  }
0xd9: {  	(v2sf) =	vpush v0, $0x5;
	_ =	sdelay $0x1  }
0xda: {  	(v2sf) =	vpush v0, $0x6  }
0xdb: {  	s1 =	simm.s32 $0x380;
	s14 =	simm.s32 $0x400  }
0xdc: {  	s15 =	simm.s32 $0x200;
	s16 =	simm.s32 $0x300;
	s17 =	simm.s32 $0x480;
	(v2sf) =	vpush v0, $0x7  }
0xdd: {  	s13 =	simm.s32 $0x800;
	s12 =	simm.s32 $0x880;
	s18 =	simm.s32 $0x500  }
0xde: {  	s19 =	simm.s32 $0x700;
	s20 =	simm.s32 $0x780;
	s21 =	simm.s32 $0x600;
	(v2sf) =	vpush v0, $0x8  }
0xdf: {  	s22 =	simm.s32 $0x680;
	s24 =	simm.s32 $0x580;
	s23 =	spop (v2sf)  }
0xe0: {  	s10 =	simm.s32 $0x280;
	(v2sf) =	vpush v0, $0x9;
	s23 =	sand.u32 $0x1FFFFFF0, s23;
	s25 =	spop (v2sf)  }
0xe1: {  	s23 =	sadd.s32 s3, s23;
	s25 =	sand.u32 $0x1FFFFFF0, s25;
	s26 =	spop (v2sf)  }
0xe2: {  	(v2sf) =	vpush v0, $0xA;
	[tilespmem:s15], [sflag:$0x1] =	stream.linear.gather [hbm4b:s23+s2], $0x80, $0x38;
	[tilespmem:$0x8200] =	vst v63  }
0xe3: {  	s25 =	sadd.s32 s3, s25;
	s28 =	sand.u32 $0x1FFFFFF0, s26;
	s29 =	spop (v2sf)  }
0xe4: {  	(v2sf) =	vpush v0, $0xB;
	[tilespmem:s10], [sflag:$0x1] =	stream.linear.gather [hbm4b:s25+s2], $0x80, $0x38;
	[tilespmem:$0x8200] =	vst v63  }
0xe5: {  	s30 =	sadd.s32 s3, s28;
	s31 =	sand.u32 $0x1FFFFFF0, s29;
	s10 =	spop (v2sf)  }
0xe6: {  	(v2sf) =	vpush v0, $0xC;
	[tilespmem:s16], [sflag:$0x1] =	stream.linear.gather [hbm4b:s30+s2], $0x80, $0x38;
	[tilespmem:$0x8200] =	vst v63  }
0xe7: {  	s15 =	sadd.s32 s3, s31;
	s23 =	spop (v2sf);
	s16 =	sand.u32 $0x1FFFFFF0, s10  }
0xe8: {  	(v2sf) =	vpush v0, $0xD;
	[tilespmem:s1], [sflag:$0x1] =	stream.linear.gather [hbm4b:s15+s2], $0x80, $0x38;
	[tilespmem:$0x8200] =	vst v63  }
0xe9: {  	s26 =	sand.u32 $0x1FFFFFF0, s23;
	s28 =	spop (v2sf);
	s25 =	sadd.s32 s3, s16  }
0xea: {  	(v2sf) =	vpush v0, $0xE;
	[tilespmem:s14], [sflag:$0x1] =	stream.linear.gather [hbm4b:s25+s2], $0x80, $0x38;
	[tilespmem:$0x8200] =	vst v63  }
0xeb: {  	s29 =	sadd.s32 s3, s26;
	s30 =	sand.u32 $0x1FFFFFF0, s28;
	s31 =	spop (v2sf)  }
0xec: {  	(v2sf) =	vpush v0, $0xF;
	[tilespmem:s17], [sflag:$0x1] =	stream.linear.gather [hbm4b:s29+s2], $0x80, $0x38;
	[tilespmem:$0x8200] =	vst v63  }
0xed: {  	s10 =	sadd.s32 s3, s30;
	s15 =	sand.u32 $0x1FFFFFF0, s31;
	s16 =	spop (v2sf)  }
0xee: {  	[tilespmem:s18], [sflag:$0x1] =	stream.linear.gather [hbm4b:s10+s2], $0x80, $0x38;
	[tilespmem:$0x8200] =	vst v63  }
0xef: {  	s17 =	sadd.s32 s3, s15;
	s18 =	sand.u32 $0x1FFFFFF0, s16;
	s23 =	spop (v2sf)  }
0xf0: {  	[tilespmem:s24], [sflag:$0x1] =	stream.linear.gather [hbm4b:s17+s2], $0x80, $0x38;
	[tilespmem:$0x8200] =	vst v63  }
0xf1: {  	s25 =	sadd.s32 s3, s18;
	s26 =	sand.u32 $0x1FFFFFF0, s23;
	s28 =	spop (v2sf)  }
0xf2: {  	[tilespmem:s21], [sflag:$0x1] =	stream.linear.gather [hbm4b:s25+s2], $0x80, $0x38;
	[tilespmem:$0x8200] =	vst v63  }
0xf3: {  	s29 =	sadd.s32 s3, s26;
	s30 =	sand.u32 $0x1FFFFFF0, s28;
	s31 =	spop (v2sf)  }
0xf4: {  	[tilespmem:s22], [sflag:$0x1] =	stream.linear.gather [hbm4b:s29+s2], $0x80, $0x38;
	[tilespmem:$0x8200] =	vst v63  }
0xf5: {  	s10 =	sadd.s32 s3, s30;
	s15 =	sand.u32 $0x1FFFFFF0, s31;
	s16 =	spop (v2sf)  }
0xf6: {  	[tilespmem:s19], [sflag:$0x1] =	stream.linear.gather [hbm4b:s10+s2], $0x80, $0x38;
	[tilespmem:$0x8200] =	vst v63  }
0xf7: {  	s17 =	sadd.s32 s3, s15;
	s18 =	sand.u32 $0x1FFFFFF0, s16;
	s19 =	spop (v2sf)  }
0xf8: {  	[tilespmem:s20], [sflag:$0x1] =	stream.linear.gather [hbm4b:s17+s2], $0x80, $0x38;
	[tilespmem:$0x8200] =	vst v63  }
0xf9: {  	s21 =	sadd.s32 s3, s18;
	s22 =	sand.u32 $0x1FFFFFF0, s19;
	s23 =	spop (v2sf)  }
0xfa: {  	[tilespmem:s13], [sflag:$0x1] =	stream.linear.gather [hbm4b:s21+s2], $0x80, $0x38;
	[tilespmem:$0x8200] =	vst v63  }
0xfb: {  	s24 =	sadd.s32 s3, s22;
	s25 =	sand.u32 $0x1FFFFFF0, s23;
	s26 =	spop (v2sf)  }
0xfc: {  	[tilespmem:s12], [sflag:$0x1] =	stream.linear.gather [hbm4b:s24+s2], $0x80, $0x38;
	[tilespmem:$0x8200] =	vst v63  }
0xfd: {  	s28 =	simm.s32 $0x900;
	s1 =	sadd.s32 s3, s25;
	s29 =	sand.u32 $0x1FFFFFF0, s26  }
0xfe: {  	[tilespmem:s28], [sflag:$0x1] =	stream.linear.gather [hbm4b:s1+s2], $0x80, $0x38;
	[tilespmem:$0x8200] =	vst v63  }
0xff: {  	s30 =	simm.s32 $0x980;
	s31 =	sadd.s32 s3, s29  }
0x100: {  	[tilespmem:s30], [sflag:$0x1] =	stream.linear.gather [hbm4b:s31+s2], $0x80, $0x38;
	[tilespmem:$0x8200] =	vst v63  }
0x101: {  	_ =	swait.ge [sflag:s9], $0x80  }
0x102: {  	[sflag:s9] =	ssyncset.done $0x0  }
0x103: {  	[sflag:s9] =	ssyncadd.s32 $0xFFFFFF80  }
0x104: {  	_ =	swait.ge [sflag:s9], $0x80  }
0x105: {  	[sflag:s9] =	ssyncset.done $0x0  }
0x106: {  	[sflag:s9] =	ssyncadd.s32 $0xFFFFFF80  }
0x107: {  	_ =	swait.ge [sflag:s9], $0x80  }
0x108: {  	[sflag:s9] =	ssyncset.done $0x0  }
0x109: {  	[sflag:s9] =	ssyncadd.s32 $0xFFFFFF80  }
0x10a: {  	_ =	swait.ge [sflag:s9], $0x80  }
0x10b: {  	[sflag:s9] =	ssyncset.done $0x0  }
0x10c: {  	[sflag:s9] =	ssyncadd.s32 $0xFFFFFF80  }
0x10d: {  	_ =	swait.ge [sflag:s9], $0x80  }
0x10e: {  	[sflag:s9] =	ssyncset.done $0x0  }
0x10f: {  	[sflag:s9] =	ssyncadd.s32 $0xFFFFFF80  }
0x110: {  	_ =	swait.ge [sflag:s9], $0x80  }
0x111: {  	[sflag:s9] =	ssyncset.done $0x0  }
0x112: {  	[sflag:s9] =	ssyncadd.s32 $0xFFFFFF80  }
0x113: {  	_ =	swait.ge [sflag:s9], $0x80  }
0x114: {  	[sflag:s9] =	ssyncset.done $0x0  }
0x115: {  	[sflag:s9] =	ssyncadd.s32 $0xFFFFFF80  }
0x116: {  	_ =	swait.ge [sflag:s9], $0x80  }
0x117: {  	[sflag:s9] =	ssyncset.done $0x0  }
0x118: {  	[sflag:s9] =	ssyncadd.s32 $0xFFFFFF80  }
0x119: {  	_ =	swait.ge [sflag:s9], $0x80  }
0x11a: {  	[sflag:s9] =	ssyncset.done $0x0  }
0x11b: {  	[sflag:s9] =	ssyncadd.s32 $0xFFFFFF80  }
0x11c: {  	_ =	swait.ge [sflag:s9], $0x80  }
0x11d: {  	[sflag:s9] =	ssyncset.done $0x0  }
0x11e: {  	[sflag:s9] =	ssyncadd.s32 $0xFFFFFF80  }
0x11f: {  	_ =	swait.ge [sflag:s9], $0x80  }
0x120: {  	[sflag:s9] =	ssyncset.done $0x0  }
0x121: {  	[sflag:s9] =	ssyncadd.s32 $0xFFFFFF80  }
0x122: {  	_ =	swait.ge [sflag:s9], $0x80  }
0x123: {  	[sflag:s9] =	ssyncset.done $0x0  }
0x124: {  	[sflag:s9] =	ssyncadd.s32 $0xFFFFFF80  }
0x125: {  	_ =	swait.ge [sflag:s9], $0x80  }
0x126: {  	[sflag:s9] =	ssyncset.done $0x0  }
0x127: {  	s14 =	simm.s32 $0x4000;
	[sflag:s9] =	ssyncadd.s32 $0xFFFFFF80  }
0x128: {  	s13 =	simm.s32 $0x10;
	s12 =	simm.s32 $0x2000;
	_ =	swait.ge [sflag:s9], $0x80  }
.LBB2_4:
0x129: {  	p0 =	sne.s32 s14, $0x1E000;
	s0 =	sand.u32 $0xF0, s13;
	[sflag:s9] =	ssyncset.done $0x0  }
0x12a: {  	s1 =	smov.u32 s14;
	s14 =	sadd.s32 $0x2000, s14;
	[sflag:s9] =	ssyncadd.s32 $0xFFFFFF80  }
0x12b: {  	_ =	swait.ge [sflag:s9], $0x80  }
0x12c: {  	[sflag:s9] =	ssyncset.done $0x0  }
0x12d: {  	[sflag:s9] =	ssyncadd.s32 $0xFFFFFF80  }
0x12e: {  	_ =	swait.ge [sflag:s9], $0x80  }
0x12f: {  	[sflag:s9] =	ssyncset.done $0x0  }
0x130: {  	[sflag:s9] =	ssyncadd.s32 $0xFFFFFF80  }
0x131: {  	v0 =	vld [tilespmem:s0+$0x100];
	_ =	sdelay $0x4  }
0x132: {  	v0 =	vshll.u32 v0, $0x4  }
0x133: {  	(v2sf) =	vpush v0, $0x0  }
0x134: {  	(v2sf) =	vpush v0, $0x1  }
0x135: {  	(v2sf) =	vpush v0, $0x2;
	_ =	sdelay $0x1  }
0x136: {  	(v2sf) =	vpush v0, $0x3;
	_ =	sdelay $0x1  }
0x137: {  	(v2sf) =	vpush v0, $0x4;
	_ =	sdelay $0x1  }
0x138: {  	(v2sf) =	vpush v0, $0x5  }
0x139: {  	s15 =	sshra.s32 s12, $0x2;
	s12 =	smov.u32 s1  }
0x13a: {  	s1 =	sadd.s32 $0x380, s15;
	s23 =	sadd.s32 $0x400, s15;
	s0 =	sadd.s32 $0x280, s15;
	(v2sf) =	vpush v0, $0x6  }
0x13b: {  	s24 =	sadd.s32 $0x200, s15;
	s25 =	sadd.s32 $0x300, s15  }
0x13c: {  	s26 =	sadd.s32 $0x480, s15;
	(v2sf) =	vpush v0, $0x7  }
0x13d: {  	s18 =	sadd.s32 $0x800, s15;
	s17 =	sadd.s32 $0x880, s15;
	s16 =	sadd.s32 $0x980, s15  }
0x13e: {  	s28 =	sadd.s32 $0x500, s15;
	s20 =	sadd.s32 $0x700, s15;
	s19 =	sadd.s32 $0x780, s15;
	(v2sf) =	vpush v0, $0x8  }
0x13f: {  	s22 =	sadd.s32 $0x600, s15;
	s21 =	sadd.s32 $0x680, s15;
	s29 =	spop (v2sf)  }
0x140: {  	s30 =	sadd.s32 $0x580, s15;
	s29 =	sand.u32 $0x1FFFFFF0, s29;
	s31 =	spop (v2sf);
	(v2sf) =	vpush v0, $0x9  }
0x141: {  	s29 =	sadd.s32 s3, s29;
	s31 =	sand.u32 $0x1FFFFFF0, s31;
	s10 =	spop (v2sf)  }
0x142: {  	[tilespmem:s24], [sflag:$0x1] =	stream.linear.gather [hbm4b:s29+s2], $0x80, $0x38;
	(v2sf) =	vpush v0, $0xA;
	[tilespmem:$0x8200] =	vst v63  }
0x143: {  	s24 =	sadd.s32 s3, s31;
	s10 =	sand.u32 $0x1FFFFFF0, s10;
	s29 =	spop (v2sf)  }
0x144: {  	[tilespmem:s0], [sflag:$0x1] =	stream.linear.gather [hbm4b:s24+s2], $0x80, $0x38;
	(v2sf) =	vpush v0, $0xB;
	[tilespmem:$0x8200] =	vst v63  }
0x145: {  	s0 =	sadd.s32 s3, s10;
	s10 =	sand.u32 $0x1FFFFFF0, s29;
	s24 =	spop (v2sf)  }
0x146: {  	[tilespmem:s25], [sflag:$0x1] =	stream.linear.gather [hbm4b:s0+s2], $0x80, $0x38;
	(v2sf) =	vpush v0, $0xC;
	[tilespmem:$0x8200] =	vst v63  }
0x147: {  	s0 =	sadd.s32 s3, s10;
	s10 =	sand.u32 $0x1FFFFFF0, s24;
	s24 =	spop (v2sf)  }
0x148: {  	[tilespmem:s1], [sflag:$0x1] =	stream.linear.gather [hbm4b:s0+s2], $0x80, $0x38;
	(v2sf) =	vpush v0, $0xD;
	[tilespmem:$0x8200] =	vst v63  }
0x149: {  	s0 =	sadd.s32 s3, s10;
	s1 =	sand.u32 $0x1FFFFFF0, s24;
	s10 =	spop (v2sf)  }
0x14a: {  	[tilespmem:s23], [sflag:$0x1] =	stream.linear.gather [hbm4b:s0+s2], $0x80, $0x38;
	(v2sf) =	vpush v0, $0xE;
	[tilespmem:$0x8200] =	vst v63  }
0x14b: {  	s0 =	sadd.s32 s3, s1;
	s1 =	sand.u32 $0x1FFFFFF0, s10;
	s10 =	spop (v2sf)  }
0x14c: {  	[tilespmem:s26], [sflag:$0x1] =	stream.linear.gather [hbm4b:s0+s2], $0x80, $0x38;
	(v2sf) =	vpush v0, $0xF;
	[tilespmem:$0x8200] =	vst v63  }
0x14d: {  	s0 =	sadd.s32 s3, s1;
	s1 =	sand.u32 $0x1FFFFFF0, s10;
	s10 =	spop (v2sf)  }
0x14e: {  	[tilespmem:s28], [sflag:$0x1] =	stream.linear.gather [hbm4b:s0+s2], $0x80, $0x38;
	[tilespmem:$0x8200] =	vst v63  }
0x14f: {  	s0 =	sadd.s32 s3, s1;
	s1 =	sand.u32 $0x1FFFFFF0, s10;
	s10 =	spop (v2sf)  }
0x150: {  	[tilespmem:s30], [sflag:$0x1] =	stream.linear.gather [hbm4b:s0+s2], $0x80, $0x38;
	[tilespmem:$0x8200] =	vst v63  }
0x151: {  	s0 =	sadd.s32 s3, s1;
	s1 =	sand.u32 $0x1FFFFFF0, s10;
	s10 =	spop (v2sf)  }
0x152: {  	[tilespmem:s22], [sflag:$0x1] =	stream.linear.gather [hbm4b:s0+s2], $0x80, $0x38;
	[tilespmem:$0x8200] =	vst v63  }
0x153: {  	s0 =	sadd.s32 s3, s1;
	s1 =	sand.u32 $0x1FFFFFF0, s10;
	s10 =	spop (v2sf)  }
0x154: {  	[tilespmem:s21], [sflag:$0x1] =	stream.linear.gather [hbm4b:s0+s2], $0x80, $0x38;
	[tilespmem:$0x8200] =	vst v63  }
0x155: {  	s0 =	sadd.s32 s3, s1;
	s1 =	sand.u32 $0x1FFFFFF0, s10;
	s10 =	spop (v2sf)  }
0x156: {  	[tilespmem:s20], [sflag:$0x1] =	stream.linear.gather [hbm4b:s0+s2], $0x80, $0x38;
	[tilespmem:$0x8200] =	vst v63  }
0x157: {  	s0 =	sadd.s32 s3, s1;
	s1 =	sand.u32 $0x1FFFFFF0, s10;
	s10 =	spop (v2sf)  }
0x158: {  	[tilespmem:s19], [sflag:$0x1] =	stream.linear.gather [hbm4b:s0+s2], $0x80, $0x38;
	[tilespmem:$0x8200] =	vst v63  }
0x159: {  	s0 =	sadd.s32 s3, s1;
	s1 =	sand.u32 $0x1FFFFFF0, s10;
	s10 =	spop (v2sf)  }
0x15a: {  	[tilespmem:s18], [sflag:$0x1] =	stream.linear.gather [hbm4b:s0+s2], $0x80, $0x38;
	[tilespmem:$0x8200] =	vst v63  }
0x15b: {  	s0 =	sadd.s32 s3, s1;
	s1 =	sand.u32 $0x1FFFFFF0, s10;
	s10 =	spop (v2sf)  }
0x15c: {  	[tilespmem:s17], [sflag:$0x1] =	stream.linear.gather [hbm4b:s0+s2], $0x80, $0x38;
	[tilespmem:$0x8200] =	vst v63  }
0x15d: {  	s1 =	sadd.s32 s3, s1;
	s0 =	sadd.s32 $0x900, s15;
	s10 =	sand.u32 $0x1FFFFFF0, s10  }
0x15e: {  	[tilespmem:s0], [sflag:$0x1] =	stream.linear.gather [hbm4b:s1+s2], $0x80, $0x38;
	[tilespmem:$0x8200] =	vst v63  }
0x15f: {  	s0 =	sadd.s32 s3, s10  }
0x160: {  	[tilespmem:s16], [sflag:$0x1] =	stream.linear.gather [hbm4b:s0+s2], $0x80, $0x38;
	[tilespmem:$0x8200] =	vst v63  }
0x161: {  	_ =	swait.ge [sflag:s9], $0x80  }
0x162: {  	[sflag:s9] =	ssyncset.done $0x0  }
0x163: {  	[sflag:s9] =	ssyncadd.s32 $0xFFFFFF80  }
0x164: {  	_ =	swait.ge [sflag:s9], $0x80  }
0x165: {  	[sflag:s9] =	ssyncset.done $0x0  }
0x166: {  	[sflag:s9] =	ssyncadd.s32 $0xFFFFFF80  }
0x167: {  	_ =	swait.ge [sflag:s9], $0x80  }
0x168: {  	[sflag:s9] =	ssyncset.done $0x0  }
0x169: {  	[sflag:s9] =	ssyncadd.s32 $0xFFFFFF80  }
0x16a: {  	_ =	swait.ge [sflag:s9], $0x80  }
0x16b: {  	[sflag:s9] =	ssyncset.done $0x0  }
0x16c: {  	[sflag:s9] =	ssyncadd.s32 $0xFFFFFF80  }
0x16d: {  	_ =	swait.ge [sflag:s9], $0x80  }
0x16e: {  	[sflag:s9] =	ssyncset.done $0x0  }
0x16f: {  	[sflag:s9] =	ssyncadd.s32 $0xFFFFFF80  }
0x170: {  	_ =	swait.ge [sflag:s9], $0x80  }
0x171: {  	[sflag:s9] =	ssyncset.done $0x0  }
0x172: {  	[sflag:s9] =	ssyncadd.s32 $0xFFFFFF80  }
0x173: {  	_ =	swait.ge [sflag:s9], $0x80  }
0x174: {  	[sflag:s9] =	ssyncset.done $0x0  }
0x175: {  	[sflag:s9] =	ssyncadd.s32 $0xFFFFFF80  }
0x176: {  	_ =	swait.ge [sflag:s9], $0x80  }
0x177: {  	[sflag:s9] =	ssyncset.done $0x0  }
0x178: {  	[sflag:s9] =	ssyncadd.s32 $0xFFFFFF80  }
0x179: {  	_ =	swait.ge [sflag:s9], $0x80  }
0x17a: {  	[sflag:s9] =	ssyncset.done $0x0  }
0x17b: {  	[sflag:s9] =	ssyncadd.s32 $0xFFFFFF80  }
0x17c: {  	_ =	swait.ge [sflag:s9], $0x80  }
0x17d: {  	[sflag:s9] =	ssyncset.done $0x0  }
0x17e: {  	[sflag:s9] =	ssyncadd.s32 $0xFFFFFF80  }
0x17f: {  	_ =	swait.ge [sflag:s9], $0x80  }
0x180: {  	[sflag:s9] =	ssyncset.done $0x0  }
0x181: {  	[sflag:s9] =	ssyncadd.s32 $0xFFFFFF80  }
0x182: {  	_ =	swait.ge [sflag:s9], $0x80  }
0x183: {  	[sflag:s9] =	ssyncset.done $0x0  }
.Ltmp1:
0x184: {  	[sflag:s9] =	ssyncadd.s32 $0xFFFFFF80;
	(pc) =	sbr.rel @p0 .LBB2_4-.Ltmp1, $4  }
0x185: {  	_ =	swait.ge [sflag:s9], $0x80  }
0x186: {  	[sflag:s9] =	ssyncset.done $0x0  }
0x187: {  	[sflag:s9] =	ssyncadd.s32 $0xFFFFFF80  }
0x188: {  	s13 =	sadd.s32 $0x10, s13;
	_ =	swait.ge [sflag:s9], $0x80  }
0x189: {  	[sflag:s9] =	ssyncset.done $0x0  }
0x18a: {  	[sflag:s9] =	ssyncadd.s32 $0xFFFFFF80  }
0x18b: {  	_ =	swait.ge [sflag:s9], $0x80  }
0x18c: {  	[sflag:s9] =	ssyncset.done $0x0  }
0x18d: {  	[sflag:s9] =	ssyncadd.s32 $0xFFFFFF80  }
0x18e: {  	_ =	swait.ge [sflag:s9], $0x80  }
0x18f: {  	[sflag:s9] =	ssyncset.done $0x0  }
0x190: {  	s0 =	sand.u32 $0xF0, s13;
	[sflag:s9] =	ssyncadd.s32 $0xFFFFFF80  }
0x191: {  	v0 =	vld [tilespmem:s0+$0x100];
	_ =	sdelay $0x4  }
0x192: {  	v0 =	vshll.u32 v0, $0x4  }
0x193: {  	(v2sf) =	vpush v0, $0x0;
	_ =	sdelay $0x1  }
0x194: {  	(v2sf) =	vpush v0, $0x1;
	_ =	sdelay $0x1  }
0x195: {  	(v2sf) =	vpush v0, $0x2;
	_ =	sdelay $0x2  }
0x196: {  	(v2sf) =	vpush v0, $0x3;
	_ =	sdelay $0x7  }
0x197: {  	s20 =	spop (v2sf);
	(v2sf) =	vpush v0, $0x4;
	_ =	sdelay $0x1  }
0x198: {  	s21 =	spop (v2sf);
	(v2sf) =	vpush v0, $0x5;
	_ =	sdelay $0x1  }
0x199: {  	s23 =	spop (v2sf);
	(v2sf) =	vpush v0, $0x6;
	_ =	sdelay $0x1  }
0x19a: {  	s12 =	sshra.s32 s12, $0x2;
	s0 =	sand.u32 $0x1FFFFFF0, s20  }
0x19b: {  	s1 =	sadd.s32 $0x200, s12;
	s0 =	sadd.s32 s3, s0;
	s25 =	spop (v2sf);
	(v2sf) =	vpush v0, $0x7  }
0x19c: {  	[tilespmem:s1], [sflag:$0x1] =	stream.linear.gather [hbm4b:s0+s2], $0x80, $0x38;
	[tilespmem:$0x8200] =	vst v63  }
0x19d: {  	s0 =	sand.u32 $0x1FFFFFF0, s21  }
0x19e: {  	s22 =	sadd.s32 $0x280, s12;
	s0 =	sadd.s32 s3, s0  }
0x19f: {  	[tilespmem:s22], [sflag:$0x1] =	stream.linear.gather [hbm4b:s0+s2], $0x80, $0x38;
	[tilespmem:$0x8200] =	vst v63  }
0x1a0: {  	s0 =	sand.u32 $0x1FFFFFF0, s23  }
0x1a1: {  	s24 =	sadd.s32 $0x300, s12;
	s0 =	sadd.s32 s3, s0  }
0x1a2: {  	[tilespmem:s24], [sflag:$0x1] =	stream.linear.gather [hbm4b:s0+s2], $0x80, $0x38;
	[tilespmem:$0x8200] =	vst v63  }
0x1a3: {  	s28 =	spop (v2sf);
	(v2sf) =	vpush v0, $0x8  }
0x1a4: {  	s0 =	sand.u32 $0x1FFFFFF0, s25  }
0x1a5: {  	s26 =	sadd.s32 $0x380, s12;
	s0 =	sadd.s32 s3, s0;
	s30 =	spop (v2sf);
	(v2sf) =	vpush v0, $0x9  }
0x1a6: {  	[tilespmem:s26], [sflag:$0x1] =	stream.linear.gather [hbm4b:s0+s2], $0x80, $0x38;
	[tilespmem:$0x8200] =	vst v63  }
0x1a7: {  	s0 =	sand.u32 $0x1FFFFFF0, s28;
	s1 =	spop (v2sf);
	(v2sf) =	vpush v0, $0xA  }
0x1a8: {  	s29 =	sadd.s32 $0x400, s12;
	s0 =	sadd.s32 s3, s0  }
0x1a9: {  	[tilespmem:s29], [sflag:$0x1] =	stream.linear.gather [hbm4b:s0+s2], $0x80, $0x38;
	[tilespmem:$0x8200] =	vst v63  }
0x1aa: {  	s13 =	spop (v2sf);
	(v2sf) =	vpush v0, $0xB  }
0x1ab: {  	s0 =	sand.u32 $0x1FFFFFF0, s30  }
0x1ac: {  	s31 =	sadd.s32 $0x480, s12;
	s0 =	sadd.s32 s3, s0  }
0x1ad: {  	[tilespmem:s31], [sflag:$0x1] =	stream.linear.gather [hbm4b:s0+s2], $0x80, $0x38;
	[tilespmem:$0x8200] =	vst v63  }
0x1ae: {  	s0 =	sand.u32 $0x1FFFFFF0, s1  }
0x1af: {  	s10 =	sadd.s32 $0x500, s12;
	s0 =	sadd.s32 s3, s0  }
0x1b0: {  	[tilespmem:s10], [sflag:$0x1] =	stream.linear.gather [hbm4b:s0+s2], $0x80, $0x38;
	[tilespmem:$0x8200] =	vst v63  }
0x1b1: {  	s0 =	sand.u32 $0x1FFFFFF0, s13  }
0x1b2: {  	s14 =	sadd.s32 $0x580, s12;
	s0 =	sadd.s32 s3, s0;
	s15 =	spop (v2sf);
	(v2sf) =	vpush v0, $0xC  }
0x1b3: {  	[tilespmem:s14], [sflag:$0x1] =	stream.linear.gather [hbm4b:s0+s2], $0x80, $0x38;
	[tilespmem:$0x8200] =	vst v63  }
0x1b4: {  	s17 =	spop (v2sf);
	(v2sf) =	vpush v0, $0xD  }
0x1b5: {  	s0 =	sand.u32 $0x1FFFFFF0, s15  }
0x1b6: {  	s16 =	sadd.s32 $0x600, s12;
	s0 =	sadd.s32 s3, s0;
	s19 =	spop (v2sf)  }
0x1b7: {  	(v2sf) =	vpush v0, $0xE;
	[tilespmem:s16], [sflag:$0x1] =	stream.linear.gather [hbm4b:s0+s2], $0x80, $0x38;
	[tilespmem:$0x8200] =	vst v63  }
0x1b8: {  	s0 =	sand.u32 $0x1FFFFFF0, s17  }
0x1b9: {  	s18 =	sadd.s32 $0x680, s12;
	s21 =	spop (v2sf);
	s0 =	sadd.s32 s3, s0  }
0x1ba: {  	(v2sf) =	vpush v0, $0xF;
	[tilespmem:s18], [sflag:$0x1] =	stream.linear.gather [hbm4b:s0+s2], $0x80, $0x38;
	[tilespmem:$0x8200] =	vst v63  }
0x1bb: {  	s0 =	sand.u32 $0x1FFFFFF0, s19  }
0x1bc: {  	s20 =	sadd.s32 $0x700, s12;
	s0 =	sadd.s32 s3, s0  }
0x1bd: {  	[tilespmem:s20], [sflag:$0x1] =	stream.linear.gather [hbm4b:s0+s2], $0x80, $0x38;
	[tilespmem:$0x8200] =	vst v63  }
0x1be: {  	s0 =	sand.u32 $0x1FFFFFF0, s21  }
0x1bf: {  	s22 =	sadd.s32 $0x780, s12;
	s0 =	sadd.s32 s3, s0  }
0x1c0: {  	[tilespmem:s22], [sflag:$0x1] =	stream.linear.gather [hbm4b:s0+s2], $0x80, $0x38;
	[tilespmem:$0x8200] =	vst v63  }
0x1c1: {  	s23 =	spop (v2sf)  }
0x1c2: {  	s0 =	sand.u32 $0x1FFFFFF0, s23  }
0x1c3: {  	s24 =	sadd.s32 $0x800, s12;
	s25 =	spop (v2sf);
	s0 =	sadd.s32 s3, s0  }
0x1c4: {  	[tilespmem:s24], [sflag:$0x1] =	stream.linear.gather [hbm4b:s0+s2], $0x80, $0x38;
	[tilespmem:$0x8200] =	vst v63  }
0x1c5: {  	s0 =	sand.u32 $0x1FFFFFF0, s25  }
0x1c6: {  	s26 =	sadd.s32 $0x880, s12;
	s28 =	spop (v2sf);
	s0 =	sadd.s32 s3, s0  }
0x1c7: {  	[tilespmem:s26], [sflag:$0x1] =	stream.linear.gather [hbm4b:s0+s2], $0x80, $0x38;
	[tilespmem:$0x8200] =	vst v63  }
0x1c8: {  	s0 =	sand.u32 $0x1FFFFFF0, s28  }
0x1c9: {  	s29 =	sadd.s32 $0x900, s12;
	s30 =	spop (v2sf);
	s0 =	sadd.s32 s3, s0  }
0x1ca: {  	[tilespmem:s29], [sflag:$0x1] =	stream.linear.gather [hbm4b:s0+s2], $0x80, $0x38;
	[tilespmem:$0x8200] =	vst v63  }
0x1cb: {  	s0 =	sand.u32 $0x1FFFFFF0, s30  }
0x1cc: {  	s31 =	sadd.s32 $0x980, s12;
	s0 =	sadd.s32 s3, s0  }
0x1cd: {  	[tilespmem:s31], [sflag:$0x1] =	stream.linear.gather [hbm4b:s0+s2], $0x80, $0x38;
	[tilespmem:$0x8200] =	vst v63  }
0x1ce: {  	_ =	swait.ge [sflag:s9], $0x80  }
0x1cf: {  	[sflag:s9] =	ssyncset.done $0x0  }
0x1d0: {  	[sflag:s9] =	ssyncadd.s32 $0xFFFFFF80  }
0x1d1: {  	_ =	swait.ge [sflag:s9], $0x80  }
0x1d2: {  	[sflag:s9] =	ssyncset.done $0x0  }
0x1d3: {  	[sflag:s9] =	ssyncadd.s32 $0xFFFFFF80  }
0x1d4: {  	_ =	swait.ge [sflag:s9], $0x80  }
0x1d5: {  	[sflag:s9] =	ssyncset.done $0x0  }
0x1d6: {  	[sflag:s9] =	ssyncadd.s32 $0xFFFFFF80  }
0x1d7: {  	_ =	swait.ge [sflag:s9], $0x80  }
0x1d8: {  	[sflag:s9] =	ssyncset.done $0x0  }
0x1d9: {  	[sflag:s9] =	ssyncadd.s32 $0xFFFFFF80  }
0x1da: {  	_ =	swait.ge [sflag:s9], $0x80  }
0x1db: {  	[sflag:s9] =	ssyncset.done $0x0  }
0x1dc: {  	[sflag:s9] =	ssyncadd.s32 $0xFFFFFF80  }
0x1dd: {  	_ =	swait.ge [sflag:s9], $0x80  }
0x1de: {  	[sflag:s9] =	ssyncset.done $0x0  }
0x1df: {  	[sflag:s9] =	ssyncadd.s32 $0xFFFFFF80  }
0x1e0: {  	_ =	swait.ge [sflag:s9], $0x80  }
0x1e1: {  	[sflag:s9] =	ssyncset.done $0x0  }
0x1e2: {  	[sflag:s9] =	ssyncadd.s32 $0xFFFFFF80  }
0x1e3: {  	_ =	swait.ge [sflag:s9], $0x80  }
0x1e4: {  	[sflag:s9] =	ssyncset.done $0x0  }
0x1e5: {  	[sflag:s9] =	ssyncadd.s32 $0xFFFFFF80  }
0x1e6: {  	_ =	swait.ge [sflag:s9], $0x80  }
0x1e7: {  	[sflag:s9] =	ssyncset.done $0x0  }
0x1e8: {  	[sflag:s9] =	ssyncadd.s32 $0xFFFFFF80  }
0x1e9: {  	_ =	swait.ge [sflag:s9], $0x80  }
0x1ea: {  	[sflag:s9] =	ssyncset.done $0x0  }
0x1eb: {  	[sflag:s9] =	ssyncadd.s32 $0xFFFFFF80  }
0x1ec: {  	_ =	swait.ge [sflag:s9], $0x80  }
0x1ed: {  	[sflag:s9] =	ssyncset.done $0x0  }
0x1ee: {  	[sflag:s9] =	ssyncadd.s32 $0xFFFFFF80  }
0x1ef: {  	_ =	swait.ge [sflag:s9], $0x80  }
0x1f0: {  	[sflag:s9] =	ssyncset.done $0x0  }
0x1f1: {  	[sflag:s9] =	ssyncadd.s32 $0xFFFFFF80  }
0x1f2: {  	_ =	swait.ge [sflag:s9], $0x80  }
0x1f3: {  	[sflag:s9] =	ssyncset.done $0x0  }
0x1f4: {  	[sflag:s9] =	ssyncadd.s32 $0xFFFFFF80  }
0x1f5: {  	_ =	swait.ge [sflag:s9], $0x80  }
0x1f6: {  	[sflag:s9] =	ssyncset.done $0x0  }
0x1f7: {  	[sflag:s9] =	ssyncadd.s32 $0xFFFFFF80  }
0x1f8: {  	_ =	swait.ge [sflag:s9], $0x80  }
0x1f9: {  	[sflag:s9] =	ssyncset.done $0x0  }
0x1fa: {  	[sflag:s9] =	ssyncadd.s32 $0xFFFFFF80  }
0x1fb: {  	s11 =	sadd.s32 $0x1, s11;
	_ =	swait.ge [sflag:s9], $0x80  }
0x1fc: {  	p0 =	sne.s32 s11, s7;
	[sflag:s9] =	ssyncset.done $0x0  }
.Ltmp2:
0x1fd: {  	s10 =	simm.s32 $0x200;
	[sflag:s9] =	ssyncadd.s32 $0xFFFFFF80;
	(pc) =	sbr.rel @p0 .LBB2_1-.Ltmp2, $4  }
0x1fe: {  	[hbm4b:s6+s2] =	stream.linear.scatter [tilespmem:s10], [sflag:$0x2], $0x8000, $0x38;
	[tilespmem:$0x8200] =	vst v63  }
0x1ff: {  	_ =	swait.ge [sflag:s8], $0x8000  }
0x200: {  	[sflag:s8] =	ssyncset.done $0x0  }
0x201: {  	[sflag:s8] =	ssyncadd.s32 $0xFFFF8000  }
0x202: {  	_ =	sfence.sel $0x180000  }
0x203: {  	[bflag:$0x0] =	sbarrier.arrive $0xFFFF  }
0x204: {  	_ =	strace $0x9000004A  }
0x205: {  	s0 =	stileid.u32;
	[bflag:$0x2] =	sbarrier.arrive $0xFFFF  }
0x206: {  	p0 =	sne.s32 s0, $0x0;
	s0 =	rddreg [dreg:$0x2]  }
0x207: {  	s0 =	sadd.s32 @!p0 $0x100000, s0  }
0x208: {  	[sflag:s0] =	ssyncadd.tile.s32 @!p0 $0x1;
	_ =	shalt  }
.Lfunc_end2:
_tile_overlayer_lowered:
.L_overlay_start_2:
0x209: {  	(tag) =	ssettag $0x2  }
0x20a: {  	s0 =	rddreg [dreg:$0x0];
	s2 =	stileid.u32  }
0x20b: {  	s1 =	rddreg [dreg:$0x1];
	p0 =	sne.s32 s2, $0x0  }
0x20c: {  	s3 =	rddreg [dreg:$0x2];
	[bflag:$0x3] =	sbarrier.arrive $0xFFFF;
	s2 =	simm.s32 @!p0 $0x1C02  }
0x20d: {  	[timem:s3], [sflag:s2] =	dma.local @!p0 [hbm:s0], s1  }
0x20e: {  	s0 =	simm.s32 @!p0 $0x2  }
0x20f: {  	_ =	swait.ge @!p0 [sflag:s0], s1  }
0x210: {  	s1 =	ssub.s32 @!p0 $0x0, s1;
	[sflag:s0] =	ssyncset.done @!p0 $0x0  }
0x211: {  	[sflag:s0] =	ssyncadd.s32 @!p0 s1  }
0x212: {  	[bflag:$0x3] =	sbarrier.arrive $0xFFFF  }
0x213: {  	_ =	shalt  }

</sc_bundles>
